<compile_context>
chip_gen: v7x
topology: tpu7x:2x2x1
jax: 0.10.2.dev20260603
libtpu: 0.0.44.dev20260713+nightly
codegen_flags: <defaults>
</compile_context>

<pallas_src>
import functools

import jax
import jax.numpy as jnp
from jax import lax
from jax.experimental import pallas as pl
from jax.experimental.pallas import tpu as pltpu
from jax.experimental.pallas import tpu_sc as plsc

_NS = 16
_H = 256
_BLK = 1000
_G = 128


def _sc_segment_add(table, gsrc, dst, n, w, e, split_edges):
    tpe = e // (2 * _NS) if split_edges else e // _NS
    b = 80
    nb = tpe // b
    rpt = 632
    zr = 8
    nz_full = rpt // zr

    mesh = plsc.VectorSubcoreMesh(core_axis_name="c", subcore_axis_name="s")

    @functools.partial(
        pl.kernel,
        out_type=jax.ShapeDtypeStruct((2 * n, w), jnp.float32),
        mesh=mesh,
        scratch_types=[
            pltpu.VMEM((6, b), jnp.int32),
            pltpu.VMEM((6, b), jnp.int32),
            pltpu.VMEM((4, b, w), jnp.float32),
            pltpu.VMEM((zr, w), jnp.float32),
            pltpu.VMEM_SHARED((n, w), jnp.float32),
            pltpu.SemaphoreType.DMA,
            pltpu.SemaphoreType.DMA,
            pltpu.SemaphoreType.DMA,
        ],
    )
    def k(table_hbm, gsrc_hbm, dst_hbm, out_hbm, idx_v, dst_v, rows_v, zbuf,
          acc, idx_sem, gat_sem, scat_sem):
        c = lax.axis_index("c")
        s = lax.axis_index("s")
        zero16 = jnp.zeros((16,), jnp.float32)
        for r in range(zr):
            for q in range(w // 16):
                zbuf[r, pl.ds(q * 16, 16)] = zero16
        rbase = (s * (n // _NS)) // 8 * 8

        def zloop(j, carry):
            pltpu.sync_copy(zbuf, acc.at[pl.ds(rbase + j * zr, zr)])
            return carry

        lax.fori_loop(0, nz_full, zloop, 0)
        plsc.subcore_barrier()

        if split_edges:
            goff = (c * _NS + s) * tpe
        else:
            goff = c * e + s * tpe
        doff = (c * _NS + s) * tpe if split_edges else s * tpe

        def start_idx(blk, slot):
            pltpu.async_copy(gsrc_hbm.at[pl.ds(goff + blk * b, b)],
                             idx_v.at[slot], idx_sem)
            pltpu.async_copy(dst_hbm.at[pl.ds(doff + blk * b, b)],
                             dst_v.at[slot], idx_sem)

        def drain_idx(slot):
            pltpu.make_async_copy(gsrc_hbm.at[pl.ds(0, b)], idx_v.at[slot],
                                  idx_sem).wait()
            pltpu.make_async_copy(dst_hbm.at[pl.ds(0, b)], dst_v.at[slot],
                                  idx_sem).wait()

        def drain_scat(slot):
            pltpu.make_async_copy(rows_v.at[slot], acc.at[pl.ds(0, b)],
                                  scat_sem).wait()

        def drain_gat(slot):
            pltpu.make_async_copy(table_hbm.at[pl.ds(0, b)], rows_v.at[slot],
                                  gat_sem).wait()

        def start_gat(blk, islot, rslot):
            pltpu.async_copy(table_hbm.at[idx_v.at[islot]], rows_v.at[rslot],
                             gat_sem)

        for j in range(4):
            start_idx(j, j)
        drain_idx(0)
        start_gat(0, 0, 0)
        drain_idx(1)
        start_gat(1, 1, 1)
        nbi = nb // 2

        def eloop(ii, carry):
            i0 = 2 * ii
            r0 = 2 * (ii % 2)
            o0 = 2 - r0
            q0 = 2 * (ii % 3)
            f0 = 2 * ((ii + 1) % 3)
            g0 = 2 * ((ii + 2) % 3)

            drain_gat(r0)

            @pl.when(ii >= 1)
            def _():
                drain_scat(o0)

            @pl.when(i0 + 2 < nb)
            def _():
                drain_idx(f0)
                start_gat(i0 + 2, f0, o0)

            @pl.when(i0 + 4 < nb)
            def _():
                start_idx(i0 + 4, g0)

            pltpu.async_copy(rows_v.at[r0], acc.at[dst_v.at[q0]],
                             scat_sem, add=True)

            drain_gat(r0 + 1)

            @pl.when(ii >= 1)
            def _():
                drain_scat(o0 + 1)

            @pl.when(i0 + 3 < nb)
            def _():
                drain_idx(f0 + 1)
                start_gat(i0 + 3, f0 + 1, o0 + 1)

            @pl.when(i0 + 5 < nb)
            def _():
                start_idx(i0 + 5, g0 + 1)

            pltpu.async_copy(rows_v.at[r0 + 1], acc.at[dst_v.at[q0 + 1]],
                             scat_sem, add=True)
            return carry

        lax.fori_loop(0, nbi, eloop, 0)
        if nb % 2:
            rt = (nb - 1) % 4
            qt = (nb - 1) % 6
            drain_gat(rt)
            drain_scat((nb - 3) % 4)
            pltpu.async_copy(rows_v.at[rt], acc.at[dst_v.at[qt]], scat_sem,
                             add=True)
        drain_scat((nb - 2) % 4)
        drain_scat((nb - 1) % 4)
        plsc.subcore_barrier()
        pltpu.sync_copy(acc.at[pl.ds(rbase, rpt)],
                        out_hbm.at[pl.ds(c * n + rbase, rpt)])

    return k(table, gsrc, dst)


def _tc_mlp_stats(hs, aggs, e_row, w1a, w1b, b1, w2, b2, n, w):
    nblk = n // _BLK

    def body(hs_ref, agg_ref, e_ref, w1a_ref, w1b_ref, b1_ref, w2_ref, b2_ref,
             t_ref, stats_ref):
        z0 = hs_ref[0] * e_ref[...] + agg_ref[0]
        z1 = hs_ref[1] * e_ref[...] + agg_ref[1]
        u = jnp.dot(z0, w1a_ref[...], preferred_element_type=jnp.float32)
        u = u + jnp.dot(z1, w1b_ref[...], preferred_element_type=jnp.float32)
        a = jnp.maximum(u + b1_ref[...], 0.0)
        t = jnp.dot(a, w2_ref[...], preferred_element_type=jnp.float32)
        t = t + b2_ref[...]
        t_ref[...] = t

        @pl.when(pl.program_id(0) == 0)
        def _():
            stats_ref[...] = jnp.zeros_like(stats_ref)

        stats_ref[0:1, :] += jnp.sum(t, axis=0, keepdims=True)
        stats_ref[1:2, :] += jnp.sum(t * t, axis=0, keepdims=True)

    return pl.pallas_call(
        body,
        grid=(nblk,),
        in_specs=[
            pl.BlockSpec((2, _BLK, w), lambda i: (0, i, 0)),
            pl.BlockSpec((2, _BLK, 128), lambda i: (0, i, 0)),
            pl.BlockSpec((1, w), lambda i: (0, 0)),
            pl.BlockSpec((w, _H), lambda i: (0, 0)),
            pl.BlockSpec((w, _H), lambda i: (0, 0)),
            pl.BlockSpec((1, _H), lambda i: (0, 0)),
            pl.BlockSpec((_H, _H), lambda i: (0, 0)),
            pl.BlockSpec((1, _H), lambda i: (0, 0)),
        ],
        out_specs=[
            pl.BlockSpec((_BLK, _H), lambda i: (i, 0)),
            pl.BlockSpec((2, _H), lambda i: (0, 0)),
        ],
        out_shape=[
            jax.ShapeDtypeStruct((n, _H), jnp.float32),
            jax.ShapeDtypeStruct((2, _H), jnp.float32),
        ],
    )(hs, aggs, e_row, w1a, w1b, b1, w2, b2)


def _tc_mlp_stats_l1(x, aggs, e_row, w1, b1, w2, b2, n, d):
    nblk = n // _BLK

    def body(x_ref, agg_ref, e_ref, w1_ref, b1_ref, w2_ref, b2_ref,
             t_ref, stats_ref):
        z = x_ref[...] * e_ref[...] + agg_ref[0] + agg_ref[1]
        u = jnp.dot(z, w1_ref[...], preferred_element_type=jnp.float32)
        a = jnp.maximum(u + b1_ref[...], 0.0)
        t = jnp.dot(a, w2_ref[...], preferred_element_type=jnp.float32)
        t = t + b2_ref[...]
        t_ref[...] = t

        @pl.when(pl.program_id(0) == 0)
        def _():
            stats_ref[...] = jnp.zeros_like(stats_ref)

        stats_ref[0:1, :] += jnp.sum(t, axis=0, keepdims=True)
        stats_ref[1:2, :] += jnp.sum(t * t, axis=0, keepdims=True)

    return pl.pallas_call(
        body,
        grid=(nblk,),
        in_specs=[
            pl.BlockSpec((_BLK, d), lambda i: (i, 0)),
            pl.BlockSpec((2, _BLK, d), lambda i: (0, i, 0)),
            pl.BlockSpec((1, d), lambda i: (0, 0)),
            pl.BlockSpec((d, _H), lambda i: (0, 0)),
            pl.BlockSpec((1, _H), lambda i: (0, 0)),
            pl.BlockSpec((_H, _H), lambda i: (0, 0)),
            pl.BlockSpec((1, _H), lambda i: (0, 0)),
        ],
        out_specs=[
            pl.BlockSpec((_BLK, _H), lambda i: (i, 0)),
            pl.BlockSpec((2, _H), lambda i: (0, 0)),
        ],
        out_shape=[
            jax.ShapeDtypeStruct((n, _H), jnp.float32),
            jax.ShapeDtypeStruct((2, _H), jnp.float32),
        ],
    )(x, aggs, e_row, w1, b1, w2, b2)


def _tc_bn_relu(t, stats, gamma, beta, n):
    nblk = n // _BLK
    inv_n = 1.0 / n

    def body(t_ref, stats_ref, gamma_ref, beta_ref, out_ref):
        mu = stats_ref[0:1, :] * inv_n
        var = stats_ref[1:2, :] * inv_n - mu * mu
        inv = lax.rsqrt(var + 1e-5)
        scale = gamma_ref[...] * inv
        shift = beta_ref[...] - mu * scale
        hnew = jnp.maximum(t_ref[...] * scale + shift, 0.0)
        out_ref[0] = hnew[:, :128]
        out_ref[1] = hnew[:, 128:]

    return pl.pallas_call(
        body,
        grid=(nblk,),
        in_specs=[
            pl.BlockSpec((_BLK, _H), lambda i: (i, 0)),
            pl.BlockSpec((2, _H), lambda i: (0, 0)),
            pl.BlockSpec((1, _H), lambda i: (0, 0)),
            pl.BlockSpec((1, _H), lambda i: (0, 0)),
        ],
        out_specs=pl.BlockSpec((2, _BLK, 128), lambda i: (0, i, 0)),
        out_shape=jax.ShapeDtypeStruct((2, n, 128), jnp.float32),
    )(t, stats, gamma, beta)


def _tc_bn_pool_head(t, stats, gamma, beta, batch3, l1w, l1b, l2w, l2b, n, g,
                     ncls):
    nblk = n // _BLK
    inv_n = 1.0 / n

    def body(t_ref, stats_ref, gamma_ref, beta_ref, b_ref, l1w_ref, l1b_ref,
             l2w_ref, l2b_ref, out_ref, pool_acc, cnt_acc):
        i = pl.program_id(0)

        @pl.when(i == 0)
        def _():
            pool_acc[...] = jnp.zeros_like(pool_acc)
            cnt_acc[...] = jnp.zeros_like(cnt_acc)

        mu = stats_ref[0:1, :] * inv_n
        var = stats_ref[1:2, :] * inv_n - mu * mu
        inv = lax.rsqrt(var + 1e-5)
        scale = gamma_ref[...] * inv
        shift = beta_ref[...] - mu * scale
        hnew = jnp.maximum(t_ref[...] * scale + shift, 0.0)

        bids = b_ref[0, 0, :]
        giota = lax.broadcasted_iota(jnp.int32, (g, _BLK), 0)
        onehot = (giota == bids[None, :]).astype(jnp.float32)
        pool_acc[...] += jnp.dot(onehot, hnew,
                                 preferred_element_type=jnp.float32)
        cnt_acc[...] += jnp.sum(onehot, axis=1, keepdims=True)

        @pl.when(i == nblk - 1)
        def _():
            pooled = pool_acc[...] / jnp.maximum(cnt_acc[...], 1.0)
            o = jnp.dot(pooled, l1w_ref[...],
                        preferred_element_type=jnp.float32) + l1b_ref[...]
            o = jnp.maximum(o, 0.0)
            o = jnp.dot(o, l2w_ref[...],
                        preferred_element_type=jnp.float32) + l2b_ref[...]
            m = jnp.max(o, axis=1, keepdims=True)
            ls = jnp.log(jnp.sum(jnp.exp(o - m), axis=1, keepdims=True))
            out_ref[...] = (o - m) - ls

    return pl.pallas_call(
        body,
        grid=(nblk,),
        in_specs=[
            pl.BlockSpec((_BLK, _H), lambda i: (i, 0)),
            pl.BlockSpec((2, _H), lambda i: (0, 0)),
            pl.BlockSpec((1, _H), lambda i: (0, 0)),
            pl.BlockSpec((1, _H), lambda i: (0, 0)),
            pl.BlockSpec((1, 1, _BLK), lambda i: (i, 0, 0)),
            pl.BlockSpec((_H, _H), lambda i: (0, 0)),
            pl.BlockSpec((1, _H), lambda i: (0, 0)),
            pl.BlockSpec((_H, ncls), lambda i: (0, 0)),
            pl.BlockSpec((1, ncls), lambda i: (0, 0)),
        ],
        out_specs=pl.BlockSpec((g, ncls), lambda i: (0, 0)),
        out_shape=jax.ShapeDtypeStruct((g, ncls), jnp.float32),
        scratch_shapes=[
            pltpu.VMEM((g, _H), jnp.float32),
            pltpu.VMEM((g, 1), jnp.float32),
        ],
    )(t, stats, gamma, beta, batch3, l1w, l1b, l2w, l2b)


def kernel(x, edge_index, batch, params):
    n, d = x.shape
    e = edge_index.shape[1]
    src = edge_index[0]
    dst = edge_index[1]
    gsrc_chunk = jnp.concatenate([src, src + n])
    ncls = params["lin2_W"].shape[1]
    batch3 = batch.reshape(n // _BLK, 1, _BLK)

    hs = None
    w = 128
    t = stats = None
    for li, p in enumerate(params["layers"]):
        if li == 0:
            aggs_flat = _sc_segment_add(x, src, dst, n, d, e, True)
        else:
            aggs_flat = _sc_segment_add(hs.reshape(2 * n, w), gsrc_chunk, dst,
                                        n, w, e, False)
        aggs = aggs_flat.reshape(2, n, aggs_flat.shape[1])
        b1 = p["b1"].reshape(1, _H)
        b2 = p["b2"].reshape(1, _H)
        if li == 0:
            e_row = jnp.full((1, d), 1.0, jnp.float32) + p["eps"]
            t, stats = _tc_mlp_stats_l1(x, aggs, e_row, p["W1"], b1, p["W2"],
                                        b2, n, d)
        else:
            e_row = jnp.full((1, w), 1.0, jnp.float32) + p["eps"]
            t, stats = _tc_mlp_stats(hs, aggs, e_row, p["W1"][:w],
                                     p["W1"][w:], b1, p["W2"], b2, n, w)
        if li < len(params["layers"]) - 1:
            hs = _tc_bn_relu(t, stats, p["gamma"].reshape(1, _H),
                             p["beta"].reshape(1, _H), n)

    p = params["layers"][-1]
    return _tc_bn_pool_head(t, stats, p["gamma"].reshape(1, _H),
                            p["beta"].reshape(1, _H), batch3,
                            params["lin1_W"],
                            params["lin1_b"].reshape(1, _H),
                            params["lin2_W"],
                            params["lin2_b"].reshape(1, ncls), n, _G, ncls)

# --- scband reference (transcript-rebuilt; emitter-appended) ---
"""Pipeline reference for scband-hugnn-25752623907507 (READ-ONLY COPY).

The authoritative reference and input builder live on the scoring server;
editing this copy changes nothing except your own understanding.
"""

import jax, jax.numpy as jnp
import numpy as np

N = 10000
E = 320000
D = 128
H = 256
C = 10
G = 128
L = 3


def _glorot(key, shape):
    fan_in = shape[0]
    return jax.random.normal(key, shape, jnp.float32) * (1.0 / np.sqrt(fan_in))


def setup_inputs(seed: int = 0):
    key = jax.random.key(seed)
    ks = jax.random.split(key, 64)
    x = jax.random.normal(ks[0], (N, D), jnp.float32)
    edge_index = jax.random.randint(ks[1], (2, E), 0, N)
    batch = jnp.sort(jax.random.randint(ks[2], (N,), 0, G))
    dims = [D, H, H]
    layers = []
    for l in range(L):
        k1, k2 = jax.random.split(ks[3 + l], 2)
        din = dims[l]
        layers.append({
            "W1": _glorot(k1, (din, H)),
            "b1": jnp.zeros((H,), jnp.float32),
            "W2": _glorot(k2, (H, H)),
            "b2": jnp.zeros((H,), jnp.float32),
            "gamma": jnp.ones((H,), jnp.float32),
            "beta": jnp.zeros((H,), jnp.float32),
            "eps": jnp.zeros((), jnp.float32),
        })
    params = {
        "layers": layers,
        "lin1_W": _glorot(ks[10], (H, H)),
        "lin1_b": jnp.zeros((H,), jnp.float32),
        "lin2_W": _glorot(ks[11], (H, C)),
        "lin2_b": jnp.zeros((C,), jnp.float32),
    }
    return {"x": x, "edge_index": edge_index, "batch": batch, "params": params}


def _forward(x, params, edge_index, batch):
    src = edge_index[0]
    dst = edge_index[1]
    h = x
    for p in params["layers"]:
        # GIN-style aggregation: scatter-add neighbor features to dst nodes
        agg = jnp.zeros_like(h).at[dst].add(h[src])
        z = (1.0 + p["eps"]) * h + agg
        # MLP: Linear -> ReLU -> Linear -> BN -> ReLU
        z = jnp.maximum(z @ p["W1"] + p["b1"], 0.0)
        z = z @ p["W2"] + p["b2"]
        mu = jnp.mean(z, axis=0)
        var = jnp.var(z, axis=0)
        z = (z - mu) / jnp.sqrt(var + 1e-5) * p["gamma"] + p["beta"]
        h = jnp.maximum(z, 0.0)
    # global mean pool per graph via segment sums
    sums = jax.ops.segment_sum(h, batch, num_segments=G)
    cnts = jax.ops.segment_sum(jnp.ones((h.shape[0],), h.dtype), batch, num_segments=G)
    pooled = sums / jnp.clip(cnts, 1.0, None)[:, None]
    out = jnp.maximum(pooled @ params["lin1_W"] + params["lin1_b"], 0.0)
    out = out @ params["lin2_W"] + params["lin2_b"]
    return jax.nn.log_softmax(out, axis=-1)


def reference(x, edge_index, batch, params):
    return _forward(x, params, edge_index, batch)

if __name__ == "__main__":
    import jax
    _d = setup_inputs()
    print(jax.jit(kernel)(*tuple(_d.values())))

</pallas_src>

<mosaic_0001>
#map = affine_map<(d0, d1) -> (0, 0)>
#map1 = affine_map<(d0, d1) -> (0)>
module attributes {stable_mosaic.version = 14 : i64} {
  func.func @k(%arg0: i32, %arg1: i32, %arg2: memref<10000x128xf32, #tpu.memory_space<hbm>>, %arg3: memref<320000xi32, #tpu.memory_space<hbm>>, %arg4: memref<320000xi32, #tpu.memory_space<hbm>>, %arg5: memref<20000x128xf32, #tpu.memory_space<hbm>>, %arg6: memref<6x80xi32, #tpu.memory_space<vmem>>, %arg7: memref<6x80xi32, #tpu.memory_space<vmem>>, %arg8: memref<4x80x128xf32, #tpu.memory_space<vmem>>, %arg9: memref<8x128xf32, #tpu.memory_space<vmem>>, %arg10: memref<10000x128xf32, #tpu.memory_space<vmem_shared>>, %arg11: memref<!tpu.dma_semaphore, #tpu.memory_space<semaphore_mem>>, %arg12: memref<!tpu.dma_semaphore, #tpu.memory_space<semaphore_mem>>, %arg13: memref<!tpu.dma_semaphore, #tpu.memory_space<semaphore_mem>>) attributes {dimension_semantics = [#tpu.dimension_semantics<core_parallel>, #tpu.dimension_semantics<subcore_parallel>], iteration_bounds = array<i64: 2, 16>, scalar_prefetch = 0 : i64, scratch_operands = 8 : i64, tpu.core_type = #tpu.core_type<sc_vector_subcore>, window_params = [{transform_indices = #map}, {transform_indices = #map1}, {transform_indices = #map1}, {transform_indices = #map}]} {
    %broadcast_in_dim3A = arith.constant 0.000000e+00 : f32
    %broadcast_in_dim3A_0 = vector.broadcast %broadcast_in_dim3A : f32 to vector<16xf32>
    %swap3A = arith.constant 0 : i32
    %swap3A_1 = arith.index_cast %swap3A : i32 to index
    %swap3A_2 = arith.constant 0 : index
    %swap3A_3 = tpu.vector_load %arg9[%swap3A_1, %swap3A_2] {strides = array<i32>} : memref<8x128xf32, #tpu.memory_space<vmem>>, vector<1x16xf32>,
    %swap3A_4 = vector.shape_cast %swap3A_3 : vector<1x16xf32> to vector<16xf32>
    %swap3A_5 = vector.shape_cast %broadcast_in_dim3A_0 : vector<16xf32> to vector<1x16xf32>
    tpu.vector_store %arg9[%swap3A_1, %swap3A_2], %swap3A_5 {strides = array<i32>} : memref<8x128xf32, #tpu.memory_space<vmem>>, vector<1x16xf32>,
    %swap3A_6 = arith.constant 0 : i32
    %swap3A_7 = arith.index_cast %swap3A_6 : i32 to index
    %swap3A_8 = arith.constant 16 : index
    %swap3A_9 = tpu.vector_load %arg9[%swap3A_7, %swap3A_8] {strides = array<i32>} : memref<8x128xf32, #tpu.memory_space<vmem>>, vector<1x16xf32>,
    %swap3A_10 = vector.shape_cast %swap3A_9 : vector<1x16xf32> to vector<16xf32>
    %swap3A_11 = vector.shape_cast %broadcast_in_dim3A_0 : vector<16xf32> to vector<1x16xf32>
    tpu.vector_store %arg9[%swap3A_7, %swap3A_8], %swap3A_11 {strides = array<i32>} : memref<8x128xf32, #tpu.memory_space<vmem>>, vector<1x16xf32>,
    %swap3A_12 = arith.constant 0 : i32
    %swap3A_13 = arith.index_cast %swap3A_12 : i32 to index
    %swap3A_14 = arith.constant 32 : index
    %swap3A_15 = tpu.vector_load %arg9[%swap3A_13, %swap3A_14] {strides = array<i32>} : memref<8x128xf32, #tpu.memory_space<vmem>>, vector<1x16xf32>,
    %swap3A_16 = vector.shape_cast %swap3A_15 : vector<1x16xf32> to vector<16xf32>
    %swap3A_17 = vector.shape_cast %broadcast_in_dim3A_0 : vector<16xf32> to vector<1x16xf32>
    tpu.vector_store %arg9[%swap3A_13, %swap3A_14], %swap3A_17 {strides = array<i32>} : memref<8x128xf32, #tpu.memory_space<vmem>>, vector<1x16xf32>,
    %swap3A_18 = arith.constant 0 : i32
    %swap3A_19 = arith.index_cast %swap3A_18 : i32 to index
    %swap3A_20 = arith.constant 48 : index
    %swap3A_21 = tpu.vector_load %arg9[%swap3A_19, %swap3A_20] {strides = array<i32>} : memref<8x128xf32, #tpu.memory_space<vmem>>, vector<1x16xf32>,
    %swap3A_22 = vector.shape_cast %swap3A_21 : vector<1x16xf32> to vector<16xf32>
    %swap3A_23 = vector.shape_cast %broadcast_in_dim3A_0 : vector<16xf32> to vector<1x16xf32>
    tpu.vector_store %arg9[%swap3A_19, %swap3A_20], %swap3A_23 {strides = array<i32>} : memref<8x128xf32, #tpu.memory_space<vmem>>, vector<1x16xf32>,
    %swap3A_24 = arith.constant 0 : i32
    %swap3A_25 = arith.index_cast %swap3A_24 : i32 to index
    %swap3A_26 = arith.constant 64 : index
    %swap3A_27 = tpu.vector_load %arg9[%swap3A_25, %swap3A_26] {strides = array<i32>} : memref<8x128xf32, #tpu.memory_space<vmem>>, vector<1x16xf32>,
    %swap3A_28 = vector.shape_cast %swap3A_27 : vector<1x16xf32> to vector<16xf32>
    %swap3A_29 = vector.shape_cast %broadcast_in_dim3A_0 : vector<16xf32> to vector<1x16xf32>
    tpu.vector_store %arg9[%swap3A_25, %swap3A_26], %swap3A_29 {strides = array<i32>} : memref<8x128xf32, #tpu.memory_space<vmem>>, vector<1x16xf32>,
    %swap3A_30 = arith.constant 0 : i32
    %swap3A_31 = arith.index_cast %swap3A_30 : i32 to index
    %swap3A_32 = arith.constant 80 : index
    %swap3A_33 = tpu.vector_load %arg9[%swap3A_31, %swap3A_32] {strides = array<i32>} : memref<8x128xf32, #tpu.memory_space<vmem>>, vector<1x16xf32>,
    %swap3A_34 = vector.shape_cast %swap3A_33 : vector<1x16xf32> to vector<16xf32>
    %swap3A_35 = vector.shape_cast %broadcast_in_dim3A_0 : vector<16xf32> to vector<1x16xf32>
    tpu.vector_store %arg9[%swap3A_31, %swap3A_32], %swap3A_35 {strides = array<i32>} : memref<8x128xf32, #tpu.memory_space<vmem>>, vector<1x16xf32>,
    %swap3A_36 = arith.constant 0 : i32
    %swap3A_37 = arith.index_cast %swap3A_36 : i32 to index
    %swap3A_38 = arith.constant 96 : index
    %swap3A_39 = tpu.vector_load %arg9[%swap3A_37, %swap3A_38] {strides = array<i32>} : memref<8x128xf32, #tpu.memory_space<vmem>>, vector<1x16xf32>,
    %swap3A_40 = vector.shape_cast %swap3A_39 : vector<1x16xf32> to vector<16xf32>
    %swap3A_41 = vector.shape_cast %broadcast_in_dim3A_0 : vector<16xf32> to vector<1x16xf32>
    tpu.vector_store %arg9[%swap3A_37, %swap3A_38], %swap3A_41 {strides = array<i32>} : memref<8x128xf32, #tpu.memory_space<vmem>>, vector<1x16xf32>,
    %swap3A_42 = arith.constant 0 : i32
    %swap3A_43 = arith.index_cast %swap3A_42 : i32 to index
    %swap3A_44 = arith.constant 112 : index
    %swap3A_45 = tpu.vector_load %arg9[%swap3A_43, %swap3A_44] {strides = array<i32>} : memref<8x128xf32, #tpu.memory_space<vmem>>, vector<1x16xf32>,
    %swap3A_46 = vector.shape_cast %swap3A_45 : vector<1x16xf32> to vector<16xf32>
    %swap3A_47 = vector.shape_cast %broadcast_in_dim3A_0 : vector<16xf32> to vector<1x16xf32>
    tpu.vector_store %arg9[%swap3A_43, %swap3A_44], %swap3A_47 {strides = array<i32>} : memref<8x128xf32, #tpu.memory_space<vmem>>, vector<1x16xf32>,
    %swap3A_48 = arith.constant 1 : i32
    %swap3A_49 = arith.index_cast %swap3A_48 : i32 to index
    %swap3A_50 = arith.constant 0 : index
    %swap3A_51 = tpu.vector_load %arg9[%swap3A_49, %swap3A_50] {strides = array<i32>} : memref<8x128xf32, #tpu.memory_space<vmem>>, vector<1x16xf32>,
    %swap3A_52 = vector.shape_cast %swap3A_51 : vector<1x16xf32> to vector<16xf32>
    %swap3A_53 = vector.shape_cast %broadcast_in_dim3A_0 : vector<16xf32> to vector<1x16xf32>
    tpu.vector_store %arg9[%swap3A_49, %swap3A_50], %swap3A_53 {strides = array<i32>} : memref<8x128xf32, #tpu.memory_space<vmem>>, vector<1x16xf32>,
    %swap3A_54 = arith.constant 1 : i32
    %swap3A_55 = arith.index_cast %swap3A_54 : i32 to index
    %swap3A_56 = arith.constant 16 : index
    %swap3A_57 = tpu.vector_load %arg9[%swap3A_55, %swap3A_56] {strides = array<i32>} : memref<8x128xf32, #tpu.memory_space<vmem>>, vector<1x16xf32>,
    %swap3A_58 = vector.shape_cast %swap3A_57 : vector<1x16xf32> to vector<16xf32>
    %swap3A_59 = vector.shape_cast %broadcast_in_dim3A_0 : vector<16xf32> to vector<1x16xf32>
    tpu.vector_store %arg9[%swap3A_55, %swap3A_56], %swap3A_59 {strides = array<i32>} : memref<8x128xf32, #tpu.memory_space<vmem>>, vector<1x16xf32>,
    %swap3A_60 = arith.constant 1 : i32
    %swap3A_61 = arith.index_cast %swap3A_60 : i32 to index
    %swap3A_62 = arith.constant 32 : index
    %swap3A_63 = tpu.vector_load %arg9[%swap3A_61, %swap3A_62] {strides = array<i32>} : memref<8x128xf32, #tpu.memory_space<vmem>>, vector<1x16xf32>,
    %swap3A_64 = vector.shape_cast %swap3A_63 : vector<1x16xf32> to vector<16xf32>
    %swap3A_65 = vector.shape_cast %broadcast_in_dim3A_0 : vector<16xf32> to vector<1x16xf32>
    tpu.vector_store %arg9[%swap3A_61, %swap3A_62], %swap3A_65 {strides = array<i32>} : memref<8x128xf32, #tpu.memory_space<vmem>>, vector<1x16xf32>,
    %swap3A_66 = arith.constant 1 : i32
    %swap3A_67 = arith.index_cast %swap3A_66 : i32 to index
    %swap3A_68 = arith.constant 48 : index
    %swap3A_69 = tpu.vector_load %arg9[%swap3A_67, %swap3A_68] {strides = array<i32>} : memref<8x128xf32, #tpu.memory_space<vmem>>, vector<1x16xf32>,
    %swap3A_70 = vector.shape_cast %swap3A_69 : vector<1x16xf32> to vector<16xf32>
    %swap3A_71 = vector.shape_cast %broadcast_in_dim3A_0 : vector<16xf32> to vector<1x16xf32>
    tpu.vector_store %arg9[%swap3A_67, %swap3A_68], %swap3A_71 {strides = array<i32>} : memref<8x128xf32, #tpu.memory_space<vmem>>, vector<1x16xf32>,
    %swap3A_72 = arith.constant 1 : i32
    %swap3A_73 = arith.index_cast %swap3A_72 : i32 to index
    %swap3A_74 = arith.constant 64 : index
    %swap3A_75 = tpu.vector_load %arg9[%swap3A_73, %swap3A_74] {strides = array<i32>} : memref<8x128xf32, #tpu.memory_space<vmem>>, vector<1x16xf32>,
    %swap3A_76 = vector.shape_cast %swap3A_75 : vector<1x16xf32> to vector<16xf32>
    %swap3A_77 = vector.shape_cast %broadcast_in_dim3A_0 : vector<16xf32> to vector<1x16xf32>
    tpu.vector_store %arg9[%swap3A_73, %swap3A_74], %swap3A_77 {strides = array<i32>} : memref<8x128xf32, #tpu.memory_space<vmem>>, vector<1x16xf32>,
    %swap3A_78 = arith.constant 1 : i32
    %swap3A_79 = arith.index_cast %swap3A_78 : i32 to index
    %swap3A_80 = arith.constant 80 : index
    %swap3A_81 = tpu.vector_load %arg9[%swap3A_79, %swap3A_80] {strides = array<i32>} : memref<8x128xf32, #tpu.memory_space<vmem>>, vector<1x16xf32>,
    %swap3A_82 = vector.shape_cast %swap3A_81 : vector<1x16xf32> to vector<16xf32>
    %swap3A_83 = vector.shape_cast %broadcast_in_dim3A_0 : vector<16xf32> to vector<1x16xf32>
    tpu.vector_store %arg9[%swap3A_79, %swap3A_80], %swap3A_83 {strides = array<i32>} : memref<8x128xf32, #tpu.memory_space<vmem>>, vector<1x16xf32>,
    %swap3A_84 = arith.constant 1 : i32
    %swap3A_85 = arith.index_cast %swap3A_84 : i32 to index
    %swap3A_86 = arith.constant 96 : index
    %swap3A_87 = tpu.vector_load %arg9[%swap3A_85, %swap3A_86] {strides = array<i32>} : memref<8x128xf32, #tpu.memory_space<vmem>>, vector<1x16xf32>,
    %swap3A_88 = vector.shape_cast %swap3A_87 : vector<1x16xf32> to vector<16xf32>
    %swap3A_89 = vector.shape_cast %broadcast_in_dim3A_0 : vector<16xf32> to vector<1x16xf32>
    tpu.vector_store %arg9[%swap3A_85, %swap3A_86], %swap3A_89 {strides = array<i32>} : memref<8x128xf32, #tpu.memory_space<vmem>>, vector<1x16xf32>,
    %swap3A_90 = arith.constant 1 : i32
    %swap3A_91 = arith.index_cast %swap3A_90 : i32 to index
    %swap3A_92 = arith.constant 112 : index
    %swap3A_93 = tpu.vector_load %arg9[%swap3A_91, %swap3A_92] {strides = array<i32>} : memref<8x128xf32, #tpu.memory_space<vmem>>, vector<1x16xf32>,
    %swap3A_94 = vector.shape_cast %swap3A_93 : vector<1x16xf32> to vector<16xf32>
    %swap3A_95 = vector.shape_cast %broadcast_in_dim3A_0 : vector<16xf32> to vector<1x16xf32>
    tpu.vector_store %arg9[%swap3A_91, %swap3A_92], %swap3A_95 {strides = array<i32>} : memref<8x128xf32, #tpu.memory_space<vmem>>, vector<1x16xf32>,
    %swap3A_96 = arith.constant 2 : i32
    %swap3A_97 = arith.index_cast %swap3A_96 : i32 to index
    %swap3A_98 = arith.constant 0 : index
    %swap3A_99 = tpu.vector_load %arg9[%swap3A_97, %swap3A_98] {strides = array<i32>} : memref<8x128xf32, #tpu.memory_space<vmem>>, vector<1x16xf32>,
    %swap3A_100 = vector.shape_cast %swap3A_99 : vector<1x16xf32> to vector<16xf32>
    %swap3A_101 = vector.shape_cast %broadcast_in_dim3A_0 : vector<16xf32> to vector<1x16xf32>
    tpu.vector_store %arg9[%swap3A_97, %swap3A_98], %swap3A_101 {strides = array<i32>} : memref<8x128xf32, #tpu.memory_space<vmem>>, vector<1x16xf32>,
    %swap3A_102 = arith.constant 2 : i32
    %swap3A_103 = arith.index_cast %swap3A_102 : i32 to index
    %swap3A_104 = arith.constant 16 : index
    %swap3A_105 = tpu.vector_load %arg9[%swap3A_103, %swap3A_104] {strides = array<i32>} : memref<8x128xf32, #tpu.memory_space<vmem>>, vector<1x16xf32>,
    %swap3A_106 = vector.shape_cast %swap3A_105 : vector<1x16xf32> to vector<16xf32>
    %swap3A_107 = vector.shape_cast %broadcast_in_dim3A_0 : vector<16xf32> to vector<1x16xf32>
    tpu.vector_store %arg9[%swap3A_103, %swap3A_104], %swap3A_107 {strides = array<i32>} : memref<8x128xf32, #tpu.memory_space<vmem>>, vector<1x16xf32>,
    %swap3A_108 = arith.constant 2 : i32
    %swap3A_109 = arith.index_cast %swap3A_108 : i32 to index
    %swap3A_110 = arith.constant 32 : index
    %swap3A_111 = tpu.vector_load %arg9[%swap3A_109, %swap3A_110] {strides = array<i32>} : memref<8x128xf32, #tpu.memory_space<vmem>>, vector<1x16xf32>,
    %swap3A_112 = vector.shape_cast %swap3A_111 : vector<1x16xf32> to vector<16xf32>
    %swap3A_113 = vector.shape_cast %broadcast_in_dim3A_0 : vector<16xf32> to vector<1x16xf32>
    tpu.vector_store %arg9[%swap3A_109, %swap3A_110], %swap3A_113 {strides = array<i32>} : memref<8x128xf32, #tpu.memory_space<vmem>>, vector<1x16xf32>,
    %swap3A_114 = arith.constant 2 : i32
    %swap3A_115 = arith.index_cast %swap3A_114 : i32 to index
    %swap3A_116 = arith.constant 48 : index
    %swap3A_117 = tpu.vector_load %arg9[%swap3A_115, %swap3A_116] {strides = array<i32>} : memref<8x128xf32, #tpu.memory_space<vmem>>, vector<1x16xf32>,
    %swap3A_118 = vector.shape_cast %swap3A_117 : vector<1x16xf32> to vector<16xf32>
    %swap3A_119 = vector.shape_cast %broadcast_in_dim3A_0 : vector<16xf32> to vector<1x16xf32>
    tpu.vector_store %arg9[%swap3A_115, %swap3A_116], %swap3A_119 {strides = array<i32>} : memref<8x128xf32, #tpu.memory_space<vmem>>, vector<1x16xf32>,
    %swap3A_120 = arith.constant 2 : i32
    %swap3A_121 = arith.index_cast %swap3A_120 : i32 to index
    %swap3A_122 = arith.constant 64 : index
    %swap3A_123 = tpu.vector_load %arg9[%swap3A_121, %swap3A_122] {strides = array<i32>} : memref<8x128xf32, #tpu.memory_space<vmem>>, vector<1x16xf32>,
    %swap3A_124 = vector.shape_cast %swap3A_123 : vector<1x16xf32> to vector<16xf32>
    %swap3A_125 = vector.shape_cast %broadcast_in_dim3A_0 : vector<16xf32> to vector<1x16xf32>
    tpu.vector_store %arg9[%swap3A_121, %swap3A_122], %swap3A_125 {strides = array<i32>} : memref<8x128xf32, #tpu.memory_space<vmem>>, vector<1x16xf32>,
    %swap3A_126 = arith.constant 2 : i32
    %swap3A_127 = arith.index_cast %swap3A_126 : i32 to index
    %swap3A_128 = arith.constant 80 : index
    %swap3A_129 = tpu.vector_load %arg9[%swap3A_127, %swap3A_128] {strides = array<i32>} : memref<8x128xf32, #tpu.memory_space<vmem>>, vector<1x16xf32>,
    %swap3A_130 = vector.shape_cast %swap3A_129 : vector<1x16xf32> to vector<16xf32>
    %swap3A_131 = vector.shape_cast %broadcast_in_dim3A_0 : vector<16xf32> to vector<1x16xf32>
    tpu.vector_store %arg9[%swap3A_127, %swap3A_128], %swap3A_131 {strides = array<i32>} : memref<8x128xf32, #tpu.memory_space<vmem>>, vector<1x16xf32>,
    %swap3A_132 = arith.constant 2 : i32
    %swap3A_133 = arith.index_cast %swap3A_132 : i32 to index
    %swap3A_134 = arith.constant 96 : index
    %swap3A_135 = tpu.vector_load %arg9[%swap3A_133, %swap3A_134] {strides = array<i32>} : memref<8x128xf32, #tpu.memory_space<vmem>>, vector<1x16xf32>,
    %swap3A_136 = vector.shape_cast %swap3A_135 : vector<1x16xf32> to vector<16xf32>
    %swap3A_137 = vector.shape_cast %broadcast_in_dim3A_0 : vector<16xf32> to vector<1x16xf32>
    tpu.vector_store %arg9[%swap3A_133, %swap3A_134], %swap3A_137 {strides = array<i32>} : memref<8x128xf32, #tpu.memory_space<vmem>>, vector<1x16xf32>,
    %swap3A_138 = arith.constant 2 : i32
    %swap3A_139 = arith.index_cast %swap3A_138 : i32 to index
    %swap3A_140 = arith.constant 112 : index
    %swap3A_141 = tpu.vector_load %arg9[%swap3A_139, %swap3A_140] {strides = array<i32>} : memref<8x128xf32, #tpu.memory_space<vmem>>, vector<1x16xf32>,
    %swap3A_142 = vector.shape_cast %swap3A_141 : vector<1x16xf32> to vector<16xf32>
    %swap3A_143 = vector.shape_cast %broadcast_in_dim3A_0 : vector<16xf32> to vector<1x16xf32>
    tpu.vector_store %arg9[%swap3A_139, %swap3A_140], %swap3A_143 {strides = array<i32>} : memref<8x128xf32, #tpu.memory_space<vmem>>, vector<1x16xf32>,
    %swap3A_144 = arith.constant 3 : i32
    %swap3A_145 = arith.index_cast %swap3A_144 : i32 to index
    %swap3A_146 = arith.constant 0 : index
    %swap3A_147 = tpu.vector_load %arg9[%swap3A_145, %swap3A_146] {strides = array<i32>} : memref<8x128xf32, #tpu.memory_space<vmem>>, vector<1x16xf32>,
    %swap3A_148 = vector.shape_cast %swap3A_147 : vector<1x16xf32> to vector<16xf32>
    %swap3A_149 = vector.shape_cast %broadcast_in_dim3A_0 : vector<16xf32> to vector<1x16xf32>
    tpu.vector_store %arg9[%swap3A_145, %swap3A_146], %swap3A_149 {strides = array<i32>} : memref<8x128xf32, #tpu.memory_space<vmem>>, vector<1x16xf32>,
    %swap3A_150 = arith.constant 3 : i32
    %swap3A_151 = arith.index_cast %swap3A_150 : i32 to index
    %swap3A_152 = arith.constant 16 : index
    %swap3A_153 = tpu.vector_load %arg9[%swap3A_151, %swap3A_152] {strides = array<i32>} : memref<8x128xf32, #tpu.memory_space<vmem>>, vector<1x16xf32>,
    %swap3A_154 = vector.shape_cast %swap3A_153 : vector<1x16xf32> to vector<16xf32>
    %swap3A_155 = vector.shape_cast %broadcast_in_dim3A_0 : vector<16xf32> to vector<1x16xf32>
    tpu.vector_store %arg9[%swap3A_151, %swap3A_152], %swap3A_155 {strides = array<i32>} : memref<8x128xf32, #tpu.memory_space<vmem>>, vector<1x16xf32>,
    %swap3A_156 = arith.constant 3 : i32
    %swap3A_157 = arith.index_cast %swap3A_156 : i32 to index
    %swap3A_158 = arith.constant 32 : index
    %swap3A_159 = tpu.vector_load %arg9[%swap3A_157, %swap3A_158] {strides = array<i32>} : memref<8x128xf32, #tpu.memory_space<vmem>>, vector<1x16xf32>,
    %swap3A_160 = vector.shape_cast %swap3A_159 : vector<1x16xf32> to vector<16xf32>
    %swap3A_161 = vector.shape_cast %broadcast_in_dim3A_0 : vector<16xf32> to vector<1x16xf32>
    tpu.vector_store %arg9[%swap3A_157, %swap3A_158], %swap3A_161 {strides = array<i32>} : memref<8x128xf32, #tpu.memory_space<vmem>>, vector<1x16xf32>,
    %swap3A_162 = arith.constant 3 : i32
    %swap3A_163 = arith.index_cast %swap3A_162 : i32 to index
    %swap3A_164 = arith.constant 48 : index
    %swap3A_165 = tpu.vector_load %arg9[%swap3A_163, %swap3A_164] {strides = array<i32>} : memref<8x128xf32, #tpu.memory_space<vmem>>, vector<1x16xf32>,
    %swap3A_166 = vector.shape_cast %swap3A_165 : vector<1x16xf32> to vector<16xf32>
    %swap3A_167 = vector.shape_cast %broadcast_in_dim3A_0 : vector<16xf32> to vector<1x16xf32>
    tpu.vector_store %arg9[%swap3A_163, %swap3A_164], %swap3A_167 {strides = array<i32>} : memref<8x128xf32, #tpu.memory_space<vmem>>, vector<1x16xf32>,
    %swap3A_168 = arith.constant 3 : i32
    %swap3A_169 = arith.index_cast %swap3A_168 : i32 to index
    %swap3A_170 = arith.constant 64 : index
    %swap3A_171 = tpu.vector_load %arg9[%swap3A_169, %swap3A_170] {strides = array<i32>} : memref<8x128xf32, #tpu.memory_space<vmem>>, vector<1x16xf32>,
    %swap3A_172 = vector.shape_cast %swap3A_171 : vector<1x16xf32> to vector<16xf32>
    %swap3A_173 = vector.shape_cast %broadcast_in_dim3A_0 : vector<16xf32> to vector<1x16xf32>
    tpu.vector_store %arg9[%swap3A_169, %swap3A_170], %swap3A_173 {strides = array<i32>} : memref<8x128xf32, #tpu.memory_space<vmem>>, vector<1x16xf32>,
    %swap3A_174 = arith.constant 3 : i32
    %swap3A_175 = arith.index_cast %swap3A_174 : i32 to index
    %swap3A_176 = arith.constant 80 : index
    %swap3A_177 = tpu.vector_load %arg9[%swap3A_175, %swap3A_176] {strides = array<i32>} : memref<8x128xf32, #tpu.memory_space<vmem>>, vector<1x16xf32>,
    %swap3A_178 = vector.shape_cast %swap3A_177 : vector<1x16xf32> to vector<16xf32>
    %swap3A_179 = vector.shape_cast %broadcast_in_dim3A_0 : vector<16xf32> to vector<1x16xf32>
    tpu.vector_store %arg9[%swap3A_175, %swap3A_176], %swap3A_179 {strides = array<i32>} : memref<8x128xf32, #tpu.memory_space<vmem>>, vector<1x16xf32>,
    %swap3A_180 = arith.constant 3 : i32
    %swap3A_181 = arith.index_cast %swap3A_180 : i32 to index
    %swap3A_182 = arith.constant 96 : index
    %swap3A_183 = tpu.vector_load %arg9[%swap3A_181, %swap3A_182] {strides = array<i32>} : memref<8x128xf32, #tpu.memory_space<vmem>>, vector<1x16xf32>,
    %swap3A_184 = vector.shape_cast %swap3A_183 : vector<1x16xf32> to vector<16xf32>
    %swap3A_185 = vector.shape_cast %broadcast_in_dim3A_0 : vector<16xf32> to vector<1x16xf32>
    tpu.vector_store %arg9[%swap3A_181, %swap3A_182], %swap3A_185 {strides = array<i32>} : memref<8x128xf32, #tpu.memory_space<vmem>>, vector<1x16xf32>,
    %swap3A_186 = arith.constant 3 : i32
    %swap3A_187 = arith.index_cast %swap3A_186 : i32 to index
    %swap3A_188 = arith.constant 112 : index
    %swap3A_189 = tpu.vector_load %arg9[%swap3A_187, %swap3A_188] {strides = array<i32>} : memref<8x128xf32, #tpu.memory_space<vmem>>, vector<1x16xf32>,
    %swap3A_190 = vector.shape_cast %swap3A_189 : vector<1x16xf32> to vector<16xf32>
    %swap3A_191 = vector.shape_cast %broadcast_in_dim3A_0 : vector<16xf32> to vector<1x16xf32>
    tpu.vector_store %arg9[%swap3A_187, %swap3A_188], %swap3A_191 {strides = array<i32>} : memref<8x128xf32, #tpu.memory_space<vmem>>, vector<1x16xf32>,
    %swap3A_192 = arith.constant 4 : i32
    %swap3A_193 = arith.index_cast %swap3A_192 : i32 to index
    %swap3A_194 = arith.constant 0 : index
    %swap3A_195 = tpu.vector_load %arg9[%swap3A_193, %swap3A_194] {strides = array<i32>} : memref<8x128xf32, #tpu.memory_space<vmem>>, vector<1x16xf32>,
    %swap3A_196 = vector.shape_cast %swap3A_195 : vector<1x16xf32> to vector<16xf32>
    %swap3A_197 = vector.shape_cast %broadcast_in_dim3A_0 : vector<16xf32> to vector<1x16xf32>
    tpu.vector_store %arg9[%swap3A_193, %swap3A_194], %swap3A_197 {strides = array<i32>} : memref<8x128xf32, #tpu.memory_space<vmem>>, vector<1x16xf32>,
    %swap3A_198 = arith.constant 4 : i32
    %swap3A_199 = arith.index_cast %swap3A_198 : i32 to index
    %swap3A_200 = arith.constant 16 : index
    %swap3A_201 = tpu.vector_load %arg9[%swap3A_199, %swap3A_200] {strides = array<i32>} : memref<8x128xf32, #tpu.memory_space<vmem>>, vector<1x16xf32>,
    %swap3A_202 = vector.shape_cast %swap3A_201 : vector<1x16xf32> to vector<16xf32>
    %swap3A_203 = vector.shape_cast %broadcast_in_dim3A_0 : vector<16xf32> to vector<1x16xf32>
    tpu.vector_store %arg9[%swap3A_199, %swap3A_200], %swap3A_203 {strides = array<i32>} : memref<8x128xf32, #tpu.memory_space<vmem>>, vector<1x16xf32>,
    %swap3A_204 = arith.constant 4 : i32
    %swap3A_205 = arith.index_cast %swap3A_204 : i32 to index
    %swap3A_206 = arith.constant 32 : index
    %swap3A_207 = tpu.vector_load %arg9[%swap3A_205, %swap3A_206] {strides = array<i32>} : memref<8x128xf32, #tpu.memory_space<vmem>>, vector<1x16xf32>,
    %swap3A_208 = vector.shape_cast %swap3A_207 : vector<1x16xf32> to vector<16xf32>
    %swap3A_209 = vector.shape_cast %broadcast_in_dim3A_0 : vector<16xf32> to vector<1x16xf32>
    tpu.vector_store %arg9[%swap3A_205, %swap3A_206], %swap3A_209 {strides = array<i32>} : memref<8x128xf32, #tpu.memory_space<vmem>>, vector<1x16xf32>,
    %swap3A_210 = arith.constant 4 : i32
    %swap3A_211 = arith.index_cast %swap3A_210 : i32 to index
    %swap3A_212 = arith.constant 48 : index
    %swap3A_213 = tpu.vector_load %arg9[%swap3A_211, %swap3A_212] {strides = array<i32>} : memref<8x128xf32, #tpu.memory_space<vmem>>, vector<1x16xf32>,
    %swap3A_214 = vector.shape_cast %swap3A_213 : vector<1x16xf32> to vector<16xf32>
    %swap3A_215 = vector.shape_cast %broadcast_in_dim3A_0 : vector<16xf32> to vector<1x16xf32>
    tpu.vector_store %arg9[%swap3A_211, %swap3A_212], %swap3A_215 {strides = array<i32>} : memref<8x128xf32, #tpu.memory_space<vmem>>, vector<1x16xf32>,
    %swap3A_216 = arith.constant 4 : i32
    %swap3A_217 = arith.index_cast %swap3A_216 : i32 to index
    %swap3A_218 = arith.constant 64 : index
    %swap3A_219 = tpu.vector_load %arg9[%swap3A_217, %swap3A_218] {strides = array<i32>} : memref<8x128xf32, #tpu.memory_space<vmem>>, vector<1x16xf32>,
    %swap3A_220 = vector.shape_cast %swap3A_219 : vector<1x16xf32> to vector<16xf32>
    %swap3A_221 = vector.shape_cast %broadcast_in_dim3A_0 : vector<16xf32> to vector<1x16xf32>
    tpu.vector_store %arg9[%swap3A_217, %swap3A_218], %swap3A_221 {strides = array<i32>} : memref<8x128xf32, #tpu.memory_space<vmem>>, vector<1x16xf32>,
    %swap3A_222 = arith.constant 4 : i32
    %swap3A_223 = arith.index_cast %swap3A_222 : i32 to index
    %swap3A_224 = arith.constant 80 : index
    %swap3A_225 = tpu.vector_load %arg9[%swap3A_223, %swap3A_224] {strides = array<i32>} : memref<8x128xf32, #tpu.memory_space<vmem>>, vector<1x16xf32>,
    %swap3A_226 = vector.shape_cast %swap3A_225 : vector<1x16xf32> to vector<16xf32>
    %swap3A_227 = vector.shape_cast %broadcast_in_dim3A_0 : vector<16xf32> to vector<1x16xf32>
    tpu.vector_store %arg9[%swap3A_223, %swap3A_224], %swap3A_227 {strides = array<i32>} : memref<8x128xf32, #tpu.memory_space<vmem>>, vector<1x16xf32>,
    %swap3A_228 = arith.constant 4 : i32
    %swap3A_229 = arith.index_cast %swap3A_228 : i32 to index
    %swap3A_230 = arith.constant 96 : index
    %swap3A_231 = tpu.vector_load %arg9[%swap3A_229, %swap3A_230] {strides = array<i32>} : memref<8x128xf32, #tpu.memory_space<vmem>>, vector<1x16xf32>,
    %swap3A_232 = vector.shape_cast %swap3A_231 : vector<1x16xf32> to vector<16xf32>
    %swap3A_233 = vector.shape_cast %broadcast_in_dim3A_0 : vector<16xf32> to vector<1x16xf32>
    tpu.vector_store %arg9[%swap3A_229, %swap3A_230], %swap3A_233 {strides = array<i32>} : memref<8x128xf32, #tpu.memory_space<vmem>>, vector<1x16xf32>,
    %swap3A_234 = arith.constant 4 : i32
    %swap3A_235 = arith.index_cast %swap3A_234 : i32 to index
    %swap3A_236 = arith.constant 112 : index
    %swap3A_237 = tpu.vector_load %arg9[%swap3A_235, %swap3A_236] {strides = array<i32>} : memref<8x128xf32, #tpu.memory_space<vmem>>, vector<1x16xf32>,
    %swap3A_238 = vector.shape_cast %swap3A_237 : vector<1x16xf32> to vector<16xf32>
    %swap3A_239 = vector.shape_cast %broadcast_in_dim3A_0 : vector<16xf32> to vector<1x16xf32>
    tpu.vector_store %arg9[%swap3A_235, %swap3A_236], %swap3A_239 {strides = array<i32>} : memref<8x128xf32, #tpu.memory_space<vmem>>, vector<1x16xf32>,
    %swap3A_240 = arith.constant 5 : i32
    %swap3A_241 = arith.index_cast %swap3A_240 : i32 to index
    %swap3A_242 = arith.constant 0 : index
    %swap3A_243 = tpu.vector_load %arg9[%swap3A_241, %swap3A_242] {strides = array<i32>} : memref<8x128xf32, #tpu.memory_space<vmem>>, vector<1x16xf32>,
    %swap3A_244 = vector.shape_cast %swap3A_243 : vector<1x16xf32> to vector<16xf32>
    %swap3A_245 = vector.shape_cast %broadcast_in_dim3A_0 : vector<16xf32> to vector<1x16xf32>
    tpu.vector_store %arg9[%swap3A_241, %swap3A_242], %swap3A_245 {strides = array<i32>} : memref<8x128xf32, #tpu.memory_space<vmem>>, vector<1x16xf32>,
    %swap3A_246 = arith.constant 5 : i32
    %swap3A_247 = arith.index_cast %swap3A_246 : i32 to index
    %swap3A_248 = arith.constant 16 : index
    %swap3A_249 = tpu.vector_load %arg9[%swap3A_247, %swap3A_248] {strides = array<i32>} : memref<8x128xf32, #tpu.memory_space<vmem>>, vector<1x16xf32>,
    %swap3A_250 = vector.shape_cast %swap3A_249 : vector<1x16xf32> to vector<16xf32>
    %swap3A_251 = vector.shape_cast %broadcast_in_dim3A_0 : vector<16xf32> to vector<1x16xf32>
    tpu.vector_store %arg9[%swap3A_247, %swap3A_248], %swap3A_251 {strides = array<i32>} : memref<8x128xf32, #tpu.memory_space<vmem>>, vector<1x16xf32>,
    %swap3A_252 = arith.constant 5 : i32
    %swap3A_253 = arith.index_cast %swap3A_252 : i32 to index
    %swap3A_254 = arith.constant 32 : index
    %swap3A_255 = tpu.vector_load %arg9[%swap3A_253, %swap3A_254] {strides = array<i32>} : memref<8x128xf32, #tpu.memory_space<vmem>>, vector<1x16xf32>,
    %swap3A_256 = vector.shape_cast %swap3A_255 : vector<1x16xf32> to vector<16xf32>
    %swap3A_257 = vector.shape_cast %broadcast_in_dim3A_0 : vector<16xf32> to vector<1x16xf32>
    tpu.vector_store %arg9[%swap3A_253, %swap3A_254], %swap3A_257 {strides = array<i32>} : memref<8x128xf32, #tpu.memory_space<vmem>>, vector<1x16xf32>,
    %swap3A_258 = arith.constant 5 : i32
    %swap3A_259 = arith.index_cast %swap3A_258 : i32 to index
    %swap3A_260 = arith.constant 48 : index
    %swap3A_261 = tpu.vector_load %arg9[%swap3A_259, %swap3A_260] {strides = array<i32>} : memref<8x128xf32, #tpu.memory_space<vmem>>, vector<1x16xf32>,
    %swap3A_262 = vector.shape_cast %swap3A_261 : vector<1x16xf32> to vector<16xf32>
    %swap3A_263 = vector.shape_cast %broadcast_in_dim3A_0 : vector<16xf32> to vector<1x16xf32>
    tpu.vector_store %arg9[%swap3A_259, %swap3A_260], %swap3A_263 {strides = array<i32>} : memref<8x128xf32, #tpu.memory_space<vmem>>, vector<1x16xf32>,
    %swap3A_264 = arith.constant 5 : i32
    %swap3A_265 = arith.index_cast %swap3A_264 : i32 to index
    %swap3A_266 = arith.constant 64 : index
    %swap3A_267 = tpu.vector_load %arg9[%swap3A_265, %swap3A_266] {strides = array<i32>} : memref<8x128xf32, #tpu.memory_space<vmem>>, vector<1x16xf32>,
    %swap3A_268 = vector.shape_cast %swap3A_267 : vector<1x16xf32> to vector<16xf32>
    %swap3A_269 = vector.shape_cast %broadcast_in_dim3A_0 : vector<16xf32> to vector<1x16xf32>
    tpu.vector_store %arg9[%swap3A_265, %swap3A_266], %swap3A_269 {strides = array<i32>} : memref<8x128xf32, #tpu.memory_space<vmem>>, vector<1x16xf32>,
    %swap3A_270 = arith.constant 5 : i32
    %swap3A_271 = arith.index_cast %swap3A_270 : i32 to index
    %swap3A_272 = arith.constant 80 : index
    %swap3A_273 = tpu.vector_load %arg9[%swap3A_271, %swap3A_272] {strides = array<i32>} : memref<8x128xf32, #tpu.memory_space<vmem>>, vector<1x16xf32>,
    %swap3A_274 = vector.shape_cast %swap3A_273 : vector<1x16xf32> to vector<16xf32>
    %swap3A_275 = vector.shape_cast %broadcast_in_dim3A_0 : vector<16xf32> to vector<1x16xf32>
    tpu.vector_store %arg9[%swap3A_271, %swap3A_272], %swap3A_275 {strides = array<i32>} : memref<8x128xf32, #tpu.memory_space<vmem>>, vector<1x16xf32>,
    %swap3A_276 = arith.constant 5 : i32
    %swap3A_277 = arith.index_cast %swap3A_276 : i32 to index
    %swap3A_278 = arith.constant 96 : index
    %swap3A_279 = tpu.vector_load %arg9[%swap3A_277, %swap3A_278] {strides = array<i32>} : memref<8x128xf32, #tpu.memory_space<vmem>>, vector<1x16xf32>,
    %swap3A_280 = vector.shape_cast %swap3A_279 : vector<1x16xf32> to vector<16xf32>
    %swap3A_281 = vector.shape_cast %broadcast_in_dim3A_0 : vector<16xf32> to vector<1x16xf32>
    tpu.vector_store %arg9[%swap3A_277, %swap3A_278], %swap3A_281 {strides = array<i32>} : memref<8x128xf32, #tpu.memory_space<vmem>>, vector<1x16xf32>,
    %swap3A_282 = arith.constant 5 : i32
    %swap3A_283 = arith.index_cast %swap3A_282 : i32 to index
    %swap3A_284 = arith.constant 112 : index
    %swap3A_285 = tpu.vector_load %arg9[%swap3A_283, %swap3A_284] {strides = array<i32>} : memref<8x128xf32, #tpu.memory_space<vmem>>, vector<1x16xf32>,
    %swap3A_286 = vector.shape_cast %swap3A_285 : vector<1x16xf32> to vector<16xf32>
    %swap3A_287 = vector.shape_cast %broadcast_in_dim3A_0 : vector<16xf32> to vector<1x16xf32>
    tpu.vector_store %arg9[%swap3A_283, %swap3A_284], %swap3A_287 {strides = array<i32>} : memref<8x128xf32, #tpu.memory_space<vmem>>, vector<1x16xf32>,
    %swap3A_288 = arith.constant 6 : i32
    %swap3A_289 = arith.index_cast %swap3A_288 : i32 to index
    %swap3A_290 = arith.constant 0 : index
    %swap3A_291 = tpu.vector_load %arg9[%swap3A_289, %swap3A_290] {strides = array<i32>} : memref<8x128xf32, #tpu.memory_space<vmem>>, vector<1x16xf32>,
    %swap3A_292 = vector.shape_cast %swap3A_291 : vector<1x16xf32> to vector<16xf32>
    %swap3A_293 = vector.shape_cast %broadcast_in_dim3A_0 : vector<16xf32> to vector<1x16xf32>
    tpu.vector_store %arg9[%swap3A_289, %swap3A_290], %swap3A_293 {strides = array<i32>} : memref<8x128xf32, #tpu.memory_space<vmem>>, vector<1x16xf32>,
    %swap3A_294 = arith.constant 6 : i32
    %swap3A_295 = arith.index_cast %swap3A_294 : i32 to index
    %swap3A_296 = arith.constant 16 : index
    %swap3A_297 = tpu.vector_load %arg9[%swap3A_295, %swap3A_296] {strides = array<i32>} : memref<8x128xf32, #tpu.memory_space<vmem>>, vector<1x16xf32>,
    %swap3A_298 = vector.shape_cast %swap3A_297 : vector<1x16xf32> to vector<16xf32>
    %swap3A_299 = vector.shape_cast %broadcast_in_dim3A_0 : vector<16xf32> to vector<1x16xf32>
    tpu.vector_store %arg9[%swap3A_295, %swap3A_296], %swap3A_299 {strides = array<i32>} : memref<8x128xf32, #tpu.memory_space<vmem>>, vector<1x16xf32>,
    %swap3A_300 = arith.constant 6 : i32
    %swap3A_301 = arith.index_cast %swap3A_300 : i32 to index
    %swap3A_302 = arith.constant 32 : index
    %swap3A_303 = tpu.vector_load %arg9[%swap3A_301, %swap3A_302] {strides = array<i32>} : memref<8x128xf32, #tpu.memory_space<vmem>>, vector<1x16xf32>,
    %swap3A_304 = vector.shape_cast %swap3A_303 : vector<1x16xf32> to vector<16xf32>
    %swap3A_305 = vector.shape_cast %broadcast_in_dim3A_0 : vector<16xf32> to vector<1x16xf32>
    tpu.vector_store %arg9[%swap3A_301, %swap3A_302], %swap3A_305 {strides = array<i32>} : memref<8x128xf32, #tpu.memory_space<vmem>>, vector<1x16xf32>,
    %swap3A_306 = arith.constant 6 : i32
    %swap3A_307 = arith.index_cast %swap3A_306 : i32 to index
    %swap3A_308 = arith.constant 48 : index
    %swap3A_309 = tpu.vector_load %arg9[%swap3A_307, %swap3A_308] {strides = array<i32>} : memref<8x128xf32, #tpu.memory_space<vmem>>, vector<1x16xf32>,
    %swap3A_310 = vector.shape_cast %swap3A_309 : vector<1x16xf32> to vector<16xf32>
    %swap3A_311 = vector.shape_cast %broadcast_in_dim3A_0 : vector<16xf32> to vector<1x16xf32>
    tpu.vector_store %arg9[%swap3A_307, %swap3A_308], %swap3A_311 {strides = array<i32>} : memref<8x128xf32, #tpu.memory_space<vmem>>, vector<1x16xf32>,
    %swap3A_312 = arith.constant 6 : i32
    %swap3A_313 = arith.index_cast %swap3A_312 : i32 to index
    %swap3A_314 = arith.constant 64 : index
    %swap3A_315 = tpu.vector_load %arg9[%swap3A_313, %swap3A_314] {strides = array<i32>} : memref<8x128xf32, #tpu.memory_space<vmem>>, vector<1x16xf32>,
    %swap3A_316 = vector.shape_cast %swap3A_315 : vector<1x16xf32> to vector<16xf32>
    %swap3A_317 = vector.shape_cast %broadcast_in_dim3A_0 : vector<16xf32> to vector<1x16xf32>
    tpu.vector_store %arg9[%swap3A_313, %swap3A_314], %swap3A_317 {strides = array<i32>} : memref<8x128xf32, #tpu.memory_space<vmem>>, vector<1x16xf32>,
    %swap3A_318 = arith.constant 6 : i32
    %swap3A_319 = arith.index_cast %swap3A_318 : i32 to index
    %swap3A_320 = arith.constant 80 : index
    %swap3A_321 = tpu.vector_load %arg9[%swap3A_319, %swap3A_320] {strides = array<i32>} : memref<8x128xf32, #tpu.memory_space<vmem>>, vector<1x16xf32>,
    %swap3A_322 = vector.shape_cast %swap3A_321 : vector<1x16xf32> to vector<16xf32>
    %swap3A_323 = vector.shape_cast %broadcast_in_dim3A_0 : vector<16xf32> to vector<1x16xf32>
    tpu.vector_store %arg9[%swap3A_319, %swap3A_320], %swap3A_323 {strides = array<i32>} : memref<8x128xf32, #tpu.memory_space<vmem>>, vector<1x16xf32>,
    %swap3A_324 = arith.constant 6 : i32
    %swap3A_325 = arith.index_cast %swap3A_324 : i32 to index
    %swap3A_326 = arith.constant 96 : index
    %swap3A_327 = tpu.vector_load %arg9[%swap3A_325, %swap3A_326] {strides = array<i32>} : memref<8x128xf32, #tpu.memory_space<vmem>>, vector<1x16xf32>,
    %swap3A_328 = vector.shape_cast %swap3A_327 : vector<1x16xf32> to vector<16xf32>
    %swap3A_329 = vector.shape_cast %broadcast_in_dim3A_0 : vector<16xf32> to vector<1x16xf32>
    tpu.vector_store %arg9[%swap3A_325, %swap3A_326], %swap3A_329 {strides = array<i32>} : memref<8x128xf32, #tpu.memory_space<vmem>>, vector<1x16xf32>,
    %swap3A_330 = arith.constant 6 : i32
    %swap3A_331 = arith.index_cast %swap3A_330 : i32 to index
    %swap3A_332 = arith.constant 112 : index
    %swap3A_333 = tpu.vector_load %arg9[%swap3A_331, %swap3A_332] {strides = array<i32>} : memref<8x128xf32, #tpu.memory_space<vmem>>, vector<1x16xf32>,
    %swap3A_334 = vector.shape_cast %swap3A_333 : vector<1x16xf32> to vector<16xf32>
    %swap3A_335 = vector.shape_cast %broadcast_in_dim3A_0 : vector<16xf32> to vector<1x16xf32>
    tpu.vector_store %arg9[%swap3A_331, %swap3A_332], %swap3A_335 {strides = array<i32>} : memref<8x128xf32, #tpu.memory_space<vmem>>, vector<1x16xf32>,
    %swap3A_336 = arith.constant 7 : i32
    %swap3A_337 = arith.index_cast %swap3A_336 : i32 to index
    %swap3A_338 = arith.constant 0 : index
    %swap3A_339 = tpu.vector_load %arg9[%swap3A_337, %swap3A_338] {strides = array<i32>} : memref<8x128xf32, #tpu.memory_space<vmem>>, vector<1x16xf32>,
    %swap3A_340 = vector.shape_cast %swap3A_339 : vector<1x16xf32> to vector<16xf32>
    %swap3A_341 = vector.shape_cast %broadcast_in_dim3A_0 : vector<16xf32> to vector<1x16xf32>
    tpu.vector_store %arg9[%swap3A_337, %swap3A_338], %swap3A_341 {strides = array<i32>} : memref<8x128xf32, #tpu.memory_space<vmem>>, vector<1x16xf32>,
    %swap3A_342 = arith.constant 7 : i32
    %swap3A_343 = arith.index_cast %swap3A_342 : i32 to index
    %swap3A_344 = arith.constant 16 : index
    %swap3A_345 = tpu.vector_load %arg9[%swap3A_343, %swap3A_344] {strides = array<i32>} : memref<8x128xf32, #tpu.memory_space<vmem>>, vector<1x16xf32>,
    %swap3A_346 = vector.shape_cast %swap3A_345 : vector<1x16xf32> to vector<16xf32>
    %swap3A_347 = vector.shape_cast %broadcast_in_dim3A_0 : vector<16xf32> to vector<1x16xf32>
    tpu.vector_store %arg9[%swap3A_343, %swap3A_344], %swap3A_347 {strides = array<i32>} : memref<8x128xf32, #tpu.memory_space<vmem>>, vector<1x16xf32>,
    %swap3A_348 = arith.constant 7 : i32
    %swap3A_349 = arith.index_cast %swap3A_348 : i32 to index
    %swap3A_350 = arith.constant 32 : index
    %swap3A_351 = tpu.vector_load %arg9[%swap3A_349, %swap3A_350] {strides = array<i32>} : memref<8x128xf32, #tpu.memory_space<vmem>>, vector<1x16xf32>,
    %swap3A_352 = vector.shape_cast %swap3A_351 : vector<1x16xf32> to vector<16xf32>
    %swap3A_353 = vector.shape_cast %broadcast_in_dim3A_0 : vector<16xf32> to vector<1x16xf32>
    tpu.vector_store %arg9[%swap3A_349, %swap3A_350], %swap3A_353 {strides = array<i32>} : memref<8x128xf32, #tpu.memory_space<vmem>>, vector<1x16xf32>,
    %swap3A_354 = arith.constant 7 : i32
    %swap3A_355 = arith.index_cast %swap3A_354 : i32 to index
    %swap3A_356 = arith.constant 48 : index
    %swap3A_357 = tpu.vector_load %arg9[%swap3A_355, %swap3A_356] {strides = array<i32>} : memref<8x128xf32, #tpu.memory_space<vmem>>, vector<1x16xf32>,
    %swap3A_358 = vector.shape_cast %swap3A_357 : vector<1x16xf32> to vector<16xf32>
    %swap3A_359 = vector.shape_cast %broadcast_in_dim3A_0 : vector<16xf32> to vector<1x16xf32>
    tpu.vector_store %arg9[%swap3A_355, %swap3A_356], %swap3A_359 {strides = array<i32>} : memref<8x128xf32, #tpu.memory_space<vmem>>, vector<1x16xf32>,
    %swap3A_360 = arith.constant 7 : i32
    %swap3A_361 = arith.index_cast %swap3A_360 : i32 to index
    %swap3A_362 = arith.constant 64 : index
    %swap3A_363 = tpu.vector_load %arg9[%swap3A_361, %swap3A_362] {strides = array<i32>} : memref<8x128xf32, #tpu.memory_space<vmem>>, vector<1x16xf32>,
    %swap3A_364 = vector.shape_cast %swap3A_363 : vector<1x16xf32> to vector<16xf32>
    %swap3A_365 = vector.shape_cast %broadcast_in_dim3A_0 : vector<16xf32> to vector<1x16xf32>
    tpu.vector_store %arg9[%swap3A_361, %swap3A_362], %swap3A_365 {strides = array<i32>} : memref<8x128xf32, #tpu.memory_space<vmem>>, vector<1x16xf32>,
    %swap3A_366 = arith.constant 7 : i32
    %swap3A_367 = arith.index_cast %swap3A_366 : i32 to index
    %swap3A_368 = arith.constant 80 : index
    %swap3A_369 = tpu.vector_load %arg9[%swap3A_367, %swap3A_368] {strides = array<i32>} : memref<8x128xf32, #tpu.memory_space<vmem>>, vector<1x16xf32>,
    %swap3A_370 = vector.shape_cast %swap3A_369 : vector<1x16xf32> to vector<16xf32>
    %swap3A_371 = vector.shape_cast %broadcast_in_dim3A_0 : vector<16xf32> to vector<1x16xf32>
    tpu.vector_store %arg9[%swap3A_367, %swap3A_368], %swap3A_371 {strides = array<i32>} : memref<8x128xf32, #tpu.memory_space<vmem>>, vector<1x16xf32>,
    %swap3A_372 = arith.constant 7 : i32
    %swap3A_373 = arith.index_cast %swap3A_372 : i32 to index
    %swap3A_374 = arith.constant 96 : index
    %swap3A_375 = tpu.vector_load %arg9[%swap3A_373, %swap3A_374] {strides = array<i32>} : memref<8x128xf32, #tpu.memory_space<vmem>>, vector<1x16xf32>,
    %swap3A_376 = vector.shape_cast %swap3A_375 : vector<1x16xf32> to vector<16xf32>
    %swap3A_377 = vector.shape_cast %broadcast_in_dim3A_0 : vector<16xf32> to vector<1x16xf32>
    tpu.vector_store %arg9[%swap3A_373, %swap3A_374], %swap3A_377 {strides = array<i32>} : memref<8x128xf32, #tpu.memory_space<vmem>>, vector<1x16xf32>,
    %swap3A_378 = arith.constant 7 : i32
    %swap3A_379 = arith.index_cast %swap3A_378 : i32 to index
    %swap3A_380 = arith.constant 112 : index
    %swap3A_381 = tpu.vector_load %arg9[%swap3A_379, %swap3A_380] {strides = array<i32>} : memref<8x128xf32, #tpu.memory_space<vmem>>, vector<1x16xf32>,
    %swap3A_382 = vector.shape_cast %swap3A_381 : vector<1x16xf32> to vector<16xf32>
    %swap3A_383 = vector.shape_cast %broadcast_in_dim3A_0 : vector<16xf32> to vector<1x16xf32>
    tpu.vector_store %arg9[%swap3A_379, %swap3A_380], %swap3A_383 {strides = array<i32>} : memref<8x128xf32, #tpu.memory_space<vmem>>, vector<1x16xf32>,
    %mul3A = arith.constant 625 : i32
    %mul3A_384 = arith.muli %arg1, %mul3A : i32
    %jit3A = arith.constant 8 : i32
    %div3A = arith.divsi %mul3A_384, %jit3A : i32
    %sign3A = arith.constant 0 : i32
    %sign3A_385 = arith.cmpi sgt, %mul3A_384, %sign3A : i32
    %sign3A_386 = arith.extui %sign3A_385 : i1 to i32
    %sign3A_387 = arith.constant 0 : i32
    %sign3A_388 = arith.cmpi slt, %mul3A_384, %sign3A_387 : i32
    %sign3A_389 = arith.extui %sign3A_388 : i1 to i32
    %sign3A_390 = arith.subi %sign3A_386, %sign3A_389 : i32
    %sign3A_391 = arith.constant 0 : i32
    %sign3A_392 = arith.cmpi sgt, %jit3A, %sign3A_391 : i32
    %sign3A_393 = arith.extui %sign3A_392 : i1 to i32
    %sign3A_394 = arith.constant 0 : i32
    %sign3A_395 = arith.cmpi slt, %jit3A, %sign3A_394 : i32
    %sign3A_396 = arith.extui %sign3A_395 : i1 to i32
    %sign3A_397 = arith.subi %sign3A_393, %sign3A_396 : i32
    %ne3A = arith.cmpi ne, %sign3A_390, %sign3A_397 : i32
    %rem3A = arith.remsi %mul3A_384, %jit3A : i32
    %ne3A_398 = arith.constant 0 : i32
    %ne3A_399 = arith.cmpi ne, %rem3A, %ne3A_398 : i32
    %and3A = arith.andi %ne3A, %ne3A_399 : i1
    %sub3A = arith.constant 1 : i32
    %sub3A_400 = arith.subi %div3A, %sub3A : i32
    %select_n3A = arith.select %and3A, %sub3A_400, %div3A : i32
    %mul3A_401 = arith.constant 8 : i32
    %mul3A_402 = arith.muli %select_n3A, %mul3A_401 : i32
    %scan3A = arith.constant 0 : i32
    %scan3A_403 = arith.constant 0 : i32
    %scan3A_404 = arith.constant 79 : i32
    %scan3A_405 = arith.addi %scan3A_403, %scan3A_404 : i32
    %scan3A_406 = arith.constant 1 : i32
    scf.for %scan3A_653 = %scan3A_403 to %scan3A_405 step %scan3A_406  : i32 {
      %mul3A_654 = arith.constant 8 : i32
      %mul3A_655 = arith.muli %scan3A_653, %mul3A_654 : i32
      %add3A_656 = arith.addi %mul3A_402, %mul3A_655 : i32
      "tpu.region"() ({
        %run_scoped3A = tpu.sem_alloc : memref<!tpu.dma_semaphore, #tpu.memory_space<semaphore_mem>>
        %dma_start3A_657 = arith.constant 0 : i32
        %dma_start3A_658 = tpu.memref_slice %arg10[%add3A_656, %dma_start3A_657] : memref<10000x128xf32, #tpu.memory_space<vmem_shared>> -> memref<8x128xf32, #tpu.memory_space<vmem_shared>>
        %dma_start3A_659 = arith.constant 0 : i32
        %dma_start3A_660 = tpu.memref_slice %arg10[%add3A_656, %dma_start3A_659] : memref<10000x128xf32, #tpu.memory_space<vmem_shared>> -> memref<8x128xf32, #tpu.memory_space<vmem_shared>>
        tpu.enqueue_dma source(%arg9 : memref<8x128xf32, #tpu.memory_space<vmem>>) target(%dma_start3A_660 : memref<8x128xf32, #tpu.memory_space<vmem_shared>>) target_semaphore(%run_scoped3A : memref<!tpu.dma_semaphore, #tpu.memory_space<semaphore_mem>>)
        %dma_wait3A_661 = arith.constant 0 : i32
        %dma_wait3A_662 = tpu.memref_slice %arg10[%add3A_656, %dma_wait3A_661] : memref<10000x128xf32, #tpu.memory_space<vmem_shared>> -> memref<8x128xf32, #tpu.memory_space<vmem_shared>>
        %dma_wait3A_663 = arith.constant 0 : i32
        %dma_wait3A_664 = tpu.memref_slice %arg10[%add3A_656, %dma_wait3A_663] : memref<10000x128xf32, #tpu.memory_space<vmem_shared>> -> memref<8x128xf32, #tpu.memory_space<vmem_shared>>
        tpu.wait_dma2 semaphore(%run_scoped3A : memref<!tpu.dma_semaphore, #tpu.memory_space<semaphore_mem>>) src(%arg9 : memref<8x128xf32, #tpu.memory_space<vmem>>) dst(%dma_wait3A_664 : memref<8x128xf32, #tpu.memory_space<vmem_shared>>)
        tpu.yield
      }) : () -> ()
    }
    %scan3A_407 = arith.constant 79 : i32
    %barrier3A = arith.constant 0 : index
    tpu.barrier barrier_id(%barrier3A)
    %mul3A_408 = arith.constant 16 : i32
    %mul3A_409 = arith.muli %arg0, %mul3A_408 : i32
    %add3A = arith.addi %mul3A_409, %arg1 : i32
    %mul3A_410 = arith.constant 10000 : i32
    %mul3A_411 = arith.muli %add3A, %mul3A_410 : i32
    %mul3A_412 = arith.constant 16 : i32
    %mul3A_413 = arith.muli %arg0, %mul3A_412 : i32
    %add3A_414 = arith.addi %mul3A_413, %arg1 : i32
    %mul3A_415 = arith.constant 10000 : i32
    %mul3A_416 = arith.muli %add3A_414, %mul3A_415 : i32
    %add3A_417 = arith.constant 0 : i32
    %add3A_418 = arith.addi %mul3A_411, %add3A_417 : i32
    %dma_start3A = arith.constant 0 : i32
    %dma_start3A_419 = arith.constant 0 : i32
    %dma_start3A_420 = tpu.memref_slice %arg6[%dma_start3A, %dma_start3A_419] : memref<6x80xi32, #tpu.memory_space<vmem>> -> memref<1x80xi32, #tpu.memory_space<vmem>>
    %dma_start3A_421 = tpu.memref_squeeze %dma_start3A_420 : memref<1x80xi32, #tpu.memory_space<vmem>> -> memref<80xi32, #tpu.memory_space<vmem>>
    %dma_start3A_422 = tpu.memref_slice %arg3[%add3A_418] : memref<320000xi32, #tpu.memory_space<hbm>> -> memref<80xi32, #tpu.memory_space<hbm>>
    %dma_start3A_423 = arith.constant 0 : i32
    %dma_start3A_424 = tpu.memref_slice %arg6[%dma_start3A, %dma_start3A_423] : memref<6x80xi32, #tpu.memory_space<vmem>> -> memref<1x80xi32, #tpu.memory_space<vmem>>
    %dma_start3A_425 = tpu.memref_squeeze %dma_start3A_424 : memref<1x80xi32, #tpu.memory_space<vmem>> -> memref<80xi32, #tpu.memory_space<vmem>>
    %dma_start3A_426 = tpu.memref_slice %arg3[%add3A_418] : memref<320000xi32, #tpu.memory_space<hbm>> -> memref<80xi32, #tpu.memory_space<hbm>>
    tpu.enqueue_dma source(%dma_start3A_426 : memref<80xi32, #tpu.memory_space<hbm>>) target(%dma_start3A_425 : memref<80xi32, #tpu.memory_space<vmem>>) target_semaphore(%arg11 : memref<!tpu.dma_semaphore, #tpu.memory_space<semaphore_mem>>)
    %add3A_427 = arith.constant 0 : i32
    %add3A_428 = arith.addi %mul3A_416, %add3A_427 : i32
    %dma_start3A_429 = arith.constant 0 : i32
    %dma_start3A_430 = arith.constant 0 : i32
    %dma_start3A_431 = tpu.memref_slice %arg7[%dma_start3A_429, %dma_start3A_430] : memref<6x80xi32, #tpu.memory_space<vmem>> -> memref<1x80xi32, #tpu.memory_space<vmem>>
    %dma_start3A_432 = tpu.memref_squeeze %dma_start3A_431 : memref<1x80xi32, #tpu.memory_space<vmem>> -> memref<80xi32, #tpu.memory_space<vmem>>
    %dma_start3A_433 = tpu.memref_slice %arg4[%add3A_428] : memref<320000xi32, #tpu.memory_space<hbm>> -> memref<80xi32, #tpu.memory_space<hbm>>
    %dma_start3A_434 = arith.constant 0 : i32
    %dma_start3A_435 = tpu.memref_slice %arg7[%dma_start3A_429, %dma_start3A_434] : memref<6x80xi32, #tpu.memory_space<vmem>> -> memref<1x80xi32, #tpu.memory_space<vmem>>
    %dma_start3A_436 = tpu.memref_squeeze %dma_start3A_435 : memref<1x80xi32, #tpu.memory_space<vmem>> -> memref<80xi32, #tpu.memory_space<vmem>>
    %dma_start3A_437 = tpu.memref_slice %arg4[%add3A_428] : memref<320000xi32, #tpu.memory_space<hbm>> -> memref<80xi32, #tpu.memory_space<hbm>>
    tpu.enqueue_dma source(%dma_start3A_437 : memref<80xi32, #tpu.memory_space<hbm>>) target(%dma_start3A_436 : memref<80xi32, #tpu.memory_space<vmem>>) target_semaphore(%arg11 : memref<!tpu.dma_semaphore, #tpu.memory_space<semaphore_mem>>)
    %add3A_438 = arith.constant 80 : i32
    %add3A_439 = arith.addi %mul3A_411, %add3A_438 : i32
    %dma_start3A_440 = arith.constant 1 : i32
    %dma_start3A_441 = arith.constant 0 : i32
    %dma_start3A_442 = tpu.memref_slice %arg6[%dma_start3A_440, %dma_start3A_441] : memref<6x80xi32, #tpu.memory_space<vmem>> -> memref<1x80xi32, #tpu.memory_space<vmem>>
    %dma_start3A_443 = tpu.memref_squeeze %dma_start3A_442 : memref<1x80xi32, #tpu.memory_space<vmem>> -> memref<80xi32, #tpu.memory_space<vmem>>
    %dma_start3A_444 = tpu.memref_slice %arg3[%add3A_439] : memref<320000xi32, #tpu.memory_space<hbm>> -> memref<80xi32, #tpu.memory_space<hbm>>
    %dma_start3A_445 = arith.constant 0 : i32
    %dma_start3A_446 = tpu.memref_slice %arg6[%dma_start3A_440, %dma_start3A_445] : memref<6x80xi32, #tpu.memory_space<vmem>> -> memref<1x80xi32, #tpu.memory_space<vmem>>
    %dma_start3A_447 = tpu.memref_squeeze %dma_start3A_446 : memref<1x80xi32, #tpu.memory_space<vmem>> -> memref<80xi32, #tpu.memory_space<vmem>>
    %dma_start3A_448 = tpu.memref_slice %arg3[%add3A_439] : memref<320000xi32, #tpu.memory_space<hbm>> -> memref<80xi32, #tpu.memory_space<hbm>>
    tpu.enqueue_dma source(%dma_start3A_448 : memref<80xi32, #tpu.memory_space<hbm>>) target(%dma_start3A_447 : memref<80xi32, #tpu.memory_space<vmem>>) target_semaphore(%arg11 : memref<!tpu.dma_semaphore, #tpu.memory_space<semaphore_mem>>)
    %add3A_449 = arith.constant 80 : i32
    %add3A_450 = arith.addi %mul3A_416, %add3A_449 : i32
    %dma_start3A_451 = arith.constant 1 : i32
    %dma_start3A_452 = arith.constant 0 : i32
    %dma_start3A_453 = tpu.memref_slice %arg7[%dma_start3A_451, %dma_start3A_452] : memref<6x80xi32, #tpu.memory_space<vmem>> -> memref<1x80xi32, #tpu.memory_space<vmem>>
    %dma_start3A_454 = tpu.memref_squeeze %dma_start3A_453 : memref<1x80xi32, #tpu.memory_space<vmem>> -> memref<80xi32, #tpu.memory_space<vmem>>
    %dma_start3A_455 = tpu.memref_slice %arg4[%add3A_450] : memref<320000xi32, #tpu.memory_space<hbm>> -> memref<80xi32, #tpu.memory_space<hbm>>
    %dma_start3A_456 = arith.constant 0 : i32
    %dma_start3A_457 = tpu.memref_slice %arg7[%dma_start3A_451, %dma_start3A_456] : memref<6x80xi32, #tpu.memory_space<vmem>> -> memref<1x80xi32, #tpu.memory_space<vmem>>
    %dma_start3A_458 = tpu.memref_squeeze %dma_start3A_457 : memref<1x80xi32, #tpu.memory_space<vmem>> -> memref<80xi32, #tpu.memory_space<vmem>>
    %dma_start3A_459 = tpu.memref_slice %arg4[%add3A_450] : memref<320000xi32, #tpu.memory_space<hbm>> -> memref<80xi32, #tpu.memory_space<hbm>>
    tpu.enqueue_dma source(%dma_start3A_459 : memref<80xi32, #tpu.memory_space<hbm>>) target(%dma_start3A_458 : memref<80xi32, #tpu.memory_space<vmem>>) target_semaphore(%arg11 : memref<!tpu.dma_semaphore, #tpu.memory_space<semaphore_mem>>)
    %add3A_460 = arith.constant 160 : i32
    %add3A_461 = arith.addi %mul3A_411, %add3A_460 : i32
    %dma_start3A_462 = arith.constant 2 : i32
    %dma_start3A_463 = arith.constant 0 : i32
    %dma_start3A_464 = tpu.memref_slice %arg6[%dma_start3A_462, %dma_start3A_463] : memref<6x80xi32, #tpu.memory_space<vmem>> -> memref<1x80xi32, #tpu.memory_space<vmem>>
    %dma_start3A_465 = tpu.memref_squeeze %dma_start3A_464 : memref<1x80xi32, #tpu.memory_space<vmem>> -> memref<80xi32, #tpu.memory_space<vmem>>
    %dma_start3A_466 = tpu.memref_slice %arg3[%add3A_461] : memref<320000xi32, #tpu.memory_space<hbm>> -> memref<80xi32, #tpu.memory_space<hbm>>
    %dma_start3A_467 = arith.constant 0 : i32
    %dma_start3A_468 = tpu.memref_slice %arg6[%dma_start3A_462, %dma_start3A_467] : memref<6x80xi32, #tpu.memory_space<vmem>> -> memref<1x80xi32, #tpu.memory_space<vmem>>
    %dma_start3A_469 = tpu.memref_squeeze %dma_start3A_468 : memref<1x80xi32, #tpu.memory_space<vmem>> -> memref<80xi32, #tpu.memory_space<vmem>>
    %dma_start3A_470 = tpu.memref_slice %arg3[%add3A_461] : memref<320000xi32, #tpu.memory_space<hbm>> -> memref<80xi32, #tpu.memory_space<hbm>>
    tpu.enqueue_dma source(%dma_start3A_470 : memref<80xi32, #tpu.memory_space<hbm>>) target(%dma_start3A_469 : memref<80xi32, #tpu.memory_space<vmem>>) target_semaphore(%arg11 : memref<!tpu.dma_semaphore, #tpu.memory_space<semaphore_mem>>)
    %add3A_471 = arith.constant 160 : i32
    %add3A_472 = arith.addi %mul3A_416, %add3A_471 : i32
    %dma_start3A_473 = arith.constant 2 : i32
    %dma_start3A_474 = arith.constant 0 : i32
    %dma_start3A_475 = tpu.memref_slice %arg7[%dma_start3A_473, %dma_start3A_474] : memref<6x80xi32, #tpu.memory_space<vmem>> -> memref<1x80xi32, #tpu.memory_space<vmem>>
    %dma_start3A_476 = tpu.memref_squeeze %dma_start3A_475 : memref<1x80xi32, #tpu.memory_space<vmem>> -> memref<80xi32, #tpu.memory_space<vmem>>
    %dma_start3A_477 = tpu.memref_slice %arg4[%add3A_472] : memref<320000xi32, #tpu.memory_space<hbm>> -> memref<80xi32, #tpu.memory_space<hbm>>
    %dma_start3A_478 = arith.constant 0 : i32
    %dma_start3A_479 = tpu.memref_slice %arg7[%dma_start3A_473, %dma_start3A_478] : memref<6x80xi32, #tpu.memory_space<vmem>> -> memref<1x80xi32, #tpu.memory_space<vmem>>
    %dma_start3A_480 = tpu.memref_squeeze %dma_start3A_479 : memref<1x80xi32, #tpu.memory_space<vmem>> -> memref<80xi32, #tpu.memory_space<vmem>>
    %dma_start3A_481 = tpu.memref_slice %arg4[%add3A_472] : memref<320000xi32, #tpu.memory_space<hbm>> -> memref<80xi32, #tpu.memory_space<hbm>>
    tpu.enqueue_dma source(%dma_start3A_481 : memref<80xi32, #tpu.memory_space<hbm>>) target(%dma_start3A_480 : memref<80xi32, #tpu.memory_space<vmem>>) target_semaphore(%arg11 : memref<!tpu.dma_semaphore, #tpu.memory_space<semaphore_mem>>)
    %add3A_482 = arith.constant 240 : i32
    %add3A_483 = arith.addi %mul3A_411, %add3A_482 : i32
    %dma_start3A_484 = arith.constant 3 : i32
    %dma_start3A_485 = arith.constant 0 : i32
    %dma_start3A_486 = tpu.memref_slice %arg6[%dma_start3A_484, %dma_start3A_485] : memref<6x80xi32, #tpu.memory_space<vmem>> -> memref<1x80xi32, #tpu.memory_space<vmem>>
    %dma_start3A_487 = tpu.memref_squeeze %dma_start3A_486 : memref<1x80xi32, #tpu.memory_space<vmem>> -> memref<80xi32, #tpu.memory_space<vmem>>
    %dma_start3A_488 = tpu.memref_slice %arg3[%add3A_483] : memref<320000xi32, #tpu.memory_space<hbm>> -> memref<80xi32, #tpu.memory_space<hbm>>
    %dma_start3A_489 = arith.constant 0 : i32
    %dma_start3A_490 = tpu.memref_slice %arg6[%dma_start3A_484, %dma_start3A_489] : memref<6x80xi32, #tpu.memory_space<vmem>> -> memref<1x80xi32, #tpu.memory_space<vmem>>
    %dma_start3A_491 = tpu.memref_squeeze %dma_start3A_490 : memref<1x80xi32, #tpu.memory_space<vmem>> -> memref<80xi32, #tpu.memory_space<vmem>>
    %dma_start3A_492 = tpu.memref_slice %arg3[%add3A_483] : memref<320000xi32, #tpu.memory_space<hbm>> -> memref<80xi32, #tpu.memory_space<hbm>>
    tpu.enqueue_dma source(%dma_start3A_492 : memref<80xi32, #tpu.memory_space<hbm>>) target(%dma_start3A_491 : memref<80xi32, #tpu.memory_space<vmem>>) target_semaphore(%arg11 : memref<!tpu.dma_semaphore, #tpu.memory_space<semaphore_mem>>)
    %add3A_493 = arith.constant 240 : i32
    %add3A_494 = arith.addi %mul3A_416, %add3A_493 : i32
    %dma_start3A_495 = arith.constant 3 : i32
    %dma_start3A_496 = arith.constant 0 : i32
    %dma_start3A_497 = tpu.memref_slice %arg7[%dma_start3A_495, %dma_start3A_496] : memref<6x80xi32, #tpu.memory_space<vmem>> -> memref<1x80xi32, #tpu.memory_space<vmem>>
    %dma_start3A_498 = tpu.memref_squeeze %dma_start3A_497 : memref<1x80xi32, #tpu.memory_space<vmem>> -> memref<80xi32, #tpu.memory_space<vmem>>
    %dma_start3A_499 = tpu.memref_slice %arg4[%add3A_494] : memref<320000xi32, #tpu.memory_space<hbm>> -> memref<80xi32, #tpu.memory_space<hbm>>
    %dma_start3A_500 = arith.constant 0 : i32
    %dma_start3A_501 = tpu.memref_slice %arg7[%dma_start3A_495, %dma_start3A_500] : memref<6x80xi32, #tpu.memory_space<vmem>> -> memref<1x80xi32, #tpu.memory_space<vmem>>
    %dma_start3A_502 = tpu.memref_squeeze %dma_start3A_501 : memref<1x80xi32, #tpu.memory_space<vmem>> -> memref<80xi32, #tpu.memory_space<vmem>>
    %dma_start3A_503 = tpu.memref_slice %arg4[%add3A_494] : memref<320000xi32, #tpu.memory_space<hbm>> -> memref<80xi32, #tpu.memory_space<hbm>>
    tpu.enqueue_dma source(%dma_start3A_503 : memref<80xi32, #tpu.memory_space<hbm>>) target(%dma_start3A_502 : memref<80xi32, #tpu.memory_space<vmem>>) target_semaphore(%arg11 : memref<!tpu.dma_semaphore, #tpu.memory_space<semaphore_mem>>)
    %dma_wait3A = arith.constant 0 : i32
    %dma_wait3A_504 = arith.constant 0 : i32
    %dma_wait3A_505 = tpu.memref_slice %arg6[%dma_wait3A, %dma_wait3A_504] : memref<6x80xi32, #tpu.memory_space<vmem>> -> memref<1x80xi32, #tpu.memory_space<vmem>>
    %dma_wait3A_506 = tpu.memref_squeeze %dma_wait3A_505 : memref<1x80xi32, #tpu.memory_space<vmem>> -> memref<80xi32, #tpu.memory_space<vmem>>
    %dma_wait3A_507 = arith.constant 0 : i32
    %dma_wait3A_508 = tpu.memref_slice %arg3[%dma_wait3A_507] : memref<320000xi32, #tpu.memory_space<hbm>> -> memref<80xi32, #tpu.memory_space<hbm>>
    %dma_wait3A_509 = arith.constant 0 : i32
    %dma_wait3A_510 = tpu.memref_slice %arg6[%dma_wait3A, %dma_wait3A_509] : memref<6x80xi32, #tpu.memory_space<vmem>> -> memref<1x80xi32, #tpu.memory_space<vmem>>
    %dma_wait3A_511 = tpu.memref_squeeze %dma_wait3A_510 : memref<1x80xi32, #tpu.memory_space<vmem>> -> memref<80xi32, #tpu.memory_space<vmem>>
    %dma_wait3A_512 = arith.constant 0 : i32
    %dma_wait3A_513 = tpu.memref_slice %arg3[%dma_wait3A_512] : memref<320000xi32, #tpu.memory_space<hbm>> -> memref<80xi32, #tpu.memory_space<hbm>>
    tpu.wait_dma2 semaphore(%arg11 : memref<!tpu.dma_semaphore, #tpu.memory_space<semaphore_mem>>) src(%dma_wait3A_513 : memref<80xi32, #tpu.memory_space<hbm>>) dst(%dma_wait3A_511 : memref<80xi32, #tpu.memory_space<vmem>>)
    %dma_wait3A_514 = arith.constant 0 : i32
    %dma_wait3A_515 = arith.constant 0 : i32
    %dma_wait3A_516 = tpu.memref_slice %arg7[%dma_wait3A_514, %dma_wait3A_515] : memref<6x80xi32, #tpu.memory_space<vmem>> -> memref<1x80xi32, #tpu.memory_space<vmem>>
    %dma_wait3A_517 = tpu.memref_squeeze %dma_wait3A_516 : memref<1x80xi32, #tpu.memory_space<vmem>> -> memref<80xi32, #tpu.memory_space<vmem>>
    %dma_wait3A_518 = arith.constant 0 : i32
    %dma_wait3A_519 = tpu.memref_slice %arg4[%dma_wait3A_518] : memref<320000xi32, #tpu.memory_space<hbm>> -> memref<80xi32, #tpu.memory_space<hbm>>
    %dma_wait3A_520 = arith.constant 0 : i32
    %dma_wait3A_521 = tpu.memref_slice %arg7[%dma_wait3A_514, %dma_wait3A_520] : memref<6x80xi32, #tpu.memory_space<vmem>> -> memref<1x80xi32, #tpu.memory_space<vmem>>
    %dma_wait3A_522 = tpu.memref_squeeze %dma_wait3A_521 : memref<1x80xi32, #tpu.memory_space<vmem>> -> memref<80xi32, #tpu.memory_space<vmem>>
    %dma_wait3A_523 = arith.constant 0 : i32
    %dma_wait3A_524 = tpu.memref_slice %arg4[%dma_wait3A_523] : memref<320000xi32, #tpu.memory_space<hbm>> -> memref<80xi32, #tpu.memory_space<hbm>>
    tpu.wait_dma2 semaphore(%arg11 : memref<!tpu.dma_semaphore, #tpu.memory_space<semaphore_mem>>) src(%dma_wait3A_524 : memref<80xi32, #tpu.memory_space<hbm>>) dst(%dma_wait3A_522 : memref<80xi32, #tpu.memory_space<vmem>>)
    %dma_start3A_525 = arith.constant 0 : i32
    %dma_start3A_526 = arith.constant 0 : i32
    %dma_start3A_527 = arith.constant 0 : i32
    %dma_start3A_528 = arith.constant 0 : i32
    %dma_start3A_529 = tpu.memref_slice %arg8[%dma_start3A_526, %dma_start3A_527, %dma_start3A_528] : memref<4x80x128xf32, #tpu.memory_space<vmem>> -> memref<1x80x128xf32, #tpu.memory_space<vmem>>
    %dma_start3A_530 = tpu.memref_squeeze %dma_start3A_529 : memref<1x80x128xf32, #tpu.memory_space<vmem>> -> memref<80x128xf32, #tpu.memory_space<vmem>>
    %dma_start3A_531 = arith.constant 0 : i32
    %dma_start3A_532 = tpu.memref_slice %arg6[%dma_start3A_525, %dma_start3A_531] : memref<6x80xi32, #tpu.memory_space<vmem>> -> memref<1x80xi32, #tpu.memory_space<vmem>>
    %dma_start3A_533 = tpu.memref_squeeze %dma_start3A_532 : memref<1x80xi32, #tpu.memory_space<vmem>> -> memref<80xi32, #tpu.memory_space<vmem>>
    %dma_start3A_534 = arith.constant 0 : i32
    %dma_start3A_535 = arith.constant 0 : i32
    %dma_start3A_536 = tpu.memref_slice %arg2[%dma_start3A_534, %dma_start3A_535] : memref<10000x128xf32, #tpu.memory_space<hbm>> -> memref<10000x128xf32, #tpu.memory_space<hbm>>
    tpu.enqueue_indirect_dma source(%dma_start3A_536 : memref<10000x128xf32, #tpu.memory_space<hbm>>) target(%dma_start3A_530 : memref<80x128xf32, #tpu.memory_space<vmem>>) offsets(%dma_start3A_533 : memref<80xi32, #tpu.memory_space<vmem>>) semaphore(%arg12 : memref<!tpu.dma_semaphore, #tpu.memory_space<semaphore_mem>>)
    %dma_wait3A_537 = arith.constant 1 : i32
    %dma_wait3A_538 = arith.constant 0 : i32
    %dma_wait3A_539 = tpu.memref_slice %arg6[%dma_wait3A_537, %dma_wait3A_538] : memref<6x80xi32, #tpu.memory_space<vmem>> -> memref<1x80xi32, #tpu.memory_space<vmem>>
    %dma_wait3A_540 = tpu.memref_squeeze %dma_wait3A_539 : memref<1x80xi32, #tpu.memory_space<vmem>> -> memref<80xi32, #tpu.memory_space<vmem>>
    %dma_wait3A_541 = arith.constant 0 : i32
    %dma_wait3A_542 = tpu.memref_slice %arg3[%dma_wait3A_541] : memref<320000xi32, #tpu.memory_space<hbm>> -> memref<80xi32, #tpu.memory_space<hbm>>
    %dma_wait3A_543 = arith.constant 0 : i32
    %dma_wait3A_544 = tpu.memref_slice %arg6[%dma_wait3A_537, %dma_wait3A_543] : memref<6x80xi32, #tpu.memory_space<vmem>> -> memref<1x80xi32, #tpu.memory_space<vmem>>
    %dma_wait3A_545 = tpu.memref_squeeze %dma_wait3A_544 : memref<1x80xi32, #tpu.memory_space<vmem>> -> memref<80xi32, #tpu.memory_space<vmem>>
    %dma_wait3A_546 = arith.constant 0 : i32
    %dma_wait3A_547 = tpu.memref_slice %arg3[%dma_wait3A_546] : memref<320000xi32, #tpu.memory_space<hbm>> -> memref<80xi32, #tpu.memory_space<hbm>>
    tpu.wait_dma2 semaphore(%arg11 : memref<!tpu.dma_semaphore, #tpu.memory_space<semaphore_mem>>) src(%dma_wait3A_547 : memref<80xi32, #tpu.memory_space<hbm>>) dst(%dma_wait3A_545 : memref<80xi32, #tpu.memory_space<vmem>>)
    %dma_wait3A_548 = arith.constant 1 : i32
    %dma_wait3A_549 = arith.constant 0 : i32
    %dma_wait3A_550 = tpu.memref_slice %arg7[%dma_wait3A_548, %dma_wait3A_549] : memref<6x80xi32, #tpu.memory_space<vmem>> -> memref<1x80xi32, #tpu.memory_space<vmem>>
    %dma_wait3A_551 = tpu.memref_squeeze %dma_wait3A_550 : memref<1x80xi32, #tpu.memory_space<vmem>> -> memref<80xi32, #tpu.memory_space<vmem>>
    %dma_wait3A_552 = arith.constant 0 : i32
    %dma_wait3A_553 = tpu.memref_slice %arg4[%dma_wait3A_552] : memref<320000xi32, #tpu.memory_space<hbm>> -> memref<80xi32, #tpu.memory_space<hbm>>
    %dma_wait3A_554 = arith.constant 0 : i32
    %dma_wait3A_555 = tpu.memref_slice %arg7[%dma_wait3A_548, %dma_wait3A_554] : memref<6x80xi32, #tpu.memory_space<vmem>> -> memref<1x80xi32, #tpu.memory_space<vmem>>
    %dma_wait3A_556 = tpu.memref_squeeze %dma_wait3A_555 : memref<1x80xi32, #tpu.memory_space<vmem>> -> memref<80xi32, #tpu.memory_space<vmem>>
    %dma_wait3A_557 = arith.constant 0 : i32
    %dma_wait3A_558 = tpu.memref_slice %arg4[%dma_wait3A_557] : memref<320000xi32, #tpu.memory_space<hbm>> -> memref<80xi32, #tpu.memory_space<hbm>>
    tpu.wait_dma2 semaphore(%arg11 : memref<!tpu.dma_semaphore, #tpu.memory_space<semaphore_mem>>) src(%dma_wait3A_558 : memref<80xi32, #tpu.memory_space<hbm>>) dst(%dma_wait3A_556 : memref<80xi32, #tpu.memory_space<vmem>>)
    %dma_start3A_559 = arith.constant 1 : i32
    %dma_start3A_560 = arith.constant 1 : i32
    %dma_start3A_561 = arith.constant 0 : i32
    %dma_start3A_562 = arith.constant 0 : i32
    %dma_start3A_563 = tpu.memref_slice %arg8[%dma_start3A_560, %dma_start3A_561, %dma_start3A_562] : memref<4x80x128xf32, #tpu.memory_space<vmem>> -> memref<1x80x128xf32, #tpu.memory_space<vmem>>
    %dma_start3A_564 = tpu.memref_squeeze %dma_start3A_563 : memref<1x80x128xf32, #tpu.memory_space<vmem>> -> memref<80x128xf32, #tpu.memory_space<vmem>>
    %dma_start3A_565 = arith.constant 0 : i32
    %dma_start3A_566 = tpu.memref_slice %arg6[%dma_start3A_559, %dma_start3A_565] : memref<6x80xi32, #tpu.memory_space<vmem>> -> memref<1x80xi32, #tpu.memory_space<vmem>>
    %dma_start3A_567 = tpu.memref_squeeze %dma_start3A_566 : memref<1x80xi32, #tpu.memory_space<vmem>> -> memref<80xi32, #tpu.memory_space<vmem>>
    %dma_start3A_568 = arith.constant 0 : i32
    %dma_start3A_569 = arith.constant 0 : i32
    %dma_start3A_570 = tpu.memref_slice %arg2[%dma_start3A_568, %dma_start3A_569] : memref<10000x128xf32, #tpu.memory_space<hbm>> -> memref<10000x128xf32, #tpu.memory_space<hbm>>
    tpu.enqueue_indirect_dma source(%dma_start3A_570 : memref<10000x128xf32, #tpu.memory_space<hbm>>) target(%dma_start3A_564 : memref<80x128xf32, #tpu.memory_space<vmem>>) offsets(%dma_start3A_567 : memref<80xi32, #tpu.memory_space<vmem>>) semaphore(%arg12 : memref<!tpu.dma_semaphore, #tpu.memory_space<semaphore_mem>>)
    %scan3A_571 = arith.constant 0 : i32
    %scan3A_572 = arith.constant 0 : i32
    %scan3A_573 = arith.constant 62 : i32
    %scan3A_574 = arith.addi %scan3A_572, %scan3A_573 : i32
    %scan3A_575 = arith.constant 1 : i32
    scf.for %scan3A_653 = %scan3A_572 to %scan3A_574 step %scan3A_575  : i32 {
      %mul3A_654 = arith.constant 2 : i32
      %mul3A_655 = arith.muli %mul3A_654, %scan3A_653 : i32
      %jit3A_656 = arith.constant 2 : i32
      %eq3A = arith.constant 0 : i32
      %eq3A_657 = arith.cmpi eq, %jit3A_656, %eq3A : i32
      %jit3A_658 = arith.constant 1 : i32
      %select_n3A_659 = arith.select %eq3A_657, %jit3A_658, %jit3A_656 : i32
      %rem3A_660 = arith.remsi %scan3A_653, %select_n3A_659 : i32
      %ne3A_661 = arith.constant 0 : i32
      %ne3A_662 = arith.cmpi ne, %rem3A_660, %ne3A_661 : i32
      %lt3A = arith.constant 0 : i32
      %lt3A_663 = arith.cmpi slt, %rem3A_660, %lt3A : i32
      %lt3A_664 = arith.constant 0 : i32
      %lt3A_665 = arith.cmpi slt, %select_n3A_659, %lt3A_664 : i32
      %ne3A_666 = arith.xori %lt3A_663, %lt3A_665 : i1
      %and3A_667 = arith.andi %ne3A_666, %ne3A_662 : i1
      %add3A_668 = arith.addi %rem3A_660, %select_n3A_659 : i32
      %select_n3A_669 = arith.select %and3A_667, %add3A_668, %rem3A_660 : i32
      %mul3A_670 = arith.constant 2 : i32
      %mul3A_671 = arith.muli %mul3A_670, %select_n3A_669 : i32
      %sub3A_672 = arith.constant 2 : i32
      %sub3A_673 = arith.subi %sub3A_672, %mul3A_671 : i32
      %jit3A_674 = arith.constant 3 : i32
      %eq3A_675 = arith.constant 0 : i32
      %eq3A_676 = arith.cmpi eq, %jit3A_674, %eq3A_675 : i32
      %jit3A_677 = arith.constant 1 : i32
      %select_n3A_678 = arith.select %eq3A_676, %jit3A_677, %jit3A_674 : i32
      %rem3A_679 = arith.remsi %scan3A_653, %select_n3A_678 : i32
      %ne3A_680 = arith.constant 0 : i32
      %ne3A_681 = arith.cmpi ne, %rem3A_679, %ne3A_680 : i32
      %lt3A_682 = arith.constant 0 : i32
      %lt3A_683 = arith.cmpi slt, %rem3A_679, %lt3A_682 : i32
      %lt3A_684 = arith.constant 0 : i32
      %lt3A_685 = arith.cmpi slt, %select_n3A_678, %lt3A_684 : i32
      %ne3A_686 = arith.xori %lt3A_683, %lt3A_685 : i1
      %and3A_687 = arith.andi %ne3A_686, %ne3A_681 : i1
      %add3A_688 = arith.addi %rem3A_679, %select_n3A_678 : i32
      %select_n3A_689 = arith.select %and3A_687, %add3A_688, %rem3A_679 : i32
      %mul3A_690 = arith.constant 2 : i32
      %mul3A_691 = arith.muli %mul3A_690, %select_n3A_689 : i32
      %add3A_692 = arith.constant 1 : i32
      %add3A_693 = arith.addi %scan3A_653, %add3A_692 : i32
      %jit3A_694 = arith.constant 3 : i32
      %eq3A_695 = arith.constant 0 : i32
      %eq3A_696 = arith.cmpi eq, %jit3A_694, %eq3A_695 : i32
      %jit3A_697 = arith.constant 1 : i32
      %select_n3A_698 = arith.select %eq3A_696, %jit3A_697, %jit3A_694 : i32
      %rem3A_699 = arith.remsi %add3A_693, %select_n3A_698 : i32
      %ne3A_700 = arith.constant 0 : i32
      %ne3A_701 = arith.cmpi ne, %rem3A_699, %ne3A_700 : i32
      %lt3A_702 = arith.constant 0 : i32
      %lt3A_703 = arith.cmpi slt, %rem3A_699, %lt3A_702 : i32
      %lt3A_704 = arith.constant 0 : i32
      %lt3A_705 = arith.cmpi slt, %select_n3A_698, %lt3A_704 : i32
      %ne3A_706 = arith.xori %lt3A_703, %lt3A_705 : i1
      %and3A_707 = arith.andi %ne3A_706, %ne3A_701 : i1
      %add3A_708 = arith.addi %rem3A_699, %select_n3A_698 : i32
      %select_n3A_709 = arith.select %and3A_707, %add3A_708, %rem3A_699 : i32
      %mul3A_710 = arith.constant 2 : i32
      %mul3A_711 = arith.muli %mul3A_710, %select_n3A_709 : i32
      %add3A_712 = arith.constant 2 : i32
      %add3A_713 = arith.addi %scan3A_653, %add3A_712 : i32
      %jit3A_714 = arith.constant 3 : i32
      %eq3A_715 = arith.constant 0 : i32
      %eq3A_716 = arith.cmpi eq, %jit3A_714, %eq3A_715 : i32
      %jit3A_717 = arith.constant 1 : i32
      %select_n3A_718 = arith.select %eq3A_716, %jit3A_717, %jit3A_714 : i32
      %rem3A_719 = arith.remsi %add3A_713, %select_n3A_718 : i32
      %ne3A_720 = arith.constant 0 : i32
      %ne3A_721 = arith.cmpi ne, %rem3A_719, %ne3A_720 : i32
      %lt3A_722 = arith.constant 0 : i32
      %lt3A_723 = arith.cmpi slt, %rem3A_719, %lt3A_722 : i32
      %lt3A_724 = arith.constant 0 : i32
      %lt3A_725 = arith.cmpi slt, %select_n3A_718, %lt3A_724 : i32
      %ne3A_726 = arith.xori %lt3A_723, %lt3A_725 : i1
      %and3A_727 = arith.andi %ne3A_726, %ne3A_721 : i1
      %add3A_728 = arith.addi %rem3A_719, %select_n3A_718 : i32
      %select_n3A_729 = arith.select %and3A_727, %add3A_728, %rem3A_719 : i32
      %mul3A_730 = arith.constant 2 : i32
      %mul3A_731 = arith.muli %mul3A_730, %select_n3A_729 : i32
      %dma_wait3A_732 = arith.constant 0 : i32
      %dma_wait3A_733 = arith.constant 0 : i32
      %dma_wait3A_734 = tpu.memref_slice %arg8[%mul3A_671, %dma_wait3A_732, %dma_wait3A_733] : memref<4x80x128xf32, #tpu.memory_space<vmem>> -> memref<1x80x128xf32, #tpu.memory_space<vmem>>
      %dma_wait3A_735 = tpu.memref_squeeze %dma_wait3A_734 : memref<1x80x128xf32, #tpu.memory_space<vmem>> -> memref<80x128xf32, #tpu.memory_space<vmem>>
      %dma_wait3A_736 = arith.constant 0 : i32
      %dma_wait3A_737 = arith.constant 0 : i32
      %dma_wait3A_738 = tpu.memref_slice %arg2[%dma_wait3A_736, %dma_wait3A_737] : memref<10000x128xf32, #tpu.memory_space<hbm>> -> memref<80x128xf32, #tpu.memory_space<hbm>>
      %dma_wait3A_739 = arith.constant 0 : i32
      %dma_wait3A_740 = arith.constant 0 : i32
      %dma_wait3A_741 = tpu.memref_slice %arg8[%mul3A_671, %dma_wait3A_739, %dma_wait3A_740] : memref<4x80x128xf32, #tpu.memory_space<vmem>> -> memref<1x80x128xf32, #tpu.memory_space<vmem>>
      %dma_wait3A_742 = tpu.memref_squeeze %dma_wait3A_741 : memref<1x80x128xf32, #tpu.memory_space<vmem>> -> memref<80x128xf32, #tpu.memory_space<vmem>>
      %dma_wait3A_743 = arith.constant 0 : i32
      %dma_wait3A_744 = arith.constant 0 : i32
      %dma_wait3A_745 = tpu.memref_slice %arg2[%dma_wait3A_743, %dma_wait3A_744] : memref<10000x128xf32, #tpu.memory_space<hbm>> -> memref<80x128xf32, #tpu.memory_space<hbm>>
      tpu.wait_dma2 semaphore(%arg12 : memref<!tpu.dma_semaphore, #tpu.memory_space<semaphore_mem>>) src(%dma_wait3A_745 : memref<80x128xf32, #tpu.memory_space<hbm>>) dst(%dma_wait3A_742 : memref<80x128xf32, #tpu.memory_space<vmem>>)
      %ge3A = arith.constant 1 : i32
      %ge3A_746 = arith.cmpi sge, %scan3A_653, %ge3A : i32
      %convert_element_type3A = arith.extui %ge3A_746 : i1 to i32
      %cond3A = arith.constant 0 : i32
      %cond3A_747 = arith.cmpi ne, %convert_element_type3A, %cond3A : i32
      scf.if %cond3A_747 {
        %dma_wait3A_821 = arith.constant 0 : i32
        %dma_wait3A_822 = arith.constant 0 : i32
        %dma_wait3A_823 = tpu.memref_slice %arg8[%sub3A_673, %dma_wait3A_821, %dma_wait3A_822] : memref<4x80x128xf32, #tpu.memory_space<vmem>> -> memref<1x80x128xf32, #tpu.memory_space<vmem>>
        %dma_wait3A_824 = tpu.memref_squeeze %dma_wait3A_823 : memref<1x80x128xf32, #tpu.memory_space<vmem>> -> memref<80x128xf32, #tpu.memory_space<vmem>>
        %dma_wait3A_825 = arith.constant 0 : i32
        %dma_wait3A_826 = arith.constant 0 : i32
        %dma_wait3A_827 = tpu.memref_slice %arg10[%dma_wait3A_825, %dma_wait3A_826] : memref<10000x128xf32, #tpu.memory_space<vmem_shared>> -> memref<80x128xf32, #tpu.memory_space<vmem_shared>>
        %dma_wait3A_828 = arith.constant 0 : i32
        %dma_wait3A_829 = arith.constant 0 : i32
        %dma_wait3A_830 = tpu.memref_slice %arg10[%dma_wait3A_828, %dma_wait3A_829] : memref<10000x128xf32, #tpu.memory_space<vmem_shared>> -> memref<80x128xf32, #tpu.memory_space<vmem_shared>>
        %dma_wait3A_831 = arith.constant 0 : i32
        %dma_wait3A_832 = arith.constant 0 : i32
        %dma_wait3A_833 = tpu.memref_slice %arg8[%sub3A_673, %dma_wait3A_831, %dma_wait3A_832] : memref<4x80x128xf32, #tpu.memory_space<vmem>> -> memref<1x80x128xf32, #tpu.memory_space<vmem>>
        %dma_wait3A_834 = tpu.memref_squeeze %dma_wait3A_833 : memref<1x80x128xf32, #tpu.memory_space<vmem>> -> memref<80x128xf32, #tpu.memory_space<vmem>>
        tpu.wait_dma2 semaphore(%arg13 : memref<!tpu.dma_semaphore, #tpu.memory_space<semaphore_mem>>) src(%dma_wait3A_834 : memref<80x128xf32, #tpu.memory_space<vmem>>) dst(%dma_wait3A_830 : memref<80x128xf32, #tpu.memory_space<vmem_shared>>)
      } else {
      }
      %add3A_748 = arith.constant 2 : i32
      %add3A_749 = arith.addi %mul3A_655, %add3A_748 : i32
      %lt3A_750 = arith.constant 125 : i32
      %lt3A_751 = arith.cmpi slt, %add3A_749, %lt3A_750 : i32
      %convert_element_type3A_752 = arith.extui %lt3A_751 : i1 to i32
      %cond3A_753 = arith.constant 0 : i32
      %cond3A_754 = arith.cmpi ne, %convert_element_type3A_752, %cond3A_753 : i32
      scf.if %cond3A_754 {
        %dma_wait3A_821 = arith.constant 0 : i32
        %dma_wait3A_822 = tpu.memref_slice %arg6[%mul3A_711, %dma_wait3A_821] : memref<6x80xi32, #tpu.memory_space<vmem>> -> memref<1x80xi32, #tpu.memory_space<vmem>>
        %dma_wait3A_823 = tpu.memref_squeeze %dma_wait3A_822 : memref<1x80xi32, #tpu.memory_space<vmem>> -> memref<80xi32, #tpu.memory_space<vmem>>
        %dma_wait3A_824 = arith.constant 0 : i32
        %dma_wait3A_825 = tpu.memref_slice %arg3[%dma_wait3A_824] : memref<320000xi32, #tpu.memory_space<hbm>> -> memref<80xi32, #tpu.memory_space<hbm>>
        %dma_wait3A_826 = arith.constant 0 : i32
        %dma_wait3A_827 = tpu.memref_slice %arg6[%mul3A_711, %dma_wait3A_826] : memref<6x80xi32, #tpu.memory_space<vmem>> -> memref<1x80xi32, #tpu.memory_space<vmem>>
        %dma_wait3A_828 = tpu.memref_squeeze %dma_wait3A_827 : memref<1x80xi32, #tpu.memory_space<vmem>> -> memref<80xi32, #tpu.memory_space<vmem>>
        %dma_wait3A_829 = arith.constant 0 : i32
        %dma_wait3A_830 = tpu.memref_slice %arg3[%dma_wait3A_829] : memref<320000xi32, #tpu.memory_space<hbm>> -> memref<80xi32, #tpu.memory_space<hbm>>
        tpu.wait_dma2 semaphore(%arg11 : memref<!tpu.dma_semaphore, #tpu.memory_space<semaphore_mem>>) src(%dma_wait3A_830 : memref<80xi32, #tpu.memory_space<hbm>>) dst(%dma_wait3A_828 : memref<80xi32, #tpu.memory_space<vmem>>)
        %dma_wait3A_831 = arith.constant 0 : i32
        %dma_wait3A_832 = tpu.memref_slice %arg7[%mul3A_711, %dma_wait3A_831] : memref<6x80xi32, #tpu.memory_space<vmem>> -> memref<1x80xi32, #tpu.memory_space<vmem>>
        %dma_wait3A_833 = tpu.memref_squeeze %dma_wait3A_832 : memref<1x80xi32, #tpu.memory_space<vmem>> -> memref<80xi32, #tpu.memory_space<vmem>>
        %dma_wait3A_834 = arith.constant 0 : i32
        %dma_wait3A_835 = tpu.memref_slice %arg4[%dma_wait3A_834] : memref<320000xi32, #tpu.memory_space<hbm>> -> memref<80xi32, #tpu.memory_space<hbm>>
        %dma_wait3A_836 = arith.constant 0 : i32
        %dma_wait3A_837 = tpu.memref_slice %arg7[%mul3A_711, %dma_wait3A_836] : memref<6x80xi32, #tpu.memory_space<vmem>> -> memref<1x80xi32, #tpu.memory_space<vmem>>
        %dma_wait3A_838 = tpu.memref_squeeze %dma_wait3A_837 : memref<1x80xi32, #tpu.memory_space<vmem>> -> memref<80xi32, #tpu.memory_space<vmem>>
        %dma_wait3A_839 = arith.constant 0 : i32
        %dma_wait3A_840 = tpu.memref_slice %arg4[%dma_wait3A_839] : memref<320000xi32, #tpu.memory_space<hbm>> -> memref<80xi32, #tpu.memory_space<hbm>>
        tpu.wait_dma2 semaphore(%arg11 : memref<!tpu.dma_semaphore, #tpu.memory_space<semaphore_mem>>) src(%dma_wait3A_840 : memref<80xi32, #tpu.memory_space<hbm>>) dst(%dma_wait3A_838 : memref<80xi32, #tpu.memory_space<vmem>>)
        %add3A_841 = arith.constant 2 : i32
        %add3A_842 = arith.addi %mul3A_655, %add3A_841 : i32
        %dma_start3A_843 = arith.constant 0 : i32
        %dma_start3A_844 = arith.constant 0 : i32
        %dma_start3A_845 = tpu.memref_slice %arg8[%sub3A_673, %dma_start3A_843, %dma_start3A_844] : memref<4x80x128xf32, #tpu.memory_space<vmem>> -> memref<1x80x128xf32, #tpu.memory_space<vmem>>
        %dma_start3A_846 = tpu.memref_squeeze %dma_start3A_845 : memref<1x80x128xf32, #tpu.memory_space<vmem>> -> memref<80x128xf32, #tpu.memory_space<vmem>>
        %dma_start3A_847 = arith.constant 0 : i32
        %dma_start3A_848 = tpu.memref_slice %arg6[%mul3A_711, %dma_start3A_847] : memref<6x80xi32, #tpu.memory_space<vmem>> -> memref<1x80xi32, #tpu.memory_space<vmem>>
        %dma_start3A_849 = tpu.memref_squeeze %dma_start3A_848 : memref<1x80xi32, #tpu.memory_space<vmem>> -> memref<80xi32, #tpu.memory_space<vmem>>
        %dma_start3A_850 = arith.constant 0 : i32
        %dma_start3A_851 = arith.constant 0 : i32
        %dma_start3A_852 = tpu.memref_slice %arg2[%dma_start3A_850, %dma_start3A_851] : memref<10000x128xf32, #tpu.memory_space<hbm>> -> memref<10000x128xf32, #tpu.memory_space<hbm>>
        tpu.enqueue_indirect_dma source(%dma_start3A_852 : memref<10000x128xf32, #tpu.memory_space<hbm>>) target(%dma_start3A_846 : memref<80x128xf32, #tpu.memory_space<vmem>>) offsets(%dma_start3A_849 : memref<80xi32, #tpu.memory_space<vmem>>) semaphore(%arg12 : memref<!tpu.dma_semaphore, #tpu.memory_space<semaphore_mem>>)
      } else {
      }
      %add3A_755 = arith.constant 4 : i32
      %add3A_756 = arith.addi %mul3A_655, %add3A_755 : i32
      %lt3A_757 = arith.constant 125 : i32
      %lt3A_758 = arith.cmpi slt, %add3A_756, %lt3A_757 : i32
      %convert_element_type3A_759 = arith.extui %lt3A_758 : i1 to i32
      %cond3A_760 = arith.constant 0 : i32
      %cond3A_761 = arith.cmpi ne, %convert_element_type3A_759, %cond3A_760 : i32
      scf.if %cond3A_761 {
        %add3A_821 = arith.constant 4 : i32
        %add3A_822 = arith.addi %mul3A_655, %add3A_821 : i32
        %mul3A_823 = arith.constant 80 : i32
        %mul3A_824 = arith.muli %add3A_822, %mul3A_823 : i32
        %add3A_825 = arith.addi %mul3A_411, %mul3A_824 : i32
        %dma_start3A_826 = arith.constant 0 : i32
        %dma_start3A_827 = tpu.memref_slice %arg6[%mul3A_731, %dma_start3A_826] : memref<6x80xi32, #tpu.memory_space<vmem>> -> memref<1x80xi32, #tpu.memory_space<vmem>>
        %dma_start3A_828 = tpu.memref_squeeze %dma_start3A_827 : memref<1x80xi32, #tpu.memory_space<vmem>> -> memref<80xi32, #tpu.memory_space<vmem>>
        %dma_start3A_829 = tpu.memref_slice %arg3[%add3A_825] : memref<320000xi32, #tpu.memory_space<hbm>> -> memref<80xi32, #tpu.memory_space<hbm>>
        %dma_start3A_830 = arith.constant 0 : i32
        %dma_start3A_831 = tpu.memref_slice %arg6[%mul3A_731, %dma_start3A_830] : memref<6x80xi32, #tpu.memory_space<vmem>> -> memref<1x80xi32, #tpu.memory_space<vmem>>
        %dma_start3A_832 = tpu.memref_squeeze %dma_start3A_831 : memref<1x80xi32, #tpu.memory_space<vmem>> -> memref<80xi32, #tpu.memory_space<vmem>>
        %dma_start3A_833 = tpu.memref_slice %arg3[%add3A_825] : memref<320000xi32, #tpu.memory_space<hbm>> -> memref<80xi32, #tpu.memory_space<hbm>>
        tpu.enqueue_dma source(%dma_start3A_833 : memref<80xi32, #tpu.memory_space<hbm>>) target(%dma_start3A_832 : memref<80xi32, #tpu.memory_space<vmem>>) target_semaphore(%arg11 : memref<!tpu.dma_semaphore, #tpu.memory_space<semaphore_mem>>)
        %mul3A_834 = arith.constant 80 : i32
        %mul3A_835 = arith.muli %add3A_822, %mul3A_834 : i32
        %add3A_836 = arith.addi %mul3A_416, %mul3A_835 : i32
        %dma_start3A_837 = arith.constant 0 : i32
        %dma_start3A_838 = tpu.memref_slice %arg7[%mul3A_731, %dma_start3A_837] : memref<6x80xi32, #tpu.memory_space<vmem>> -> memref<1x80xi32, #tpu.memory_space<vmem>>
        %dma_start3A_839 = tpu.memref_squeeze %dma_start3A_838 : memref<1x80xi32, #tpu.memory_space<vmem>> -> memref<80xi32, #tpu.memory_space<vmem>>
        %dma_start3A_840 = tpu.memref_slice %arg4[%add3A_836] : memref<320000xi32, #tpu.memory_space<hbm>> -> memref<80xi32, #tpu.memory_space<hbm>>
        %dma_start3A_841 = arith.constant 0 : i32
        %dma_start3A_842 = tpu.memref_slice %arg7[%mul3A_731, %dma_start3A_841] : memref<6x80xi32, #tpu.memory_space<vmem>> -> memref<1x80xi32, #tpu.memory_space<vmem>>
        %dma_start3A_843 = tpu.memref_squeeze %dma_start3A_842 : memref<1x80xi32, #tpu.memory_space<vmem>> -> memref<80xi32, #tpu.memory_space<vmem>>
        %dma_start3A_844 = tpu.memref_slice %arg4[%add3A_836] : memref<320000xi32, #tpu.memory_space<hbm>> -> memref<80xi32, #tpu.memory_space<hbm>>
        tpu.enqueue_dma source(%dma_start3A_844 : memref<80xi32, #tpu.memory_space<hbm>>) target(%dma_start3A_843 : memref<80xi32, #tpu.memory_space<vmem>>) target_semaphore(%arg11 : memref<!tpu.dma_semaphore, #tpu.memory_space<semaphore_mem>>)
      } else {
      }
      %dma_start3A_762 = arith.constant 0 : i32
      %dma_start3A_763 = arith.constant 0 : i32
      %dma_start3A_764 = tpu.memref_slice %arg8[%mul3A_671, %dma_start3A_762, %dma_start3A_763] : memref<4x80x128xf32, #tpu.memory_space<vmem>> -> memref<1x80x128xf32, #tpu.memory_space<vmem>>
      %dma_start3A_765 = tpu.memref_squeeze %dma_start3A_764 : memref<1x80x128xf32, #tpu.memory_space<vmem>> -> memref<80x128xf32, #tpu.memory_space<vmem>>
      %dma_start3A_766 = arith.constant 0 : i32
      %dma_start3A_767 = tpu.memref_slice %arg7[%mul3A_691, %dma_start3A_766] : memref<6x80xi32, #tpu.memory_space<vmem>> -> memref<1x80xi32, #tpu.memory_space<vmem>>
      %dma_start3A_768 = tpu.memref_squeeze %dma_start3A_767 : memref<1x80xi32, #tpu.memory_space<vmem>> -> memref<80xi32, #tpu.memory_space<vmem>>
      %dma_start3A_769 = arith.constant 0 : i32
      %dma_start3A_770 = arith.constant 0 : i32
      %dma_start3A_771 = tpu.memref_slice %arg10[%dma_start3A_769, %dma_start3A_770] : memref<10000x128xf32, #tpu.memory_space<vmem_shared>> -> memref<10000x128xf32, #tpu.memory_space<vmem_shared>>
      tpu.enqueue_indirect_dma source(%dma_start3A_765 : memref<80x128xf32, #tpu.memory_space<vmem>>) target(%dma_start3A_771 : memref<10000x128xf32, #tpu.memory_space<vmem_shared>>) offsets(%dma_start3A_768 : memref<80xi32, #tpu.memory_space<vmem>>) semaphore(%arg13 : memref<!tpu.dma_semaphore, #tpu.memory_space<semaphore_mem>>) {add = true}
      %add3A_772 = arith.constant 1 : i32
      %add3A_773 = arith.addi %mul3A_671, %add3A_772 : i32
      %dma_wait3A_774 = arith.constant 0 : i32
      %dma_wait3A_775 = arith.constant 0 : i32
      %dma_wait3A_776 = tpu.memref_slice %arg8[%add3A_773, %dma_wait3A_774, %dma_wait3A_775] : memref<4x80x128xf32, #tpu.memory_space<vmem>> -> memref<1x80x128xf32, #tpu.memory_space<vmem>>
      %dma_wait3A_777 = tpu.memref_squeeze %dma_wait3A_776 : memref<1x80x128xf32, #tpu.memory_space<vmem>> -> memref<80x128xf32, #tpu.memory_space<vmem>>
      %dma_wait3A_778 = arith.constant 0 : i32
      %dma_wait3A_779 = arith.constant 0 : i32
      %dma_wait3A_780 = tpu.memref_slice %arg2[%dma_wait3A_778, %dma_wait3A_779] : memref<10000x128xf32, #tpu.memory_space<hbm>> -> memref<80x128xf32, #tpu.memory_space<hbm>>
      %dma_wait3A_781 = arith.constant 0 : i32
      %dma_wait3A_782 = arith.constant 0 : i32
      %dma_wait3A_783 = tpu.memref_slice %arg8[%add3A_773, %dma_wait3A_781, %dma_wait3A_782] : memref<4x80x128xf32, #tpu.memory_space<vmem>> -> memref<1x80x128xf32, #tpu.memory_space<vmem>>
      %dma_wait3A_784 = tpu.memref_squeeze %dma_wait3A_783 : memref<1x80x128xf32, #tpu.memory_space<vmem>> -> memref<80x128xf32, #tpu.memory_space<vmem>>
      %dma_wait3A_785 = arith.constant 0 : i32
      %dma_wait3A_786 = arith.constant 0 : i32
      %dma_wait3A_787 = tpu.memref_slice %arg2[%dma_wait3A_785, %dma_wait3A_786] : memref<10000x128xf32, #tpu.memory_space<hbm>> -> memref<80x128xf32, #tpu.memory_space<hbm>>
      tpu.wait_dma2 semaphore(%arg12 : memref<!tpu.dma_semaphore, #tpu.memory_space<semaphore_mem>>) src(%dma_wait3A_787 : memref<80x128xf32, #tpu.memory_space<hbm>>) dst(%dma_wait3A_784 : memref<80x128xf32, #tpu.memory_space<vmem>>)
      %ge3A_788 = arith.constant 1 : i32
      %ge3A_789 = arith.cmpi sge, %scan3A_653, %ge3A_788 : i32
      %convert_element_type3A_790 = arith.extui %ge3A_789 : i1 to i32
      %cond3A_791 = arith.constant 0 : i32
      %cond3A_792 = arith.cmpi ne, %convert_element_type3A_790, %cond3A_791 : i32
      scf.if %cond3A_792 {
        %add3A_821 = arith.constant 1 : i32
        %add3A_822 = arith.addi %sub3A_673, %add3A_821 : i32
        %dma_wait3A_823 = arith.constant 0 : i32
        %dma_wait3A_824 = arith.constant 0 : i32
        %dma_wait3A_825 = tpu.memref_slice %arg8[%add3A_822, %dma_wait3A_823, %dma_wait3A_824] : memref<4x80x128xf32, #tpu.memory_space<vmem>> -> memref<1x80x128xf32, #tpu.memory_space<vmem>>
        %dma_wait3A_826 = tpu.memref_squeeze %dma_wait3A_825 : memref<1x80x128xf32, #tpu.memory_space<vmem>> -> memref<80x128xf32, #tpu.memory_space<vmem>>
        %dma_wait3A_827 = arith.constant 0 : i32
        %dma_wait3A_828 = arith.constant 0 : i32
        %dma_wait3A_829 = tpu.memref_slice %arg10[%dma_wait3A_827, %dma_wait3A_828] : memref<10000x128xf32, #tpu.memory_space<vmem_shared>> -> memref<80x128xf32, #tpu.memory_space<vmem_shared>>
        %dma_wait3A_830 = arith.constant 0 : i32
        %dma_wait3A_831 = arith.constant 0 : i32
        %dma_wait3A_832 = tpu.memref_slice %arg10[%dma_wait3A_830, %dma_wait3A_831] : memref<10000x128xf32, #tpu.memory_space<vmem_shared>> -> memref<80x128xf32, #tpu.memory_space<vmem_shared>>
        %dma_wait3A_833 = arith.constant 0 : i32
        %dma_wait3A_834 = arith.constant 0 : i32
        %dma_wait3A_835 = tpu.memref_slice %arg8[%add3A_822, %dma_wait3A_833, %dma_wait3A_834] : memref<4x80x128xf32, #tpu.memory_space<vmem>> -> memref<1x80x128xf32, #tpu.memory_space<vmem>>
        %dma_wait3A_836 = tpu.memref_squeeze %dma_wait3A_835 : memref<1x80x128xf32, #tpu.memory_space<vmem>> -> memref<80x128xf32, #tpu.memory_space<vmem>>
        tpu.wait_dma2 semaphore(%arg13 : memref<!tpu.dma_semaphore, #tpu.memory_space<semaphore_mem>>) src(%dma_wait3A_836 : memref<80x128xf32, #tpu.memory_space<vmem>>) dst(%dma_wait3A_832 : memref<80x128xf32, #tpu.memory_space<vmem_shared>>)
      } else {
      }
      %add3A_793 = arith.constant 3 : i32
      %add3A_794 = arith.addi %mul3A_655, %add3A_793 : i32
      %lt3A_795 = arith.constant 125 : i32
      %lt3A_796 = arith.cmpi slt, %add3A_794, %lt3A_795 : i32
      %convert_element_type3A_797 = arith.extui %lt3A_796 : i1 to i32
      %cond3A_798 = arith.constant 0 : i32
      %cond3A_799 = arith.cmpi ne, %convert_element_type3A_797, %cond3A_798 : i32
      scf.if %cond3A_799 {
        %add3A_821 = arith.constant 1 : i32
        %add3A_822 = arith.addi %mul3A_711, %add3A_821 : i32
        %dma_wait3A_823 = arith.constant 0 : i32
        %dma_wait3A_824 = tpu.memref_slice %arg6[%add3A_822, %dma_wait3A_823] : memref<6x80xi32, #tpu.memory_space<vmem>> -> memref<1x80xi32, #tpu.memory_space<vmem>>
        %dma_wait3A_825 = tpu.memref_squeeze %dma_wait3A_824 : memref<1x80xi32, #tpu.memory_space<vmem>> -> memref<80xi32, #tpu.memory_space<vmem>>
        %dma_wait3A_826 = arith.constant 0 : i32
        %dma_wait3A_827 = tpu.memref_slice %arg3[%dma_wait3A_826] : memref<320000xi32, #tpu.memory_space<hbm>> -> memref<80xi32, #tpu.memory_space<hbm>>
        %dma_wait3A_828 = arith.constant 0 : i32
        %dma_wait3A_829 = tpu.memref_slice %arg6[%add3A_822, %dma_wait3A_828] : memref<6x80xi32, #tpu.memory_space<vmem>> -> memref<1x80xi32, #tpu.memory_space<vmem>>
        %dma_wait3A_830 = tpu.memref_squeeze %dma_wait3A_829 : memref<1x80xi32, #tpu.memory_space<vmem>> -> memref<80xi32, #tpu.memory_space<vmem>>
        %dma_wait3A_831 = arith.constant 0 : i32
        %dma_wait3A_832 = tpu.memref_slice %arg3[%dma_wait3A_831] : memref<320000xi32, #tpu.memory_space<hbm>> -> memref<80xi32, #tpu.memory_space<hbm>>
        tpu.wait_dma2 semaphore(%arg11 : memref<!tpu.dma_semaphore, #tpu.memory_space<semaphore_mem>>) src(%dma_wait3A_832 : memref<80xi32, #tpu.memory_space<hbm>>) dst(%dma_wait3A_830 : memref<80xi32, #tpu.memory_space<vmem>>)
        %dma_wait3A_833 = arith.constant 0 : i32
        %dma_wait3A_834 = tpu.memref_slice %arg7[%add3A_822, %dma_wait3A_833] : memref<6x80xi32, #tpu.memory_space<vmem>> -> memref<1x80xi32, #tpu.memory_space<vmem>>
        %dma_wait3A_835 = tpu.memref_squeeze %dma_wait3A_834 : memref<1x80xi32, #tpu.memory_space<vmem>> -> memref<80xi32, #tpu.memory_space<vmem>>
        %dma_wait3A_836 = arith.constant 0 : i32
        %dma_wait3A_837 = tpu.memref_slice %arg4[%dma_wait3A_836] : memref<320000xi32, #tpu.memory_space<hbm>> -> memref<80xi32, #tpu.memory_space<hbm>>
        %dma_wait3A_838 = arith.constant 0 : i32
        %dma_wait3A_839 = tpu.memref_slice %arg7[%add3A_822, %dma_wait3A_838] : memref<6x80xi32, #tpu.memory_space<vmem>> -> memref<1x80xi32, #tpu.memory_space<vmem>>
        %dma_wait3A_840 = tpu.memref_squeeze %dma_wait3A_839 : memref<1x80xi32, #tpu.memory_space<vmem>> -> memref<80xi32, #tpu.memory_space<vmem>>
        %dma_wait3A_841 = arith.constant 0 : i32
        %dma_wait3A_842 = tpu.memref_slice %arg4[%dma_wait3A_841] : memref<320000xi32, #tpu.memory_space<hbm>> -> memref<80xi32, #tpu.memory_space<hbm>>
        tpu.wait_dma2 semaphore(%arg11 : memref<!tpu.dma_semaphore, #tpu.memory_space<semaphore_mem>>) src(%dma_wait3A_842 : memref<80xi32, #tpu.memory_space<hbm>>) dst(%dma_wait3A_840 : memref<80xi32, #tpu.memory_space<vmem>>)
        %add3A_843 = arith.constant 3 : i32
        %add3A_844 = arith.addi %mul3A_655, %add3A_843 : i32
        %add3A_845 = arith.constant 1 : i32
        %add3A_846 = arith.addi %mul3A_711, %add3A_845 : i32
        %add3A_847 = arith.constant 1 : i32
        %add3A_848 = arith.addi %sub3A_673, %add3A_847 : i32
        %dma_start3A_849 = arith.constant 0 : i32
        %dma_start3A_850 = arith.constant 0 : i32
        %dma_start3A_851 = tpu.memref_slice %arg8[%add3A_848, %dma_start3A_849, %dma_start3A_850] : memref<4x80x128xf32, #tpu.memory_space<vmem>> -> memref<1x80x128xf32, #tpu.memory_space<vmem>>
        %dma_start3A_852 = tpu.memref_squeeze %dma_start3A_851 : memref<1x80x128xf32, #tpu.memory_space<vmem>> -> memref<80x128xf32, #tpu.memory_space<vmem>>
        %dma_start3A_853 = arith.constant 0 : i32
        %dma_start3A_854 = tpu.memref_slice %arg6[%add3A_846, %dma_start3A_853] : memref<6x80xi32, #tpu.memory_space<vmem>> -> memref<1x80xi32, #tpu.memory_space<vmem>>
        %dma_start3A_855 = tpu.memref_squeeze %dma_start3A_854 : memref<1x80xi32, #tpu.memory_space<vmem>> -> memref<80xi32, #tpu.memory_space<vmem>>
        %dma_start3A_856 = arith.constant 0 : i32
        %dma_start3A_857 = arith.constant 0 : i32
        %dma_start3A_858 = tpu.memref_slice %arg2[%dma_start3A_856, %dma_start3A_857] : memref<10000x128xf32, #tpu.memory_space<hbm>> -> memref<10000x128xf32, #tpu.memory_space<hbm>>
        tpu.enqueue_indirect_dma source(%dma_start3A_858 : memref<10000x128xf32, #tpu.memory_space<hbm>>) target(%dma_start3A_852 : memref<80x128xf32, #tpu.memory_space<vmem>>) offsets(%dma_start3A_855 : memref<80xi32, #tpu.memory_space<vmem>>) semaphore(%arg12 : memref<!tpu.dma_semaphore, #tpu.memory_space<semaphore_mem>>)
      } else {
      }
      %add3A_800 = arith.constant 5 : i32
      %add3A_801 = arith.addi %mul3A_655, %add3A_800 : i32
      %lt3A_802 = arith.constant 125 : i32
      %lt3A_803 = arith.cmpi slt, %add3A_801, %lt3A_802 : i32
      %convert_element_type3A_804 = arith.extui %lt3A_803 : i1 to i32
      %cond3A_805 = arith.constant 0 : i32
      %cond3A_806 = arith.cmpi ne, %convert_element_type3A_804, %cond3A_805 : i32
      scf.if %cond3A_806 {
        %add3A_821 = arith.constant 5 : i32
        %add3A_822 = arith.addi %mul3A_655, %add3A_821 : i32
        %add3A_823 = arith.constant 1 : i32
        %add3A_824 = arith.addi %mul3A_731, %add3A_823 : i32
        %mul3A_825 = arith.constant 80 : i32
        %mul3A_826 = arith.muli %add3A_822, %mul3A_825 : i32
        %add3A_827 = arith.addi %mul3A_411, %mul3A_826 : i32
        %dma_start3A_828 = arith.constant 0 : i32
        %dma_start3A_829 = tpu.memref_slice %arg6[%add3A_824, %dma_start3A_828] : memref<6x80xi32, #tpu.memory_space<vmem>> -> memref<1x80xi32, #tpu.memory_space<vmem>>
        %dma_start3A_830 = tpu.memref_squeeze %dma_start3A_829 : memref<1x80xi32, #tpu.memory_space<vmem>> -> memref<80xi32, #tpu.memory_space<vmem>>
        %dma_start3A_831 = tpu.memref_slice %arg3[%add3A_827] : memref<320000xi32, #tpu.memory_space<hbm>> -> memref<80xi32, #tpu.memory_space<hbm>>
        %dma_start3A_832 = arith.constant 0 : i32
        %dma_start3A_833 = tpu.memref_slice %arg6[%add3A_824, %dma_start3A_832] : memref<6x80xi32, #tpu.memory_space<vmem>> -> memref<1x80xi32, #tpu.memory_space<vmem>>
        %dma_start3A_834 = tpu.memref_squeeze %dma_start3A_833 : memref<1x80xi32, #tpu.memory_space<vmem>> -> memref<80xi32, #tpu.memory_space<vmem>>
        %dma_start3A_835 = tpu.memref_slice %arg3[%add3A_827] : memref<320000xi32, #tpu.memory_space<hbm>> -> memref<80xi32, #tpu.memory_space<hbm>>
        tpu.enqueue_dma source(%dma_start3A_835 : memref<80xi32, #tpu.memory_space<hbm>>) target(%dma_start3A_834 : memref<80xi32, #tpu.memory_space<vmem>>) target_semaphore(%arg11 : memref<!tpu.dma_semaphore, #tpu.memory_space<semaphore_mem>>)
        %mul3A_836 = arith.constant 80 : i32
        %mul3A_837 = arith.muli %add3A_822, %mul3A_836 : i32
        %add3A_838 = arith.addi %mul3A_416, %mul3A_837 : i32
        %dma_start3A_839 = arith.constant 0 : i32
        %dma_start3A_840 = tpu.memref_slice %arg7[%add3A_824, %dma_start3A_839] : memref<6x80xi32, #tpu.memory_space<vmem>> -> memref<1x80xi32, #tpu.memory_space<vmem>>
        %dma_start3A_841 = tpu.memref_squeeze %dma_start3A_840 : memref<1x80xi32, #tpu.memory_space<vmem>> -> memref<80xi32, #tpu.memory_space<vmem>>
        %dma_start3A_842 = tpu.memref_slice %arg4[%add3A_838] : memref<320000xi32, #tpu.memory_space<hbm>> -> memref<80xi32, #tpu.memory_space<hbm>>
        %dma_start3A_843 = arith.constant 0 : i32
        %dma_start3A_844 = tpu.memref_slice %arg7[%add3A_824, %dma_start3A_843] : memref<6x80xi32, #tpu.memory_space<vmem>> -> memref<1x80xi32, #tpu.memory_space<vmem>>
        %dma_start3A_845 = tpu.memref_squeeze %dma_start3A_844 : memref<1x80xi32, #tpu.memory_space<vmem>> -> memref<80xi32, #tpu.memory_space<vmem>>
        %dma_start3A_846 = tpu.memref_slice %arg4[%add3A_838] : memref<320000xi32, #tpu.memory_space<hbm>> -> memref<80xi32, #tpu.memory_space<hbm>>
        tpu.enqueue_dma source(%dma_start3A_846 : memref<80xi32, #tpu.memory_space<hbm>>) target(%dma_start3A_845 : memref<80xi32, #tpu.memory_space<vmem>>) target_semaphore(%arg11 : memref<!tpu.dma_semaphore, #tpu.memory_space<semaphore_mem>>)
      } else {
      }
      %add3A_807 = arith.constant 1 : i32
      %add3A_808 = arith.addi %mul3A_671, %add3A_807 : i32
      %add3A_809 = arith.constant 1 : i32
      %add3A_810 = arith.addi %mul3A_691, %add3A_809 : i32
      %dma_start3A_811 = arith.constant 0 : i32
      %dma_start3A_812 = arith.constant 0 : i32
      %dma_start3A_813 = tpu.memref_slice %arg8[%add3A_808, %dma_start3A_811, %dma_start3A_812] : memref<4x80x128xf32, #tpu.memory_space<vmem>> -> memref<1x80x128xf32, #tpu.memory_space<vmem>>
      %dma_start3A_814 = tpu.memref_squeeze %dma_start3A_813 : memref<1x80x128xf32, #tpu.memory_space<vmem>> -> memref<80x128xf32, #tpu.memory_space<vmem>>
      %dma_start3A_815 = arith.constant 0 : i32
      %dma_start3A_816 = tpu.memref_slice %arg7[%add3A_810, %dma_start3A_815] : memref<6x80xi32, #tpu.memory_space<vmem>> -> memref<1x80xi32, #tpu.memory_space<vmem>>
      %dma_start3A_817 = tpu.memref_squeeze %dma_start3A_816 : memref<1x80xi32, #tpu.memory_space<vmem>> -> memref<80xi32, #tpu.memory_space<vmem>>
      %dma_start3A_818 = arith.constant 0 : i32
      %dma_start3A_819 = arith.constant 0 : i32
      %dma_start3A_820 = tpu.memref_slice %arg10[%dma_start3A_818, %dma_start3A_819] : memref<10000x128xf32, #tpu.memory_space<vmem_shared>> -> memref<10000x128xf32, #tpu.memory_space<vmem_shared>>
      tpu.enqueue_indirect_dma source(%dma_start3A_814 : memref<80x128xf32, #tpu.memory_space<vmem>>) target(%dma_start3A_820 : memref<10000x128xf32, #tpu.memory_space<vmem_shared>>) offsets(%dma_start3A_817 : memref<80xi32, #tpu.memory_space<vmem>>) semaphore(%arg13 : memref<!tpu.dma_semaphore, #tpu.memory_space<semaphore_mem>>) {add = true}
    }
    %scan3A_576 = arith.constant 62 : i32
    %dma_wait3A_577 = arith.constant 0 : i32
    %dma_wait3A_578 = arith.constant 0 : i32
    %dma_wait3A_579 = arith.constant 0 : i32
    %dma_wait3A_580 = tpu.memref_slice %arg8[%dma_wait3A_577, %dma_wait3A_578, %dma_wait3A_579] : memref<4x80x128xf32, #tpu.memory_space<vmem>> -> memref<1x80x128xf32, #tpu.memory_space<vmem>>
    %dma_wait3A_581 = tpu.memref_squeeze %dma_wait3A_580 : memref<1x80x128xf32, #tpu.memory_space<vmem>> -> memref<80x128xf32, #tpu.memory_space<vmem>>
    %dma_wait3A_582 = arith.constant 0 : i32
    %dma_wait3A_583 = arith.constant 0 : i32
    %dma_wait3A_584 = tpu.memref_slice %arg2[%dma_wait3A_582, %dma_wait3A_583] : memref<10000x128xf32, #tpu.memory_space<hbm>> -> memref<80x128xf32, #tpu.memory_space<hbm>>
    %dma_wait3A_585 = arith.constant 0 : i32
    %dma_wait3A_586 = arith.constant 0 : i32
    %dma_wait3A_587 = tpu.memref_slice %arg8[%dma_wait3A_577, %dma_wait3A_585, %dma_wait3A_586] : memref<4x80x128xf32, #tpu.memory_space<vmem>> -> memref<1x80x128xf32, #tpu.memory_space<vmem>>
    %dma_wait3A_588 = tpu.memref_squeeze %dma_wait3A_587 : memref<1x80x128xf32, #tpu.memory_space<vmem>> -> memref<80x128xf32, #tpu.memory_space<vmem>>
    %dma_wait3A_589 = arith.constant 0 : i32
    %dma_wait3A_590 = arith.constant 0 : i32
    %dma_wait3A_591 = tpu.memref_slice %arg2[%dma_wait3A_589, %dma_wait3A_590] : memref<10000x128xf32, #tpu.memory_space<hbm>> -> memref<80x128xf32, #tpu.memory_space<hbm>>
    tpu.wait_dma2 semaphore(%arg12 : memref<!tpu.dma_semaphore, #tpu.memory_space<semaphore_mem>>) src(%dma_wait3A_591 : memref<80x128xf32, #tpu.memory_space<hbm>>) dst(%dma_wait3A_588 : memref<80x128xf32, #tpu.memory_space<vmem>>)
    %dma_wait3A_592 = arith.constant 2 : i32
    %dma_wait3A_593 = arith.constant 0 : i32
    %dma_wait3A_594 = arith.constant 0 : i32
    %dma_wait3A_595 = tpu.memref_slice %arg8[%dma_wait3A_592, %dma_wait3A_593, %dma_wait3A_594] : memref<4x80x128xf32, #tpu.memory_space<vmem>> -> memref<1x80x128xf32, #tpu.memory_space<vmem>>
    %dma_wait3A_596 = tpu.memref_squeeze %dma_wait3A_595 : memref<1x80x128xf32, #tpu.memory_space<vmem>> -> memref<80x128xf32, #tpu.memory_space<vmem>>
    %dma_wait3A_597 = arith.constant 0 : i32
    %dma_wait3A_598 = arith.constant 0 : i32
    %dma_wait3A_599 = tpu.memref_slice %arg10[%dma_wait3A_597, %dma_wait3A_598] : memref<10000x128xf32, #tpu.memory_space<vmem_shared>> -> memref<80x128xf32, #tpu.memory_space<vmem_shared>>
    %dma_wait3A_600 = arith.constant 0 : i32
    %dma_wait3A_601 = arith.constant 0 : i32
    %dma_wait3A_602 = tpu.memref_slice %arg10[%dma_wait3A_600, %dma_wait3A_601] : memref<10000x128xf32, #tpu.memory_space<vmem_shared>> -> memref<80x128xf32, #tpu.memory_space<vmem_shared>>
    %dma_wait3A_603 = arith.constant 0 : i32
    %dma_wait3A_604 = arith.constant 0 : i32
    %dma_wait3A_605 = tpu.memref_slice %arg8[%dma_wait3A_592, %dma_wait3A_603, %dma_wait3A_604] : memref<4x80x128xf32, #tpu.memory_space<vmem>> -> memref<1x80x128xf32, #tpu.memory_space<vmem>>
    %dma_wait3A_606 = tpu.memref_squeeze %dma_wait3A_605 : memref<1x80x128xf32, #tpu.memory_space<vmem>> -> memref<80x128xf32, #tpu.memory_space<vmem>>
    tpu.wait_dma2 semaphore(%arg13 : memref<!tpu.dma_semaphore, #tpu.memory_space<semaphore_mem>>) src(%dma_wait3A_606 : memref<80x128xf32, #tpu.memory_space<vmem>>) dst(%dma_wait3A_602 : memref<80x128xf32, #tpu.memory_space<vmem_shared>>)
    %dma_start3A_607 = arith.constant 0 : i32
    %dma_start3A_608 = arith.constant 4 : i32
    %dma_start3A_609 = arith.constant 0 : i32
    %dma_start3A_610 = arith.constant 0 : i32
    %dma_start3A_611 = tpu.memref_slice %arg8[%dma_start3A_607, %dma_start3A_609, %dma_start3A_610] : memref<4x80x128xf32, #tpu.memory_space<vmem>> -> memref<1x80x128xf32, #tpu.memory_space<vmem>>
    %dma_start3A_612 = tpu.memref_squeeze %dma_start3A_611 : memref<1x80x128xf32, #tpu.memory_space<vmem>> -> memref<80x128xf32, #tpu.memory_space<vmem>>
    %dma_start3A_613 = arith.constant 0 : i32
    %dma_start3A_614 = tpu.memref_slice %arg7[%dma_start3A_608, %dma_start3A_613] : memref<6x80xi32, #tpu.memory_space<vmem>> -> memref<1x80xi32, #tpu.memory_space<vmem>>
    %dma_start3A_615 = tpu.memref_squeeze %dma_start3A_614 : memref<1x80xi32, #tpu.memory_space<vmem>> -> memref<80xi32, #tpu.memory_space<vmem>>
    %dma_start3A_616 = arith.constant 0 : i32
    %dma_start3A_617 = arith.constant 0 : i32
    %dma_start3A_618 = tpu.memref_slice %arg10[%dma_start3A_616, %dma_start3A_617] : memref<10000x128xf32, #tpu.memory_space<vmem_shared>> -> memref<10000x128xf32, #tpu.memory_space<vmem_shared>>
    tpu.enqueue_indirect_dma source(%dma_start3A_612 : memref<80x128xf32, #tpu.memory_space<vmem>>) target(%dma_start3A_618 : memref<10000x128xf32, #tpu.memory_space<vmem_shared>>) offsets(%dma_start3A_615 : memref<80xi32, #tpu.memory_space<vmem>>) semaphore(%arg13 : memref<!tpu.dma_semaphore, #tpu.memory_space<semaphore_mem>>) {add = true}
    %dma_wait3A_619 = arith.constant 3 : i32
    %dma_wait3A_620 = arith.constant 0 : i32
    %dma_wait3A_621 = arith.constant 0 : i32
    %dma_wait3A_622 = tpu.memref_slice %arg8[%dma_wait3A_619, %dma_wait3A_620, %dma_wait3A_621] : memref<4x80x128xf32, #tpu.memory_space<vmem>> -> memref<1x80x128xf32, #tpu.memory_space<vmem>>
    %dma_wait3A_623 = tpu.memref_squeeze %dma_wait3A_622 : memref<1x80x128xf32, #tpu.memory_space<vmem>> -> memref<80x128xf32, #tpu.memory_space<vmem>>
    %dma_wait3A_624 = arith.constant 0 : i32
    %dma_wait3A_625 = arith.constant 0 : i32
    %dma_wait3A_626 = tpu.memref_slice %arg10[%dma_wait3A_624, %dma_wait3A_625] : memref<10000x128xf32, #tpu.memory_space<vmem_shared>> -> memref<80x128xf32, #tpu.memory_space<vmem_shared>>
    %dma_wait3A_627 = arith.constant 0 : i32
    %dma_wait3A_628 = arith.constant 0 : i32
    %dma_wait3A_629 = tpu.memref_slice %arg10[%dma_wait3A_627, %dma_wait3A_628] : memref<10000x128xf32, #tpu.memory_space<vmem_shared>> -> memref<80x128xf32, #tpu.memory_space<vmem_shared>>
    %dma_wait3A_630 = arith.constant 0 : i32
    %dma_wait3A_631 = arith.constant 0 : i32
    %dma_wait3A_632 = tpu.memref_slice %arg8[%dma_wait3A_619, %dma_wait3A_630, %dma_wait3A_631] : memref<4x80x128xf32, #tpu.memory_space<vmem>> -> memref<1x80x128xf32, #tpu.memory_space<vmem>>
    %dma_wait3A_633 = tpu.memref_squeeze %dma_wait3A_632 : memref<1x80x128xf32, #tpu.memory_space<vmem>> -> memref<80x128xf32, #tpu.memory_space<vmem>>
    tpu.wait_dma2 semaphore(%arg13 : memref<!tpu.dma_semaphore, #tpu.memory_space<semaphore_mem>>) src(%dma_wait3A_633 : memref<80x128xf32, #tpu.memory_space<vmem>>) dst(%dma_wait3A_629 : memref<80x128xf32, #tpu.memory_space<vmem_shared>>)
    %dma_wait3A_634 = arith.constant 0 : i32
    %dma_wait3A_635 = arith.constant 0 : i32
    %dma_wait3A_636 = arith.constant 0 : i32
    %dma_wait3A_637 = tpu.memref_slice %arg8[%dma_wait3A_634, %dma_wait3A_635, %dma_wait3A_636] : memref<4x80x128xf32, #tpu.memory_space<vmem>> -> memref<1x80x128xf32, #tpu.memory_space<vmem>>
    %dma_wait3A_638 = tpu.memref_squeeze %dma_wait3A_637 : memref<1x80x128xf32, #tpu.memory_space<vmem>> -> memref<80x128xf32, #tpu.memory_space<vmem>>
    %dma_wait3A_639 = arith.constant 0 : i32
    %dma_wait3A_640 = arith.constant 0 : i32
    %dma_wait3A_641 = tpu.memref_slice %arg10[%dma_wait3A_639, %dma_wait3A_640] : memref<10000x128xf32, #tpu.memory_space<vmem_shared>> -> memref<80x128xf32, #tpu.memory_space<vmem_shared>>
    %dma_wait3A_642 = arith.constant 0 : i32
    %dma_wait3A_643 = arith.constant 0 : i32
    %dma_wait3A_644 = tpu.memref_slice %arg10[%dma_wait3A_642, %dma_wait3A_643] : memref<10000x128xf32, #tpu.memory_space<vmem_shared>> -> memref<80x128xf32, #tpu.memory_space<vmem_shared>>
    %dma_wait3A_645 = arith.constant 0 : i32
    %dma_wait3A_646 = arith.constant 0 : i32
    %dma_wait3A_647 = tpu.memref_slice %arg8[%dma_wait3A_634, %dma_wait3A_645, %dma_wait3A_646] : memref<4x80x128xf32, #tpu.memory_space<vmem>> -> memref<1x80x128xf32, #tpu.memory_space<vmem>>
    %dma_wait3A_648 = tpu.memref_squeeze %dma_wait3A_647 : memref<1x80x128xf32, #tpu.memory_space<vmem>> -> memref<80x128xf32, #tpu.memory_space<vmem>>
    tpu.wait_dma2 semaphore(%arg13 : memref<!tpu.dma_semaphore, #tpu.memory_space<semaphore_mem>>) src(%dma_wait3A_648 : memref<80x128xf32, #tpu.memory_space<vmem>>) dst(%dma_wait3A_644 : memref<80x128xf32, #tpu.memory_space<vmem_shared>>)
    %barrier3A_649 = arith.constant 0 : index
    tpu.barrier barrier_id(%barrier3A_649)
    %mul3A_650 = arith.constant 10000 : i32
    %mul3A_651 = arith.muli %arg0, %mul3A_650 : i32
    %add3A_652 = arith.addi %mul3A_651, %mul3A_402 : i32
    "tpu.region"() ({
      %run_scoped3A = tpu.sem_alloc : memref<!tpu.dma_semaphore, #tpu.memory_space<semaphore_mem>>
      %dma_start3A_653 = arith.constant 0 : i32
      %dma_start3A_654 = tpu.memref_slice %arg5[%add3A_652, %dma_start3A_653] : memref<20000x128xf32, #tpu.memory_space<hbm>> -> memref<632x128xf32, #tpu.memory_space<hbm>>
      %dma_start3A_655 = arith.constant 0 : i32
      %dma_start3A_656 = tpu.memref_slice %arg10[%mul3A_402, %dma_start3A_655] : memref<10000x128xf32, #tpu.memory_space<vmem_shared>> -> memref<632x128xf32, #tpu.memory_space<vmem_shared>>
      tpu.enqueue_dma source(%dma_start3A_656 : memref<632x128xf32, #tpu.memory_space<vmem_shared>>) target(%dma_start3A_654 : memref<632x128xf32, #tpu.memory_space<hbm>>) target_semaphore(%run_scoped3A : memref<!tpu.dma_semaphore, #tpu.memory_space<semaphore_mem>>)
      %dma_wait3A_657 = arith.constant 0 : i32
      %dma_wait3A_658 = tpu.memref_slice %arg5[%add3A_652, %dma_wait3A_657] : memref<20000x128xf32, #tpu.memory_space<hbm>> -> memref<632x128xf32, #tpu.memory_space<hbm>>
      %dma_wait3A_659 = arith.constant 0 : i32
      %dma_wait3A_660 = tpu.memref_slice %arg10[%mul3A_402, %dma_wait3A_659] : memref<10000x128xf32, #tpu.memory_space<vmem_shared>> -> memref<632x128xf32, #tpu.memory_space<vmem_shared>>
      tpu.wait_dma2 semaphore(%run_scoped3A : memref<!tpu.dma_semaphore, #tpu.memory_space<semaphore_mem>>) src(%dma_wait3A_660 : memref<632x128xf32, #tpu.memory_space<vmem_shared>>) dst(%dma_wait3A_658 : memref<632x128xf32, #tpu.memory_space<hbm>>)
      tpu.yield
    }) : () -> ()
    return
  }
}

#map = affine_map<(d0, d1) -> (0, 0)>
#map1 = affine_map<(d0, d1) -> (0)>
module attributes {stable_mosaic.version = 14 : i64} {
  func.func @k(%arg0: i32, %arg1: i32, %arg2: memref<20000x128xf32, #tpu.memory_space<hbm>>, %arg3: memref<640000xi32, #tpu.memory_space<hbm>>, %arg4: memref<320000xi32, #tpu.memory_space<hbm>>, %arg5: memref<20000x128xf32, #tpu.memory_space<hbm>>, %arg6: memref<6x80xi32, #tpu.memory_space<vmem>>, %arg7: memref<6x80xi32, #tpu.memory_space<vmem>>, %arg8: memref<4x80x128xf32, #tpu.memory_space<vmem>>, %arg9: memref<8x128xf32, #tpu.memory_space<vmem>>, %arg10: memref<10000x128xf32, #tpu.memory_space<vmem_shared>>, %arg11: memref<!tpu.dma_semaphore, #tpu.memory_space<semaphore_mem>>, %arg12: memref<!tpu.dma_semaphore, #tpu.memory_space<semaphore_mem>>, %arg13: memref<!tpu.dma_semaphore, #tpu.memory_space<semaphore_mem>>) attributes {dimension_semantics = [#tpu.dimension_semantics<core_parallel>, #tpu.dimension_semantics<subcore_parallel>], iteration_bounds = array<i64: 2, 16>, scalar_prefetch = 0 : i64, scratch_operands = 8 : i64, tpu.core_type = #tpu.core_type<sc_vector_subcore>, window_params = [{transform_indices = #map}, {transform_indices = #map1}, {transform_indices = #map1}, {transform_indices = #map}]} {
    %broadcast_in_dim3A = arith.constant 0.000000e+00 : f32
    %broadcast_in_dim3A_0 = vector.broadcast %broadcast_in_dim3A : f32 to vector<16xf32>
    %swap3A = arith.constant 0 : i32
    %swap3A_1 = arith.index_cast %swap3A : i32 to index
    %swap3A_2 = arith.constant 0 : index
    %swap3A_3 = tpu.vector_load %arg9[%swap3A_1, %swap3A_2] {strides = array<i32>} : memref<8x128xf32, #tpu.memory_space<vmem>>, vector<1x16xf32>,
    %swap3A_4 = vector.shape_cast %swap3A_3 : vector<1x16xf32> to vector<16xf32>
    %swap3A_5 = vector.shape_cast %broadcast_in_dim3A_0 : vector<16xf32> to vector<1x16xf32>
    tpu.vector_store %arg9[%swap3A_1, %swap3A_2], %swap3A_5 {strides = array<i32>} : memref<8x128xf32, #tpu.memory_space<vmem>>, vector<1x16xf32>,
    %swap3A_6 = arith.constant 0 : i32
    %swap3A_7 = arith.index_cast %swap3A_6 : i32 to index
    %swap3A_8 = arith.constant 16 : index
    %swap3A_9 = tpu.vector_load %arg9[%swap3A_7, %swap3A_8] {strides = array<i32>} : memref<8x128xf32, #tpu.memory_space<vmem>>, vector<1x16xf32>,
    %swap3A_10 = vector.shape_cast %swap3A_9 : vector<1x16xf32> to vector<16xf32>
    %swap3A_11 = vector.shape_cast %broadcast_in_dim3A_0 : vector<16xf32> to vector<1x16xf32>
    tpu.vector_store %arg9[%swap3A_7, %swap3A_8], %swap3A_11 {strides = array<i32>} : memref<8x128xf32, #tpu.memory_space<vmem>>, vector<1x16xf32>,
    %swap3A_12 = arith.constant 0 : i32
    %swap3A_13 = arith.index_cast %swap3A_12 : i32 to index
    %swap3A_14 = arith.constant 32 : index
    %swap3A_15 = tpu.vector_load %arg9[%swap3A_13, %swap3A_14] {strides = array<i32>} : memref<8x128xf32, #tpu.memory_space<vmem>>, vector<1x16xf32>,
    %swap3A_16 = vector.shape_cast %swap3A_15 : vector<1x16xf32> to vector<16xf32>
    %swap3A_17 = vector.shape_cast %broadcast_in_dim3A_0 : vector<16xf32> to vector<1x16xf32>
    tpu.vector_store %arg9[%swap3A_13, %swap3A_14], %swap3A_17 {strides = array<i32>} : memref<8x128xf32, #tpu.memory_space<vmem>>, vector<1x16xf32>,
    %swap3A_18 = arith.constant 0 : i32
    %swap3A_19 = arith.index_cast %swap3A_18 : i32 to index
    %swap3A_20 = arith.constant 48 : index
    %swap3A_21 = tpu.vector_load %arg9[%swap3A_19, %swap3A_20] {strides = array<i32>} : memref<8x128xf32, #tpu.memory_space<vmem>>, vector<1x16xf32>,
    %swap3A_22 = vector.shape_cast %swap3A_21 : vector<1x16xf32> to vector<16xf32>
    %swap3A_23 = vector.shape_cast %broadcast_in_dim3A_0 : vector<16xf32> to vector<1x16xf32>
    tpu.vector_store %arg9[%swap3A_19, %swap3A_20], %swap3A_23 {strides = array<i32>} : memref<8x128xf32, #tpu.memory_space<vmem>>, vector<1x16xf32>,
    %swap3A_24 = arith.constant 0 : i32
    %swap3A_25 = arith.index_cast %swap3A_24 : i32 to index
    %swap3A_26 = arith.constant 64 : index
    %swap3A_27 = tpu.vector_load %arg9[%swap3A_25, %swap3A_26] {strides = array<i32>} : memref<8x128xf32, #tpu.memory_space<vmem>>, vector<1x16xf32>,
    %swap3A_28 = vector.shape_cast %swap3A_27 : vector<1x16xf32> to vector<16xf32>
    %swap3A_29 = vector.shape_cast %broadcast_in_dim3A_0 : vector<16xf32> to vector<1x16xf32>
    tpu.vector_store %arg9[%swap3A_25, %swap3A_26], %swap3A_29 {strides = array<i32>} : memref<8x128xf32, #tpu.memory_space<vmem>>, vector<1x16xf32>,
    %swap3A_30 = arith.constant 0 : i32
    %swap3A_31 = arith.index_cast %swap3A_30 : i32 to index
    %swap3A_32 = arith.constant 80 : index
    %swap3A_33 = tpu.vector_load %arg9[%swap3A_31, %swap3A_32] {strides = array<i32>} : memref<8x128xf32, #tpu.memory_space<vmem>>, vector<1x16xf32>,
    %swap3A_34 = vector.shape_cast %swap3A_33 : vector<1x16xf32> to vector<16xf32>
    %swap3A_35 = vector.shape_cast %broadcast_in_dim3A_0 : vector<16xf32> to vector<1x16xf32>
    tpu.vector_store %arg9[%swap3A_31, %swap3A_32], %swap3A_35 {strides = array<i32>} : memref<8x128xf32, #tpu.memory_space<vmem>>, vector<1x16xf32>,
    %swap3A_36 = arith.constant 0 : i32
    %swap3A_37 = arith.index_cast %swap3A_36 : i32 to index
    %swap3A_38 = arith.constant 96 : index
    %swap3A_39 = tpu.vector_load %arg9[%swap3A_37, %swap3A_38] {strides = array<i32>} : memref<8x128xf32, #tpu.memory_space<vmem>>, vector<1x16xf32>,
    %swap3A_40 = vector.shape_cast %swap3A_39 : vector<1x16xf32> to vector<16xf32>
    %swap3A_41 = vector.shape_cast %broadcast_in_dim3A_0 : vector<16xf32> to vector<1x16xf32>
    tpu.vector_store %arg9[%swap3A_37, %swap3A_38], %swap3A_41 {strides = array<i32>} : memref<8x128xf32, #tpu.memory_space<vmem>>, vector<1x16xf32>,
    %swap3A_42 = arith.constant 0 : i32
    %swap3A_43 = arith.index_cast %swap3A_42 : i32 to index
    %swap3A_44 = arith.constant 112 : index
    %swap3A_45 = tpu.vector_load %arg9[%swap3A_43, %swap3A_44] {strides = array<i32>} : memref<8x128xf32, #tpu.memory_space<vmem>>, vector<1x16xf32>,
    %swap3A_46 = vector.shape_cast %swap3A_45 : vector<1x16xf32> to vector<16xf32>
    %swap3A_47 = vector.shape_cast %broadcast_in_dim3A_0 : vector<16xf32> to vector<1x16xf32>
    tpu.vector_store %arg9[%swap3A_43, %swap3A_44], %swap3A_47 {strides = array<i32>} : memref<8x128xf32, #tpu.memory_space<vmem>>, vector<1x16xf32>,
    %swap3A_48 = arith.constant 1 : i32
    %swap3A_49 = arith.index_cast %swap3A_48 : i32 to index
    %swap3A_50 = arith.constant 0 : index
    %swap3A_51 = tpu.vector_load %arg9[%swap3A_49, %swap3A_50] {strides = array<i32>} : memref<8x128xf32, #tpu.memory_space<vmem>>, vector<1x16xf32>,
    %swap3A_52 = vector.shape_cast %swap3A_51 : vector<1x16xf32> to vector<16xf32>
    %swap3A_53 = vector.shape_cast %broadcast_in_dim3A_0 : vector<16xf32> to vector<1x16xf32>
    tpu.vector_store %arg9[%swap3A_49, %swap3A_50], %swap3A_53 {strides = array<i32>} : memref<8x128xf32, #tpu.memory_space<vmem>>, vector<1x16xf32>,
    %swap3A_54 = arith.constant 1 : i32
    %swap3A_55 = arith.index_cast %swap3A_54 : i32 to index
    %swap3A_56 = arith.constant 16 : index
    %swap3A_57 = tpu.vector_load %arg9[%swap3A_55, %swap3A_56] {strides = array<i32>} : memref<8x128xf32, #tpu.memory_space<vmem>>, vector<1x16xf32>,
    %swap3A_58 = vector.shape_cast %swap3A_57 : vector<1x16xf32> to vector<16xf32>
    %swap3A_59 = vector.shape_cast %broadcast_in_dim3A_0 : vector<16xf32> to vector<1x16xf32>
    tpu.vector_store %arg9[%swap3A_55, %swap3A_56], %swap3A_59 {strides = array<i32>} : memref<8x128xf32, #tpu.memory_space<vmem>>, vector<1x16xf32>,
    %swap3A_60 = arith.constant 1 : i32
    %swap3A_61 = arith.index_cast %swap3A_60 : i32 to index
    %swap3A_62 = arith.constant 32 : index
    %swap3A_63 = tpu.vector_load %arg9[%swap3A_61, %swap3A_62] {strides = array<i32>} : memref<8x128xf32, #tpu.memory_space<vmem>>, vector<1x16xf32>,
    %swap3A_64 = vector.shape_cast %swap3A_63 : vector<1x16xf32> to vector<16xf32>
    %swap3A_65 = vector.shape_cast %broadcast_in_dim3A_0 : vector<16xf32> to vector<1x16xf32>
    tpu.vector_store %arg9[%swap3A_61, %swap3A_62], %swap3A_65 {strides = array<i32>} : memref<8x128xf32, #tpu.memory_space<vmem>>, vector<1x16xf32>,
    %swap3A_66 = arith.constant 1 : i32
    %swap3A_67 = arith.index_cast %swap3A_66 : i32 to index
    %swap3A_68 = arith.constant 48 : index
    %swap3A_69 = tpu.vector_load %arg9[%swap3A_67, %swap3A_68] {strides = array<i32>} : memref<8x128xf32, #tpu.memory_space<vmem>>, vector<1x16xf32>,
    %swap3A_70 = vector.shape_cast %swap3A_69 : vector<1x16xf32> to vector<16xf32>
    %swap3A_71 = vector.shape_cast %broadcast_in_dim3A_0 : vector<16xf32> to vector<1x16xf32>
    tpu.vector_store %arg9[%swap3A_67, %swap3A_68], %swap3A_71 {strides = array<i32>} : memref<8x128xf32, #tpu.memory_space<vmem>>, vector<1x16xf32>,
    %swap3A_72 = arith.constant 1 : i32
    %swap3A_73 = arith.index_cast %swap3A_72 : i32 to index
    %swap3A_74 = arith.constant 64 : index
    %swap3A_75 = tpu.vector_load %arg9[%swap3A_73, %swap3A_74] {strides = array<i32>} : memref<8x128xf32, #tpu.memory_space<vmem>>, vector<1x16xf32>,
    %swap3A_76 = vector.shape_cast %swap3A_75 : vector<1x16xf32> to vector<16xf32>
    %swap3A_77 = vector.shape_cast %broadcast_in_dim3A_0 : vector<16xf32> to vector<1x16xf32>
    tpu.vector_store %arg9[%swap3A_73, %swap3A_74], %swap3A_77 {strides = array<i32>} : memref<8x128xf32, #tpu.memory_space<vmem>>, vector<1x16xf32>,
    %swap3A_78 = arith.constant 1 : i32
    %swap3A_79 = arith.index_cast %swap3A_78 : i32 to index
    %swap3A_80 = arith.constant 80 : index
    %swap3A_81 = tpu.vector_load %arg9[%swap3A_79, %swap3A_80] {strides = array<i32>} : memref<8x128xf32, #tpu.memory_space<vmem>>, vector<1x16xf32>,
    %swap3A_82 = vector.shape_cast %swap3A_81 : vector<1x16xf32> to vector<16xf32>
    %swap3A_83 = vector.shape_cast %broadcast_in_dim3A_0 : vector<16xf32> to vector<1x16xf32>
    tpu.vector_store %arg9[%swap3A_79, %swap3A_80], %swap3A_83 {strides = array<i32>} : memref<8x128xf32, #tpu.memory_space<vmem>>, vector<1x16xf32>,
    %swap3A_84 = arith.constant 1 : i32
    %swap3A_85 = arith.index_cast %swap3A_84 : i32 to index
    %swap3A_86 = arith.constant 96 : index
    %swap3A_87 = tpu.vector_load %arg9[%swap3A_85, %swap3A_86] {strides = array<i32>} : memref<8x128xf32, #tpu.memory_space<vmem>>, vector<1x16xf32>,
    %swap3A_88 = vector.shape_cast %swap3A_87 : vector<1x16xf32> to vector<16xf32>
    %swap3A_89 = vector.shape_cast %broadcast_in_dim3A_0 : vector<16xf32> to vector<1x16xf32>
    tpu.vector_store %arg9[%swap3A_85, %swap3A_86], %swap3A_89 {strides = array<i32>} : memref<8x128xf32, #tpu.memory_space<vmem>>, vector<1x16xf32>,
    %swap3A_90 = arith.constant 1 : i32
    %swap3A_91 = arith.index_cast %swap3A_90 : i32 to index
    %swap3A_92 = arith.constant 112 : index
    %swap3A_93 = tpu.vector_load %arg9[%swap3A_91, %swap3A_92] {strides = array<i32>} : memref<8x128xf32, #tpu.memory_space<vmem>>, vector<1x16xf32>,
    %swap3A_94 = vector.shape_cast %swap3A_93 : vector<1x16xf32> to vector<16xf32>
    %swap3A_95 = vector.shape_cast %broadcast_in_dim3A_0 : vector<16xf32> to vector<1x16xf32>
    tpu.vector_store %arg9[%swap3A_91, %swap3A_92], %swap3A_95 {strides = array<i32>} : memref<8x128xf32, #tpu.memory_space<vmem>>, vector<1x16xf32>,
    %swap3A_96 = arith.constant 2 : i32
    %swap3A_97 = arith.index_cast %swap3A_96 : i32 to index
    %swap3A_98 = arith.constant 0 : index
    %swap3A_99 = tpu.vector_load %arg9[%swap3A_97, %swap3A_98] {strides = array<i32>} : memref<8x128xf32, #tpu.memory_space<vmem>>, vector<1x16xf32>,
    %swap3A_100 = vector.shape_cast %swap3A_99 : vector<1x16xf32> to vector<16xf32>
    %swap3A_101 = vector.shape_cast %broadcast_in_dim3A_0 : vector<16xf32> to vector<1x16xf32>
    tpu.vector_store %arg9[%swap3A_97, %swap3A_98], %swap3A_101 {strides = array<i32>} : memref<8x128xf32, #tpu.memory_space<vmem>>, vector<1x16xf32>,
    %swap3A_102 = arith.constant 2 : i32
    %swap3A_103 = arith.index_cast %swap3A_102 : i32 to index
    %swap3A_104 = arith.constant 16 : index
    %swap3A_105 = tpu.vector_load %arg9[%swap3A_103, %swap3A_104] {strides = array<i32>} : memref<8x128xf32, #tpu.memory_space<vmem>>, vector<1x16xf32>,
    %swap3A_106 = vector.shape_cast %swap3A_105 : vector<1x16xf32> to vector<16xf32>
    %swap3A_107 = vector.shape_cast %broadcast_in_dim3A_0 : vector<16xf32> to vector<1x16xf32>
    tpu.vector_store %arg9[%swap3A_103, %swap3A_104], %swap3A_107 {strides = array<i32>} : memref<8x128xf32, #tpu.memory_space<vmem>>, vector<1x16xf32>,
    %swap3A_108 = arith.constant 2 : i32
    %swap3A_109 = arith.index_cast %swap3A_108 : i32 to index
    %swap3A_110 = arith.constant 32 : index
    %swap3A_111 = tpu.vector_load %arg9[%swap3A_109, %swap3A_110] {strides = array<i32>} : memref<8x128xf32, #tpu.memory_space<vmem>>, vector<1x16xf32>,
    %swap3A_112 = vector.shape_cast %swap3A_111 : vector<1x16xf32> to vector<16xf32>
    %swap3A_113 = vector.shape_cast %broadcast_in_dim3A_0 : vector<16xf32> to vector<1x16xf32>
    tpu.vector_store %arg9[%swap3A_109, %swap3A_110], %swap3A_113 {strides = array<i32>} : memref<8x128xf32, #tpu.memory_space<vmem>>, vector<1x16xf32>,
    %swap3A_114 = arith.constant 2 : i32
    %swap3A_115 = arith.index_cast %swap3A_114 : i32 to index
    %swap3A_116 = arith.constant 48 : index
    %swap3A_117 = tpu.vector_load %arg9[%swap3A_115, %swap3A_116] {strides = array<i32>} : memref<8x128xf32, #tpu.memory_space<vmem>>, vector<1x16xf32>,
    %swap3A_118 = vector.shape_cast %swap3A_117 : vector<1x16xf32> to vector<16xf32>
    %swap3A_119 = vector.shape_cast %broadcast_in_dim3A_0 : vector<16xf32> to vector<1x16xf32>
    tpu.vector_store %arg9[%swap3A_115, %swap3A_116], %swap3A_119 {strides = array<i32>} : memref<8x128xf32, #tpu.memory_space<vmem>>, vector<1x16xf32>,
    %swap3A_120 = arith.constant 2 : i32
    %swap3A_121 = arith.index_cast %swap3A_120 : i32 to index
    %swap3A_122 = arith.constant 64 : index
    %swap3A_123 = tpu.vector_load %arg9[%swap3A_121, %swap3A_122] {strides = array<i32>} : memref<8x128xf32, #tpu.memory_space<vmem>>, vector<1x16xf32>,
    %swap3A_124 = vector.shape_cast %swap3A_123 : vector<1x16xf32> to vector<16xf32>
    %swap3A_125 = vector.shape_cast %broadcast_in_dim3A_0 : vector<16xf32> to vector<1x16xf32>
    tpu.vector_store %arg9[%swap3A_121, %swap3A_122], %swap3A_125 {strides = array<i32>} : memref<8x128xf32, #tpu.memory_space<vmem>>, vector<1x16xf32>,
    %swap3A_126 = arith.constant 2 : i32
    %swap3A_127 = arith.index_cast %swap3A_126 : i32 to index
    %swap3A_128 = arith.constant 80 : index
    %swap3A_129 = tpu.vector_load %arg9[%swap3A_127, %swap3A_128] {strides = array<i32>} : memref<8x128xf32, #tpu.memory_space<vmem>>, vector<1x16xf32>,
    %swap3A_130 = vector.shape_cast %swap3A_129 : vector<1x16xf32> to vector<16xf32>
    %swap3A_131 = vector.shape_cast %broadcast_in_dim3A_0 : vector<16xf32> to vector<1x16xf32>
    tpu.vector_store %arg9[%swap3A_127, %swap3A_128], %swap3A_131 {strides = array<i32>} : memref<8x128xf32, #tpu.memory_space<vmem>>, vector<1x16xf32>,
    %swap3A_132 = arith.constant 2 : i32
    %swap3A_133 = arith.index_cast %swap3A_132 : i32 to index
    %swap3A_134 = arith.constant 96 : index
    %swap3A_135 = tpu.vector_load %arg9[%swap3A_133, %swap3A_134] {strides = array<i32>} : memref<8x128xf32, #tpu.memory_space<vmem>>, vector<1x16xf32>,
    %swap3A_136 = vector.shape_cast %swap3A_135 : vector<1x16xf32> to vector<16xf32>
    %swap3A_137 = vector.shape_cast %broadcast_in_dim3A_0 : vector<16xf32> to vector<1x16xf32>
    tpu.vector_store %arg9[%swap3A_133, %swap3A_134], %swap3A_137 {strides = array<i32>} : memref<8x128xf32, #tpu.memory_space<vmem>>, vector<1x16xf32>,
    %swap3A_138 = arith.constant 2 : i32
    %swap3A_139 = arith.index_cast %swap3A_138 : i32 to index
    %swap3A_140 = arith.constant 112 : index
    %swap3A_141 = tpu.vector_load %arg9[%swap3A_139, %swap3A_140] {strides = array<i32>} : memref<8x128xf32, #tpu.memory_space<vmem>>, vector<1x16xf32>,
    %swap3A_142 = vector.shape_cast %swap3A_141 : vector<1x16xf32> to vector<16xf32>
    %swap3A_143 = vector.shape_cast %broadcast_in_dim3A_0 : vector<16xf32> to vector<1x16xf32>
    tpu.vector_store %arg9[%swap3A_139, %swap3A_140], %swap3A_143 {strides = array<i32>} : memref<8x128xf32, #tpu.memory_space<vmem>>, vector<1x16xf32>,
    %swap3A_144 = arith.constant 3 : i32
    %swap3A_145 = arith.index_cast %swap3A_144 : i32 to index
    %swap3A_146 = arith.constant 0 : index
    %swap3A_147 = tpu.vector_load %arg9[%swap3A_145, %swap3A_146] {strides = array<i32>} : memref<8x128xf32, #tpu.memory_space<vmem>>, vector<1x16xf32>,
    %swap3A_148 = vector.shape_cast %swap3A_147 : vector<1x16xf32> to vector<16xf32>
    %swap3A_149 = vector.shape_cast %broadcast_in_dim3A_0 : vector<16xf32> to vector<1x16xf32>
    tpu.vector_store %arg9[%swap3A_145, %swap3A_146], %swap3A_149 {strides = array<i32>} : memref<8x128xf32, #tpu.memory_space<vmem>>, vector<1x16xf32>,
    %swap3A_150 = arith.constant 3 : i32
    %swap3A_151 = arith.index_cast %swap3A_150 : i32 to index
    %swap3A_152 = arith.constant 16 : index
    %swap3A_153 = tpu.vector_load %arg9[%swap3A_151, %swap3A_152] {strides = array<i32>} : memref<8x128xf32, #tpu.memory_space<vmem>>, vector<1x16xf32>,
    %swap3A_154 = vector.shape_cast %swap3A_153 : vector<1x16xf32> to vector<16xf32>
    %swap3A_155 = vector.shape_cast %broadcast_in_dim3A_0 : vector<16xf32> to vector<1x16xf32>
    tpu.vector_store %arg9[%swap3A_151, %swap3A_152], %swap3A_155 {strides = array<i32>} : memref<8x128xf32, #tpu.memory_space<vmem>>, vector<1x16xf32>,
    %swap3A_156 = arith.constant 3 : i32
    %swap3A_157 = arith.index_cast %swap3A_156 : i32 to index
    %swap3A_158 = arith.constant 32 : index
    %swap3A_159 = tpu.vector_load %arg9[%swap3A_157, %swap3A_158] {strides = array<i32>} : memref<8x128xf32, #tpu.memory_space<vmem>>, vector<1x16xf32>,
    %swap3A_160 = vector.shape_cast %swap3A_159 : vector<1x16xf32> to vector<16xf32>
    %swap3A_161 = vector.shape_cast %broadcast_in_dim3A_0 : vector<16xf32> to vector<1x16xf32>
    tpu.vector_store %arg9[%swap3A_157, %swap3A_158], %swap3A_161 {strides = array<i32>} : memref<8x128xf32, #tpu.memory_space<vmem>>, vector<1x16xf32>,
    %swap3A_162 = arith.constant 3 : i32
    %swap3A_163 = arith.index_cast %swap3A_162 : i32 to index
    %swap3A_164 = arith.constant 48 : index
    %swap3A_165 = tpu.vector_load %arg9[%swap3A_163, %swap3A_164] {strides = array<i32>} : memref<8x128xf32, #tpu.memory_space<vmem>>, vector<1x16xf32>,
    %swap3A_166 = vector.shape_cast %swap3A_165 : vector<1x16xf32> to vector<16xf32>
    %swap3A_167 = vector.shape_cast %broadcast_in_dim3A_0 : vector<16xf32> to vector<1x16xf32>
    tpu.vector_store %arg9[%swap3A_163, %swap3A_164], %swap3A_167 {strides = array<i32>} : memref<8x128xf32, #tpu.memory_space<vmem>>, vector<1x16xf32>,
    %swap3A_168 = arith.constant 3 : i32
    %swap3A_169 = arith.index_cast %swap3A_168 : i32 to index
    %swap3A_170 = arith.constant 64 : index
    %swap3A_171 = tpu.vector_load %arg9[%swap3A_169, %swap3A_170] {strides = array<i32>} : memref<8x128xf32, #tpu.memory_space<vmem>>, vector<1x16xf32>,
    %swap3A_172 = vector.shape_cast %swap3A_171 : vector<1x16xf32> to vector<16xf32>
    %swap3A_173 = vector.shape_cast %broadcast_in_dim3A_0 : vector<16xf32> to vector<1x16xf32>
    tpu.vector_store %arg9[%swap3A_169, %swap3A_170], %swap3A_173 {strides = array<i32>} : memref<8x128xf32, #tpu.memory_space<vmem>>, vector<1x16xf32>,
    %swap3A_174 = arith.constant 3 : i32
    %swap3A_175 = arith.index_cast %swap3A_174 : i32 to index
    %swap3A_176 = arith.constant 80 : index
    %swap3A_177 = tpu.vector_load %arg9[%swap3A_175, %swap3A_176] {strides = array<i32>} : memref<8x128xf32, #tpu.memory_space<vmem>>, vector<1x16xf32>,
    %swap3A_178 = vector.shape_cast %swap3A_177 : vector<1x16xf32> to vector<16xf32>
    %swap3A_179 = vector.shape_cast %broadcast_in_dim3A_0 : vector<16xf32> to vector<1x16xf32>
    tpu.vector_store %arg9[%swap3A_175, %swap3A_176], %swap3A_179 {strides = array<i32>} : memref<8x128xf32, #tpu.memory_space<vmem>>, vector<1x16xf32>,
    %swap3A_180 = arith.constant 3 : i32
    %swap3A_181 = arith.index_cast %swap3A_180 : i32 to index
    %swap3A_182 = arith.constant 96 : index
    %swap3A_183 = tpu.vector_load %arg9[%swap3A_181, %swap3A_182] {strides = array<i32>} : memref<8x128xf32, #tpu.memory_space<vmem>>, vector<1x16xf32>,
    %swap3A_184 = vector.shape_cast %swap3A_183 : vector<1x16xf32> to vector<16xf32>
    %swap3A_185 = vector.shape_cast %broadcast_in_dim3A_0 : vector<16xf32> to vector<1x16xf32>
    tpu.vector_store %arg9[%swap3A_181, %swap3A_182], %swap3A_185 {strides = array<i32>} : memref<8x128xf32, #tpu.memory_space<vmem>>, vector<1x16xf32>,
    %swap3A_186 = arith.constant 3 : i32
    %swap3A_187 = arith.index_cast %swap3A_186 : i32 to index
    %swap3A_188 = arith.constant 112 : index
    %swap3A_189 = tpu.vector_load %arg9[%swap3A_187, %swap3A_188] {strides = array<i32>} : memref<8x128xf32, #tpu.memory_space<vmem>>, vector<1x16xf32>,
    %swap3A_190 = vector.shape_cast %swap3A_189 : vector<1x16xf32> to vector<16xf32>
    %swap3A_191 = vector.shape_cast %broadcast_in_dim3A_0 : vector<16xf32> to vector<1x16xf32>
    tpu.vector_store %arg9[%swap3A_187, %swap3A_188], %swap3A_191 {strides = array<i32>} : memref<8x128xf32, #tpu.memory_space<vmem>>, vector<1x16xf32>,
    %swap3A_192 = arith.constant 4 : i32
    %swap3A_193 = arith.index_cast %swap3A_192 : i32 to index
    %swap3A_194 = arith.constant 0 : index
    %swap3A_195 = tpu.vector_load %arg9[%swap3A_193, %swap3A_194] {strides = array<i32>} : memref<8x128xf32, #tpu.memory_space<vmem>>, vector<1x16xf32>,
    %swap3A_196 = vector.shape_cast %swap3A_195 : vector<1x16xf32> to vector<16xf32>
    %swap3A_197 = vector.shape_cast %broadcast_in_dim3A_0 : vector<16xf32> to vector<1x16xf32>
    tpu.vector_store %arg9[%swap3A_193, %swap3A_194], %swap3A_197 {strides = array<i32>} : memref<8x128xf32, #tpu.memory_space<vmem>>, vector<1x16xf32>,
    %swap3A_198 = arith.constant 4 : i32
    %swap3A_199 = arith.index_cast %swap3A_198 : i32 to index
    %swap3A_200 = arith.constant 16 : index
    %swap3A_201 = tpu.vector_load %arg9[%swap3A_199, %swap3A_200] {strides = array<i32>} : memref<8x128xf32, #tpu.memory_space<vmem>>, vector<1x16xf32>,
    %swap3A_202 = vector.shape_cast %swap3A_201 : vector<1x16xf32> to vector<16xf32>
    %swap3A_203 = vector.shape_cast %broadcast_in_dim3A_0 : vector<16xf32> to vector<1x16xf32>
    tpu.vector_store %arg9[%swap3A_199, %swap3A_200], %swap3A_203 {strides = array<i32>} : memref<8x128xf32, #tpu.memory_space<vmem>>, vector<1x16xf32>,
    %swap3A_204 = arith.constant 4 : i32
    %swap3A_205 = arith.index_cast %swap3A_204 : i32 to index
    %swap3A_206 = arith.constant 32 : index
    %swap3A_207 = tpu.vector_load %arg9[%swap3A_205, %swap3A_206] {strides = array<i32>} : memref<8x128xf32, #tpu.memory_space<vmem>>, vector<1x16xf32>,
    %swap3A_208 = vector.shape_cast %swap3A_207 : vector<1x16xf32> to vector<16xf32>
    %swap3A_209 = vector.shape_cast %broadcast_in_dim3A_0 : vector<16xf32> to vector<1x16xf32>
    tpu.vector_store %arg9[%swap3A_205, %swap3A_206], %swap3A_209 {strides = array<i32>} : memref<8x128xf32, #tpu.memory_space<vmem>>, vector<1x16xf32>,
    %swap3A_210 = arith.constant 4 : i32
    %swap3A_211 = arith.index_cast %swap3A_210 : i32 to index
    %swap3A_212 = arith.constant 48 : index
    %swap3A_213 = tpu.vector_load %arg9[%swap3A_211, %swap3A_212] {strides = array<i32>} : memref<8x128xf32, #tpu.memory_space<vmem>>, vector<1x16xf32>,
    %swap3A_214 = vector.shape_cast %swap3A_213 : vector<1x16xf32> to vector<16xf32>
    %swap3A_215 = vector.shape_cast %broadcast_in_dim3A_0 : vector<16xf32> to vector<1x16xf32>
    tpu.vector_store %arg9[%swap3A_211, %swap3A_212], %swap3A_215 {strides = array<i32>} : memref<8x128xf32, #tpu.memory_space<vmem>>, vector<1x16xf32>,
    %swap3A_216 = arith.constant 4 : i32
    %swap3A_217 = arith.index_cast %swap3A_216 : i32 to index
    %swap3A_218 = arith.constant 64 : index
    %swap3A_219 = tpu.vector_load %arg9[%swap3A_217, %swap3A_218] {strides = array<i32>} : memref<8x128xf32, #tpu.memory_space<vmem>>, vector<1x16xf32>,
    %swap3A_220 = vector.shape_cast %swap3A_219 : vector<1x16xf32> to vector<16xf32>
    %swap3A_221 = vector.shape_cast %broadcast_in_dim3A_0 : vector<16xf32> to vector<1x16xf32>
    tpu.vector_store %arg9[%swap3A_217, %swap3A_218], %swap3A_221 {strides = array<i32>} : memref<8x128xf32, #tpu.memory_space<vmem>>, vector<1x16xf32>,
    %swap3A_222 = arith.constant 4 : i32
    %swap3A_223 = arith.index_cast %swap3A_222 : i32 to index
    %swap3A_224 = arith.constant 80 : index
    %swap3A_225 = tpu.vector_load %arg9[%swap3A_223, %swap3A_224] {strides = array<i32>} : memref<8x128xf32, #tpu.memory_space<vmem>>, vector<1x16xf32>,
    %swap3A_226 = vector.shape_cast %swap3A_225 : vector<1x16xf32> to vector<16xf32>
    %swap3A_227 = vector.shape_cast %broadcast_in_dim3A_0 : vector<16xf32> to vector<1x16xf32>
    tpu.vector_store %arg9[%swap3A_223, %swap3A_224], %swap3A_227 {strides = array<i32>} : memref<8x128xf32, #tpu.memory_space<vmem>>, vector<1x16xf32>,
    %swap3A_228 = arith.constant 4 : i32
    %swap3A_229 = arith.index_cast %swap3A_228 : i32 to index
    %swap3A_230 = arith.constant 96 : index
    %swap3A_231 = tpu.vector_load %arg9[%swap3A_229, %swap3A_230] {strides = array<i32>} : memref<8x128xf32, #tpu.memory_space<vmem>>, vector<1x16xf32>,
    %swap3A_232 = vector.shape_cast %swap3A_231 : vector<1x16xf32> to vector<16xf32>
    %swap3A_233 = vector.shape_cast %broadcast_in_dim3A_0 : vector<16xf32> to vector<1x16xf32>
    tpu.vector_store %arg9[%swap3A_229, %swap3A_230], %swap3A_233 {strides = array<i32>} : memref<8x128xf32, #tpu.memory_space<vmem>>, vector<1x16xf32>,
    %swap3A_234 = arith.constant 4 : i32
    %swap3A_235 = arith.index_cast %swap3A_234 : i32 to index
    %swap3A_236 = arith.constant 112 : index
    %swap3A_237 = tpu.vector_load %arg9[%swap3A_235, %swap3A_236] {strides = array<i32>} : memref<8x128xf32, #tpu.memory_space<vmem>>, vector<1x16xf32>,
    %swap3A_238 = vector.shape_cast %swap3A_237 : vector<1x16xf32> to vector<16xf32>
    %swap3A_239 = vector.shape_cast %broadcast_in_dim3A_0 : vector<16xf32> to vector<1x16xf32>
    tpu.vector_store %arg9[%swap3A_235, %swap3A_236], %swap3A_239 {strides = array<i32>} : memref<8x128xf32, #tpu.memory_space<vmem>>, vector<1x16xf32>,
    %swap3A_240 = arith.constant 5 : i32
    %swap3A_241 = arith.index_cast %swap3A_240 : i32 to index
    %swap3A_242 = arith.constant 0 : index
    %swap3A_243 = tpu.vector_load %arg9[%swap3A_241, %swap3A_242] {strides = array<i32>} : memref<8x128xf32, #tpu.memory_space<vmem>>, vector<1x16xf32>,
    %swap3A_244 = vector.shape_cast %swap3A_243 : vector<1x16xf32> to vector<16xf32>
    %swap3A_245 = vector.shape_cast %broadcast_in_dim3A_0 : vector<16xf32> to vector<1x16xf32>
    tpu.vector_store %arg9[%swap3A_241, %swap3A_242], %swap3A_245 {strides = array<i32>} : memref<8x128xf32, #tpu.memory_space<vmem>>, vector<1x16xf32>,
    %swap3A_246 = arith.constant 5 : i32
    %swap3A_247 = arith.index_cast %swap3A_246 : i32 to index
    %swap3A_248 = arith.constant 16 : index
    %swap3A_249 = tpu.vector_load %arg9[%swap3A_247, %swap3A_248] {strides = array<i32>} : memref<8x128xf32, #tpu.memory_space<vmem>>, vector<1x16xf32>,
    %swap3A_250 = vector.shape_cast %swap3A_249 : vector<1x16xf32> to vector<16xf32>
    %swap3A_251 = vector.shape_cast %broadcast_in_dim3A_0 : vector<16xf32> to vector<1x16xf32>
    tpu.vector_store %arg9[%swap3A_247, %swap3A_248], %swap3A_251 {strides = array<i32>} : memref<8x128xf32, #tpu.memory_space<vmem>>, vector<1x16xf32>,
    %swap3A_252 = arith.constant 5 : i32
    %swap3A_253 = arith.index_cast %swap3A_252 : i32 to index
    %swap3A_254 = arith.constant 32 : index
    %swap3A_255 = tpu.vector_load %arg9[%swap3A_253, %swap3A_254] {strides = array<i32>} : memref<8x128xf32, #tpu.memory_space<vmem>>, vector<1x16xf32>,
    %swap3A_256 = vector.shape_cast %swap3A_255 : vector<1x16xf32> to vector<16xf32>
    %swap3A_257 = vector.shape_cast %broadcast_in_dim3A_0 : vector<16xf32> to vector<1x16xf32>
    tpu.vector_store %arg9[%swap3A_253, %swap3A_254], %swap3A_257 {strides = array<i32>} : memref<8x128xf32, #tpu.memory_space<vmem>>, vector<1x16xf32>,
    %swap3A_258 = arith.constant 5 : i32
    %swap3A_259 = arith.index_cast %swap3A_258 : i32 to index
    %swap3A_260 = arith.constant 48 : index
    %swap3A_261 = tpu.vector_load %arg9[%swap3A_259, %swap3A_260] {strides = array<i32>} : memref<8x128xf32, #tpu.memory_space<vmem>>, vector<1x16xf32>,
    %swap3A_262 = vector.shape_cast %swap3A_261 : vector<1x16xf32> to vector<16xf32>
    %swap3A_263 = vector.shape_cast %broadcast_in_dim3A_0 : vector<16xf32> to vector<1x16xf32>
    tpu.vector_store %arg9[%swap3A_259, %swap3A_260], %swap3A_263 {strides = array<i32>} : memref<8x128xf32, #tpu.memory_space<vmem>>, vector<1x16xf32>,
    %swap3A_264 = arith.constant 5 : i32
    %swap3A_265 = arith.index_cast %swap3A_264 : i32 to index
    %swap3A_266 = arith.constant 64 : index
    %swap3A_267 = tpu.vector_load %arg9[%swap3A_265, %swap3A_266] {strides = array<i32>} : memref<8x128xf32, #tpu.memory_space<vmem>>, vector<1x16xf32>,
    %swap3A_268 = vector.shape_cast %swap3A_267 : vector<1x16xf32> to vector<16xf32>
    %swap3A_269 = vector.shape_cast %broadcast_in_dim3A_0 : vector<16xf32> to vector<1x16xf32>
    tpu.vector_store %arg9[%swap3A_265, %swap3A_266], %swap3A_269 {strides = array<i32>} : memref<8x128xf32, #tpu.memory_space<vmem>>, vector<1x16xf32>,
    %swap3A_270 = arith.constant 5 : i32
    %swap3A_271 = arith.index_cast %swap3A_270 : i32 to index
    %swap3A_272 = arith.constant 80 : index
    %swap3A_273 = tpu.vector_load %arg9[%swap3A_271, %swap3A_272] {strides = array<i32>} : memref<8x128xf32, #tpu.memory_space<vmem>>, vector<1x16xf32>,
    %swap3A_274 = vector.shape_cast %swap3A_273 : vector<1x16xf32> to vector<16xf32>
    %swap3A_275 = vector.shape_cast %broadcast_in_dim3A_0 : vector<16xf32> to vector<1x16xf32>
    tpu.vector_store %arg9[%swap3A_271, %swap3A_272], %swap3A_275 {strides = array<i32>} : memref<8x128xf32, #tpu.memory_space<vmem>>, vector<1x16xf32>,
    %swap3A_276 = arith.constant 5 : i32
    %swap3A_277 = arith.index_cast %swap3A_276 : i32 to index
    %swap3A_278 = arith.constant 96 : index
    %swap3A_279 = tpu.vector_load %arg9[%swap3A_277, %swap3A_278] {strides = array<i32>} : memref<8x128xf32, #tpu.memory_space<vmem>>, vector<1x16xf32>,
    %swap3A_280 = vector.shape_cast %swap3A_279 : vector<1x16xf32> to vector<16xf32>
    %swap3A_281 = vector.shape_cast %broadcast_in_dim3A_0 : vector<16xf32> to vector<1x16xf32>
    tpu.vector_store %arg9[%swap3A_277, %swap3A_278], %swap3A_281 {strides = array<i32>} : memref<8x128xf32, #tpu.memory_space<vmem>>, vector<1x16xf32>,
    %swap3A_282 = arith.constant 5 : i32
    %swap3A_283 = arith.index_cast %swap3A_282 : i32 to index
    %swap3A_284 = arith.constant 112 : index
    %swap3A_285 = tpu.vector_load %arg9[%swap3A_283, %swap3A_284] {strides = array<i32>} : memref<8x128xf32, #tpu.memory_space<vmem>>, vector<1x16xf32>,
    %swap3A_286 = vector.shape_cast %swap3A_285 : vector<1x16xf32> to vector<16xf32>
    %swap3A_287 = vector.shape_cast %broadcast_in_dim3A_0 : vector<16xf32> to vector<1x16xf32>
    tpu.vector_store %arg9[%swap3A_283, %swap3A_284], %swap3A_287 {strides = array<i32>} : memref<8x128xf32, #tpu.memory_space<vmem>>, vector<1x16xf32>,
    %swap3A_288 = arith.constant 6 : i32
    %swap3A_289 = arith.index_cast %swap3A_288 : i32 to index
    %swap3A_290 = arith.constant 0 : index
    %swap3A_291 = tpu.vector_load %arg9[%swap3A_289, %swap3A_290] {strides = array<i32>} : memref<8x128xf32, #tpu.memory_space<vmem>>, vector<1x16xf32>,
    %swap3A_292 = vector.shape_cast %swap3A_291 : vector<1x16xf32> to vector<16xf32>
    %swap3A_293 = vector.shape_cast %broadcast_in_dim3A_0 : vector<16xf32> to vector<1x16xf32>
    tpu.vector_store %arg9[%swap3A_289, %swap3A_290], %swap3A_293 {strides = array<i32>} : memref<8x128xf32, #tpu.memory_space<vmem>>, vector<1x16xf32>,
    %swap3A_294 = arith.constant 6 : i32
    %swap3A_295 = arith.index_cast %swap3A_294 : i32 to index
    %swap3A_296 = arith.constant 16 : index
    %swap3A_297 = tpu.vector_load %arg9[%swap3A_295, %swap3A_296] {strides = array<i32>} : memref<8x128xf32, #tpu.memory_space<vmem>>, vector<1x16xf32>,
    %swap3A_298 = vector.shape_cast %swap3A_297 : vector<1x16xf32> to vector<16xf32>
    %swap3A_299 = vector.shape_cast %broadcast_in_dim3A_0 : vector<16xf32> to vector<1x16xf32>
    tpu.vector_store %arg9[%swap3A_295, %swap3A_296], %swap3A_299 {strides = array<i32>} : memref<8x128xf32, #tpu.memory_space<vmem>>, vector<1x16xf32>,
    %swap3A_300 = arith.constant 6 : i32
    %swap3A_301 = arith.index_cast %swap3A_300 : i32 to index
    %swap3A_302 = arith.constant 32 : index
    %swap3A_303 = tpu.vector_load %arg9[%swap3A_301, %swap3A_302] {strides = array<i32>} : memref<8x128xf32, #tpu.memory_space<vmem>>, vector<1x16xf32>,
    %swap3A_304 = vector.shape_cast %swap3A_303 : vector<1x16xf32> to vector<16xf32>
    %swap3A_305 = vector.shape_cast %broadcast_in_dim3A_0 : vector<16xf32> to vector<1x16xf32>
    tpu.vector_store %arg9[%swap3A_301, %swap3A_302], %swap3A_305 {strides = array<i32>} : memref<8x128xf32, #tpu.memory_space<vmem>>, vector<1x16xf32>,
    %swap3A_306 = arith.constant 6 : i32
    %swap3A_307 = arith.index_cast %swap3A_306 : i32 to index
    %swap3A_308 = arith.constant 48 : index
    %swap3A_309 = tpu.vector_load %arg9[%swap3A_307, %swap3A_308] {strides = array<i32>} : memref<8x128xf32, #tpu.memory_space<vmem>>, vector<1x16xf32>,
    %swap3A_310 = vector.shape_cast %swap3A_309 : vector<1x16xf32> to vector<16xf32>
    %swap3A_311 = vector.shape_cast %broadcast_in_dim3A_0 : vector<16xf32> to vector<1x16xf32>
    tpu.vector_store %arg9[%swap3A_307, %swap3A_308], %swap3A_311 {strides = array<i32>} : memref<8x128xf32, #tpu.memory_space<vmem>>, vector<1x16xf32>,
    %swap3A_312 = arith.constant 6 : i32
    %swap3A_313 = arith.index_cast %swap3A_312 : i32 to index
    %swap3A_314 = arith.constant 64 : index
    %swap3A_315 = tpu.vector_load %arg9[%swap3A_313, %swap3A_314] {strides = array<i32>} : memref<8x128xf32, #tpu.memory_space<vmem>>, vector<1x16xf32>,
    %swap3A_316 = vector.shape_cast %swap3A_315 : vector<1x16xf32> to vector<16xf32>
    %swap3A_317 = vector.shape_cast %broadcast_in_dim3A_0 : vector<16xf32> to vector<1x16xf32>
    tpu.vector_store %arg9[%swap3A_313, %swap3A_314], %swap3A_317 {strides = array<i32>} : memref<8x128xf32, #tpu.memory_space<vmem>>, vector<1x16xf32>,
    %swap3A_318 = arith.constant 6 : i32
    %swap3A_319 = arith.index_cast %swap3A_318 : i32 to index
    %swap3A_320 = arith.constant 80 : index
    %swap3A_321 = tpu.vector_load %arg9[%swap3A_319, %swap3A_320] {strides = array<i32>} : memref<8x128xf32, #tpu.memory_space<vmem>>, vector<1x16xf32>,
    %swap3A_322 = vector.shape_cast %swap3A_321 : vector<1x16xf32> to vector<16xf32>
    %swap3A_323 = vector.shape_cast %broadcast_in_dim3A_0 : vector<16xf32> to vector<1x16xf32>
    tpu.vector_store %arg9[%swap3A_319, %swap3A_320], %swap3A_323 {strides = array<i32>} : memref<8x128xf32, #tpu.memory_space<vmem>>, vector<1x16xf32>,
    %swap3A_324 = arith.constant 6 : i32
    %swap3A_325 = arith.index_cast %swap3A_324 : i32 to index
    %swap3A_326 = arith.constant 96 : index
    %swap3A_327 = tpu.vector_load %arg9[%swap3A_325, %swap3A_326] {strides = array<i32>} : memref<8x128xf32, #tpu.memory_space<vmem>>, vector<1x16xf32>,
    %swap3A_328 = vector.shape_cast %swap3A_327 : vector<1x16xf32> to vector<16xf32>
    %swap3A_329 = vector.shape_cast %broadcast_in_dim3A_0 : vector<16xf32> to vector<1x16xf32>
    tpu.vector_store %arg9[%swap3A_325, %swap3A_326], %swap3A_329 {strides = array<i32>} : memref<8x128xf32, #tpu.memory_space<vmem>>, vector<1x16xf32>,
    %swap3A_330 = arith.constant 6 : i32
    %swap3A_331 = arith.index_cast %swap3A_330 : i32 to index
    %swap3A_332 = arith.constant 112 : index
    %swap3A_333 = tpu.vector_load %arg9[%swap3A_331, %swap3A_332] {strides = array<i32>} : memref<8x128xf32, #tpu.memory_space<vmem>>, vector<1x16xf32>,
    %swap3A_334 = vector.shape_cast %swap3A_333 : vector<1x16xf32> to vector<16xf32>
    %swap3A_335 = vector.shape_cast %broadcast_in_dim3A_0 : vector<16xf32> to vector<1x16xf32>
    tpu.vector_store %arg9[%swap3A_331, %swap3A_332], %swap3A_335 {strides = array<i32>} : memref<8x128xf32, #tpu.memory_space<vmem>>, vector<1x16xf32>,
    %swap3A_336 = arith.constant 7 : i32
    %swap3A_337 = arith.index_cast %swap3A_336 : i32 to index
    %swap3A_338 = arith.constant 0 : index
    %swap3A_339 = tpu.vector_load %arg9[%swap3A_337, %swap3A_338] {strides = array<i32>} : memref<8x128xf32, #tpu.memory_space<vmem>>, vector<1x16xf32>,
    %swap3A_340 = vector.shape_cast %swap3A_339 : vector<1x16xf32> to vector<16xf32>
    %swap3A_341 = vector.shape_cast %broadcast_in_dim3A_0 : vector<16xf32> to vector<1x16xf32>
    tpu.vector_store %arg9[%swap3A_337, %swap3A_338], %swap3A_341 {strides = array<i32>} : memref<8x128xf32, #tpu.memory_space<vmem>>, vector<1x16xf32>,
    %swap3A_342 = arith.constant 7 : i32
    %swap3A_343 = arith.index_cast %swap3A_342 : i32 to index
    %swap3A_344 = arith.constant 16 : index
    %swap3A_345 = tpu.vector_load %arg9[%swap3A_343, %swap3A_344] {strides = array<i32>} : memref<8x128xf32, #tpu.memory_space<vmem>>, vector<1x16xf32>,
    %swap3A_346 = vector.shape_cast %swap3A_345 : vector<1x16xf32> to vector<16xf32>
    %swap3A_347 = vector.shape_cast %broadcast_in_dim3A_0 : vector<16xf32> to vector<1x16xf32>
    tpu.vector_store %arg9[%swap3A_343, %swap3A_344], %swap3A_347 {strides = array<i32>} : memref<8x128xf32, #tpu.memory_space<vmem>>, vector<1x16xf32>,
    %swap3A_348 = arith.constant 7 : i32
    %swap3A_349 = arith.index_cast %swap3A_348 : i32 to index
    %swap3A_350 = arith.constant 32 : index
    %swap3A_351 = tpu.vector_load %arg9[%swap3A_349, %swap3A_350] {strides = array<i32>} : memref<8x128xf32, #tpu.memory_space<vmem>>, vector<1x16xf32>,
    %swap3A_352 = vector.shape_cast %swap3A_351 : vector<1x16xf32> to vector<16xf32>
    %swap3A_353 = vector.shape_cast %broadcast_in_dim3A_0 : vector<16xf32> to vector<1x16xf32>
    tpu.vector_store %arg9[%swap3A_349, %swap3A_350], %swap3A_353 {strides = array<i32>} : memref<8x128xf32, #tpu.memory_space<vmem>>, vector<1x16xf32>,
    %swap3A_354 = arith.constant 7 : i32
    %swap3A_355 = arith.index_cast %swap3A_354 : i32 to index
    %swap3A_356 = arith.constant 48 : index
    %swap3A_357 = tpu.vector_load %arg9[%swap3A_355, %swap3A_356] {strides = array<i32>} : memref<8x128xf32, #tpu.memory_space<vmem>>, vector<1x16xf32>,
    %swap3A_358 = vector.shape_cast %swap3A_357 : vector<1x16xf32> to vector<16xf32>
    %swap3A_359 = vector.shape_cast %broadcast_in_dim3A_0 : vector<16xf32> to vector<1x16xf32>
    tpu.vector_store %arg9[%swap3A_355, %swap3A_356], %swap3A_359 {strides = array<i32>} : memref<8x128xf32, #tpu.memory_space<vmem>>, vector<1x16xf32>,
    %swap3A_360 = arith.constant 7 : i32
    %swap3A_361 = arith.index_cast %swap3A_360 : i32 to index
    %swap3A_362 = arith.constant 64 : index
    %swap3A_363 = tpu.vector_load %arg9[%swap3A_361, %swap3A_362] {strides = array<i32>} : memref<8x128xf32, #tpu.memory_space<vmem>>, vector<1x16xf32>,
    %swap3A_364 = vector.shape_cast %swap3A_363 : vector<1x16xf32> to vector<16xf32>
    %swap3A_365 = vector.shape_cast %broadcast_in_dim3A_0 : vector<16xf32> to vector<1x16xf32>
    tpu.vector_store %arg9[%swap3A_361, %swap3A_362], %swap3A_365 {strides = array<i32>} : memref<8x128xf32, #tpu.memory_space<vmem>>, vector<1x16xf32>,
    %swap3A_366 = arith.constant 7 : i32
    %swap3A_367 = arith.index_cast %swap3A_366 : i32 to index
    %swap3A_368 = arith.constant 80 : index
    %swap3A_369 = tpu.vector_load %arg9[%swap3A_367, %swap3A_368] {strides = array<i32>} : memref<8x128xf32, #tpu.memory_space<vmem>>, vector<1x16xf32>,
    %swap3A_370 = vector.shape_cast %swap3A_369 : vector<1x16xf32> to vector<16xf32>
    %swap3A_371 = vector.shape_cast %broadcast_in_dim3A_0 : vector<16xf32> to vector<1x16xf32>
    tpu.vector_store %arg9[%swap3A_367, %swap3A_368], %swap3A_371 {strides = array<i32>} : memref<8x128xf32, #tpu.memory_space<vmem>>, vector<1x16xf32>,
    %swap3A_372 = arith.constant 7 : i32
    %swap3A_373 = arith.index_cast %swap3A_372 : i32 to index
    %swap3A_374 = arith.constant 96 : index
    %swap3A_375 = tpu.vector_load %arg9[%swap3A_373, %swap3A_374] {strides = array<i32>} : memref<8x128xf32, #tpu.memory_space<vmem>>, vector<1x16xf32>,
    %swap3A_376 = vector.shape_cast %swap3A_375 : vector<1x16xf32> to vector<16xf32>
    %swap3A_377 = vector.shape_cast %broadcast_in_dim3A_0 : vector<16xf32> to vector<1x16xf32>
    tpu.vector_store %arg9[%swap3A_373, %swap3A_374], %swap3A_377 {strides = array<i32>} : memref<8x128xf32, #tpu.memory_space<vmem>>, vector<1x16xf32>,
    %swap3A_378 = arith.constant 7 : i32
    %swap3A_379 = arith.index_cast %swap3A_378 : i32 to index
    %swap3A_380 = arith.constant 112 : index
    %swap3A_381 = tpu.vector_load %arg9[%swap3A_379, %swap3A_380] {strides = array<i32>} : memref<8x128xf32, #tpu.memory_space<vmem>>, vector<1x16xf32>,
    %swap3A_382 = vector.shape_cast %swap3A_381 : vector<1x16xf32> to vector<16xf32>
    %swap3A_383 = vector.shape_cast %broadcast_in_dim3A_0 : vector<16xf32> to vector<1x16xf32>
    tpu.vector_store %arg9[%swap3A_379, %swap3A_380], %swap3A_383 {strides = array<i32>} : memref<8x128xf32, #tpu.memory_space<vmem>>, vector<1x16xf32>,
    %mul3A = arith.constant 625 : i32
    %mul3A_384 = arith.muli %arg1, %mul3A : i32
    %jit3A = arith.constant 8 : i32
    %div3A = arith.divsi %mul3A_384, %jit3A : i32
    %sign3A = arith.constant 0 : i32
    %sign3A_385 = arith.cmpi sgt, %mul3A_384, %sign3A : i32
    %sign3A_386 = arith.extui %sign3A_385 : i1 to i32
    %sign3A_387 = arith.constant 0 : i32
    %sign3A_388 = arith.cmpi slt, %mul3A_384, %sign3A_387 : i32
    %sign3A_389 = arith.extui %sign3A_388 : i1 to i32
    %sign3A_390 = arith.subi %sign3A_386, %sign3A_389 : i32
    %sign3A_391 = arith.constant 0 : i32
    %sign3A_392 = arith.cmpi sgt, %jit3A, %sign3A_391 : i32
    %sign3A_393 = arith.extui %sign3A_392 : i1 to i32
    %sign3A_394 = arith.constant 0 : i32
    %sign3A_395 = arith.cmpi slt, %jit3A, %sign3A_394 : i32
    %sign3A_396 = arith.extui %sign3A_395 : i1 to i32
    %sign3A_397 = arith.subi %sign3A_393, %sign3A_396 : i32
    %ne3A = arith.cmpi ne, %sign3A_390, %sign3A_397 : i32
    %rem3A = arith.remsi %mul3A_384, %jit3A : i32
    %ne3A_398 = arith.constant 0 : i32
    %ne3A_399 = arith.cmpi ne, %rem3A, %ne3A_398 : i32
    %and3A = arith.andi %ne3A, %ne3A_399 : i1
    %sub3A = arith.constant 1 : i32
    %sub3A_400 = arith.subi %div3A, %sub3A : i32
    %select_n3A = arith.select %and3A, %sub3A_400, %div3A : i32
    %mul3A_401 = arith.constant 8 : i32
    %mul3A_402 = arith.muli %select_n3A, %mul3A_401 : i32
    %scan3A = arith.constant 0 : i32
    %scan3A_403 = arith.constant 0 : i32
    %scan3A_404 = arith.constant 79 : i32
    %scan3A_405 = arith.addi %scan3A_403, %scan3A_404 : i32
    %scan3A_406 = arith.constant 1 : i32
    scf.for %scan3A_608 = %scan3A_403 to %scan3A_405 step %scan3A_406  : i32 {
      %mul3A_609 = arith.constant 8 : i32
      %mul3A_610 = arith.muli %scan3A_608, %mul3A_609 : i32
      %add3A_611 = arith.addi %mul3A_402, %mul3A_610 : i32
      "tpu.region"() ({
        %run_scoped3A = tpu.sem_alloc : memref<!tpu.dma_semaphore, #tpu.memory_space<semaphore_mem>>
        %dma_start3A_612 = arith.constant 0 : i32
        %dma_start3A_613 = tpu.memref_slice %arg10[%add3A_611, %dma_start3A_612] : memref<10000x128xf32, #tpu.memory_space<vmem_shared>> -> memref<8x128xf32, #tpu.memory_space<vmem_shared>>
        %dma_start3A_614 = arith.constant 0 : i32
        %dma_start3A_615 = tpu.memref_slice %arg10[%add3A_611, %dma_start3A_614] : memref<10000x128xf32, #tpu.memory_space<vmem_shared>> -> memref<8x128xf32, #tpu.memory_space<vmem_shared>>
        tpu.enqueue_dma source(%arg9 : memref<8x128xf32, #tpu.memory_space<vmem>>) target(%dma_start3A_615 : memref<8x128xf32, #tpu.memory_space<vmem_shared>>) target_semaphore(%run_scoped3A : memref<!tpu.dma_semaphore, #tpu.memory_space<semaphore_mem>>)
        %dma_wait3A_616 = arith.constant 0 : i32
        %dma_wait3A_617 = tpu.memref_slice %arg10[%add3A_611, %dma_wait3A_616] : memref<10000x128xf32, #tpu.memory_space<vmem_shared>> -> memref<8x128xf32, #tpu.memory_space<vmem_shared>>
        %dma_wait3A_618 = arith.constant 0 : i32
        %dma_wait3A_619 = tpu.memref_slice %arg10[%add3A_611, %dma_wait3A_618] : memref<10000x128xf32, #tpu.memory_space<vmem_shared>> -> memref<8x128xf32, #tpu.memory_space<vmem_shared>>
        tpu.wait_dma2 semaphore(%run_scoped3A : memref<!tpu.dma_semaphore, #tpu.memory_space<semaphore_mem>>) src(%arg9 : memref<8x128xf32, #tpu.memory_space<vmem>>) dst(%dma_wait3A_619 : memref<8x128xf32, #tpu.memory_space<vmem_shared>>)
        tpu.yield
      }) : () -> ()
    }
    %scan3A_407 = arith.constant 79 : i32
    %barrier3A = arith.constant 0 : index
    tpu.barrier barrier_id(%barrier3A)
    %mul3A_408 = arith.constant 320000 : i32
    %mul3A_409 = arith.muli %arg0, %mul3A_408 : i32
    %mul3A_410 = arith.constant 20000 : i32
    %mul3A_411 = arith.muli %arg1, %mul3A_410 : i32
    %add3A = arith.addi %mul3A_409, %mul3A_411 : i32
    %mul3A_412 = arith.constant 20000 : i32
    %mul3A_413 = arith.muli %arg1, %mul3A_412 : i32
    %add3A_414 = arith.constant 0 : i32
    %add3A_415 = arith.addi %add3A, %add3A_414 : i32
    %dma_start3A = arith.constant 0 : i32
    %dma_start3A_416 = arith.constant 0 : i32
    %dma_start3A_417 = tpu.memref_slice %arg6[%dma_start3A, %dma_start3A_416] : memref<6x80xi32, #tpu.memory_space<vmem>> -> memref<1x80xi32, #tpu.memory_space<vmem>>
    %dma_start3A_418 = tpu.memref_squeeze %dma_start3A_417 : memref<1x80xi32, #tpu.memory_space<vmem>> -> memref<80xi32, #tpu.memory_space<vmem>>
    %dma_start3A_419 = tpu.memref_slice %arg3[%add3A_415] : memref<640000xi32, #tpu.memory_space<hbm>> -> memref<80xi32, #tpu.memory_space<hbm>>
    %dma_start3A_420 = arith.constant 0 : i32
    %dma_start3A_421 = tpu.memref_slice %arg6[%dma_start3A, %dma_start3A_420] : memref<6x80xi32, #tpu.memory_space<vmem>> -> memref<1x80xi32, #tpu.memory_space<vmem>>
    %dma_start3A_422 = tpu.memref_squeeze %dma_start3A_421 : memref<1x80xi32, #tpu.memory_space<vmem>> -> memref<80xi32, #tpu.memory_space<vmem>>
    %dma_start3A_423 = tpu.memref_slice %arg3[%add3A_415] : memref<640000xi32, #tpu.memory_space<hbm>> -> memref<80xi32, #tpu.memory_space<hbm>>
    tpu.enqueue_dma source(%dma_start3A_423 : memref<80xi32, #tpu.memory_space<hbm>>) target(%dma_start3A_422 : memref<80xi32, #tpu.memory_space<vmem>>) target_semaphore(%arg11 : memref<!tpu.dma_semaphore, #tpu.memory_space<semaphore_mem>>)
    %add3A_424 = arith.constant 0 : i32
    %add3A_425 = arith.addi %mul3A_413, %add3A_424 : i32
    %dma_start3A_426 = arith.constant 0 : i32
    %dma_start3A_427 = arith.constant 0 : i32
    %dma_start3A_428 = tpu.memref_slice %arg7[%dma_start3A_426, %dma_start3A_427] : memref<6x80xi32, #tpu.memory_space<vmem>> -> memref<1x80xi32, #tpu.memory_space<vmem>>
    %dma_start3A_429 = tpu.memref_squeeze %dma_start3A_428 : memref<1x80xi32, #tpu.memory_space<vmem>> -> memref<80xi32, #tpu.memory_space<vmem>>
    %dma_start3A_430 = tpu.memref_slice %arg4[%add3A_425] : memref<320000xi32, #tpu.memory_space<hbm>> -> memref<80xi32, #tpu.memory_space<hbm>>
    %dma_start3A_431 = arith.constant 0 : i32
    %dma_start3A_432 = tpu.memref_slice %arg7[%dma_start3A_426, %dma_start3A_431] : memref<6x80xi32, #tpu.memory_space<vmem>> -> memref<1x80xi32, #tpu.memory_space<vmem>>
    %dma_start3A_433 = tpu.memref_squeeze %dma_start3A_432 : memref<1x80xi32, #tpu.memory_space<vmem>> -> memref<80xi32, #tpu.memory_space<vmem>>
    %dma_start3A_434 = tpu.memref_slice %arg4[%add3A_425] : memref<320000xi32, #tpu.memory_space<hbm>> -> memref<80xi32, #tpu.memory_space<hbm>>
    tpu.enqueue_dma source(%dma_start3A_434 : memref<80xi32, #tpu.memory_space<hbm>>) target(%dma_start3A_433 : memref<80xi32, #tpu.memory_space<vmem>>) target_semaphore(%arg11 : memref<!tpu.dma_semaphore, #tpu.memory_space<semaphore_mem>>)
    %add3A_435 = arith.constant 80 : i32
    %add3A_436 = arith.addi %add3A, %add3A_435 : i32
    %dma_start3A_437 = arith.constant 1 : i32
    %dma_start3A_438 = arith.constant 0 : i32
    %dma_start3A_439 = tpu.memref_slice %arg6[%dma_start3A_437, %dma_start3A_438] : memref<6x80xi32, #tpu.memory_space<vmem>> -> memref<1x80xi32, #tpu.memory_space<vmem>>
    %dma_start3A_440 = tpu.memref_squeeze %dma_start3A_439 : memref<1x80xi32, #tpu.memory_space<vmem>> -> memref<80xi32, #tpu.memory_space<vmem>>
    %dma_start3A_441 = tpu.memref_slice %arg3[%add3A_436] : memref<640000xi32, #tpu.memory_space<hbm>> -> memref<80xi32, #tpu.memory_space<hbm>>
    %dma_start3A_442 = arith.constant 0 : i32
    %dma_start3A_443 = tpu.memref_slice %arg6[%dma_start3A_437, %dma_start3A_442] : memref<6x80xi32, #tpu.memory_space<vmem>> -> memref<1x80xi32, #tpu.memory_space<vmem>>
    %dma_start3A_444 = tpu.memref_squeeze %dma_start3A_443 : memref<1x80xi32, #tpu.memory_space<vmem>> -> memref<80xi32, #tpu.memory_space<vmem>>
    %dma_start3A_445 = tpu.memref_slice %arg3[%add3A_436] : memref<640000xi32, #tpu.memory_space<hbm>> -> memref<80xi32, #tpu.memory_space<hbm>>
    tpu.enqueue_dma source(%dma_start3A_445 : memref<80xi32, #tpu.memory_space<hbm>>) target(%dma_start3A_444 : memref<80xi32, #tpu.memory_space<vmem>>) target_semaphore(%arg11 : memref<!tpu.dma_semaphore, #tpu.memory_space<semaphore_mem>>)
    %add3A_446 = arith.constant 80 : i32
    %add3A_447 = arith.addi %mul3A_413, %add3A_446 : i32
    %dma_start3A_448 = arith.constant 1 : i32
    %dma_start3A_449 = arith.constant 0 : i32
    %dma_start3A_450 = tpu.memref_slice %arg7[%dma_start3A_448, %dma_start3A_449] : memref<6x80xi32, #tpu.memory_space<vmem>> -> memref<1x80xi32, #tpu.memory_space<vmem>>
    %dma_start3A_451 = tpu.memref_squeeze %dma_start3A_450 : memref<1x80xi32, #tpu.memory_space<vmem>> -> memref<80xi32, #tpu.memory_space<vmem>>
    %dma_start3A_452 = tpu.memref_slice %arg4[%add3A_447] : memref<320000xi32, #tpu.memory_space<hbm>> -> memref<80xi32, #tpu.memory_space<hbm>>
    %dma_start3A_453 = arith.constant 0 : i32
    %dma_start3A_454 = tpu.memref_slice %arg7[%dma_start3A_448, %dma_start3A_453] : memref<6x80xi32, #tpu.memory_space<vmem>> -> memref<1x80xi32, #tpu.memory_space<vmem>>
    %dma_start3A_455 = tpu.memref_squeeze %dma_start3A_454 : memref<1x80xi32, #tpu.memory_space<vmem>> -> memref<80xi32, #tpu.memory_space<vmem>>
    %dma_start3A_456 = tpu.memref_slice %arg4[%add3A_447] : memref<320000xi32, #tpu.memory_space<hbm>> -> memref<80xi32, #tpu.memory_space<hbm>>
    tpu.enqueue_dma source(%dma_start3A_456 : memref<80xi32, #tpu.memory_space<hbm>>) target(%dma_start3A_455 : memref<80xi32, #tpu.memory_space<vmem>>) target_semaphore(%arg11 : memref<!tpu.dma_semaphore, #tpu.memory_space<semaphore_mem>>)
    %add3A_457 = arith.constant 160 : i32
    %add3A_458 = arith.addi %add3A, %add3A_457 : i32
    %dma_start3A_459 = arith.constant 2 : i32
    %dma_start3A_460 = arith.constant 0 : i32
    %dma_start3A_461 = tpu.memref_slice %arg6[%dma_start3A_459, %dma_start3A_460] : memref<6x80xi32, #tpu.memory_space<vmem>> -> memref<1x80xi32, #tpu.memory_space<vmem>>
    %dma_start3A_462 = tpu.memref_squeeze %dma_start3A_461 : memref<1x80xi32, #tpu.memory_space<vmem>> -> memref<80xi32, #tpu.memory_space<vmem>>
    %dma_start3A_463 = tpu.memref_slice %arg3[%add3A_458] : memref<640000xi32, #tpu.memory_space<hbm>> -> memref<80xi32, #tpu.memory_space<hbm>>
    %dma_start3A_464 = arith.constant 0 : i32
    %dma_start3A_465 = tpu.memref_slice %arg6[%dma_start3A_459, %dma_start3A_464] : memref<6x80xi32, #tpu.memory_space<vmem>> -> memref<1x80xi32, #tpu.memory_space<vmem>>
    %dma_start3A_466 = tpu.memref_squeeze %dma_start3A_465 : memref<1x80xi32, #tpu.memory_space<vmem>> -> memref<80xi32, #tpu.memory_space<vmem>>
    %dma_start3A_467 = tpu.memref_slice %arg3[%add3A_458] : memref<640000xi32, #tpu.memory_space<hbm>> -> memref<80xi32, #tpu.memory_space<hbm>>
    tpu.enqueue_dma source(%dma_start3A_467 : memref<80xi32, #tpu.memory_space<hbm>>) target(%dma_start3A_466 : memref<80xi32, #tpu.memory_space<vmem>>) target_semaphore(%arg11 : memref<!tpu.dma_semaphore, #tpu.memory_space<semaphore_mem>>)
    %add3A_468 = arith.constant 160 : i32
    %add3A_469 = arith.addi %mul3A_413, %add3A_468 : i32
    %dma_start3A_470 = arith.constant 2 : i32
    %dma_start3A_471 = arith.constant 0 : i32
    %dma_start3A_472 = tpu.memref_slice %arg7[%dma_start3A_470, %dma_start3A_471] : memref<6x80xi32, #tpu.memory_space<vmem>> -> memref<1x80xi32, #tpu.memory_space<vmem>>
    %dma_start3A_473 = tpu.memref_squeeze %dma_start3A_472 : memref<1x80xi32, #tpu.memory_space<vmem>> -> memref<80xi32, #tpu.memory_space<vmem>>
    %dma_start3A_474 = tpu.memref_slice %arg4[%add3A_469] : memref<320000xi32, #tpu.memory_space<hbm>> -> memref<80xi32, #tpu.memory_space<hbm>>
    %dma_start3A_475 = arith.constant 0 : i32
    %dma_start3A_476 = tpu.memref_slice %arg7[%dma_start3A_470, %dma_start3A_475] : memref<6x80xi32, #tpu.memory_space<vmem>> -> memref<1x80xi32, #tpu.memory_space<vmem>>
    %dma_start3A_477 = tpu.memref_squeeze %dma_start3A_476 : memref<1x80xi32, #tpu.memory_space<vmem>> -> memref<80xi32, #tpu.memory_space<vmem>>
    %dma_start3A_478 = tpu.memref_slice %arg4[%add3A_469] : memref<320000xi32, #tpu.memory_space<hbm>> -> memref<80xi32, #tpu.memory_space<hbm>>
    tpu.enqueue_dma source(%dma_start3A_478 : memref<80xi32, #tpu.memory_space<hbm>>) target(%dma_start3A_477 : memref<80xi32, #tpu.memory_space<vmem>>) target_semaphore(%arg11 : memref<!tpu.dma_semaphore, #tpu.memory_space<semaphore_mem>>)
    %add3A_479 = arith.constant 240 : i32
    %add3A_480 = arith.addi %add3A, %add3A_479 : i32
    %dma_start3A_481 = arith.constant 3 : i32
    %dma_start3A_482 = arith.constant 0 : i32
    %dma_start3A_483 = tpu.memref_slice %arg6[%dma_start3A_481, %dma_start3A_482] : memref<6x80xi32, #tpu.memory_space<vmem>> -> memref<1x80xi32, #tpu.memory_space<vmem>>
    %dma_start3A_484 = tpu.memref_squeeze %dma_start3A_483 : memref<1x80xi32, #tpu.memory_space<vmem>> -> memref<80xi32, #tpu.memory_space<vmem>>
    %dma_start3A_485 = tpu.memref_slice %arg3[%add3A_480] : memref<640000xi32, #tpu.memory_space<hbm>> -> memref<80xi32, #tpu.memory_space<hbm>>
    %dma_start3A_486 = arith.constant 0 : i32
    %dma_start3A_487 = tpu.memref_slice %arg6[%dma_start3A_481, %dma_start3A_486] : memref<6x80xi32, #tpu.memory_space<vmem>> -> memref<1x80xi32, #tpu.memory_space<vmem>>
    %dma_start3A_488 = tpu.memref_squeeze %dma_start3A_487 : memref<1x80xi32, #tpu.memory_space<vmem>> -> memref<80xi32, #tpu.memory_space<vmem>>
    %dma_start3A_489 = tpu.memref_slice %arg3[%add3A_480] : memref<640000xi32, #tpu.memory_space<hbm>> -> memref<80xi32, #tpu.memory_space<hbm>>
    tpu.enqueue_dma source(%dma_start3A_489 : memref<80xi32, #tpu.memory_space<hbm>>) target(%dma_start3A_488 : memref<80xi32, #tpu.memory_space<vmem>>) target_semaphore(%arg11 : memref<!tpu.dma_semaphore, #tpu.memory_space<semaphore_mem>>)
    %add3A_490 = arith.constant 240 : i32
    %add3A_491 = arith.addi %mul3A_413, %add3A_490 : i32
    %dma_start3A_492 = arith.constant 3 : i32
    %dma_start3A_493 = arith.constant 0 : i32
    %dma_start3A_494 = tpu.memref_slice %arg7[%dma_start3A_492, %dma_start3A_493] : memref<6x80xi32, #tpu.memory_space<vmem>> -> memref<1x80xi32, #tpu.memory_space<vmem>>
    %dma_start3A_495 = tpu.memref_squeeze %dma_start3A_494 : memref<1x80xi32, #tpu.memory_space<vmem>> -> memref<80xi32, #tpu.memory_space<vmem>>
    %dma_start3A_496 = tpu.memref_slice %arg4[%add3A_491] : memref<320000xi32, #tpu.memory_space<hbm>> -> memref<80xi32, #tpu.memory_space<hbm>>
    %dma_start3A_497 = arith.constant 0 : i32
    %dma_start3A_498 = tpu.memref_slice %arg7[%dma_start3A_492, %dma_start3A_497] : memref<6x80xi32, #tpu.memory_space<vmem>> -> memref<1x80xi32, #tpu.memory_space<vmem>>
    %dma_start3A_499 = tpu.memref_squeeze %dma_start3A_498 : memref<1x80xi32, #tpu.memory_space<vmem>> -> memref<80xi32, #tpu.memory_space<vmem>>
    %dma_start3A_500 = tpu.memref_slice %arg4[%add3A_491] : memref<320000xi32, #tpu.memory_space<hbm>> -> memref<80xi32, #tpu.memory_space<hbm>>
    tpu.enqueue_dma source(%dma_start3A_500 : memref<80xi32, #tpu.memory_space<hbm>>) target(%dma_start3A_499 : memref<80xi32, #tpu.memory_space<vmem>>) target_semaphore(%arg11 : memref<!tpu.dma_semaphore, #tpu.memory_space<semaphore_mem>>)
    %dma_wait3A = arith.constant 0 : i32
    %dma_wait3A_501 = arith.constant 0 : i32
    %dma_wait3A_502 = tpu.memref_slice %arg6[%dma_wait3A, %dma_wait3A_501] : memref<6x80xi32, #tpu.memory_space<vmem>> -> memref<1x80xi32, #tpu.memory_space<vmem>>
    %dma_wait3A_503 = tpu.memref_squeeze %dma_wait3A_502 : memref<1x80xi32, #tpu.memory_space<vmem>> -> memref<80xi32, #tpu.memory_space<vmem>>
    %dma_wait3A_504 = arith.constant 0 : i32
    %dma_wait3A_505 = tpu.memref_slice %arg3[%dma_wait3A_504] : memref<640000xi32, #tpu.memory_space<hbm>> -> memref<80xi32, #tpu.memory_space<hbm>>
    %dma_wait3A_506 = arith.constant 0 : i32
    %dma_wait3A_507 = tpu.memref_slice %arg6[%dma_wait3A, %dma_wait3A_506] : memref<6x80xi32, #tpu.memory_space<vmem>> -> memref<1x80xi32, #tpu.memory_space<vmem>>
    %dma_wait3A_508 = tpu.memref_squeeze %dma_wait3A_507 : memref<1x80xi32, #tpu.memory_space<vmem>> -> memref<80xi32, #tpu.memory_space<vmem>>
    %dma_wait3A_509 = arith.constant 0 : i32
    %dma_wait3A_510 = tpu.memref_slice %arg3[%dma_wait3A_509] : memref<640000xi32, #tpu.memory_space<hbm>> -> memref<80xi32, #tpu.memory_space<hbm>>
    tpu.wait_dma2 semaphore(%arg11 : memref<!tpu.dma_semaphore, #tpu.memory_space<semaphore_mem>>) src(%dma_wait3A_510 : memref<80xi32, #tpu.memory_space<hbm>>) dst(%dma_wait3A_508 : memref<80xi32, #tpu.memory_space<vmem>>)
    %dma_wait3A_511 = arith.constant 0 : i32
    %dma_wait3A_512 = arith.constant 0 : i32
    %dma_wait3A_513 = tpu.memref_slice %arg7[%dma_wait3A_511, %dma_wait3A_512] : memref<6x80xi32, #tpu.memory_space<vmem>> -> memref<1x80xi32, #tpu.memory_space<vmem>>
    %dma_wait3A_514 = tpu.memref_squeeze %dma_wait3A_513 : memref<1x80xi32, #tpu.memory_space<vmem>> -> memref<80xi32, #tpu.memory_space<vmem>>
    %dma_wait3A_515 = arith.constant 0 : i32
    %dma_wait3A_516 = tpu.memref_slice %arg4[%dma_wait3A_515] : memref<320000xi32, #tpu.memory_space<hbm>> -> memref<80xi32, #tpu.memory_space<hbm>>
    %dma_wait3A_517 = arith.constant 0 : i32
    %dma_wait3A_518 = tpu.memref_slice %arg7[%dma_wait3A_511, %dma_wait3A_517] : memref<6x80xi32, #tpu.memory_space<vmem>> -> memref<1x80xi32, #tpu.memory_space<vmem>>
    %dma_wait3A_519 = tpu.memref_squeeze %dma_wait3A_518 : memref<1x80xi32, #tpu.memory_space<vmem>> -> memref<80xi32, #tpu.memory_space<vmem>>
    %dma_wait3A_520 = arith.constant 0 : i32
    %dma_wait3A_521 = tpu.memref_slice %arg4[%dma_wait3A_520] : memref<320000xi32, #tpu.memory_space<hbm>> -> memref<80xi32, #tpu.memory_space<hbm>>
    tpu.wait_dma2 semaphore(%arg11 : memref<!tpu.dma_semaphore, #tpu.memory_space<semaphore_mem>>) src(%dma_wait3A_521 : memref<80xi32, #tpu.memory_space<hbm>>) dst(%dma_wait3A_519 : memref<80xi32, #tpu.memory_space<vmem>>)
    %dma_start3A_522 = arith.constant 0 : i32
    %dma_start3A_523 = arith.constant 0 : i32
    %dma_start3A_524 = arith.constant 0 : i32
    %dma_start3A_525 = arith.constant 0 : i32
    %dma_start3A_526 = tpu.memref_slice %arg8[%dma_start3A_523, %dma_start3A_524, %dma_start3A_525] : memref<4x80x128xf32, #tpu.memory_space<vmem>> -> memref<1x80x128xf32, #tpu.memory_space<vmem>>
    %dma_start3A_527 = tpu.memref_squeeze %dma_start3A_526 : memref<1x80x128xf32, #tpu.memory_space<vmem>> -> memref<80x128xf32, #tpu.memory_space<vmem>>
    %dma_start3A_528 = arith.constant 0 : i32
    %dma_start3A_529 = tpu.memref_slice %arg6[%dma_start3A_522, %dma_start3A_528] : memref<6x80xi32, #tpu.memory_space<vmem>> -> memref<1x80xi32, #tpu.memory_space<vmem>>
    %dma_start3A_530 = tpu.memref_squeeze %dma_start3A_529 : memref<1x80xi32, #tpu.memory_space<vmem>> -> memref<80xi32, #tpu.memory_space<vmem>>
    %dma_start3A_531 = arith.constant 0 : i32
    %dma_start3A_532 = arith.constant 0 : i32
    %dma_start3A_533 = tpu.memref_slice %arg2[%dma_start3A_531, %dma_start3A_532] : memref<20000x128xf32, #tpu.memory_space<hbm>> -> memref<20000x128xf32, #tpu.memory_space<hbm>>
    tpu.enqueue_indirect_dma source(%dma_start3A_533 : memref<20000x128xf32, #tpu.memory_space<hbm>>) target(%dma_start3A_527 : memref<80x128xf32, #tpu.memory_space<vmem>>) offsets(%dma_start3A_530 : memref<80xi32, #tpu.memory_space<vmem>>) semaphore(%arg12 : memref<!tpu.dma_semaphore, #tpu.memory_space<semaphore_mem>>)
    %dma_wait3A_534 = arith.constant 1 : i32
    %dma_wait3A_535 = arith.constant 0 : i32
    %dma_wait3A_536 = tpu.memref_slice %arg6[%dma_wait3A_534, %dma_wait3A_535] : memref<6x80xi32, #tpu.memory_space<vmem>> -> memref<1x80xi32, #tpu.memory_space<vmem>>
    %dma_wait3A_537 = tpu.memref_squeeze %dma_wait3A_536 : memref<1x80xi32, #tpu.memory_space<vmem>> -> memref<80xi32, #tpu.memory_space<vmem>>
    %dma_wait3A_538 = arith.constant 0 : i32
    %dma_wait3A_539 = tpu.memref_slice %arg3[%dma_wait3A_538] : memref<640000xi32, #tpu.memory_space<hbm>> -> memref<80xi32, #tpu.memory_space<hbm>>
    %dma_wait3A_540 = arith.constant 0 : i32
    %dma_wait3A_541 = tpu.memref_slice %arg6[%dma_wait3A_534, %dma_wait3A_540] : memref<6x80xi32, #tpu.memory_space<vmem>> -> memref<1x80xi32, #tpu.memory_space<vmem>>
    %dma_wait3A_542 = tpu.memref_squeeze %dma_wait3A_541 : memref<1x80xi32, #tpu.memory_space<vmem>> -> memref<80xi32, #tpu.memory_space<vmem>>
    %dma_wait3A_543 = arith.constant 0 : i32
    %dma_wait3A_544 = tpu.memref_slice %arg3[%dma_wait3A_543] : memref<640000xi32, #tpu.memory_space<hbm>> -> memref<80xi32, #tpu.memory_space<hbm>>
    tpu.wait_dma2 semaphore(%arg11 : memref<!tpu.dma_semaphore, #tpu.memory_space<semaphore_mem>>) src(%dma_wait3A_544 : memref<80xi32, #tpu.memory_space<hbm>>) dst(%dma_wait3A_542 : memref<80xi32, #tpu.memory_space<vmem>>)
    %dma_wait3A_545 = arith.constant 1 : i32
    %dma_wait3A_546 = arith.constant 0 : i32
    %dma_wait3A_547 = tpu.memref_slice %arg7[%dma_wait3A_545, %dma_wait3A_546] : memref<6x80xi32, #tpu.memory_space<vmem>> -> memref<1x80xi32, #tpu.memory_space<vmem>>
    %dma_wait3A_548 = tpu.memref_squeeze %dma_wait3A_547 : memref<1x80xi32, #tpu.memory_space<vmem>> -> memref<80xi32, #tpu.memory_space<vmem>>
    %dma_wait3A_549 = arith.constant 0 : i32
    %dma_wait3A_550 = tpu.memref_slice %arg4[%dma_wait3A_549] : memref<320000xi32, #tpu.memory_space<hbm>> -> memref<80xi32, #tpu.memory_space<hbm>>
    %dma_wait3A_551 = arith.constant 0 : i32
    %dma_wait3A_552 = tpu.memref_slice %arg7[%dma_wait3A_545, %dma_wait3A_551] : memref<6x80xi32, #tpu.memory_space<vmem>> -> memref<1x80xi32, #tpu.memory_space<vmem>>
    %dma_wait3A_553 = tpu.memref_squeeze %dma_wait3A_552 : memref<1x80xi32, #tpu.memory_space<vmem>> -> memref<80xi32, #tpu.memory_space<vmem>>
    %dma_wait3A_554 = arith.constant 0 : i32
    %dma_wait3A_555 = tpu.memref_slice %arg4[%dma_wait3A_554] : memref<320000xi32, #tpu.memory_space<hbm>> -> memref<80xi32, #tpu.memory_space<hbm>>
    tpu.wait_dma2 semaphore(%arg11 : memref<!tpu.dma_semaphore, #tpu.memory_space<semaphore_mem>>) src(%dma_wait3A_555 : memref<80xi32, #tpu.memory_space<hbm>>) dst(%dma_wait3A_553 : memref<80xi32, #tpu.memory_space<vmem>>)
    %dma_start3A_556 = arith.constant 1 : i32
    %dma_start3A_557 = arith.constant 1 : i32
    %dma_start3A_558 = arith.constant 0 : i32
    %dma_start3A_559 = arith.constant 0 : i32
    %dma_start3A_560 = tpu.memref_slice %arg8[%dma_start3A_557, %dma_start3A_558, %dma_start3A_559] : memref<4x80x128xf32, #tpu.memory_space<vmem>> -> memref<1x80x128xf32, #tpu.memory_space<vmem>>
    %dma_start3A_561 = tpu.memref_squeeze %dma_start3A_560 : memref<1x80x128xf32, #tpu.memory_space<vmem>> -> memref<80x128xf32, #tpu.memory_space<vmem>>
    %dma_start3A_562 = arith.constant 0 : i32
    %dma_start3A_563 = tpu.memref_slice %arg6[%dma_start3A_556, %dma_start3A_562] : memref<6x80xi32, #tpu.memory_space<vmem>> -> memref<1x80xi32, #tpu.memory_space<vmem>>
    %dma_start3A_564 = tpu.memref_squeeze %dma_start3A_563 : memref<1x80xi32, #tpu.memory_space<vmem>> -> memref<80xi32, #tpu.memory_space<vmem>>
    %dma_start3A_565 = arith.constant 0 : i32
    %dma_start3A_566 = arith.constant 0 : i32
    %dma_start3A_567 = tpu.memref_slice %arg2[%dma_start3A_565, %dma_start3A_566] : memref<20000x128xf32, #tpu.memory_space<hbm>> -> memref<20000x128xf32, #tpu.memory_space<hbm>>
    tpu.enqueue_indirect_dma source(%dma_start3A_567 : memref<20000x128xf32, #tpu.memory_space<hbm>>) target(%dma_start3A_561 : memref<80x128xf32, #tpu.memory_space<vmem>>) offsets(%dma_start3A_564 : memref<80xi32, #tpu.memory_space<vmem>>) semaphore(%arg12 : memref<!tpu.dma_semaphore, #tpu.memory_space<semaphore_mem>>)
    %scan3A_568 = arith.constant 0 : i32
    %scan3A_569 = arith.constant 0 : i32
    %scan3A_570 = arith.constant 125 : i32
    %scan3A_571 = arith.addi %scan3A_569, %scan3A_570 : i32
    %scan3A_572 = arith.constant 1 : i32
    scf.for %scan3A_608 = %scan3A_569 to %scan3A_571 step %scan3A_572  : i32 {
      %mul3A_609 = arith.constant 2 : i32
      %mul3A_610 = arith.muli %mul3A_609, %scan3A_608 : i32
      %jit3A_611 = arith.constant 2 : i32
      %eq3A = arith.constant 0 : i32
      %eq3A_612 = arith.cmpi eq, %jit3A_611, %eq3A : i32
      %jit3A_613 = arith.constant 1 : i32
      %select_n3A_614 = arith.select %eq3A_612, %jit3A_613, %jit3A_611 : i32
      %rem3A_615 = arith.remsi %scan3A_608, %select_n3A_614 : i32
      %ne3A_616 = arith.constant 0 : i32
      %ne3A_617 = arith.cmpi ne, %rem3A_615, %ne3A_616 : i32
      %lt3A = arith.constant 0 : i32
      %lt3A_618 = arith.cmpi slt, %rem3A_615, %lt3A : i32
      %lt3A_619 = arith.constant 0 : i32
      %lt3A_620 = arith.cmpi slt, %select_n3A_614, %lt3A_619 : i32
      %ne3A_621 = arith.xori %lt3A_618, %lt3A_620 : i1
      %and3A_622 = arith.andi %ne3A_621, %ne3A_617 : i1
      %add3A_623 = arith.addi %rem3A_615, %select_n3A_614 : i32
      %select_n3A_624 = arith.select %and3A_622, %add3A_623, %rem3A_615 : i32
      %mul3A_625 = arith.constant 2 : i32
      %mul3A_626 = arith.muli %mul3A_625, %select_n3A_624 : i32
      %sub3A_627 = arith.constant 2 : i32
      %sub3A_628 = arith.subi %sub3A_627, %mul3A_626 : i32
      %jit3A_629 = arith.constant 3 : i32
      %eq3A_630 = arith.constant 0 : i32
      %eq3A_631 = arith.cmpi eq, %jit3A_629, %eq3A_630 : i32
      %jit3A_632 = arith.constant 1 : i32
      %select_n3A_633 = arith.select %eq3A_631, %jit3A_632, %jit3A_629 : i32
      %rem3A_634 = arith.remsi %scan3A_608, %select_n3A_633 : i32
      %ne3A_635 = arith.constant 0 : i32
      %ne3A_636 = arith.cmpi ne, %rem3A_634, %ne3A_635 : i32
      %lt3A_637 = arith.constant 0 : i32
      %lt3A_638 = arith.cmpi slt, %rem3A_634, %lt3A_637 : i32
      %lt3A_639 = arith.constant 0 : i32
      %lt3A_640 = arith.cmpi slt, %select_n3A_633, %lt3A_639 : i32
      %ne3A_641 = arith.xori %lt3A_638, %lt3A_640 : i1
      %and3A_642 = arith.andi %ne3A_641, %ne3A_636 : i1
      %add3A_643 = arith.addi %rem3A_634, %select_n3A_633 : i32
      %select_n3A_644 = arith.select %and3A_642, %add3A_643, %rem3A_634 : i32
      %mul3A_645 = arith.constant 2 : i32
      %mul3A_646 = arith.muli %mul3A_645, %select_n3A_644 : i32
      %add3A_647 = arith.constant 1 : i32
      %add3A_648 = arith.addi %scan3A_608, %add3A_647 : i32
      %jit3A_649 = arith.constant 3 : i32
      %eq3A_650 = arith.constant 0 : i32
      %eq3A_651 = arith.cmpi eq, %jit3A_649, %eq3A_650 : i32
      %jit3A_652 = arith.constant 1 : i32
      %select_n3A_653 = arith.select %eq3A_651, %jit3A_652, %jit3A_649 : i32
      %rem3A_654 = arith.remsi %add3A_648, %select_n3A_653 : i32
      %ne3A_655 = arith.constant 0 : i32
      %ne3A_656 = arith.cmpi ne, %rem3A_654, %ne3A_655 : i32
      %lt3A_657 = arith.constant 0 : i32
      %lt3A_658 = arith.cmpi slt, %rem3A_654, %lt3A_657 : i32
      %lt3A_659 = arith.constant 0 : i32
      %lt3A_660 = arith.cmpi slt, %select_n3A_653, %lt3A_659 : i32
      %ne3A_661 = arith.xori %lt3A_658, %lt3A_660 : i1
      %and3A_662 = arith.andi %ne3A_661, %ne3A_656 : i1
      %add3A_663 = arith.addi %rem3A_654, %select_n3A_653 : i32
      %select_n3A_664 = arith.select %and3A_662, %add3A_663, %rem3A_654 : i32
      %mul3A_665 = arith.constant 2 : i32
      %mul3A_666 = arith.muli %mul3A_665, %select_n3A_664 : i32
      %add3A_667 = arith.constant 2 : i32
      %add3A_668 = arith.addi %scan3A_608, %add3A_667 : i32
      %jit3A_669 = arith.constant 3 : i32
      %eq3A_670 = arith.constant 0 : i32
      %eq3A_671 = arith.cmpi eq, %jit3A_669, %eq3A_670 : i32
      %jit3A_672 = arith.constant 1 : i32
      %select_n3A_673 = arith.select %eq3A_671, %jit3A_672, %jit3A_669 : i32
      %rem3A_674 = arith.remsi %add3A_668, %select_n3A_673 : i32
      %ne3A_675 = arith.constant 0 : i32
      %ne3A_676 = arith.cmpi ne, %rem3A_674, %ne3A_675 : i32
      %lt3A_677 = arith.constant 0 : i32
      %lt3A_678 = arith.cmpi slt, %rem3A_674, %lt3A_677 : i32
      %lt3A_679 = arith.constant 0 : i32
      %lt3A_680 = arith.cmpi slt, %select_n3A_673, %lt3A_679 : i32
      %ne3A_681 = arith.xori %lt3A_678, %lt3A_680 : i1
      %and3A_682 = arith.andi %ne3A_681, %ne3A_676 : i1
      %add3A_683 = arith.addi %rem3A_674, %select_n3A_673 : i32
      %select_n3A_684 = arith.select %and3A_682, %add3A_683, %rem3A_674 : i32
      %mul3A_685 = arith.constant 2 : i32
      %mul3A_686 = arith.muli %mul3A_685, %select_n3A_684 : i32
      %dma_wait3A_687 = arith.constant 0 : i32
      %dma_wait3A_688 = arith.constant 0 : i32
      %dma_wait3A_689 = tpu.memref_slice %arg8[%mul3A_626, %dma_wait3A_687, %dma_wait3A_688] : memref<4x80x128xf32, #tpu.memory_space<vmem>> -> memref<1x80x128xf32, #tpu.memory_space<vmem>>
      %dma_wait3A_690 = tpu.memref_squeeze %dma_wait3A_689 : memref<1x80x128xf32, #tpu.memory_space<vmem>> -> memref<80x128xf32, #tpu.memory_space<vmem>>
      %dma_wait3A_691 = arith.constant 0 : i32
      %dma_wait3A_692 = arith.constant 0 : i32
      %dma_wait3A_693 = tpu.memref_slice %arg2[%dma_wait3A_691, %dma_wait3A_692] : memref<20000x128xf32, #tpu.memory_space<hbm>> -> memref<80x128xf32, #tpu.memory_space<hbm>>
      %dma_wait3A_694 = arith.constant 0 : i32
      %dma_wait3A_695 = arith.constant 0 : i32
      %dma_wait3A_696 = tpu.memref_slice %arg8[%mul3A_626, %dma_wait3A_694, %dma_wait3A_695] : memref<4x80x128xf32, #tpu.memory_space<vmem>> -> memref<1x80x128xf32, #tpu.memory_space<vmem>>
      %dma_wait3A_697 = tpu.memref_squeeze %dma_wait3A_696 : memref<1x80x128xf32, #tpu.memory_space<vmem>> -> memref<80x128xf32, #tpu.memory_space<vmem>>
      %dma_wait3A_698 = arith.constant 0 : i32
      %dma_wait3A_699 = arith.constant 0 : i32
      %dma_wait3A_700 = tpu.memref_slice %arg2[%dma_wait3A_698, %dma_wait3A_699] : memref<20000x128xf32, #tpu.memory_space<hbm>> -> memref<80x128xf32, #tpu.memory_space<hbm>>
      tpu.wait_dma2 semaphore(%arg12 : memref<!tpu.dma_semaphore, #tpu.memory_space<semaphore_mem>>) src(%dma_wait3A_700 : memref<80x128xf32, #tpu.memory_space<hbm>>) dst(%dma_wait3A_697 : memref<80x128xf32, #tpu.memory_space<vmem>>)
      %ge3A = arith.constant 1 : i32
      %ge3A_701 = arith.cmpi sge, %scan3A_608, %ge3A : i32
      %convert_element_type3A = arith.extui %ge3A_701 : i1 to i32
      %cond3A = arith.constant 0 : i32
      %cond3A_702 = arith.cmpi ne, %convert_element_type3A, %cond3A : i32
      scf.if %cond3A_702 {
        %dma_wait3A_776 = arith.constant 0 : i32
        %dma_wait3A_777 = arith.constant 0 : i32
        %dma_wait3A_778 = tpu.memref_slice %arg8[%sub3A_628, %dma_wait3A_776, %dma_wait3A_777] : memref<4x80x128xf32, #tpu.memory_space<vmem>> -> memref<1x80x128xf32, #tpu.memory_space<vmem>>
        %dma_wait3A_779 = tpu.memref_squeeze %dma_wait3A_778 : memref<1x80x128xf32, #tpu.memory_space<vmem>> -> memref<80x128xf32, #tpu.memory_space<vmem>>
        %dma_wait3A_780 = arith.constant 0 : i32
        %dma_wait3A_781 = arith.constant 0 : i32
        %dma_wait3A_782 = tpu.memref_slice %arg10[%dma_wait3A_780, %dma_wait3A_781] : memref<10000x128xf32, #tpu.memory_space<vmem_shared>> -> memref<80x128xf32, #tpu.memory_space<vmem_shared>>
        %dma_wait3A_783 = arith.constant 0 : i32
        %dma_wait3A_784 = arith.constant 0 : i32
        %dma_wait3A_785 = tpu.memref_slice %arg10[%dma_wait3A_783, %dma_wait3A_784] : memref<10000x128xf32, #tpu.memory_space<vmem_shared>> -> memref<80x128xf32, #tpu.memory_space<vmem_shared>>
        %dma_wait3A_786 = arith.constant 0 : i32
        %dma_wait3A_787 = arith.constant 0 : i32
        %dma_wait3A_788 = tpu.memref_slice %arg8[%sub3A_628, %dma_wait3A_786, %dma_wait3A_787] : memref<4x80x128xf32, #tpu.memory_space<vmem>> -> memref<1x80x128xf32, #tpu.memory_space<vmem>>
        %dma_wait3A_789 = tpu.memref_squeeze %dma_wait3A_788 : memref<1x80x128xf32, #tpu.memory_space<vmem>> -> memref<80x128xf32, #tpu.memory_space<vmem>>
        tpu.wait_dma2 semaphore(%arg13 : memref<!tpu.dma_semaphore, #tpu.memory_space<semaphore_mem>>) src(%dma_wait3A_789 : memref<80x128xf32, #tpu.memory_space<vmem>>) dst(%dma_wait3A_785 : memref<80x128xf32, #tpu.memory_space<vmem_shared>>)
      } else {
      }
      %add3A_703 = arith.constant 2 : i32
      %add3A_704 = arith.addi %mul3A_610, %add3A_703 : i32
      %lt3A_705 = arith.constant 250 : i32
      %lt3A_706 = arith.cmpi slt, %add3A_704, %lt3A_705 : i32
      %convert_element_type3A_707 = arith.extui %lt3A_706 : i1 to i32
      %cond3A_708 = arith.constant 0 : i32
      %cond3A_709 = arith.cmpi ne, %convert_element_type3A_707, %cond3A_708 : i32
      scf.if %cond3A_709 {
        %dma_wait3A_776 = arith.constant 0 : i32
        %dma_wait3A_777 = tpu.memref_slice %arg6[%mul3A_666, %dma_wait3A_776] : memref<6x80xi32, #tpu.memory_space<vmem>> -> memref<1x80xi32, #tpu.memory_space<vmem>>
        %dma_wait3A_778 = tpu.memref_squeeze %dma_wait3A_777 : memref<1x80xi32, #tpu.memory_space<vmem>> -> memref<80xi32, #tpu.memory_space<vmem>>
        %dma_wait3A_779 = arith.constant 0 : i32
        %dma_wait3A_780 = tpu.memref_slice %arg3[%dma_wait3A_779] : memref<640000xi32, #tpu.memory_space<hbm>> -> memref<80xi32, #tpu.memory_space<hbm>>
        %dma_wait3A_781 = arith.constant 0 : i32
        %dma_wait3A_782 = tpu.memref_slice %arg6[%mul3A_666, %dma_wait3A_781] : memref<6x80xi32, #tpu.memory_space<vmem>> -> memref<1x80xi32, #tpu.memory_space<vmem>>
        %dma_wait3A_783 = tpu.memref_squeeze %dma_wait3A_782 : memref<1x80xi32, #tpu.memory_space<vmem>> -> memref<80xi32, #tpu.memory_space<vmem>>
        %dma_wait3A_784 = arith.constant 0 : i32
        %dma_wait3A_785 = tpu.memref_slice %arg3[%dma_wait3A_784] : memref<640000xi32, #tpu.memory_space<hbm>> -> memref<80xi32, #tpu.memory_space<hbm>>
        tpu.wait_dma2 semaphore(%arg11 : memref<!tpu.dma_semaphore, #tpu.memory_space<semaphore_mem>>) src(%dma_wait3A_785 : memref<80xi32, #tpu.memory_space<hbm>>) dst(%dma_wait3A_783 : memref<80xi32, #tpu.memory_space<vmem>>)
        %dma_wait3A_786 = arith.constant 0 : i32
        %dma_wait3A_787 = tpu.memref_slice %arg7[%mul3A_666, %dma_wait3A_786] : memref<6x80xi32, #tpu.memory_space<vmem>> -> memref<1x80xi32, #tpu.memory_space<vmem>>
        %dma_wait3A_788 = tpu.memref_squeeze %dma_wait3A_787 : memref<1x80xi32, #tpu.memory_space<vmem>> -> memref<80xi32, #tpu.memory_space<vmem>>
        %dma_wait3A_789 = arith.constant 0 : i32
        %dma_wait3A_790 = tpu.memref_slice %arg4[%dma_wait3A_789] : memref<320000xi32, #tpu.memory_space<hbm>> -> memref<80xi32, #tpu.memory_space<hbm>>
        %dma_wait3A_791 = arith.constant 0 : i32
        %dma_wait3A_792 = tpu.memref_slice %arg7[%mul3A_666, %dma_wait3A_791] : memref<6x80xi32, #tpu.memory_space<vmem>> -> memref<1x80xi32, #tpu.memory_space<vmem>>
        %dma_wait3A_793 = tpu.memref_squeeze %dma_wait3A_792 : memref<1x80xi32, #tpu.memory_space<vmem>> -> memref<80xi32, #tpu.memory_space<vmem>>
        %dma_wait3A_794 = arith.constant 0 : i32
        %dma_wait3A_795 = tpu.memref_slice %arg4[%dma_wait3A_794] : memref<320000xi32, #tpu.memory_space<hbm>> -> memref<80xi32, #tpu.memory_space<hbm>>
        tpu.wait_dma2 semaphore(%arg11 : memref<!tpu.dma_semaphore, #tpu.memory_space<semaphore_mem>>) src(%dma_wait3A_795 : memref<80xi32, #tpu.memory_space<hbm>>) dst(%dma_wait3A_793 : memref<80xi32, #tpu.memory_space<vmem>>)
        %add3A_796 = arith.constant 2 : i32
        %add3A_797 = arith.addi %mul3A_610, %add3A_796 : i32
        %dma_start3A_798 = arith.constant 0 : i32
        %dma_start3A_799 = arith.constant 0 : i32
        %dma_start3A_800 = tpu.memref_slice %arg8[%sub3A_628, %dma_start3A_798, %dma_start3A_799] : memref<4x80x128xf32, #tpu.memory_space<vmem>> -> memref<1x80x128xf32, #tpu.memory_space<vmem>>
        %dma_start3A_801 = tpu.memref_squeeze %dma_start3A_800 : memref<1x80x128xf32, #tpu.memory_space<vmem>> -> memref<80x128xf32, #tpu.memory_space<vmem>>
        %dma_start3A_802 = arith.constant 0 : i32
        %dma_start3A_803 = tpu.memref_slice %arg6[%mul3A_666, %dma_start3A_802] : memref<6x80xi32, #tpu.memory_space<vmem>> -> memref<1x80xi32, #tpu.memory_space<vmem>>
        %dma_start3A_804 = tpu.memref_squeeze %dma_start3A_803 : memref<1x80xi32, #tpu.memory_space<vmem>> -> memref<80xi32, #tpu.memory_space<vmem>>
        %dma_start3A_805 = arith.constant 0 : i32
        %dma_start3A_806 = arith.constant 0 : i32
        %dma_start3A_807 = tpu.memref_slice %arg2[%dma_start3A_805, %dma_start3A_806] : memref<20000x128xf32, #tpu.memory_space<hbm>> -> memref<20000x128xf32, #tpu.memory_space<hbm>>
        tpu.enqueue_indirect_dma source(%dma_start3A_807 : memref<20000x128xf32, #tpu.memory_space<hbm>>) target(%dma_start3A_801 : memref<80x128xf32, #tpu.memory_space<vmem>>) offsets(%dma_start3A_804 : memref<80xi32, #tpu.memory_space<vmem>>) semaphore(%arg12 : memref<!tpu.dma_semaphore, #tpu.memory_space<semaphore_mem>>)
      } else {
      }
      %add3A_710 = arith.constant 4 : i32
      %add3A_711 = arith.addi %mul3A_610, %add3A_710 : i32
      %lt3A_712 = arith.constant 250 : i32
      %lt3A_713 = arith.cmpi slt, %add3A_711, %lt3A_712 : i32
      %convert_element_type3A_714 = arith.extui %lt3A_713 : i1 to i32
      %cond3A_715 = arith.constant 0 : i32
      %cond3A_716 = arith.cmpi ne, %convert_element_type3A_714, %cond3A_715 : i32
      scf.if %cond3A_716 {
        %add3A_776 = arith.constant 4 : i32
        %add3A_777 = arith.addi %mul3A_610, %add3A_776 : i32
        %mul3A_778 = arith.constant 80 : i32
        %mul3A_779 = arith.muli %add3A_777, %mul3A_778 : i32
        %add3A_780 = arith.addi %add3A, %mul3A_779 : i32
        %dma_start3A_781 = arith.constant 0 : i32
        %dma_start3A_782 = tpu.memref_slice %arg6[%mul3A_686, %dma_start3A_781] : memref<6x80xi32, #tpu.memory_space<vmem>> -> memref<1x80xi32, #tpu.memory_space<vmem>>
        %dma_start3A_783 = tpu.memref_squeeze %dma_start3A_782 : memref<1x80xi32, #tpu.memory_space<vmem>> -> memref<80xi32, #tpu.memory_space<vmem>>
        %dma_start3A_784 = tpu.memref_slice %arg3[%add3A_780] : memref<640000xi32, #tpu.memory_space<hbm>> -> memref<80xi32, #tpu.memory_space<hbm>>
        %dma_start3A_785 = arith.constant 0 : i32
        %dma_start3A_786 = tpu.memref_slice %arg6[%mul3A_686, %dma_start3A_785] : memref<6x80xi32, #tpu.memory_space<vmem>> -> memref<1x80xi32, #tpu.memory_space<vmem>>
        %dma_start3A_787 = tpu.memref_squeeze %dma_start3A_786 : memref<1x80xi32, #tpu.memory_space<vmem>> -> memref<80xi32, #tpu.memory_space<vmem>>
        %dma_start3A_788 = tpu.memref_slice %arg3[%add3A_780] : memref<640000xi32, #tpu.memory_space<hbm>> -> memref<80xi32, #tpu.memory_space<hbm>>
        tpu.enqueue_dma source(%dma_start3A_788 : memref<80xi32, #tpu.memory_space<hbm>>) target(%dma_start3A_787 : memref<80xi32, #tpu.memory_space<vmem>>) target_semaphore(%arg11 : memref<!tpu.dma_semaphore, #tpu.memory_space<semaphore_mem>>)
        %mul3A_789 = arith.constant 80 : i32
        %mul3A_790 = arith.muli %add3A_777, %mul3A_789 : i32
        %add3A_791 = arith.addi %mul3A_413, %mul3A_790 : i32
        %dma_start3A_792 = arith.constant 0 : i32
        %dma_start3A_793 = tpu.memref_slice %arg7[%mul3A_686, %dma_start3A_792] : memref<6x80xi32, #tpu.memory_space<vmem>> -> memref<1x80xi32, #tpu.memory_space<vmem>>
        %dma_start3A_794 = tpu.memref_squeeze %dma_start3A_793 : memref<1x80xi32, #tpu.memory_space<vmem>> -> memref<80xi32, #tpu.memory_space<vmem>>
        %dma_start3A_795 = tpu.memref_slice %arg4[%add3A_791] : memref<320000xi32, #tpu.memory_space<hbm>> -> memref<80xi32, #tpu.memory_space<hbm>>
        %dma_start3A_796 = arith.constant 0 : i32
        %dma_start3A_797 = tpu.memref_slice %arg7[%mul3A_686, %dma_start3A_796] : memref<6x80xi32, #tpu.memory_space<vmem>> -> memref<1x80xi32, #tpu.memory_space<vmem>>
        %dma_start3A_798 = tpu.memref_squeeze %dma_start3A_797 : memref<1x80xi32, #tpu.memory_space<vmem>> -> memref<80xi32, #tpu.memory_space<vmem>>
        %dma_start3A_799 = tpu.memref_slice %arg4[%add3A_791] : memref<320000xi32, #tpu.memory_space<hbm>> -> memref<80xi32, #tpu.memory_space<hbm>>
        tpu.enqueue_dma source(%dma_start3A_799 : memref<80xi32, #tpu.memory_space<hbm>>) target(%dma_start3A_798 : memref<80xi32, #tpu.memory_space<vmem>>) target_semaphore(%arg11 : memref<!tpu.dma_semaphore, #tpu.memory_space<semaphore_mem>>)
      } else {
      }
      %dma_start3A_717 = arith.constant 0 : i32
      %dma_start3A_718 = arith.constant 0 : i32
      %dma_start3A_719 = tpu.memref_slice %arg8[%mul3A_626, %dma_start3A_717, %dma_start3A_718] : memref<4x80x128xf32, #tpu.memory_space<vmem>> -> memref<1x80x128xf32, #tpu.memory_space<vmem>>
      %dma_start3A_720 = tpu.memref_squeeze %dma_start3A_719 : memref<1x80x128xf32, #tpu.memory_space<vmem>> -> memref<80x128xf32, #tpu.memory_space<vmem>>
      %dma_start3A_721 = arith.constant 0 : i32
      %dma_start3A_722 = tpu.memref_slice %arg7[%mul3A_646, %dma_start3A_721] : memref<6x80xi32, #tpu.memory_space<vmem>> -> memref<1x80xi32, #tpu.memory_space<vmem>>
      %dma_start3A_723 = tpu.memref_squeeze %dma_start3A_722 : memref<1x80xi32, #tpu.memory_space<vmem>> -> memref<80xi32, #tpu.memory_space<vmem>>
      %dma_start3A_724 = arith.constant 0 : i32
      %dma_start3A_725 = arith.constant 0 : i32
      %dma_start3A_726 = tpu.memref_slice %arg10[%dma_start3A_724, %dma_start3A_725] : memref<10000x128xf32, #tpu.memory_space<vmem_shared>> -> memref<10000x128xf32, #tpu.memory_space<vmem_shared>>
      tpu.enqueue_indirect_dma source(%dma_start3A_720 : memref<80x128xf32, #tpu.memory_space<vmem>>) target(%dma_start3A_726 : memref<10000x128xf32, #tpu.memory_space<vmem_shared>>) offsets(%dma_start3A_723 : memref<80xi32, #tpu.memory_space<vmem>>) semaphore(%arg13 : memref<!tpu.dma_semaphore, #tpu.memory_space<semaphore_mem>>) {add = true}
      %add3A_727 = arith.constant 1 : i32
      %add3A_728 = arith.addi %mul3A_626, %add3A_727 : i32
      %dma_wait3A_729 = arith.constant 0 : i32
      %dma_wait3A_730 = arith.constant 0 : i32
      %dma_wait3A_731 = tpu.memref_slice %arg8[%add3A_728, %dma_wait3A_729, %dma_wait3A_730] : memref<4x80x128xf32, #tpu.memory_space<vmem>> -> memref<1x80x128xf32, #tpu.memory_space<vmem>>
      %dma_wait3A_732 = tpu.memref_squeeze %dma_wait3A_731 : memref<1x80x128xf32, #tpu.memory_space<vmem>> -> memref<80x128xf32, #tpu.memory_space<vmem>>
      %dma_wait3A_733 = arith.constant 0 : i32
      %dma_wait3A_734 = arith.constant 0 : i32
      %dma_wait3A_735 = tpu.memref_slice %arg2[%dma_wait3A_733, %dma_wait3A_734] : memref<20000x128xf32, #tpu.memory_space<hbm>> -> memref<80x128xf32, #tpu.memory_space<hbm>>
      %dma_wait3A_736 = arith.constant 0 : i32
      %dma_wait3A_737 = arith.constant 0 : i32
      %dma_wait3A_738 = tpu.memref_slice %arg8[%add3A_728, %dma_wait3A_736, %dma_wait3A_737] : memref<4x80x128xf32, #tpu.memory_space<vmem>> -> memref<1x80x128xf32, #tpu.memory_space<vmem>>
      %dma_wait3A_739 = tpu.memref_squeeze %dma_wait3A_738 : memref<1x80x128xf32, #tpu.memory_space<vmem>> -> memref<80x128xf32, #tpu.memory_space<vmem>>
      %dma_wait3A_740 = arith.constant 0 : i32
      %dma_wait3A_741 = arith.constant 0 : i32
      %dma_wait3A_742 = tpu.memref_slice %arg2[%dma_wait3A_740, %dma_wait3A_741] : memref<20000x128xf32, #tpu.memory_space<hbm>> -> memref<80x128xf32, #tpu.memory_space<hbm>>
      tpu.wait_dma2 semaphore(%arg12 : memref<!tpu.dma_semaphore, #tpu.memory_space<semaphore_mem>>) src(%dma_wait3A_742 : memref<80x128xf32, #tpu.memory_space<hbm>>) dst(%dma_wait3A_739 : memref<80x128xf32, #tpu.memory_space<vmem>>)
      %ge3A_743 = arith.constant 1 : i32
      %ge3A_744 = arith.cmpi sge, %scan3A_608, %ge3A_743 : i32
      %convert_element_type3A_745 = arith.extui %ge3A_744 : i1 to i32
      %cond3A_746 = arith.constant 0 : i32
      %cond3A_747 = arith.cmpi ne, %convert_element_type3A_745, %cond3A_746 : i32
      scf.if %cond3A_747 {
        %add3A_776 = arith.constant 1 : i32
        %add3A_777 = arith.addi %sub3A_628, %add3A_776 : i32
        %dma_wait3A_778 = arith.constant 0 : i32
        %dma_wait3A_779 = arith.constant 0 : i32
        %dma_wait3A_780 = tpu.memref_slice %arg8[%add3A_777, %dma_wait3A_778, %dma_wait3A_779] : memref<4x80x128xf32, #tpu.memory_space<vmem>> -> memref<1x80x128xf32, #tpu.memory_space<vmem>>
        %dma_wait3A_781 = tpu.memref_squeeze %dma_wait3A_780 : memref<1x80x128xf32, #tpu.memory_space<vmem>> -> memref<80x128xf32, #tpu.memory_space<vmem>>
        %dma_wait3A_782 = arith.constant 0 : i32
        %dma_wait3A_783 = arith.constant 0 : i32
        %dma_wait3A_784 = tpu.memref_slice %arg10[%dma_wait3A_782, %dma_wait3A_783] : memref<10000x128xf32, #tpu.memory_space<vmem_shared>> -> memref<80x128xf32, #tpu.memory_space<vmem_shared>>
        %dma_wait3A_785 = arith.constant 0 : i32
        %dma_wait3A_786 = arith.constant 0 : i32
        %dma_wait3A_787 = tpu.memref_slice %arg10[%dma_wait3A_785, %dma_wait3A_786] : memref<10000x128xf32, #tpu.memory_space<vmem_shared>> -> memref<80x128xf32, #tpu.memory_space<vmem_shared>>
        %dma_wait3A_788 = arith.constant 0 : i32
        %dma_wait3A_789 = arith.constant 0 : i32
        %dma_wait3A_790 = tpu.memref_slice %arg8[%add3A_777, %dma_wait3A_788, %dma_wait3A_789] : memref<4x80x128xf32, #tpu.memory_space<vmem>> -> memref<1x80x128xf32, #tpu.memory_space<vmem>>
        %dma_wait3A_791 = tpu.memref_squeeze %dma_wait3A_790 : memref<1x80x128xf32, #tpu.memory_space<vmem>> -> memref<80x128xf32, #tpu.memory_space<vmem>>
        tpu.wait_dma2 semaphore(%arg13 : memref<!tpu.dma_semaphore, #tpu.memory_space<semaphore_mem>>) src(%dma_wait3A_791 : memref<80x128xf32, #tpu.memory_space<vmem>>) dst(%dma_wait3A_787 : memref<80x128xf32, #tpu.memory_space<vmem_shared>>)
      } else {
      }
      %add3A_748 = arith.constant 3 : i32
      %add3A_749 = arith.addi %mul3A_610, %add3A_748 : i32
      %lt3A_750 = arith.constant 250 : i32
      %lt3A_751 = arith.cmpi slt, %add3A_749, %lt3A_750 : i32
      %convert_element_type3A_752 = arith.extui %lt3A_751 : i1 to i32
      %cond3A_753 = arith.constant 0 : i32
      %cond3A_754 = arith.cmpi ne, %convert_element_type3A_752, %cond3A_753 : i32
      scf.if %cond3A_754 {
        %add3A_776 = arith.constant 1 : i32
        %add3A_777 = arith.addi %mul3A_666, %add3A_776 : i32
        %dma_wait3A_778 = arith.constant 0 : i32
        %dma_wait3A_779 = tpu.memref_slice %arg6[%add3A_777, %dma_wait3A_778] : memref<6x80xi32, #tpu.memory_space<vmem>> -> memref<1x80xi32, #tpu.memory_space<vmem>>
        %dma_wait3A_780 = tpu.memref_squeeze %dma_wait3A_779 : memref<1x80xi32, #tpu.memory_space<vmem>> -> memref<80xi32, #tpu.memory_space<vmem>>
        %dma_wait3A_781 = arith.constant 0 : i32
        %dma_wait3A_782 = tpu.memref_slice %arg3[%dma_wait3A_781] : memref<640000xi32, #tpu.memory_space<hbm>> -> memref<80xi32, #tpu.memory_space<hbm>>
        %dma_wait3A_783 = arith.constant 0 : i32
        %dma_wait3A_784 = tpu.memref_slice %arg6[%add3A_777, %dma_wait3A_783] : memref<6x80xi32, #tpu.memory_space<vmem>> -> memref<1x80xi32, #tpu.memory_space<vmem>>
        %dma_wait3A_785 = tpu.memref_squeeze %dma_wait3A_784 : memref<1x80xi32, #tpu.memory_space<vmem>> -> memref<80xi32, #tpu.memory_space<vmem>>
        %dma_wait3A_786 = arith.constant 0 : i32
        %dma_wait3A_787 = tpu.memref_slice %arg3[%dma_wait3A_786] : memref<640000xi32, #tpu.memory_space<hbm>> -> memref<80xi32, #tpu.memory_space<hbm>>
        tpu.wait_dma2 semaphore(%arg11 : memref<!tpu.dma_semaphore, #tpu.memory_space<semaphore_mem>>) src(%dma_wait3A_787 : memref<80xi32, #tpu.memory_space<hbm>>) dst(%dma_wait3A_785 : memref<80xi32, #tpu.memory_space<vmem>>)
        %dma_wait3A_788 = arith.constant 0 : i32
        %dma_wait3A_789 = tpu.memref_slice %arg7[%add3A_777, %dma_wait3A_788] : memref<6x80xi32, #tpu.memory_space<vmem>> -> memref<1x80xi32, #tpu.memory_space<vmem>>
        %dma_wait3A_790 = tpu.memref_squeeze %dma_wait3A_789 : memref<1x80xi32, #tpu.memory_space<vmem>> -> memref<80xi32, #tpu.memory_space<vmem>>
        %dma_wait3A_791 = arith.constant 0 : i32
        %dma_wait3A_792 = tpu.memref_slice %arg4[%dma_wait3A_791] : memref<320000xi32, #tpu.memory_space<hbm>> -> memref<80xi32, #tpu.memory_space<hbm>>
        %dma_wait3A_793 = arith.constant 0 : i32
        %dma_wait3A_794 = tpu.memref_slice %arg7[%add3A_777, %dma_wait3A_793] : memref<6x80xi32, #tpu.memory_space<vmem>> -> memref<1x80xi32, #tpu.memory_space<vmem>>
        %dma_wait3A_795 = tpu.memref_squeeze %dma_wait3A_794 : memref<1x80xi32, #tpu.memory_space<vmem>> -> memref<80xi32, #tpu.memory_space<vmem>>
        %dma_wait3A_796 = arith.constant 0 : i32
        %dma_wait3A_797 = tpu.memref_slice %arg4[%dma_wait3A_796] : memref<320000xi32, #tpu.memory_space<hbm>> -> memref<80xi32, #tpu.memory_space<hbm>>
        tpu.wait_dma2 semaphore(%arg11 : memref<!tpu.dma_semaphore, #tpu.memory_space<semaphore_mem>>) src(%dma_wait3A_797 : memref<80xi32, #tpu.memory_space<hbm>>) dst(%dma_wait3A_795 : memref<80xi32, #tpu.memory_space<vmem>>)
        %add3A_798 = arith.constant 3 : i32
        %add3A_799 = arith.addi %mul3A_610, %add3A_798 : i32
        %add3A_800 = arith.constant 1 : i32
        %add3A_801 = arith.addi %mul3A_666, %add3A_800 : i32
        %add3A_802 = arith.constant 1 : i32
        %add3A_803 = arith.addi %sub3A_628, %add3A_802 : i32
        %dma_start3A_804 = arith.constant 0 : i32
        %dma_start3A_805 = arith.constant 0 : i32
        %dma_start3A_806 = tpu.memref_slice %arg8[%add3A_803, %dma_start3A_804, %dma_start3A_805] : memref<4x80x128xf32, #tpu.memory_space<vmem>> -> memref<1x80x128xf32, #tpu.memory_space<vmem>>
        %dma_start3A_807 = tpu.memref_squeeze %dma_start3A_806 : memref<1x80x128xf32, #tpu.memory_space<vmem>> -> memref<80x128xf32, #tpu.memory_space<vmem>>
        %dma_start3A_808 = arith.constant 0 : i32
        %dma_start3A_809 = tpu.memref_slice %arg6[%add3A_801, %dma_start3A_808] : memref<6x80xi32, #tpu.memory_space<vmem>> -> memref<1x80xi32, #tpu.memory_space<vmem>>
        %dma_start3A_810 = tpu.memref_squeeze %dma_start3A_809 : memref<1x80xi32, #tpu.memory_space<vmem>> -> memref<80xi32, #tpu.memory_space<vmem>>
        %dma_start3A_811 = arith.constant 0 : i32
        %dma_start3A_812 = arith.constant 0 : i32
        %dma_start3A_813 = tpu.memref_slice %arg2[%dma_start3A_811, %dma_start3A_812] : memref<20000x128xf32, #tpu.memory_space<hbm>> -> memref<20000x128xf32, #tpu.memory_space<hbm>>
        tpu.enqueue_indirect_dma source(%dma_start3A_813 : memref<20000x128xf32, #tpu.memory_space<hbm>>) target(%dma_start3A_807 : memref<80x128xf32, #tpu.memory_space<vmem>>) offsets(%dma_start3A_810 : memref<80xi32, #tpu.memory_space<vmem>>) semaphore(%arg12 : memref<!tpu.dma_semaphore, #tpu.memory_space<semaphore_mem>>)
      } else {
      }
      %add3A_755 = arith.constant 5 : i32
      %add3A_756 = arith.addi %mul3A_610, %add3A_755 : i32
      %lt3A_757 = arith.constant 250 : i32
      %lt3A_758 = arith.cmpi slt, %add3A_756, %lt3A_757 : i32
      %convert_element_type3A_759 = arith.extui %lt3A_758 : i1 to i32
      %cond3A_760 = arith.constant 0 : i32
      %cond3A_761 = arith.cmpi ne, %convert_element_type3A_759, %cond3A_760 : i32
      scf.if %cond3A_761 {
        %add3A_776 = arith.constant 5 : i32
        %add3A_777 = arith.addi %mul3A_610, %add3A_776 : i32
        %add3A_778 = arith.constant 1 : i32
        %add3A_779 = arith.addi %mul3A_686, %add3A_778 : i32
        %mul3A_780 = arith.constant 80 : i32
        %mul3A_781 = arith.muli %add3A_777, %mul3A_780 : i32
        %add3A_782 = arith.addi %add3A, %mul3A_781 : i32
        %dma_start3A_783 = arith.constant 0 : i32
        %dma_start3A_784 = tpu.memref_slice %arg6[%add3A_779, %dma_start3A_783] : memref<6x80xi32, #tpu.memory_space<vmem>> -> memref<1x80xi32, #tpu.memory_space<vmem>>
        %dma_start3A_785 = tpu.memref_squeeze %dma_start3A_784 : memref<1x80xi32, #tpu.memory_space<vmem>> -> memref<80xi32, #tpu.memory_space<vmem>>
        %dma_start3A_786 = tpu.memref_slice %arg3[%add3A_782] : memref<640000xi32, #tpu.memory_space<hbm>> -> memref<80xi32, #tpu.memory_space<hbm>>
        %dma_start3A_787 = arith.constant 0 : i32
        %dma_start3A_788 = tpu.memref_slice %arg6[%add3A_779, %dma_start3A_787] : memref<6x80xi32, #tpu.memory_space<vmem>> -> memref<1x80xi32, #tpu.memory_space<vmem>>
        %dma_start3A_789 = tpu.memref_squeeze %dma_start3A_788 : memref<1x80xi32, #tpu.memory_space<vmem>> -> memref<80xi32, #tpu.memory_space<vmem>>
        %dma_start3A_790 = tpu.memref_slice %arg3[%add3A_782] : memref<640000xi32, #tpu.memory_space<hbm>> -> memref<80xi32, #tpu.memory_space<hbm>>
        tpu.enqueue_dma source(%dma_start3A_790 : memref<80xi32, #tpu.memory_space<hbm>>) target(%dma_start3A_789 : memref<80xi32, #tpu.memory_space<vmem>>) target_semaphore(%arg11 : memref<!tpu.dma_semaphore, #tpu.memory_space<semaphore_mem>>)
        %mul3A_791 = arith.constant 80 : i32
        %mul3A_792 = arith.muli %add3A_777, %mul3A_791 : i32
        %add3A_793 = arith.addi %mul3A_413, %mul3A_792 : i32
        %dma_start3A_794 = arith.constant 0 : i32
        %dma_start3A_795 = tpu.memref_slice %arg7[%add3A_779, %dma_start3A_794] : memref<6x80xi32, #tpu.memory_space<vmem>> -> memref<1x80xi32, #tpu.memory_space<vmem>>
        %dma_start3A_796 = tpu.memref_squeeze %dma_start3A_795 : memref<1x80xi32, #tpu.memory_space<vmem>> -> memref<80xi32, #tpu.memory_space<vmem>>
        %dma_start3A_797 = tpu.memref_slice %arg4[%add3A_793] : memref<320000xi32, #tpu.memory_space<hbm>> -> memref<80xi32, #tpu.memory_space<hbm>>
        %dma_start3A_798 = arith.constant 0 : i32
        %dma_start3A_799 = tpu.memref_slice %arg7[%add3A_779, %dma_start3A_798] : memref<6x80xi32, #tpu.memory_space<vmem>> -> memref<1x80xi32, #tpu.memory_space<vmem>>
        %dma_start3A_800 = tpu.memref_squeeze %dma_start3A_799 : memref<1x80xi32, #tpu.memory_space<vmem>> -> memref<80xi32, #tpu.memory_space<vmem>>
        %dma_start3A_801 = tpu.memref_slice %arg4[%add3A_793] : memref<320000xi32, #tpu.memory_space<hbm>> -> memref<80xi32, #tpu.memory_space<hbm>>
        tpu.enqueue_dma source(%dma_start3A_801 : memref<80xi32, #tpu.memory_space<hbm>>) target(%dma_start3A_800 : memref<80xi32, #tpu.memory_space<vmem>>) target_semaphore(%arg11 : memref<!tpu.dma_semaphore, #tpu.memory_space<semaphore_mem>>)
      } else {
      }
      %add3A_762 = arith.constant 1 : i32
      %add3A_763 = arith.addi %mul3A_626, %add3A_762 : i32
      %add3A_764 = arith.constant 1 : i32
      %add3A_765 = arith.addi %mul3A_646, %add3A_764 : i32
      %dma_start3A_766 = arith.constant 0 : i32
      %dma_start3A_767 = arith.constant 0 : i32
      %dma_start3A_768 = tpu.memref_slice %arg8[%add3A_763, %dma_start3A_766, %dma_start3A_767] : memref<4x80x128xf32, #tpu.memory_space<vmem>> -> memref<1x80x128xf32, #tpu.memory_space<vmem>>
      %dma_start3A_769 = tpu.memref_squeeze %dma_start3A_768 : memref<1x80x128xf32, #tpu.memory_space<vmem>> -> memref<80x128xf32, #tpu.memory_space<vmem>>
      %dma_start3A_770 = arith.constant 0 : i32
      %dma_start3A_771 = tpu.memref_slice %arg7[%add3A_765, %dma_start3A_770] : memref<6x80xi32, #tpu.memory_space<vmem>> -> memref<1x80xi32, #tpu.memory_space<vmem>>
      %dma_start3A_772 = tpu.memref_squeeze %dma_start3A_771 : memref<1x80xi32, #tpu.memory_space<vmem>> -> memref<80xi32, #tpu.memory_space<vmem>>
      %dma_start3A_773 = arith.constant 0 : i32
      %dma_start3A_774 = arith.constant 0 : i32
      %dma_start3A_775 = tpu.memref_slice %arg10[%dma_start3A_773, %dma_start3A_774] : memref<10000x128xf32, #tpu.memory_space<vmem_shared>> -> memref<10000x128xf32, #tpu.memory_space<vmem_shared>>
      tpu.enqueue_indirect_dma source(%dma_start3A_769 : memref<80x128xf32, #tpu.memory_space<vmem>>) target(%dma_start3A_775 : memref<10000x128xf32, #tpu.memory_space<vmem_shared>>) offsets(%dma_start3A_772 : memref<80xi32, #tpu.memory_space<vmem>>) semaphore(%arg13 : memref<!tpu.dma_semaphore, #tpu.memory_space<semaphore_mem>>) {add = true}
    }
    %scan3A_573 = arith.constant 125 : i32
    %dma_wait3A_574 = arith.constant 0 : i32
    %dma_wait3A_575 = arith.constant 0 : i32
    %dma_wait3A_576 = arith.constant 0 : i32
    %dma_wait3A_577 = tpu.memref_slice %arg8[%dma_wait3A_574, %dma_wait3A_575, %dma_wait3A_576] : memref<4x80x128xf32, #tpu.memory_space<vmem>> -> memref<1x80x128xf32, #tpu.memory_space<vmem>>
    %dma_wait3A_578 = tpu.memref_squeeze %dma_wait3A_577 : memref<1x80x128xf32, #tpu.memory_space<vmem>> -> memref<80x128xf32, #tpu.memory_space<vmem>>
    %dma_wait3A_579 = arith.constant 0 : i32
    %dma_wait3A_580 = arith.constant 0 : i32
    %dma_wait3A_581 = tpu.memref_slice %arg10[%dma_wait3A_579, %dma_wait3A_580] : memref<10000x128xf32, #tpu.memory_space<vmem_shared>> -> memref<80x128xf32, #tpu.memory_space<vmem_shared>>
    %dma_wait3A_582 = arith.constant 0 : i32
    %dma_wait3A_583 = arith.constant 0 : i32
    %dma_wait3A_584 = tpu.memref_slice %arg10[%dma_wait3A_582, %dma_wait3A_583] : memref<10000x128xf32, #tpu.memory_space<vmem_shared>> -> memref<80x128xf32, #tpu.memory_space<vmem_shared>>
    %dma_wait3A_585 = arith.constant 0 : i32
    %dma_wait3A_586 = arith.constant 0 : i32
    %dma_wait3A_587 = tpu.memref_slice %arg8[%dma_wait3A_574, %dma_wait3A_585, %dma_wait3A_586] : memref<4x80x128xf32, #tpu.memory_space<vmem>> -> memref<1x80x128xf32, #tpu.memory_space<vmem>>
    %dma_wait3A_588 = tpu.memref_squeeze %dma_wait3A_587 : memref<1x80x128xf32, #tpu.memory_space<vmem>> -> memref<80x128xf32, #tpu.memory_space<vmem>>
    tpu.wait_dma2 semaphore(%arg13 : memref<!tpu.dma_semaphore, #tpu.memory_space<semaphore_mem>>) src(%dma_wait3A_588 : memref<80x128xf32, #tpu.memory_space<vmem>>) dst(%dma_wait3A_584 : memref<80x128xf32, #tpu.memory_space<vmem_shared>>)
    %dma_wait3A_589 = arith.constant 1 : i32
    %dma_wait3A_590 = arith.constant 0 : i32
    %dma_wait3A_591 = arith.constant 0 : i32
    %dma_wait3A_592 = tpu.memref_slice %arg8[%dma_wait3A_589, %dma_wait3A_590, %dma_wait3A_591] : memref<4x80x128xf32, #tpu.memory_space<vmem>> -> memref<1x80x128xf32, #tpu.memory_space<vmem>>
    %dma_wait3A_593 = tpu.memref_squeeze %dma_wait3A_592 : memref<1x80x128xf32, #tpu.memory_space<vmem>> -> memref<80x128xf32, #tpu.memory_space<vmem>>
    %dma_wait3A_594 = arith.constant 0 : i32
    %dma_wait3A_595 = arith.constant 0 : i32
    %dma_wait3A_596 = tpu.memref_slice %arg10[%dma_wait3A_594, %dma_wait3A_595] : memref<10000x128xf32, #tpu.memory_space<vmem_shared>> -> memref<80x128xf32, #tpu.memory_space<vmem_shared>>
    %dma_wait3A_597 = arith.constant 0 : i32
    %dma_wait3A_598 = arith.constant 0 : i32
    %dma_wait3A_599 = tpu.memref_slice %arg10[%dma_wait3A_597, %dma_wait3A_598] : memref<10000x128xf32, #tpu.memory_space<vmem_shared>> -> memref<80x128xf32, #tpu.memory_space<vmem_shared>>
    %dma_wait3A_600 = arith.constant 0 : i32
    %dma_wait3A_601 = arith.constant 0 : i32
    %dma_wait3A_602 = tpu.memref_slice %arg8[%dma_wait3A_589, %dma_wait3A_600, %dma_wait3A_601] : memref<4x80x128xf32, #tpu.memory_space<vmem>> -> memref<1x80x128xf32, #tpu.memory_space<vmem>>
    %dma_wait3A_603 = tpu.memref_squeeze %dma_wait3A_602 : memref<1x80x128xf32, #tpu.memory_space<vmem>> -> memref<80x128xf32, #tpu.memory_space<vmem>>
    tpu.wait_dma2 semaphore(%arg13 : memref<!tpu.dma_semaphore, #tpu.memory_space<semaphore_mem>>) src(%dma_wait3A_603 : memref<80x128xf32, #tpu.memory_space<vmem>>) dst(%dma_wait3A_599 : memref<80x128xf32, #tpu.memory_space<vmem_shared>>)
    %barrier3A_604 = arith.constant 0 : index
    tpu.barrier barrier_id(%barrier3A_604)
    %mul3A_605 = arith.constant 10000 : i32
    %mul3A_606 = arith.muli %arg0, %mul3A_605 : i32
    %add3A_607 = arith.addi %mul3A_606, %mul3A_402 : i32
    "tpu.region"() ({
      %run_scoped3A = tpu.sem_alloc : memref<!tpu.dma_semaphore, #tpu.memory_space<semaphore_mem>>
      %dma_start3A_608 = arith.constant 0 : i32
      %dma_start3A_609 = tpu.memref_slice %arg5[%add3A_607, %dma_start3A_608] : memref<20000x128xf32, #tpu.memory_space<hbm>> -> memref<632x128xf32, #tpu.memory_space<hbm>>
      %dma_start3A_610 = arith.constant 0 : i32
      %dma_start3A_611 = tpu.memref_slice %arg10[%mul3A_402, %dma_start3A_610] : memref<10000x128xf32, #tpu.memory_space<vmem_shared>> -> memref<632x128xf32, #tpu.memory_space<vmem_shared>>
      tpu.enqueue_dma source(%dma_start3A_611 : memref<632x128xf32, #tpu.memory_space<vmem_shared>>) target(%dma_start3A_609 : memref<632x128xf32, #tpu.memory_space<hbm>>) target_semaphore(%run_scoped3A : memref<!tpu.dma_semaphore, #tpu.memory_space<semaphore_mem>>)
      %dma_wait3A_612 = arith.constant 0 : i32
      %dma_wait3A_613 = tpu.memref_slice %arg5[%add3A_607, %dma_wait3A_612] : memref<20000x128xf32, #tpu.memory_space<hbm>> -> memref<632x128xf32, #tpu.memory_space<hbm>>
      %dma_wait3A_614 = arith.constant 0 : i32
      %dma_wait3A_615 = tpu.memref_slice %arg10[%mul3A_402, %dma_wait3A_614] : memref<10000x128xf32, #tpu.memory_space<vmem_shared>> -> memref<632x128xf32, #tpu.memory_space<vmem_shared>>
      tpu.wait_dma2 semaphore(%run_scoped3A : memref<!tpu.dma_semaphore, #tpu.memory_space<semaphore_mem>>) src(%dma_wait3A_615 : memref<632x128xf32, #tpu.memory_space<vmem_shared>>) dst(%dma_wait3A_613 : memref<632x128xf32, #tpu.memory_space<hbm>>)
      tpu.yield
    }) : () -> ()
    return
  }
}

#map = affine_map<(d0, d1) -> (0, 0)>
#map1 = affine_map<(d0, d1) -> (0)>
module attributes {stable_mosaic.version = 14 : i64} {
  func.func @k(%arg0: i32, %arg1: i32, %arg2: memref<20000x128xf32, #tpu.memory_space<hbm>>, %arg3: memref<640000xi32, #tpu.memory_space<hbm>>, %arg4: memref<320000xi32, #tpu.memory_space<hbm>>, %arg5: memref<20000x128xf32, #tpu.memory_space<hbm>>, %arg6: memref<6x80xi32, #tpu.memory_space<vmem>>, %arg7: memref<6x80xi32, #tpu.memory_space<vmem>>, %arg8: memref<4x80x128xf32, #tpu.memory_space<vmem>>, %arg9: memref<8x128xf32, #tpu.memory_space<vmem>>, %arg10: memref<10000x128xf32, #tpu.memory_space<vmem_shared>>, %arg11: memref<!tpu.dma_semaphore, #tpu.memory_space<semaphore_mem>>, %arg12: memref<!tpu.dma_semaphore, #tpu.memory_space<semaphore_mem>>, %arg13: memref<!tpu.dma_semaphore, #tpu.memory_space<semaphore_mem>>) attributes {dimension_semantics = [#tpu.dimension_semantics<core_parallel>, #tpu.dimension_semantics<subcore_parallel>], iteration_bounds = array<i64: 2, 16>, scalar_prefetch = 0 : i64, scratch_operands = 8 : i64, tpu.core_type = #tpu.core_type<sc_vector_subcore>, window_params = [{transform_indices = #map}, {transform_indices = #map1}, {transform_indices = #map1}, {transform_indices = #map}]} {
    %broadcast_in_dim3A = arith.constant 0.000000e+00 : f32
    %broadcast_in_dim3A_0 = vector.broadcast %broadcast_in_dim3A : f32 to vector<16xf32>
    %swap3A = arith.constant 0 : i32
    %swap3A_1 = arith.index_cast %swap3A : i32 to index
    %swap3A_2 = arith.constant 0 : index
    %swap3A_3 = tpu.vector_load %arg9[%swap3A_1, %swap3A_2] {strides = array<i32>} : memref<8x128xf32, #tpu.memory_space<vmem>>, vector<1x16xf32>,
    %swap3A_4 = vector.shape_cast %swap3A_3 : vector<1x16xf32> to vector<16xf32>
    %swap3A_5 = vector.shape_cast %broadcast_in_dim3A_0 : vector<16xf32> to vector<1x16xf32>
    tpu.vector_store %arg9[%swap3A_1, %swap3A_2], %swap3A_5 {strides = array<i32>} : memref<8x128xf32, #tpu.memory_space<vmem>>, vector<1x16xf32>,
    %swap3A_6 = arith.constant 0 : i32
    %swap3A_7 = arith.index_cast %swap3A_6 : i32 to index
    %swap3A_8 = arith.constant 16 : index
    %swap3A_9 = tpu.vector_load %arg9[%swap3A_7, %swap3A_8] {strides = array<i32>} : memref<8x128xf32, #tpu.memory_space<vmem>>, vector<1x16xf32>,
    %swap3A_10 = vector.shape_cast %swap3A_9 : vector<1x16xf32> to vector<16xf32>
    %swap3A_11 = vector.shape_cast %broadcast_in_dim3A_0 : vector<16xf32> to vector<1x16xf32>
    tpu.vector_store %arg9[%swap3A_7, %swap3A_8], %swap3A_11 {strides = array<i32>} : memref<8x128xf32, #tpu.memory_space<vmem>>, vector<1x16xf32>,
    %swap3A_12 = arith.constant 0 : i32
    %swap3A_13 = arith.index_cast %swap3A_12 : i32 to index
    %swap3A_14 = arith.constant 32 : index
    %swap3A_15 = tpu.vector_load %arg9[%swap3A_13, %swap3A_14] {strides = array<i32>} : memref<8x128xf32, #tpu.memory_space<vmem>>, vector<1x16xf32>,
    %swap3A_16 = vector.shape_cast %swap3A_15 : vector<1x16xf32> to vector<16xf32>
    %swap3A_17 = vector.shape_cast %broadcast_in_dim3A_0 : vector<16xf32> to vector<1x16xf32>
    tpu.vector_store %arg9[%swap3A_13, %swap3A_14], %swap3A_17 {strides = array<i32>} : memref<8x128xf32, #tpu.memory_space<vmem>>, vector<1x16xf32>,
    %swap3A_18 = arith.constant 0 : i32
    %swap3A_19 = arith.index_cast %swap3A_18 : i32 to index
    %swap3A_20 = arith.constant 48 : index
    %swap3A_21 = tpu.vector_load %arg9[%swap3A_19, %swap3A_20] {strides = array<i32>} : memref<8x128xf32, #tpu.memory_space<vmem>>, vector<1x16xf32>,
    %swap3A_22 = vector.shape_cast %swap3A_21 : vector<1x16xf32> to vector<16xf32>
    %swap3A_23 = vector.shape_cast %broadcast_in_dim3A_0 : vector<16xf32> to vector<1x16xf32>
    tpu.vector_store %arg9[%swap3A_19, %swap3A_20], %swap3A_23 {strides = array<i32>} : memref<8x128xf32, #tpu.memory_space<vmem>>, vector<1x16xf32>,
    %swap3A_24 = arith.constant 0 : i32
    %swap3A_25 = arith.index_cast %swap3A_24 : i32 to index
    %swap3A_26 = arith.constant 64 : index
    %swap3A_27 = tpu.vector_load %arg9[%swap3A_25, %swap3A_26] {strides = array<i32>} : memref<8x128xf32, #tpu.memory_space<vmem>>, vector<1x16xf32>,
    %swap3A_28 = vector.shape_cast %swap3A_27 : vector<1x16xf32> to vector<16xf32>
    %swap3A_29 = vector.shape_cast %broadcast_in_dim3A_0 : vector<16xf32> to vector<1x16xf32>
    tpu.vector_store %arg9[%swap3A_25, %swap3A_26], %swap3A_29 {strides = array<i32>} : memref<8x128xf32, #tpu.memory_space<vmem>>, vector<1x16xf32>,
    %swap3A_30 = arith.constant 0 : i32
    %swap3A_31 = arith.index_cast %swap3A_30 : i32 to index
    %swap3A_32 = arith.constant 80 : index
    %swap3A_33 = tpu.vector_load %arg9[%swap3A_31, %swap3A_32] {strides = array<i32>} : memref<8x128xf32, #tpu.memory_space<vmem>>, vector<1x16xf32>,
    %swap3A_34 = vector.shape_cast %swap3A_33 : vector<1x16xf32> to vector<16xf32>
    %swap3A_35 = vector.shape_cast %broadcast_in_dim3A_0 : vector<16xf32> to vector<1x16xf32>
    tpu.vector_store %arg9[%swap3A_31, %swap3A_32], %swap3A_35 {strides = array<i32>} : memref<8x128xf32, #tpu.memory_space<vmem>>, vector<1x16xf32>,
    %swap3A_36 = arith.constant 0 : i32
    %swap3A_37 = arith.index_cast %swap3A_36 : i32 to index
    %swap3A_38 = arith.constant 96 : index
    %swap3A_39 = tpu.vector_load %arg9[%swap3A_37, %swap3A_38] {strides = array<i32>} : memref<8x128xf32, #tpu.memory_space<vmem>>, vector<1x16xf32>,
    %swap3A_40 = vector.shape_cast %swap3A_39 : vector<1x16xf32> to vector<16xf32>
    %swap3A_41 = vector.shape_cast %broadcast_in_dim3A_0 : vector<16xf32> to vector<1x16xf32>
    tpu.vector_store %arg9[%swap3A_37, %swap3A_38], %swap3A_41 {strides = array<i32>} : memref<8x128xf32, #tpu.memory_space<vmem>>, vector<1x16xf32>,
    %swap3A_42 = arith.constant 0 : i32
    %swap3A_43 = arith.index_cast %swap3A_42 : i32 to index
    %swap3A_44 = arith.constant 112 : index
    %swap3A_45 = tpu.vector_load %arg9[%swap3A_43, %swap3A_44] {strides = array<i32>} : memref<8x128xf32, #tpu.memory_space<vmem>>, vector<1x16xf32>,
    %swap3A_46 = vector.shape_cast %swap3A_45 : vector<1x16xf32> to vector<16xf32>
    %swap3A_47 = vector.shape_cast %broadcast_in_dim3A_0 : vector<16xf32> to vector<1x16xf32>
    tpu.vector_store %arg9[%swap3A_43, %swap3A_44], %swap3A_47 {strides = array<i32>} : memref<8x128xf32, #tpu.memory_space<vmem>>, vector<1x16xf32>,
    %swap3A_48 = arith.constant 1 : i32
    %swap3A_49 = arith.index_cast %swap3A_48 : i32 to index
    %swap3A_50 = arith.constant 0 : index
    %swap3A_51 = tpu.vector_load %arg9[%swap3A_49, %swap3A_50] {strides = array<i32>} : memref<8x128xf32, #tpu.memory_space<vmem>>, vector<1x16xf32>,
    %swap3A_52 = vector.shape_cast %swap3A_51 : vector<1x16xf32> to vector<16xf32>
    %swap3A_53 = vector.shape_cast %broadcast_in_dim3A_0 : vector<16xf32> to vector<1x16xf32>
    tpu.vector_store %arg9[%swap3A_49, %swap3A_50], %swap3A_53 {strides = array<i32>} : memref<8x128xf32, #tpu.memory_space<vmem>>, vector<1x16xf32>,
    %swap3A_54 = arith.constant 1 : i32
    %swap3A_55 = arith.index_cast %swap3A_54 : i32 to index
    %swap3A_56 = arith.constant 16 : index
    %swap3A_57 = tpu.vector_load %arg9[%swap3A_55, %swap3A_56] {strides = array<i32>} : memref<8x128xf32, #tpu.memory_space<vmem>>, vector<1x16xf32>,
    %swap3A_58 = vector.shape_cast %swap3A_57 : vector<1x16xf32> to vector<16xf32>
    %swap3A_59 = vector.shape_cast %broadcast_in_dim3A_0 : vector<16xf32> to vector<1x16xf32>
    tpu.vector_store %arg9[%swap3A_55, %swap3A_56], %swap3A_59 {strides = array<i32>} : memref<8x128xf32, #tpu.memory_space<vmem>>, vector<1x16xf32>,
    %swap3A_60 = arith.constant 1 : i32
    %swap3A_61 = arith.index_cast %swap3A_60 : i32 to index
    %swap3A_62 = arith.constant 32 : index
    %swap3A_63 = tpu.vector_load %arg9[%swap3A_61, %swap3A_62] {strides = array<i32>} : memref<8x128xf32, #tpu.memory_space<vmem>>, vector<1x16xf32>,
    %swap3A_64 = vector.shape_cast %swap3A_63 : vector<1x16xf32> to vector<16xf32>
    %swap3A_65 = vector.shape_cast %broadcast_in_dim3A_0 : vector<16xf32> to vector<1x16xf32>
    tpu.vector_store %arg9[%swap3A_61, %swap3A_62], %swap3A_65 {strides = array<i32>} : memref<8x128xf32, #tpu.memory_space<vmem>>, vector<1x16xf32>,
    %swap3A_66 = arith.constant 1 : i32
    %swap3A_67 = arith.index_cast %swap3A_66 : i32 to index
    %swap3A_68 = arith.constant 48 : index
    %swap3A_69 = tpu.vector_load %arg9[%swap3A_67, %swap3A_68] {strides = array<i32>} : memref<8x128xf32, #tpu.memory_space<vmem>>, vector<1x16xf32>,
    %swap3A_70 = vector.shape_cast %swap3A_69 : vector<1x16xf32> to vector<16xf32>
    %swap3A_71 = vector.shape_cast %broadcast_in_dim3A_0 : vector<16xf32> to vector<1x16xf32>
    tpu.vector_store %arg9[%swap3A_67, %swap3A_68], %swap3A_71 {strides = array<i32>} : memref<8x128xf32, #tpu.memory_space<vmem>>, vector<1x16xf32>,
    %swap3A_72 = arith.constant 1 : i32
    %swap3A_73 = arith.index_cast %swap3A_72 : i32 to index
    %swap3A_74 = arith.constant 64 : index
    %swap3A_75 = tpu.vector_load %arg9[%swap3A_73, %swap3A_74] {strides = array<i32>} : memref<8x128xf32, #tpu.memory_space<vmem>>, vector<1x16xf32>,
    %swap3A_76 = vector.shape_cast %swap3A_75 : vector<1x16xf32> to vector<16xf32>
    %swap3A_77 = vector.shape_cast %broadcast_in_dim3A_0 : vector<16xf32> to vector<1x16xf32>
    tpu.vector_store %arg9[%swap3A_73, %swap3A_74], %swap3A_77 {strides = array<i32>} : memref<8x128xf32, #tpu.memory_space<vmem>>, vector<1x16xf32>,
    %swap3A_78 = arith.constant 1 : i32
    %swap3A_79 = arith.index_cast %swap3A_78 : i32 to index
    %swap3A_80 = arith.constant 80 : index
    %swap3A_81 = tpu.vector_load %arg9[%swap3A_79, %swap3A_80] {strides = array<i32>} : memref<8x128xf32, #tpu.memory_space<vmem>>, vector<1x16xf32>,
    %swap3A_82 = vector.shape_cast %swap3A_81 : vector<1x16xf32> to vector<16xf32>
    %swap3A_83 = vector.shape_cast %broadcast_in_dim3A_0 : vector<16xf32> to vector<1x16xf32>
    tpu.vector_store %arg9[%swap3A_79, %swap3A_80], %swap3A_83 {strides = array<i32>} : memref<8x128xf32, #tpu.memory_space<vmem>>, vector<1x16xf32>,
    %swap3A_84 = arith.constant 1 : i32
    %swap3A_85 = arith.index_cast %swap3A_84 : i32 to index
    %swap3A_86 = arith.constant 96 : index
    %swap3A_87 = tpu.vector_load %arg9[%swap3A_85, %swap3A_86] {strides = array<i32>} : memref<8x128xf32, #tpu.memory_space<vmem>>, vector<1x16xf32>,
    %swap3A_88 = vector.shape_cast %swap3A_87 : vector<1x16xf32> to vector<16xf32>
    %swap3A_89 = vector.shape_cast %broadcast_in_dim3A_0 : vector<16xf32> to vector<1x16xf32>
    tpu.vector_store %arg9[%swap3A_85, %swap3A_86], %swap3A_89 {strides = array<i32>} : memref<8x128xf32, #tpu.memory_space<vmem>>, vector<1x16xf32>,
    %swap3A_90 = arith.constant 1 : i32
    %swap3A_91 = arith.index_cast %swap3A_90 : i32 to index
    %swap3A_92 = arith.constant 112 : index
    %swap3A_93 = tpu.vector_load %arg9[%swap3A_91, %swap3A_92] {strides = array<i32>} : memref<8x128xf32, #tpu.memory_space<vmem>>, vector<1x16xf32>,
    %swap3A_94 = vector.shape_cast %swap3A_93 : vector<1x16xf32> to vector<16xf32>
    %swap3A_95 = vector.shape_cast %broadcast_in_dim3A_0 : vector<16xf32> to vector<1x16xf32>
    tpu.vector_store %arg9[%swap3A_91, %swap3A_92], %swap3A_95 {strides = array<i32>} : memref<8x128xf32, #tpu.memory_space<vmem>>, vector<1x16xf32>,
    %swap3A_96 = arith.constant 2 : i32
    %swap3A_97 = arith.index_cast %swap3A_96 : i32 to index
    %swap3A_98 = arith.constant 0 : index
    %swap3A_99 = tpu.vector_load %arg9[%swap3A_97, %swap3A_98] {strides = array<i32>} : memref<8x128xf32, #tpu.memory_space<vmem>>, vector<1x16xf32>,
    %swap3A_100 = vector.shape_cast %swap3A_99 : vector<1x16xf32> to vector<16xf32>
    %swap3A_101 = vector.shape_cast %broadcast_in_dim3A_0 : vector<16xf32> to vector<1x16xf32>
    tpu.vector_store %arg9[%swap3A_97, %swap3A_98], %swap3A_101 {strides = array<i32>} : memref<8x128xf32, #tpu.memory_space<vmem>>, vector<1x16xf32>,
    %swap3A_102 = arith.constant 2 : i32
    %swap3A_103 = arith.index_cast %swap3A_102 : i32 to index
    %swap3A_104 = arith.constant 16 : index
    %swap3A_105 = tpu.vector_load %arg9[%swap3A_103, %swap3A_104] {strides = array<i32>} : memref<8x128xf32, #tpu.memory_space<vmem>>, vector<1x16xf32>,
    %swap3A_106 = vector.shape_cast %swap3A_105 : vector<1x16xf32> to vector<16xf32>
    %swap3A_107 = vector.shape_cast %broadcast_in_dim3A_0 : vector<16xf32> to vector<1x16xf32>
    tpu.vector_store %arg9[%swap3A_103, %swap3A_104], %swap3A_107 {strides = array<i32>} : memref<8x128xf32, #tpu.memory_space<vmem>>, vector<1x16xf32>,
    %swap3A_108 = arith.constant 2 : i32
    %swap3A_109 = arith.index_cast %swap3A_108 : i32 to index
    %swap3A_110 = arith.constant 32 : index
    %swap3A_111 = tpu.vector_load %arg9[%swap3A_109, %swap3A_110] {strides = array<i32>} : memref<8x128xf32, #tpu.memory_space<vmem>>, vector<1x16xf32>,
    %swap3A_112 = vector.shape_cast %swap3A_111 : vector<1x16xf32> to vector<16xf32>
    %swap3A_113 = vector.shape_cast %broadcast_in_dim3A_0 : vector<16xf32> to vector<1x16xf32>
    tpu.vector_store %arg9[%swap3A_109, %swap3A_110], %swap3A_113 {strides = array<i32>} : memref<8x128xf32, #tpu.memory_space<vmem>>, vector<1x16xf32>,
    %swap3A_114 = arith.constant 2 : i32
    %swap3A_115 = arith.index_cast %swap3A_114 : i32 to index
    %swap3A_116 = arith.constant 48 : index
    %swap3A_117 = tpu.vector_load %arg9[%swap3A_115, %swap3A_116] {strides = array<i32>} : memref<8x128xf32, #tpu.memory_space<vmem>>, vector<1x16xf32>,
    %swap3A_118 = vector.shape_cast %swap3A_117 : vector<1x16xf32> to vector<16xf32>
    %swap3A_119 = vector.shape_cast %broadcast_in_dim3A_0 : vector<16xf32> to vector<1x16xf32>
    tpu.vector_store %arg9[%swap3A_115, %swap3A_116], %swap3A_119 {strides = array<i32>} : memref<8x128xf32, #tpu.memory_space<vmem>>, vector<1x16xf32>,
    %swap3A_120 = arith.constant 2 : i32
    %swap3A_121 = arith.index_cast %swap3A_120 : i32 to index
    %swap3A_122 = arith.constant 64 : index
    %swap3A_123 = tpu.vector_load %arg9[%swap3A_121, %swap3A_122] {strides = array<i32>} : memref<8x128xf32, #tpu.memory_space<vmem>>, vector<1x16xf32>,
    %swap3A_124 = vector.shape_cast %swap3A_123 : vector<1x16xf32> to vector<16xf32>
    %swap3A_125 = vector.shape_cast %broadcast_in_dim3A_0 : vector<16xf32> to vector<1x16xf32>
    tpu.vector_store %arg9[%swap3A_121, %swap3A_122], %swap3A_125 {strides = array<i32>} : memref<8x128xf32, #tpu.memory_space<vmem>>, vector<1x16xf32>,
    %swap3A_126 = arith.constant 2 : i32
    %swap3A_127 = arith.index_cast %swap3A_126 : i32 to index
    %swap3A_128 = arith.constant 80 : index
    %swap3A_129 = tpu.vector_load %arg9[%swap3A_127, %swap3A_128] {strides = array<i32>} : memref<8x128xf32, #tpu.memory_space<vmem>>, vector<1x16xf32>,
    %swap3A_130 = vector.shape_cast %swap3A_129 : vector<1x16xf32> to vector<16xf32>
    %swap3A_131 = vector.shape_cast %broadcast_in_dim3A_0 : vector<16xf32> to vector<1x16xf32>
    tpu.vector_store %arg9[%swap3A_127, %swap3A_128], %swap3A_131 {strides = array<i32>} : memref<8x128xf32, #tpu.memory_space<vmem>>, vector<1x16xf32>,
    %swap3A_132 = arith.constant 2 : i32
    %swap3A_133 = arith.index_cast %swap3A_132 : i32 to index
    %swap3A_134 = arith.constant 96 : index
    %swap3A_135 = tpu.vector_load %arg9[%swap3A_133, %swap3A_134] {strides = array<i32>} : memref<8x128xf32, #tpu.memory_space<vmem>>, vector<1x16xf32>,
    %swap3A_136 = vector.shape_cast %swap3A_135 : vector<1x16xf32> to vector<16xf32>
    %swap3A_137 = vector.shape_cast %broadcast_in_dim3A_0 : vector<16xf32> to vector<1x16xf32>
    tpu.vector_store %arg9[%swap3A_133, %swap3A_134], %swap3A_137 {strides = array<i32>} : memref<8x128xf32, #tpu.memory_space<vmem>>, vector<1x16xf32>,
    %swap3A_138 = arith.constant 2 : i32
    %swap3A_139 = arith.index_cast %swap3A_138 : i32 to index
    %swap3A_140 = arith.constant 112 : index
    %swap3A_141 = tpu.vector_load %arg9[%swap3A_139, %swap3A_140] {strides = array<i32>} : memref<8x128xf32, #tpu.memory_space<vmem>>, vector<1x16xf32>,
    %swap3A_142 = vector.shape_cast %swap3A_141 : vector<1x16xf32> to vector<16xf32>
    %swap3A_143 = vector.shape_cast %broadcast_in_dim3A_0 : vector<16xf32> to vector<1x16xf32>
    tpu.vector_store %arg9[%swap3A_139, %swap3A_140], %swap3A_143 {strides = array<i32>} : memref<8x128xf32, #tpu.memory_space<vmem>>, vector<1x16xf32>,
    %swap3A_144 = arith.constant 3 : i32
    %swap3A_145 = arith.index_cast %swap3A_144 : i32 to index
    %swap3A_146 = arith.constant 0 : index
    %swap3A_147 = tpu.vector_load %arg9[%swap3A_145, %swap3A_146] {strides = array<i32>} : memref<8x128xf32, #tpu.memory_space<vmem>>, vector<1x16xf32>,
    %swap3A_148 = vector.shape_cast %swap3A_147 : vector<1x16xf32> to vector<16xf32>
    %swap3A_149 = vector.shape_cast %broadcast_in_dim3A_0 : vector<16xf32> to vector<1x16xf32>
    tpu.vector_store %arg9[%swap3A_145, %swap3A_146], %swap3A_149 {strides = array<i32>} : memref<8x128xf32, #tpu.memory_space<vmem>>, vector<1x16xf32>,
    %swap3A_150 = arith.constant 3 : i32
    %swap3A_151 = arith.index_cast %swap3A_150 : i32 to index
    %swap3A_152 = arith.constant 16 : index
    %swap3A_153 = tpu.vector_load %arg9[%swap3A_151, %swap3A_152] {strides = array<i32>} : memref<8x128xf32, #tpu.memory_space<vmem>>, vector<1x16xf32>,
    %swap3A_154 = vector.shape_cast %swap3A_153 : vector<1x16xf32> to vector<16xf32>
    %swap3A_155 = vector.shape_cast %broadcast_in_dim3A_0 : vector<16xf32> to vector<1x16xf32>
    tpu.vector_store %arg9[%swap3A_151, %swap3A_152], %swap3A_155 {strides = array<i32>} : memref<8x128xf32, #tpu.memory_space<vmem>>, vector<1x16xf32>,
    %swap3A_156 = arith.constant 3 : i32
    %swap3A_157 = arith.index_cast %swap3A_156 : i32 to index
    %swap3A_158 = arith.constant 32 : index
    %swap3A_159 = tpu.vector_load %arg9[%swap3A_157, %swap3A_158] {strides = array<i32>} : memref<8x128xf32, #tpu.memory_space<vmem>>, vector<1x16xf32>,
    %swap3A_160 = vector.shape_cast %swap3A_159 : vector<1x16xf32> to vector<16xf32>
    %swap3A_161 = vector.shape_cast %broadcast_in_dim3A_0 : vector<16xf32> to vector<1x16xf32>
    tpu.vector_store %arg9[%swap3A_157, %swap3A_158], %swap3A_161 {strides = array<i32>} : memref<8x128xf32, #tpu.memory_space<vmem>>, vector<1x16xf32>,
    %swap3A_162 = arith.constant 3 : i32
    %swap3A_163 = arith.index_cast %swap3A_162 : i32 to index
    %swap3A_164 = arith.constant 48 : index
    %swap3A_165 = tpu.vector_load %arg9[%swap3A_163, %swap3A_164] {strides = array<i32>} : memref<8x128xf32, #tpu.memory_space<vmem>>, vector<1x16xf32>,
    %swap3A_166 = vector.shape_cast %swap3A_165 : vector<1x16xf32> to vector<16xf32>
    %swap3A_167 = vector.shape_cast %broadcast_in_dim3A_0 : vector<16xf32> to vector<1x16xf32>
    tpu.vector_store %arg9[%swap3A_163, %swap3A_164], %swap3A_167 {strides = array<i32>} : memref<8x128xf32, #tpu.memory_space<vmem>>, vector<1x16xf32>,
    %swap3A_168 = arith.constant 3 : i32
    %swap3A_169 = arith.index_cast %swap3A_168 : i32 to index
    %swap3A_170 = arith.constant 64 : index
    %swap3A_171 = tpu.vector_load %arg9[%swap3A_169, %swap3A_170] {strides = array<i32>} : memref<8x128xf32, #tpu.memory_space<vmem>>, vector<1x16xf32>,
    %swap3A_172 = vector.shape_cast %swap3A_171 : vector<1x16xf32> to vector<16xf32>
    %swap3A_173 = vector.shape_cast %broadcast_in_dim3A_0 : vector<16xf32> to vector<1x16xf32>
    tpu.vector_store %arg9[%swap3A_169, %swap3A_170], %swap3A_173 {strides = array<i32>} : memref<8x128xf32, #tpu.memory_space<vmem>>, vector<1x16xf32>,
    %swap3A_174 = arith.constant 3 : i32
    %swap3A_175 = arith.index_cast %swap3A_174 : i32 to index
    %swap3A_176 = arith.constant 80 : index
    %swap3A_177 = tpu.vector_load %arg9[%swap3A_175, %swap3A_176] {strides = array<i32>} : memref<8x128xf32, #tpu.memory_space<vmem>>, vector<1x16xf32>,
    %swap3A_178 = vector.shape_cast %swap3A_177 : vector<1x16xf32> to vector<16xf32>
    %swap3A_179 = vector.shape_cast %broadcast_in_dim3A_0 : vector<16xf32> to vector<1x16xf32>
    tpu.vector_store %arg9[%swap3A_175, %swap3A_176], %swap3A_179 {strides = array<i32>} : memref<8x128xf32, #tpu.memory_space<vmem>>, vector<1x16xf32>,
    %swap3A_180 = arith.constant 3 : i32
    %swap3A_181 = arith.index_cast %swap3A_180 : i32 to index
    %swap3A_182 = arith.constant 96 : index
    %swap3A_183 = tpu.vector_load %arg9[%swap3A_181, %swap3A_182] {strides = array<i32>} : memref<8x128xf32, #tpu.memory_space<vmem>>, vector<1x16xf32>,
    %swap3A_184 = vector.shape_cast %swap3A_183 : vector<1x16xf32> to vector<16xf32>
    %swap3A_185 = vector.shape_cast %broadcast_in_dim3A_0 : vector<16xf32> to vector<1x16xf32>
    tpu.vector_store %arg9[%swap3A_181, %swap3A_182], %swap3A_185 {strides = array<i32>} : memref<8x128xf32, #tpu.memory_space<vmem>>, vector<1x16xf32>,
    %swap3A_186 = arith.constant 3 : i32
    %swap3A_187 = arith.index_cast %swap3A_186 : i32 to index
    %swap3A_188 = arith.constant 112 : index
    %swap3A_189 = tpu.vector_load %arg9[%swap3A_187, %swap3A_188] {strides = array<i32>} : memref<8x128xf32, #tpu.memory_space<vmem>>, vector<1x16xf32>,
    %swap3A_190 = vector.shape_cast %swap3A_189 : vector<1x16xf32> to vector<16xf32>
    %swap3A_191 = vector.shape_cast %broadcast_in_dim3A_0 : vector<16xf32> to vector<1x16xf32>
    tpu.vector_store %arg9[%swap3A_187, %swap3A_188], %swap3A_191 {strides = array<i32>} : memref<8x128xf32, #tpu.memory_space<vmem>>, vector<1x16xf32>,
    %swap3A_192 = arith.constant 4 : i32
    %swap3A_193 = arith.index_cast %swap3A_192 : i32 to index
    %swap3A_194 = arith.constant 0 : index
    %swap3A_195 = tpu.vector_load %arg9[%swap3A_193, %swap3A_194] {strides = array<i32>} : memref<8x128xf32, #tpu.memory_space<vmem>>, vector<1x16xf32>,
    %swap3A_196 = vector.shape_cast %swap3A_195 : vector<1x16xf32> to vector<16xf32>
    %swap3A_197 = vector.shape_cast %broadcast_in_dim3A_0 : vector<16xf32> to vector<1x16xf32>
    tpu.vector_store %arg9[%swap3A_193, %swap3A_194], %swap3A_197 {strides = array<i32>} : memref<8x128xf32, #tpu.memory_space<vmem>>, vector<1x16xf32>,
    %swap3A_198 = arith.constant 4 : i32
    %swap3A_199 = arith.index_cast %swap3A_198 : i32 to index
    %swap3A_200 = arith.constant 16 : index
    %swap3A_201 = tpu.vector_load %arg9[%swap3A_199, %swap3A_200] {strides = array<i32>} : memref<8x128xf32, #tpu.memory_space<vmem>>, vector<1x16xf32>,
    %swap3A_202 = vector.shape_cast %swap3A_201 : vector<1x16xf32> to vector<16xf32>
    %swap3A_203 = vector.shape_cast %broadcast_in_dim3A_0 : vector<16xf32> to vector<1x16xf32>
    tpu.vector_store %arg9[%swap3A_199, %swap3A_200], %swap3A_203 {strides = array<i32>} : memref<8x128xf32, #tpu.memory_space<vmem>>, vector<1x16xf32>,
    %swap3A_204 = arith.constant 4 : i32
    %swap3A_205 = arith.index_cast %swap3A_204 : i32 to index
    %swap3A_206 = arith.constant 32 : index
    %swap3A_207 = tpu.vector_load %arg9[%swap3A_205, %swap3A_206] {strides = array<i32>} : memref<8x128xf32, #tpu.memory_space<vmem>>, vector<1x16xf32>,
    %swap3A_208 = vector.shape_cast %swap3A_207 : vector<1x16xf32> to vector<16xf32>
    %swap3A_209 = vector.shape_cast %broadcast_in_dim3A_0 : vector<16xf32> to vector<1x16xf32>
    tpu.vector_store %arg9[%swap3A_205, %swap3A_206], %swap3A_209 {strides = array<i32>} : memref<8x128xf32, #tpu.memory_space<vmem>>, vector<1x16xf32>,
    %swap3A_210 = arith.constant 4 : i32
    %swap3A_211 = arith.index_cast %swap3A_210 : i32 to index
    %swap3A_212 = arith.constant 48 : index
    %swap3A_213 = tpu.vector_load %arg9[%swap3A_211, %swap3A_212] {strides = array<i32>} : memref<8x128xf32, #tpu.memory_space<vmem>>, vector<1x16xf32>,
    %swap3A_214 = vector.shape_cast %swap3A_213 : vector<1x16xf32> to vector<16xf32>
    %swap3A_215 = vector.shape_cast %broadcast_in_dim3A_0 : vector<16xf32> to vector<1x16xf32>
    tpu.vector_store %arg9[%swap3A_211, %swap3A_212], %swap3A_215 {strides = array<i32>} : memref<8x128xf32, #tpu.memory_space<vmem>>, vector<1x16xf32>,
    %swap3A_216 = arith.constant 4 : i32
    %swap3A_217 = arith.index_cast %swap3A_216 : i32 to index
    %swap3A_218 = arith.constant 64 : index
    %swap3A_219 = tpu.vector_load %arg9[%swap3A_217, %swap3A_218] {strides = array<i32>} : memref<8x128xf32, #tpu.memory_space<vmem>>, vector<1x16xf32>,
    %swap3A_220 = vector.shape_cast %swap3A_219 : vector<1x16xf32> to vector<16xf32>
    %swap3A_221 = vector.shape_cast %broadcast_in_dim3A_0 : vector<16xf32> to vector<1x16xf32>
    tpu.vector_store %arg9[%swap3A_217, %swap3A_218], %swap3A_221 {strides = array<i32>} : memref<8x128xf32, #tpu.memory_space<vmem>>, vector<1x16xf32>,
    %swap3A_222 = arith.constant 4 : i32
    %swap3A_223 = arith.index_cast %swap3A_222 : i32 to index
    %swap3A_224 = arith.constant 80 : index
    %swap3A_225 = tpu.vector_load %arg9[%swap3A_223, %swap3A_224] {strides = array<i32>} : memref<8x128xf32, #tpu.memory_space<vmem>>, vector<1x16xf32>,
    %swap3A_226 = vector.shape_cast %swap3A_225 : vector<1x16xf32> to vector<16xf32>
    %swap3A_227 = vector.shape_cast %broadcast_in_dim3A_0 : vector<16xf32> to vector<1x16xf32>
    tpu.vector_store %arg9[%swap3A_223, %swap3A_224], %swap3A_227 {strides = array<i32>} : memref<8x128xf32, #tpu.memory_space<vmem>>, vector<1x16xf32>,
    %swap3A_228 = arith.constant 4 : i32
    %swap3A_229 = arith.index_cast %swap3A_228 : i32 to index
    %swap3A_230 = arith.constant 96 : index
    %swap3A_231 = tpu.vector_load %arg9[%swap3A_229, %swap3A_230] {strides = array<i32>} : memref<8x128xf32, #tpu.memory_space<vmem>>, vector<1x16xf32>,
    %swap3A_232 = vector.shape_cast %swap3A_231 : vector<1x16xf32> to vector<16xf32>
    %swap3A_233 = vector.shape_cast %broadcast_in_dim3A_0 : vector<16xf32> to vector<1x16xf32>
    tpu.vector_store %arg9[%swap3A_229, %swap3A_230], %swap3A_233 {strides = array<i32>} : memref<8x128xf32, #tpu.memory_space<vmem>>, vector<1x16xf32>,
    %swap3A_234 = arith.constant 4 : i32
    %swap3A_235 = arith.index_cast %swap3A_234 : i32 to index
    %swap3A_236 = arith.constant 112 : index
    %swap3A_237 = tpu.vector_load %arg9[%swap3A_235, %swap3A_236] {strides = array<i32>} : memref<8x128xf32, #tpu.memory_space<vmem>>, vector<1x16xf32>,
    %swap3A_238 = vector.shape_cast %swap3A_237 : vector<1x16xf32> to vector<16xf32>
    %swap3A_239 = vector.shape_cast %broadcast_in_dim3A_0 : vector<16xf32> to vector<1x16xf32>
    tpu.vector_store %arg9[%swap3A_235, %swap3A_236], %swap3A_239 {strides = array<i32>} : memref<8x128xf32, #tpu.memory_space<vmem>>, vector<1x16xf32>,
    %swap3A_240 = arith.constant 5 : i32
    %swap3A_241 = arith.index_cast %swap3A_240 : i32 to index
    %swap3A_242 = arith.constant 0 : index
    %swap3A_243 = tpu.vector_load %arg9[%swap3A_241, %swap3A_242] {strides = array<i32>} : memref<8x128xf32, #tpu.memory_space<vmem>>, vector<1x16xf32>,
    %swap3A_244 = vector.shape_cast %swap3A_243 : vector<1x16xf32> to vector<16xf32>
    %swap3A_245 = vector.shape_cast %broadcast_in_dim3A_0 : vector<16xf32> to vector<1x16xf32>
    tpu.vector_store %arg9[%swap3A_241, %swap3A_242], %swap3A_245 {strides = array<i32>} : memref<8x128xf32, #tpu.memory_space<vmem>>, vector<1x16xf32>,
    %swap3A_246 = arith.constant 5 : i32
    %swap3A_247 = arith.index_cast %swap3A_246 : i32 to index
    %swap3A_248 = arith.constant 16 : index
    %swap3A_249 = tpu.vector_load %arg9[%swap3A_247, %swap3A_248] {strides = array<i32>} : memref<8x128xf32, #tpu.memory_space<vmem>>, vector<1x16xf32>,
    %swap3A_250 = vector.shape_cast %swap3A_249 : vector<1x16xf32> to vector<16xf32>
    %swap3A_251 = vector.shape_cast %broadcast_in_dim3A_0 : vector<16xf32> to vector<1x16xf32>
    tpu.vector_store %arg9[%swap3A_247, %swap3A_248], %swap3A_251 {strides = array<i32>} : memref<8x128xf32, #tpu.memory_space<vmem>>, vector<1x16xf32>,
    %swap3A_252 = arith.constant 5 : i32
    %swap3A_253 = arith.index_cast %swap3A_252 : i32 to index
    %swap3A_254 = arith.constant 32 : index
    %swap3A_255 = tpu.vector_load %arg9[%swap3A_253, %swap3A_254] {strides = array<i32>} : memref<8x128xf32, #tpu.memory_space<vmem>>, vector<1x16xf32>,
    %swap3A_256 = vector.shape_cast %swap3A_255 : vector<1x16xf32> to vector<16xf32>
    %swap3A_257 = vector.shape_cast %broadcast_in_dim3A_0 : vector<16xf32> to vector<1x16xf32>
    tpu.vector_store %arg9[%swap3A_253, %swap3A_254], %swap3A_257 {strides = array<i32>} : memref<8x128xf32, #tpu.memory_space<vmem>>, vector<1x16xf32>,
    %swap3A_258 = arith.constant 5 : i32
    %swap3A_259 = arith.index_cast %swap3A_258 : i32 to index
    %swap3A_260 = arith.constant 48 : index
    %swap3A_261 = tpu.vector_load %arg9[%swap3A_259, %swap3A_260] {strides = array<i32>} : memref<8x128xf32, #tpu.memory_space<vmem>>, vector<1x16xf32>,
    %swap3A_262 = vector.shape_cast %swap3A_261 : vector<1x16xf32> to vector<16xf32>
    %swap3A_263 = vector.shape_cast %broadcast_in_dim3A_0 : vector<16xf32> to vector<1x16xf32>
    tpu.vector_store %arg9[%swap3A_259, %swap3A_260], %swap3A_263 {strides = array<i32>} : memref<8x128xf32, #tpu.memory_space<vmem>>, vector<1x16xf32>,
    %swap3A_264 = arith.constant 5 : i32
    %swap3A_265 = arith.index_cast %swap3A_264 : i32 to index
    %swap3A_266 = arith.constant 64 : index
    %swap3A_267 = tpu.vector_load %arg9[%swap3A_265, %swap3A_266] {strides = array<i32>} : memref<8x128xf32, #tpu.memory_space<vmem>>, vector<1x16xf32>,
    %swap3A_268 = vector.shape_cast %swap3A_267 : vector<1x16xf32> to vector<16xf32>
    %swap3A_269 = vector.shape_cast %broadcast_in_dim3A_0 : vector<16xf32> to vector<1x16xf32>
    tpu.vector_store %arg9[%swap3A_265, %swap3A_266], %swap3A_269 {strides = array<i32>} : memref<8x128xf32, #tpu.memory_space<vmem>>, vector<1x16xf32>,
    %swap3A_270 = arith.constant 5 : i32
    %swap3A_271 = arith.index_cast %swap3A_270 : i32 to index
    %swap3A_272 = arith.constant 80 : index
    %swap3A_273 = tpu.vector_load %arg9[%swap3A_271, %swap3A_272] {strides = array<i32>} : memref<8x128xf32, #tpu.memory_space<vmem>>, vector<1x16xf32>,
    %swap3A_274 = vector.shape_cast %swap3A_273 : vector<1x16xf32> to vector<16xf32>
    %swap3A_275 = vector.shape_cast %broadcast_in_dim3A_0 : vector<16xf32> to vector<1x16xf32>
    tpu.vector_store %arg9[%swap3A_271, %swap3A_272], %swap3A_275 {strides = array<i32>} : memref<8x128xf32, #tpu.memory_space<vmem>>, vector<1x16xf32>,
    %swap3A_276 = arith.constant 5 : i32
    %swap3A_277 = arith.index_cast %swap3A_276 : i32 to index
    %swap3A_278 = arith.constant 96 : index
    %swap3A_279 = tpu.vector_load %arg9[%swap3A_277, %swap3A_278] {strides = array<i32>} : memref<8x128xf32, #tpu.memory_space<vmem>>, vector<1x16xf32>,
    %swap3A_280 = vector.shape_cast %swap3A_279 : vector<1x16xf32> to vector<16xf32>
    %swap3A_281 = vector.shape_cast %broadcast_in_dim3A_0 : vector<16xf32> to vector<1x16xf32>
    tpu.vector_store %arg9[%swap3A_277, %swap3A_278], %swap3A_281 {strides = array<i32>} : memref<8x128xf32, #tpu.memory_space<vmem>>, vector<1x16xf32>,
    %swap3A_282 = arith.constant 5 : i32
    %swap3A_283 = arith.index_cast %swap3A_282 : i32 to index
    %swap3A_284 = arith.constant 112 : index
    %swap3A_285 = tpu.vector_load %arg9[%swap3A_283, %swap3A_284] {strides = array<i32>} : memref<8x128xf32, #tpu.memory_space<vmem>>, vector<1x16xf32>,
    %swap3A_286 = vector.shape_cast %swap3A_285 : vector<1x16xf32> to vector<16xf32>
    %swap3A_287 = vector.shape_cast %broadcast_in_dim3A_0 : vector<16xf32> to vector<1x16xf32>
    tpu.vector_store %arg9[%swap3A_283, %swap3A_284], %swap3A_287 {strides = array<i32>} : memref<8x128xf32, #tpu.memory_space<vmem>>, vector<1x16xf32>,
    %swap3A_288 = arith.constant 6 : i32
    %swap3A_289 = arith.index_cast %swap3A_288 : i32 to index
    %swap3A_290 = arith.constant 0 : index
    %swap3A_291 = tpu.vector_load %arg9[%swap3A_289, %swap3A_290] {strides = array<i32>} : memref<8x128xf32, #tpu.memory_space<vmem>>, vector<1x16xf32>,
    %swap3A_292 = vector.shape_cast %swap3A_291 : vector<1x16xf32> to vector<16xf32>
    %swap3A_293 = vector.shape_cast %broadcast_in_dim3A_0 : vector<16xf32> to vector<1x16xf32>
    tpu.vector_store %arg9[%swap3A_289, %swap3A_290], %swap3A_293 {strides = array<i32>} : memref<8x128xf32, #tpu.memory_space<vmem>>, vector<1x16xf32>,
    %swap3A_294 = arith.constant 6 : i32
    %swap3A_295 = arith.index_cast %swap3A_294 : i32 to index
    %swap3A_296 = arith.constant 16 : index
    %swap3A_297 = tpu.vector_load %arg9[%swap3A_295, %swap3A_296] {strides = array<i32>} : memref<8x128xf32, #tpu.memory_space<vmem>>, vector<1x16xf32>,
    %swap3A_298 = vector.shape_cast %swap3A_297 : vector<1x16xf32> to vector<16xf32>
    %swap3A_299 = vector.shape_cast %broadcast_in_dim3A_0 : vector<16xf32> to vector<1x16xf32>
    tpu.vector_store %arg9[%swap3A_295, %swap3A_296], %swap3A_299 {strides = array<i32>} : memref<8x128xf32, #tpu.memory_space<vmem>>, vector<1x16xf32>,
    %swap3A_300 = arith.constant 6 : i32
    %swap3A_301 = arith.index_cast %swap3A_300 : i32 to index
    %swap3A_302 = arith.constant 32 : index
    %swap3A_303 = tpu.vector_load %arg9[%swap3A_301, %swap3A_302] {strides = array<i32>} : memref<8x128xf32, #tpu.memory_space<vmem>>, vector<1x16xf32>,
    %swap3A_304 = vector.shape_cast %swap3A_303 : vector<1x16xf32> to vector<16xf32>
    %swap3A_305 = vector.shape_cast %broadcast_in_dim3A_0 : vector<16xf32> to vector<1x16xf32>
    tpu.vector_store %arg9[%swap3A_301, %swap3A_302], %swap3A_305 {strides = array<i32>} : memref<8x128xf32, #tpu.memory_space<vmem>>, vector<1x16xf32>,
    %swap3A_306 = arith.constant 6 : i32
    %swap3A_307 = arith.index_cast %swap3A_306 : i32 to index
    %swap3A_308 = arith.constant 48 : index
    %swap3A_309 = tpu.vector_load %arg9[%swap3A_307, %swap3A_308] {strides = array<i32>} : memref<8x128xf32, #tpu.memory_space<vmem>>, vector<1x16xf32>,
    %swap3A_310 = vector.shape_cast %swap3A_309 : vector<1x16xf32> to vector<16xf32>
    %swap3A_311 = vector.shape_cast %broadcast_in_dim3A_0 : vector<16xf32> to vector<1x16xf32>
    tpu.vector_store %arg9[%swap3A_307, %swap3A_308], %swap3A_311 {strides = array<i32>} : memref<8x128xf32, #tpu.memory_space<vmem>>, vector<1x16xf32>,
    %swap3A_312 = arith.constant 6 : i32
    %swap3A_313 = arith.index_cast %swap3A_312 : i32 to index
    %swap3A_314 = arith.constant 64 : index
    %swap3A_315 = tpu.vector_load %arg9[%swap3A_313, %swap3A_314] {strides = array<i32>} : memref<8x128xf32, #tpu.memory_space<vmem>>, vector<1x16xf32>,
    %swap3A_316 = vector.shape_cast %swap3A_315 : vector<1x16xf32> to vector<16xf32>
    %swap3A_317 = vector.shape_cast %broadcast_in_dim3A_0 : vector<16xf32> to vector<1x16xf32>
    tpu.vector_store %arg9[%swap3A_313, %swap3A_314], %swap3A_317 {strides = array<i32>} : memref<8x128xf32, #tpu.memory_space<vmem>>, vector<1x16xf32>,
    %swap3A_318 = arith.constant 6 : i32
    %swap3A_319 = arith.index_cast %swap3A_318 : i32 to index
    %swap3A_320 = arith.constant 80 : index
    %swap3A_321 = tpu.vector_load %arg9[%swap3A_319, %swap3A_320] {strides = array<i32>} : memref<8x128xf32, #tpu.memory_space<vmem>>, vector<1x16xf32>,
    %swap3A_322 = vector.shape_cast %swap3A_321 : vector<1x16xf32> to vector<16xf32>
    %swap3A_323 = vector.shape_cast %broadcast_in_dim3A_0 : vector<16xf32> to vector<1x16xf32>
    tpu.vector_store %arg9[%swap3A_319, %swap3A_320], %swap3A_323 {strides = array<i32>} : memref<8x128xf32, #tpu.memory_space<vmem>>, vector<1x16xf32>,
    %swap3A_324 = arith.constant 6 : i32
    %swap3A_325 = arith.index_cast %swap3A_324 : i32 to index
    %swap3A_326 = arith.constant 96 : index
    %swap3A_327 = tpu.vector_load %arg9[%swap3A_325, %swap3A_326] {strides = array<i32>} : memref<8x128xf32, #tpu.memory_space<vmem>>, vector<1x16xf32>,
    %swap3A_328 = vector.shape_cast %swap3A_327 : vector<1x16xf32> to vector<16xf32>
    %swap3A_329 = vector.shape_cast %broadcast_in_dim3A_0 : vector<16xf32> to vector<1x16xf32>
    tpu.vector_store %arg9[%swap3A_325, %swap3A_326], %swap3A_329 {strides = array<i32>} : memref<8x128xf32, #tpu.memory_space<vmem>>, vector<1x16xf32>,
    %swap3A_330 = arith.constant 6 : i32
    %swap3A_331 = arith.index_cast %swap3A_330 : i32 to index
    %swap3A_332 = arith.constant 112 : index
    %swap3A_333 = tpu.vector_load %arg9[%swap3A_331, %swap3A_332] {strides = array<i32>} : memref<8x128xf32, #tpu.memory_space<vmem>>, vector<1x16xf32>,
    %swap3A_334 = vector.shape_cast %swap3A_333 : vector<1x16xf32> to vector<16xf32>
    %swap3A_335 = vector.shape_cast %broadcast_in_dim3A_0 : vector<16xf32> to vector<1x16xf32>
    tpu.vector_store %arg9[%swap3A_331, %swap3A_332], %swap3A_335 {strides = array<i32>} : memref<8x128xf32, #tpu.memory_space<vmem>>, vector<1x16xf32>,
    %swap3A_336 = arith.constant 7 : i32
    %swap3A_337 = arith.index_cast %swap3A_336 : i32 to index
    %swap3A_338 = arith.constant 0 : index
    %swap3A_339 = tpu.vector_load %arg9[%swap3A_337, %swap3A_338] {strides = array<i32>} : memref<8x128xf32, #tpu.memory_space<vmem>>, vector<1x16xf32>,
    %swap3A_340 = vector.shape_cast %swap3A_339 : vector<1x16xf32> to vector<16xf32>
    %swap3A_341 = vector.shape_cast %broadcast_in_dim3A_0 : vector<16xf32> to vector<1x16xf32>
    tpu.vector_store %arg9[%swap3A_337, %swap3A_338], %swap3A_341 {strides = array<i32>} : memref<8x128xf32, #tpu.memory_space<vmem>>, vector<1x16xf32>,
    %swap3A_342 = arith.constant 7 : i32
    %swap3A_343 = arith.index_cast %swap3A_342 : i32 to index
    %swap3A_344 = arith.constant 16 : index
    %swap3A_345 = tpu.vector_load %arg9[%swap3A_343, %swap3A_344] {strides = array<i32>} : memref<8x128xf32, #tpu.memory_space<vmem>>, vector<1x16xf32>,
    %swap3A_346 = vector.shape_cast %swap3A_345 : vector<1x16xf32> to vector<16xf32>
    %swap3A_347 = vector.shape_cast %broadcast_in_dim3A_0 : vector<16xf32> to vector<1x16xf32>
    tpu.vector_store %arg9[%swap3A_343, %swap3A_344], %swap3A_347 {strides = array<i32>} : memref<8x128xf32, #tpu.memory_space<vmem>>, vector<1x16xf32>,
    %swap3A_348 = arith.constant 7 : i32
    %swap3A_349 = arith.index_cast %swap3A_348 : i32 to index
    %swap3A_350 = arith.constant 32 : index
    %swap3A_351 = tpu.vector_load %arg9[%swap3A_349, %swap3A_350] {strides = array<i32>} : memref<8x128xf32, #tpu.memory_space<vmem>>, vector<1x16xf32>,
    %swap3A_352 = vector.shape_cast %swap3A_351 : vector<1x16xf32> to vector<16xf32>
    %swap3A_353 = vector.shape_cast %broadcast_in_dim3A_0 : vector<16xf32> to vector<1x16xf32>
    tpu.vector_store %arg9[%swap3A_349, %swap3A_350], %swap3A_353 {strides = array<i32>} : memref<8x128xf32, #tpu.memory_space<vmem>>, vector<1x16xf32>,
    %swap3A_354 = arith.constant 7 : i32
    %swap3A_355 = arith.index_cast %swap3A_354 : i32 to index
    %swap3A_356 = arith.constant 48 : index
    %swap3A_357 = tpu.vector_load %arg9[%swap3A_355, %swap3A_356] {strides = array<i32>} : memref<8x128xf32, #tpu.memory_space<vmem>>, vector<1x16xf32>,
    %swap3A_358 = vector.shape_cast %swap3A_357 : vector<1x16xf32> to vector<16xf32>
    %swap3A_359 = vector.shape_cast %broadcast_in_dim3A_0 : vector<16xf32> to vector<1x16xf32>
    tpu.vector_store %arg9[%swap3A_355, %swap3A_356], %swap3A_359 {strides = array<i32>} : memref<8x128xf32, #tpu.memory_space<vmem>>, vector<1x16xf32>,
    %swap3A_360 = arith.constant 7 : i32
    %swap3A_361 = arith.index_cast %swap3A_360 : i32 to index
    %swap3A_362 = arith.constant 64 : index
    %swap3A_363 = tpu.vector_load %arg9[%swap3A_361, %swap3A_362] {strides = array<i32>} : memref<8x128xf32, #tpu.memory_space<vmem>>, vector<1x16xf32>,
    %swap3A_364 = vector.shape_cast %swap3A_363 : vector<1x16xf32> to vector<16xf32>
    %swap3A_365 = vector.shape_cast %broadcast_in_dim3A_0 : vector<16xf32> to vector<1x16xf32>
    tpu.vector_store %arg9[%swap3A_361, %swap3A_362], %swap3A_365 {strides = array<i32>} : memref<8x128xf32, #tpu.memory_space<vmem>>, vector<1x16xf32>,
    %swap3A_366 = arith.constant 7 : i32
    %swap3A_367 = arith.index_cast %swap3A_366 : i32 to index
    %swap3A_368 = arith.constant 80 : index
    %swap3A_369 = tpu.vector_load %arg9[%swap3A_367, %swap3A_368] {strides = array<i32>} : memref<8x128xf32, #tpu.memory_space<vmem>>, vector<1x16xf32>,
    %swap3A_370 = vector.shape_cast %swap3A_369 : vector<1x16xf32> to vector<16xf32>
    %swap3A_371 = vector.shape_cast %broadcast_in_dim3A_0 : vector<16xf32> to vector<1x16xf32>
    tpu.vector_store %arg9[%swap3A_367, %swap3A_368], %swap3A_371 {strides = array<i32>} : memref<8x128xf32, #tpu.memory_space<vmem>>, vector<1x16xf32>,
    %swap3A_372 = arith.constant 7 : i32
    %swap3A_373 = arith.index_cast %swap3A_372 : i32 to index
    %swap3A_374 = arith.constant 96 : index
    %swap3A_375 = tpu.vector_load %arg9[%swap3A_373, %swap3A_374] {strides = array<i32>} : memref<8x128xf32, #tpu.memory_space<vmem>>, vector<1x16xf32>,
    %swap3A_376 = vector.shape_cast %swap3A_375 : vector<1x16xf32> to vector<16xf32>
    %swap3A_377 = vector.shape_cast %broadcast_in_dim3A_0 : vector<16xf32> to vector<1x16xf32>
    tpu.vector_store %arg9[%swap3A_373, %swap3A_374], %swap3A_377 {strides = array<i32>} : memref<8x128xf32, #tpu.memory_space<vmem>>, vector<1x16xf32>,
    %swap3A_378 = arith.constant 7 : i32
    %swap3A_379 = arith.index_cast %swap3A_378 : i32 to index
    %swap3A_380 = arith.constant 112 : index
    %swap3A_381 = tpu.vector_load %arg9[%swap3A_379, %swap3A_380] {strides = array<i32>} : memref<8x128xf32, #tpu.memory_space<vmem>>, vector<1x16xf32>,
    %swap3A_382 = vector.shape_cast %swap3A_381 : vector<1x16xf32> to vector<16xf32>
    %swap3A_383 = vector.shape_cast %broadcast_in_dim3A_0 : vector<16xf32> to vector<1x16xf32>
    tpu.vector_store %arg9[%swap3A_379, %swap3A_380], %swap3A_383 {strides = array<i32>} : memref<8x128xf32, #tpu.memory_space<vmem>>, vector<1x16xf32>,
    %mul3A = arith.constant 625 : i32
    %mul3A_384 = arith.muli %arg1, %mul3A : i32
    %jit3A = arith.constant 8 : i32
    %div3A = arith.divsi %mul3A_384, %jit3A : i32
    %sign3A = arith.constant 0 : i32
    %sign3A_385 = arith.cmpi sgt, %mul3A_384, %sign3A : i32
    %sign3A_386 = arith.extui %sign3A_385 : i1 to i32
    %sign3A_387 = arith.constant 0 : i32
    %sign3A_388 = arith.cmpi slt, %mul3A_384, %sign3A_387 : i32
    %sign3A_389 = arith.extui %sign3A_388 : i1 to i32
    %sign3A_390 = arith.subi %sign3A_386, %sign3A_389 : i32
    %sign3A_391 = arith.constant 0 : i32
    %sign3A_392 = arith.cmpi sgt, %jit3A, %sign3A_391 : i32
    %sign3A_393 = arith.extui %sign3A_392 : i1 to i32
    %sign3A_394 = arith.constant 0 : i32
    %sign3A_395 = arith.cmpi slt, %jit3A, %sign3A_394 : i32
    %sign3A_396 = arith.extui %sign3A_395 : i1 to i32
    %sign3A_397 = arith.subi %sign3A_393, %sign3A_396 : i32
    %ne3A = arith.cmpi ne, %sign3A_390, %sign3A_397 : i32
    %rem3A = arith.remsi %mul3A_384, %jit3A : i32
    %ne3A_398 = arith.constant 0 : i32
    %ne3A_399 = arith.cmpi ne, %rem3A, %ne3A_398 : i32
    %and3A = arith.andi %ne3A, %ne3A_399 : i1
    %sub3A = arith.constant 1 : i32
    %sub3A_400 = arith.subi %div3A, %sub3A : i32
    %select_n3A = arith.select %and3A, %sub3A_400, %div3A : i32
    %mul3A_401 = arith.constant 8 : i32
    %mul3A_402 = arith.muli %select_n3A, %mul3A_401 : i32
    %scan3A = arith.constant 0 : i32
    %scan3A_403 = arith.constant 0 : i32
    %scan3A_404 = arith.constant 79 : i32
    %scan3A_405 = arith.addi %scan3A_403, %scan3A_404 : i32
    %scan3A_406 = arith.constant 1 : i32
    scf.for %scan3A_608 = %scan3A_403 to %scan3A_405 step %scan3A_406  : i32 {
      %mul3A_609 = arith.constant 8 : i32
      %mul3A_610 = arith.muli %scan3A_608, %mul3A_609 : i32
      %add3A_611 = arith.addi %mul3A_402, %mul3A_610 : i32
      "tpu.region"() ({
        %run_scoped3A = tpu.sem_alloc : memref<!tpu.dma_semaphore, #tpu.memory_space<semaphore_mem>>
        %dma_start3A_612 = arith.constant 0 : i32
        %dma_start3A_613 = tpu.memref_slice %arg10[%add3A_611, %dma_start3A_612] : memref<10000x128xf32, #tpu.memory_space<vmem_shared>> -> memref<8x128xf32, #tpu.memory_space<vmem_shared>>
        %dma_start3A_614 = arith.constant 0 : i32
        %dma_start3A_615 = tpu.memref_slice %arg10[%add3A_611, %dma_start3A_614] : memref<10000x128xf32, #tpu.memory_space<vmem_shared>> -> memref<8x128xf32, #tpu.memory_space<vmem_shared>>
        tpu.enqueue_dma source(%arg9 : memref<8x128xf32, #tpu.memory_space<vmem>>) target(%dma_start3A_615 : memref<8x128xf32, #tpu.memory_space<vmem_shared>>) target_semaphore(%run_scoped3A : memref<!tpu.dma_semaphore, #tpu.memory_space<semaphore_mem>>)
        %dma_wait3A_616 = arith.constant 0 : i32
        %dma_wait3A_617 = tpu.memref_slice %arg10[%add3A_611, %dma_wait3A_616] : memref<10000x128xf32, #tpu.memory_space<vmem_shared>> -> memref<8x128xf32, #tpu.memory_space<vmem_shared>>
        %dma_wait3A_618 = arith.constant 0 : i32
        %dma_wait3A_619 = tpu.memref_slice %arg10[%add3A_611, %dma_wait3A_618] : memref<10000x128xf32, #tpu.memory_space<vmem_shared>> -> memref<8x128xf32, #tpu.memory_space<vmem_shared>>
        tpu.wait_dma2 semaphore(%run_scoped3A : memref<!tpu.dma_semaphore, #tpu.memory_space<semaphore_mem>>) src(%arg9 : memref<8x128xf32, #tpu.memory_space<vmem>>) dst(%dma_wait3A_619 : memref<8x128xf32, #tpu.memory_space<vmem_shared>>)
        tpu.yield
      }) : () -> ()
    }
    %scan3A_407 = arith.constant 79 : i32
    %barrier3A = arith.constant 0 : index
    tpu.barrier barrier_id(%barrier3A)
    %mul3A_408 = arith.constant 320000 : i32
    %mul3A_409 = arith.muli %arg0, %mul3A_408 : i32
    %mul3A_410 = arith.constant 20000 : i32
    %mul3A_411 = arith.muli %arg1, %mul3A_410 : i32
    %add3A = arith.addi %mul3A_409, %mul3A_411 : i32
    %mul3A_412 = arith.constant 20000 : i32
    %mul3A_413 = arith.muli %arg1, %mul3A_412 : i32
    %add3A_414 = arith.constant 0 : i32
    %add3A_415 = arith.addi %add3A, %add3A_414 : i32
    %dma_start3A = arith.constant 0 : i32
    %dma_start3A_416 = arith.constant 0 : i32
    %dma_start3A_417 = tpu.memref_slice %arg6[%dma_start3A, %dma_start3A_416] : memref<6x80xi32, #tpu.memory_space<vmem>> -> memref<1x80xi32, #tpu.memory_space<vmem>>
    %dma_start3A_418 = tpu.memref_squeeze %dma_start3A_417 : memref<1x80xi32, #tpu.memory_space<vmem>> -> memref<80xi32, #tpu.memory_space<vmem>>
    %dma_start3A_419 = tpu.memref_slice %arg3[%add3A_415] : memref<640000xi32, #tpu.memory_space<hbm>> -> memref<80xi32, #tpu.memory_space<hbm>>
    %dma_start3A_420 = arith.constant 0 : i32
    %dma_start3A_421 = tpu.memref_slice %arg6[%dma_start3A, %dma_start3A_420] : memref<6x80xi32, #tpu.memory_space<vmem>> -> memref<1x80xi32, #tpu.memory_space<vmem>>
    %dma_start3A_422 = tpu.memref_squeeze %dma_start3A_421 : memref<1x80xi32, #tpu.memory_space<vmem>> -> memref<80xi32, #tpu.memory_space<vmem>>
    %dma_start3A_423 = tpu.memref_slice %arg3[%add3A_415] : memref<640000xi32, #tpu.memory_space<hbm>> -> memref<80xi32, #tpu.memory_space<hbm>>
    tpu.enqueue_dma source(%dma_start3A_423 : memref<80xi32, #tpu.memory_space<hbm>>) target(%dma_start3A_422 : memref<80xi32, #tpu.memory_space<vmem>>) target_semaphore(%arg11 : memref<!tpu.dma_semaphore, #tpu.memory_space<semaphore_mem>>)
    %add3A_424 = arith.constant 0 : i32
    %add3A_425 = arith.addi %mul3A_413, %add3A_424 : i32
    %dma_start3A_426 = arith.constant 0 : i32
    %dma_start3A_427 = arith.constant 0 : i32
    %dma_start3A_428 = tpu.memref_slice %arg7[%dma_start3A_426, %dma_start3A_427] : memref<6x80xi32, #tpu.memory_space<vmem>> -> memref<1x80xi32, #tpu.memory_space<vmem>>
    %dma_start3A_429 = tpu.memref_squeeze %dma_start3A_428 : memref<1x80xi32, #tpu.memory_space<vmem>> -> memref<80xi32, #tpu.memory_space<vmem>>
    %dma_start3A_430 = tpu.memref_slice %arg4[%add3A_425] : memref<320000xi32, #tpu.memory_space<hbm>> -> memref<80xi32, #tpu.memory_space<hbm>>
    %dma_start3A_431 = arith.constant 0 : i32
    %dma_start3A_432 = tpu.memref_slice %arg7[%dma_start3A_426, %dma_start3A_431] : memref<6x80xi32, #tpu.memory_space<vmem>> -> memref<1x80xi32, #tpu.memory_space<vmem>>
    %dma_start3A_433 = tpu.memref_squeeze %dma_start3A_432 : memref<1x80xi32, #tpu.memory_space<vmem>> -> memref<80xi32, #tpu.memory_space<vmem>>
    %dma_start3A_434 = tpu.memref_slice %arg4[%add3A_425] : memref<320000xi32, #tpu.memory_space<hbm>> -> memref<80xi32, #tpu.memory_space<hbm>>
    tpu.enqueue_dma source(%dma_start3A_434 : memref<80xi32, #tpu.memory_space<hbm>>) target(%dma_start3A_433 : memref<80xi32, #tpu.memory_space<vmem>>) target_semaphore(%arg11 : memref<!tpu.dma_semaphore, #tpu.memory_space<semaphore_mem>>)
    %add3A_435 = arith.constant 80 : i32
    %add3A_436 = arith.addi %add3A, %add3A_435 : i32
    %dma_start3A_437 = arith.constant 1 : i32
    %dma_start3A_438 = arith.constant 0 : i32
    %dma_start3A_439 = tpu.memref_slice %arg6[%dma_start3A_437, %dma_start3A_438] : memref<6x80xi32, #tpu.memory_space<vmem>> -> memref<1x80xi32, #tpu.memory_space<vmem>>
    %dma_start3A_440 = tpu.memref_squeeze %dma_start3A_439 : memref<1x80xi32, #tpu.memory_space<vmem>> -> memref<80xi32, #tpu.memory_space<vmem>>
    %dma_start3A_441 = tpu.memref_slice %arg3[%add3A_436] : memref<640000xi32, #tpu.memory_space<hbm>> -> memref<80xi32, #tpu.memory_space<hbm>>
    %dma_start3A_442 = arith.constant 0 : i32
    %dma_start3A_443 = tpu.memref_slice %arg6[%dma_start3A_437, %dma_start3A_442] : memref<6x80xi32, #tpu.memory_space<vmem>> -> memref<1x80xi32, #tpu.memory_space<vmem>>
    %dma_start3A_444 = tpu.memref_squeeze %dma_start3A_443 : memref<1x80xi32, #tpu.memory_space<vmem>> -> memref<80xi32, #tpu.memory_space<vmem>>
    %dma_start3A_445 = tpu.memref_slice %arg3[%add3A_436] : memref<640000xi32, #tpu.memory_space<hbm>> -> memref<80xi32, #tpu.memory_space<hbm>>
    tpu.enqueue_dma source(%dma_start3A_445 : memref<80xi32, #tpu.memory_space<hbm>>) target(%dma_start3A_444 : memref<80xi32, #tpu.memory_space<vmem>>) target_semaphore(%arg11 : memref<!tpu.dma_semaphore, #tpu.memory_space<semaphore_mem>>)
    %add3A_446 = arith.constant 80 : i32
    %add3A_447 = arith.addi %mul3A_413, %add3A_446 : i32
    %dma_start3A_448 = arith.constant 1 : i32
    %dma_start3A_449 = arith.constant 0 : i32
    %dma_start3A_450 = tpu.memref_slice %arg7[%dma_start3A_448, %dma_start3A_449] : memref<6x80xi32, #tpu.memory_space<vmem>> -> memref<1x80xi32, #tpu.memory_space<vmem>>
    %dma_start3A_451 = tpu.memref_squeeze %dma_start3A_450 : memref<1x80xi32, #tpu.memory_space<vmem>> -> memref<80xi32, #tpu.memory_space<vmem>>
    %dma_start3A_452 = tpu.memref_slice %arg4[%add3A_447] : memref<320000xi32, #tpu.memory_space<hbm>> -> memref<80xi32, #tpu.memory_space<hbm>>
    %dma_start3A_453 = arith.constant 0 : i32
    %dma_start3A_454 = tpu.memref_slice %arg7[%dma_start3A_448, %dma_start3A_453] : memref<6x80xi32, #tpu.memory_space<vmem>> -> memref<1x80xi32, #tpu.memory_space<vmem>>
    %dma_start3A_455 = tpu.memref_squeeze %dma_start3A_454 : memref<1x80xi32, #tpu.memory_space<vmem>> -> memref<80xi32, #tpu.memory_space<vmem>>
    %dma_start3A_456 = tpu.memref_slice %arg4[%add3A_447] : memref<320000xi32, #tpu.memory_space<hbm>> -> memref<80xi32, #tpu.memory_space<hbm>>
    tpu.enqueue_dma source(%dma_start3A_456 : memref<80xi32, #tpu.memory_space<hbm>>) target(%dma_start3A_455 : memref<80xi32, #tpu.memory_space<vmem>>) target_semaphore(%arg11 : memref<!tpu.dma_semaphore, #tpu.memory_space<semaphore_mem>>)
    %add3A_457 = arith.constant 160 : i32
    %add3A_458 = arith.addi %add3A, %add3A_457 : i32
    %dma_start3A_459 = arith.constant 2 : i32
    %dma_start3A_460 = arith.constant 0 : i32
    %dma_start3A_461 = tpu.memref_slice %arg6[%dma_start3A_459, %dma_start3A_460] : memref<6x80xi32, #tpu.memory_space<vmem>> -> memref<1x80xi32, #tpu.memory_space<vmem>>
    %dma_start3A_462 = tpu.memref_squeeze %dma_start3A_461 : memref<1x80xi32, #tpu.memory_space<vmem>> -> memref<80xi32, #tpu.memory_space<vmem>>
    %dma_start3A_463 = tpu.memref_slice %arg3[%add3A_458] : memref<640000xi32, #tpu.memory_space<hbm>> -> memref<80xi32, #tpu.memory_space<hbm>>
    %dma_start3A_464 = arith.constant 0 : i32
    %dma_start3A_465 = tpu.memref_slice %arg6[%dma_start3A_459, %dma_start3A_464] : memref<6x80xi32, #tpu.memory_space<vmem>> -> memref<1x80xi32, #tpu.memory_space<vmem>>
    %dma_start3A_466 = tpu.memref_squeeze %dma_start3A_465 : memref<1x80xi32, #tpu.memory_space<vmem>> -> memref<80xi32, #tpu.memory_space<vmem>>
    %dma_start3A_467 = tpu.memref_slice %arg3[%add3A_458] : memref<640000xi32, #tpu.memory_space<hbm>> -> memref<80xi32, #tpu.memory_space<hbm>>
    tpu.enqueue_dma source(%dma_start3A_467 : memref<80xi32, #tpu.memory_space<hbm>>) target(%dma_start3A_466 : memref<80xi32, #tpu.memory_space<vmem>>) target_semaphore(%arg11 : memref<!tpu.dma_semaphore, #tpu.memory_space<semaphore_mem>>)
    %add3A_468 = arith.constant 160 : i32
    %add3A_469 = arith.addi %mul3A_413, %add3A_468 : i32
    %dma_start3A_470 = arith.constant 2 : i32
    %dma_start3A_471 = arith.constant 0 : i32
    %dma_start3A_472 = tpu.memref_slice %arg7[%dma_start3A_470, %dma_start3A_471] : memref<6x80xi32, #tpu.memory_space<vmem>> -> memref<1x80xi32, #tpu.memory_space<vmem>>
    %dma_start3A_473 = tpu.memref_squeeze %dma_start3A_472 : memref<1x80xi32, #tpu.memory_space<vmem>> -> memref<80xi32, #tpu.memory_space<vmem>>
    %dma_start3A_474 = tpu.memref_slice %arg4[%add3A_469] : memref<320000xi32, #tpu.memory_space<hbm>> -> memref<80xi32, #tpu.memory_space<hbm>>
    %dma_start3A_475 = arith.constant 0 : i32
    %dma_start3A_476 = tpu.memref_slice %arg7[%dma_start3A_470, %dma_start3A_475] : memref<6x80xi32, #tpu.memory_space<vmem>> -> memref<1x80xi32, #tpu.memory_space<vmem>>
    %dma_start3A_477 = tpu.memref_squeeze %dma_start3A_476 : memref<1x80xi32, #tpu.memory_space<vmem>> -> memref<80xi32, #tpu.memory_space<vmem>>
    %dma_start3A_478 = tpu.memref_slice %arg4[%add3A_469] : memref<320000xi32, #tpu.memory_space<hbm>> -> memref<80xi32, #tpu.memory_space<hbm>>
    tpu.enqueue_dma source(%dma_start3A_478 : memref<80xi32, #tpu.memory_space<hbm>>) target(%dma_start3A_477 : memref<80xi32, #tpu.memory_space<vmem>>) target_semaphore(%arg11 : memref<!tpu.dma_semaphore, #tpu.memory_space<semaphore_mem>>)
    %add3A_479 = arith.constant 240 : i32
    %add3A_480 = arith.addi %add3A, %add3A_479 : i32
    %dma_start3A_481 = arith.constant 3 : i32
    %dma_start3A_482 = arith.constant 0 : i32
    %dma_start3A_483 = tpu.memref_slice %arg6[%dma_start3A_481, %dma_start3A_482] : memref<6x80xi32, #tpu.memory_space<vmem>> -> memref<1x80xi32, #tpu.memory_space<vmem>>
    %dma_start3A_484 = tpu.memref_squeeze %dma_start3A_483 : memref<1x80xi32, #tpu.memory_space<vmem>> -> memref<80xi32, #tpu.memory_space<vmem>>
    %dma_start3A_485 = tpu.memref_slice %arg3[%add3A_480] : memref<640000xi32, #tpu.memory_space<hbm>> -> memref<80xi32, #tpu.memory_space<hbm>>
    %dma_start3A_486 = arith.constant 0 : i32
    %dma_start3A_487 = tpu.memref_slice %arg6[%dma_start3A_481, %dma_start3A_486] : memref<6x80xi32, #tpu.memory_space<vmem>> -> memref<1x80xi32, #tpu.memory_space<vmem>>
    %dma_start3A_488 = tpu.memref_squeeze %dma_start3A_487 : memref<1x80xi32, #tpu.memory_space<vmem>> -> memref<80xi32, #tpu.memory_space<vmem>>
    %dma_start3A_489 = tpu.memref_slice %arg3[%add3A_480] : memref<640000xi32, #tpu.memory_space<hbm>> -> memref<80xi32, #tpu.memory_space<hbm>>
    tpu.enqueue_dma source(%dma_start3A_489 : memref<80xi32, #tpu.memory_space<hbm>>) target(%dma_start3A_488 : memref<80xi32, #tpu.memory_space<vmem>>) target_semaphore(%arg11 : memref<!tpu.dma_semaphore, #tpu.memory_space<semaphore_mem>>)
    %add3A_490 = arith.constant 240 : i32
    %add3A_491 = arith.addi %mul3A_413, %add3A_490 : i32
    %dma_start3A_492 = arith.constant 3 : i32
    %dma_start3A_493 = arith.constant 0 : i32
    %dma_start3A_494 = tpu.memref_slice %arg7[%dma_start3A_492, %dma_start3A_493] : memref<6x80xi32, #tpu.memory_space<vmem>> -> memref<1x80xi32, #tpu.memory_space<vmem>>
    %dma_start3A_495 = tpu.memref_squeeze %dma_start3A_494 : memref<1x80xi32, #tpu.memory_space<vmem>> -> memref<80xi32, #tpu.memory_space<vmem>>
    %dma_start3A_496 = tpu.memref_slice %arg4[%add3A_491] : memref<320000xi32, #tpu.memory_space<hbm>> -> memref<80xi32, #tpu.memory_space<hbm>>
    %dma_start3A_497 = arith.constant 0 : i32
    %dma_start3A_498 = tpu.memref_slice %arg7[%dma_start3A_492, %dma_start3A_497] : memref<6x80xi32, #tpu.memory_space<vmem>> -> memref<1x80xi32, #tpu.memory_space<vmem>>
    %dma_start3A_499 = tpu.memref_squeeze %dma_start3A_498 : memref<1x80xi32, #tpu.memory_space<vmem>> -> memref<80xi32, #tpu.memory_space<vmem>>
    %dma_start3A_500 = tpu.memref_slice %arg4[%add3A_491] : memref<320000xi32, #tpu.memory_space<hbm>> -> memref<80xi32, #tpu.memory_space<hbm>>
    tpu.enqueue_dma source(%dma_start3A_500 : memref<80xi32, #tpu.memory_space<hbm>>) target(%dma_start3A_499 : memref<80xi32, #tpu.memory_space<vmem>>) target_semaphore(%arg11 : memref<!tpu.dma_semaphore, #tpu.memory_space<semaphore_mem>>)
    %dma_wait3A = arith.constant 0 : i32
    %dma_wait3A_501 = arith.constant 0 : i32
    %dma_wait3A_502 = tpu.memref_slice %arg6[%dma_wait3A, %dma_wait3A_501] : memref<6x80xi32, #tpu.memory_space<vmem>> -> memref<1x80xi32, #tpu.memory_space<vmem>>
    %dma_wait3A_503 = tpu.memref_squeeze %dma_wait3A_502 : memref<1x80xi32, #tpu.memory_space<vmem>> -> memref<80xi32, #tpu.memory_space<vmem>>
    %dma_wait3A_504 = arith.constant 0 : i32
    %dma_wait3A_505 = tpu.memref_slice %arg3[%dma_wait3A_504] : memref<640000xi32, #tpu.memory_space<hbm>> -> memref<80xi32, #tpu.memory_space<hbm>>
    %dma_wait3A_506 = arith.constant 0 : i32
    %dma_wait3A_507 = tpu.memref_slice %arg6[%dma_wait3A, %dma_wait3A_506] : memref<6x80xi32, #tpu.memory_space<vmem>> -> memref<1x80xi32, #tpu.memory_space<vmem>>
    %dma_wait3A_508 = tpu.memref_squeeze %dma_wait3A_507 : memref<1x80xi32, #tpu.memory_space<vmem>> -> memref<80xi32, #tpu.memory_space<vmem>>
    %dma_wait3A_509 = arith.constant 0 : i32
    %dma_wait3A_510 = tpu.memref_slice %arg3[%dma_wait3A_509] : memref<640000xi32, #tpu.memory_space<hbm>> -> memref<80xi32, #tpu.memory_space<hbm>>
    tpu.wait_dma2 semaphore(%arg11 : memref<!tpu.dma_semaphore, #tpu.memory_space<semaphore_mem>>) src(%dma_wait3A_510 : memref<80xi32, #tpu.memory_space<hbm>>) dst(%dma_wait3A_508 : memref<80xi32, #tpu.memory_space<vmem>>)
    %dma_wait3A_511 = arith.constant 0 : i32
    %dma_wait3A_512 = arith.constant 0 : i32
    %dma_wait3A_513 = tpu.memref_slice %arg7[%dma_wait3A_511, %dma_wait3A_512] : memref<6x80xi32, #tpu.memory_space<vmem>> -> memref<1x80xi32, #tpu.memory_space<vmem>>
    %dma_wait3A_514 = tpu.memref_squeeze %dma_wait3A_513 : memref<1x80xi32, #tpu.memory_space<vmem>> -> memref<80xi32, #tpu.memory_space<vmem>>
    %dma_wait3A_515 = arith.constant 0 : i32
    %dma_wait3A_516 = tpu.memref_slice %arg4[%dma_wait3A_515] : memref<320000xi32, #tpu.memory_space<hbm>> -> memref<80xi32, #tpu.memory_space<hbm>>
    %dma_wait3A_517 = arith.constant 0 : i32
    %dma_wait3A_518 = tpu.memref_slice %arg7[%dma_wait3A_511, %dma_wait3A_517] : memref<6x80xi32, #tpu.memory_space<vmem>> -> memref<1x80xi32, #tpu.memory_space<vmem>>
    %dma_wait3A_519 = tpu.memref_squeeze %dma_wait3A_518 : memref<1x80xi32, #tpu.memory_space<vmem>> -> memref<80xi32, #tpu.memory_space<vmem>>
    %dma_wait3A_520 = arith.constant 0 : i32
    %dma_wait3A_521 = tpu.memref_slice %arg4[%dma_wait3A_520] : memref<320000xi32, #tpu.memory_space<hbm>> -> memref<80xi32, #tpu.memory_space<hbm>>
    tpu.wait_dma2 semaphore(%arg11 : memref<!tpu.dma_semaphore, #tpu.memory_space<semaphore_mem>>) src(%dma_wait3A_521 : memref<80xi32, #tpu.memory_space<hbm>>) dst(%dma_wait3A_519 : memref<80xi32, #tpu.memory_space<vmem>>)
    %dma_start3A_522 = arith.constant 0 : i32
    %dma_start3A_523 = arith.constant 0 : i32
    %dma_start3A_524 = arith.constant 0 : i32
    %dma_start3A_525 = arith.constant 0 : i32
    %dma_start3A_526 = tpu.memref_slice %arg8[%dma_start3A_523, %dma_start3A_524, %dma_start3A_525] : memref<4x80x128xf32, #tpu.memory_space<vmem>> -> memref<1x80x128xf32, #tpu.memory_space<vmem>>
    %dma_start3A_527 = tpu.memref_squeeze %dma_start3A_526 : memref<1x80x128xf32, #tpu.memory_space<vmem>> -> memref<80x128xf32, #tpu.memory_space<vmem>>
    %dma_start3A_528 = arith.constant 0 : i32
    %dma_start3A_529 = tpu.memref_slice %arg6[%dma_start3A_522, %dma_start3A_528] : memref<6x80xi32, #tpu.memory_space<vmem>> -> memref<1x80xi32, #tpu.memory_space<vmem>>
    %dma_start3A_530 = tpu.memref_squeeze %dma_start3A_529 : memref<1x80xi32, #tpu.memory_space<vmem>> -> memref<80xi32, #tpu.memory_space<vmem>>
    %dma_start3A_531 = arith.constant 0 : i32
    %dma_start3A_532 = arith.constant 0 : i32
    %dma_start3A_533 = tpu.memref_slice %arg2[%dma_start3A_531, %dma_start3A_532] : memref<20000x128xf32, #tpu.memory_space<hbm>> -> memref<20000x128xf32, #tpu.memory_space<hbm>>
    tpu.enqueue_indirect_dma source(%dma_start3A_533 : memref<20000x128xf32, #tpu.memory_space<hbm>>) target(%dma_start3A_527 : memref<80x128xf32, #tpu.memory_space<vmem>>) offsets(%dma_start3A_530 : memref<80xi32, #tpu.memory_space<vmem>>) semaphore(%arg12 : memref<!tpu.dma_semaphore, #tpu.memory_space<semaphore_mem>>)
    %dma_wait3A_534 = arith.constant 1 : i32
    %dma_wait3A_535 = arith.constant 0 : i32
    %dma_wait3A_536 = tpu.memref_slice %arg6[%dma_wait3A_534, %dma_wait3A_535] : memref<6x80xi32, #tpu.memory_space<vmem>> -> memref<1x80xi32, #tpu.memory_space<vmem>>
    %dma_wait3A_537 = tpu.memref_squeeze %dma_wait3A_536 : memref<1x80xi32, #tpu.memory_space<vmem>> -> memref<80xi32, #tpu.memory_space<vmem>>
    %dma_wait3A_538 = arith.constant 0 : i32
    %dma_wait3A_539 = tpu.memref_slice %arg3[%dma_wait3A_538] : memref<640000xi32, #tpu.memory_space<hbm>> -> memref<80xi32, #tpu.memory_space<hbm>>
    %dma_wait3A_540 = arith.constant 0 : i32
    %dma_wait3A_541 = tpu.memref_slice %arg6[%dma_wait3A_534, %dma_wait3A_540] : memref<6x80xi32, #tpu.memory_space<vmem>> -> memref<1x80xi32, #tpu.memory_space<vmem>>
    %dma_wait3A_542 = tpu.memref_squeeze %dma_wait3A_541 : memref<1x80xi32, #tpu.memory_space<vmem>> -> memref<80xi32, #tpu.memory_space<vmem>>
    %dma_wait3A_543 = arith.constant 0 : i32
    %dma_wait3A_544 = tpu.memref_slice %arg3[%dma_wait3A_543] : memref<640000xi32, #tpu.memory_space<hbm>> -> memref<80xi32, #tpu.memory_space<hbm>>
    tpu.wait_dma2 semaphore(%arg11 : memref<!tpu.dma_semaphore, #tpu.memory_space<semaphore_mem>>) src(%dma_wait3A_544 : memref<80xi32, #tpu.memory_space<hbm>>) dst(%dma_wait3A_542 : memref<80xi32, #tpu.memory_space<vmem>>)
    %dma_wait3A_545 = arith.constant 1 : i32
    %dma_wait3A_546 = arith.constant 0 : i32
    %dma_wait3A_547 = tpu.memref_slice %arg7[%dma_wait3A_545, %dma_wait3A_546] : memref<6x80xi32, #tpu.memory_space<vmem>> -> memref<1x80xi32, #tpu.memory_space<vmem>>
    %dma_wait3A_548 = tpu.memref_squeeze %dma_wait3A_547 : memref<1x80xi32, #tpu.memory_space<vmem>> -> memref<80xi32, #tpu.memory_space<vmem>>
    %dma_wait3A_549 = arith.constant 0 : i32
    %dma_wait3A_550 = tpu.memref_slice %arg4[%dma_wait3A_549] : memref<320000xi32, #tpu.memory_space<hbm>> -> memref<80xi32, #tpu.memory_space<hbm>>
    %dma_wait3A_551 = arith.constant 0 : i32
    %dma_wait3A_552 = tpu.memref_slice %arg7[%dma_wait3A_545, %dma_wait3A_551] : memref<6x80xi32, #tpu.memory_space<vmem>> -> memref<1x80xi32, #tpu.memory_space<vmem>>
    %dma_wait3A_553 = tpu.memref_squeeze %dma_wait3A_552 : memref<1x80xi32, #tpu.memory_space<vmem>> -> memref<80xi32, #tpu.memory_space<vmem>>
    %dma_wait3A_554 = arith.constant 0 : i32
    %dma_wait3A_555 = tpu.memref_slice %arg4[%dma_wait3A_554] : memref<320000xi32, #tpu.memory_space<hbm>> -> memref<80xi32, #tpu.memory_space<hbm>>
    tpu.wait_dma2 semaphore(%arg11 : memref<!tpu.dma_semaphore, #tpu.memory_space<semaphore_mem>>) src(%dma_wait3A_555 : memref<80xi32, #tpu.memory_space<hbm>>) dst(%dma_wait3A_553 : memref<80xi32, #tpu.memory_space<vmem>>)
    %dma_start3A_556 = arith.constant 1 : i32
    %dma_start3A_557 = arith.constant 1 : i32
    %dma_start3A_558 = arith.constant 0 : i32
    %dma_start3A_559 = arith.constant 0 : i32
    %dma_start3A_560 = tpu.memref_slice %arg8[%dma_start3A_557, %dma_start3A_558, %dma_start3A_559] : memref<4x80x128xf32, #tpu.memory_space<vmem>> -> memref<1x80x128xf32, #tpu.memory_space<vmem>>
    %dma_start3A_561 = tpu.memref_squeeze %dma_start3A_560 : memref<1x80x128xf32, #tpu.memory_space<vmem>> -> memref<80x128xf32, #tpu.memory_space<vmem>>
    %dma_start3A_562 = arith.constant 0 : i32
    %dma_start3A_563 = tpu.memref_slice %arg6[%dma_start3A_556, %dma_start3A_562] : memref<6x80xi32, #tpu.memory_space<vmem>> -> memref<1x80xi32, #tpu.memory_space<vmem>>
    %dma_start3A_564 = tpu.memref_squeeze %dma_start3A_563 : memref<1x80xi32, #tpu.memory_space<vmem>> -> memref<80xi32, #tpu.memory_space<vmem>>
    %dma_start3A_565 = arith.constant 0 : i32
    %dma_start3A_566 = arith.constant 0 : i32
    %dma_start3A_567 = tpu.memref_slice %arg2[%dma_start3A_565, %dma_start3A_566] : memref<20000x128xf32, #tpu.memory_space<hbm>> -> memref<20000x128xf32, #tpu.memory_space<hbm>>
    tpu.enqueue_indirect_dma source(%dma_start3A_567 : memref<20000x128xf32, #tpu.memory_space<hbm>>) target(%dma_start3A_561 : memref<80x128xf32, #tpu.memory_space<vmem>>) offsets(%dma_start3A_564 : memref<80xi32, #tpu.memory_space<vmem>>) semaphore(%arg12 : memref<!tpu.dma_semaphore, #tpu.memory_space<semaphore_mem>>)
    %scan3A_568 = arith.constant 0 : i32
    %scan3A_569 = arith.constant 0 : i32
    %scan3A_570 = arith.constant 125 : i32
    %scan3A_571 = arith.addi %scan3A_569, %scan3A_570 : i32
    %scan3A_572 = arith.constant 1 : i32
    scf.for %scan3A_608 = %scan3A_569 to %scan3A_571 step %scan3A_572  : i32 {
      %mul3A_609 = arith.constant 2 : i32
      %mul3A_610 = arith.muli %mul3A_609, %scan3A_608 : i32
      %jit3A_611 = arith.constant 2 : i32
      %eq3A = arith.constant 0 : i32
      %eq3A_612 = arith.cmpi eq, %jit3A_611, %eq3A : i32
      %jit3A_613 = arith.constant 1 : i32
      %select_n3A_614 = arith.select %eq3A_612, %jit3A_613, %jit3A_611 : i32
      %rem3A_615 = arith.remsi %scan3A_608, %select_n3A_614 : i32
      %ne3A_616 = arith.constant 0 : i32
      %ne3A_617 = arith.cmpi ne, %rem3A_615, %ne3A_616 : i32
      %lt3A = arith.constant 0 : i32
      %lt3A_618 = arith.cmpi slt, %rem3A_615, %lt3A : i32
      %lt3A_619 = arith.constant 0 : i32
      %lt3A_620 = arith.cmpi slt, %select_n3A_614, %lt3A_619 : i32
      %ne3A_621 = arith.xori %lt3A_618, %lt3A_620 : i1
      %and3A_622 = arith.andi %ne3A_621, %ne3A_617 : i1
      %add3A_623 = arith.addi %rem3A_615, %select_n3A_614 : i32
      %select_n3A_624 = arith.select %and3A_622, %add3A_623, %rem3A_615 : i32
      %mul3A_625 = arith.constant 2 : i32
      %mul3A_626 = arith.muli %mul3A_625, %select_n3A_624 : i32
      %sub3A_627 = arith.constant 2 : i32
      %sub3A_628 = arith.subi %sub3A_627, %mul3A_626 : i32
      %jit3A_629 = arith.constant 3 : i32
      %eq3A_630 = arith.constant 0 : i32
      %eq3A_631 = arith.cmpi eq, %jit3A_629, %eq3A_630 : i32
      %jit3A_632 = arith.constant 1 : i32
      %select_n3A_633 = arith.select %eq3A_631, %jit3A_632, %jit3A_629 : i32
      %rem3A_634 = arith.remsi %scan3A_608, %select_n3A_633 : i32
      %ne3A_635 = arith.constant 0 : i32
      %ne3A_636 = arith.cmpi ne, %rem3A_634, %ne3A_635 : i32
      %lt3A_637 = arith.constant 0 : i32
      %lt3A_638 = arith.cmpi slt, %rem3A_634, %lt3A_637 : i32
      %lt3A_639 = arith.constant 0 : i32
      %lt3A_640 = arith.cmpi slt, %select_n3A_633, %lt3A_639 : i32
      %ne3A_641 = arith.xori %lt3A_638, %lt3A_640 : i1
      %and3A_642 = arith.andi %ne3A_641, %ne3A_636 : i1
      %add3A_643 = arith.addi %rem3A_634, %select_n3A_633 : i32
      %select_n3A_644 = arith.select %and3A_642, %add3A_643, %rem3A_634 : i32
      %mul3A_645 = arith.constant 2 : i32
      %mul3A_646 = arith.muli %mul3A_645, %select_n3A_644 : i32
      %add3A_647 = arith.constant 1 : i32
      %add3A_648 = arith.addi %scan3A_608, %add3A_647 : i32
      %jit3A_649 = arith.constant 3 : i32
      %eq3A_650 = arith.constant 0 : i32
      %eq3A_651 = arith.cmpi eq, %jit3A_649, %eq3A_650 : i32
      %jit3A_652 = arith.constant 1 : i32
      %select_n3A_653 = arith.select %eq3A_651, %jit3A_652, %jit3A_649 : i32
      %rem3A_654 = arith.remsi %add3A_648, %select_n3A_653 : i32
      %ne3A_655 = arith.constant 0 : i32
      %ne3A_656 = arith.cmpi ne, %rem3A_654, %ne3A_655 : i32
      %lt3A_657 = arith.constant 0 : i32
      %lt3A_658 = arith.cmpi slt, %rem3A_654, %lt3A_657 : i32
      %lt3A_659 = arith.constant 0 : i32
      %lt3A_660 = arith.cmpi slt, %select_n3A_653, %lt3A_659 : i32
      %ne3A_661 = arith.xori %lt3A_658, %lt3A_660 : i1
      %and3A_662 = arith.andi %ne3A_661, %ne3A_656 : i1
      %add3A_663 = arith.addi %rem3A_654, %select_n3A_653 : i32
      %select_n3A_664 = arith.select %and3A_662, %add3A_663, %rem3A_654 : i32
      %mul3A_665 = arith.constant 2 : i32
      %mul3A_666 = arith.muli %mul3A_665, %select_n3A_664 : i32
      %add3A_667 = arith.constant 2 : i32
      %add3A_668 = arith.addi %scan3A_608, %add3A_667 : i32
      %jit3A_669 = arith.constant 3 : i32
      %eq3A_670 = arith.constant 0 : i32
      %eq3A_671 = arith.cmpi eq, %jit3A_669, %eq3A_670 : i32
      %jit3A_672 = arith.constant 1 : i32
      %select_n3A_673 = arith.select %eq3A_671, %jit3A_672, %jit3A_669 : i32
      %rem3A_674 = arith.remsi %add3A_668, %select_n3A_673 : i32
      %ne3A_675 = arith.constant 0 : i32
      %ne3A_676 = arith.cmpi ne, %rem3A_674, %ne3A_675 : i32
      %lt3A_677 = arith.constant 0 : i32
      %lt3A_678 = arith.cmpi slt, %rem3A_674, %lt3A_677 : i32
      %lt3A_679 = arith.constant 0 : i32
      %lt3A_680 = arith.cmpi slt, %select_n3A_673, %lt3A_679 : i32
      %ne3A_681 = arith.xori %lt3A_678, %lt3A_680 : i1
      %and3A_682 = arith.andi %ne3A_681, %ne3A_676 : i1
      %add3A_683 = arith.addi %rem3A_674, %select_n3A_673 : i32
      %select_n3A_684 = arith.select %and3A_682, %add3A_683, %rem3A_674 : i32
      %mul3A_685 = arith.constant 2 : i32
      %mul3A_686 = arith.muli %mul3A_685, %select_n3A_684 : i32
      %dma_wait3A_687 = arith.constant 0 : i32
      %dma_wait3A_688 = arith.constant 0 : i32
      %dma_wait3A_689 = tpu.memref_slice %arg8[%mul3A_626, %dma_wait3A_687, %dma_wait3A_688] : memref<4x80x128xf32, #tpu.memory_space<vmem>> -> memref<1x80x128xf32, #tpu.memory_space<vmem>>
      %dma_wait3A_690 = tpu.memref_squeeze %dma_wait3A_689 : memref<1x80x128xf32, #tpu.memory_space<vmem>> -> memref<80x128xf32, #tpu.memory_space<vmem>>
      %dma_wait3A_691 = arith.constant 0 : i32
      %dma_wait3A_692 = arith.constant 0 : i32
      %dma_wait3A_693 = tpu.memref_slice %arg2[%dma_wait3A_691, %dma_wait3A_692] : memref<20000x128xf32, #tpu.memory_space<hbm>> -> memref<80x128xf32, #tpu.memory_space<hbm>>
      %dma_wait3A_694 = arith.constant 0 : i32
      %dma_wait3A_695 = arith.constant 0 : i32
      %dma_wait3A_696 = tpu.memref_slice %arg8[%mul3A_626, %dma_wait3A_694, %dma_wait3A_695] : memref<4x80x128xf32, #tpu.memory_space<vmem>> -> memref<1x80x128xf32, #tpu.memory_space<vmem>>
      %dma_wait3A_697 = tpu.memref_squeeze %dma_wait3A_696 : memref<1x80x128xf32, #tpu.memory_space<vmem>> -> memref<80x128xf32, #tpu.memory_space<vmem>>
      %dma_wait3A_698 = arith.constant 0 : i32
      %dma_wait3A_699 = arith.constant 0 : i32
      %dma_wait3A_700 = tpu.memref_slice %arg2[%dma_wait3A_698, %dma_wait3A_699] : memref<20000x128xf32, #tpu.memory_space<hbm>> -> memref<80x128xf32, #tpu.memory_space<hbm>>
      tpu.wait_dma2 semaphore(%arg12 : memref<!tpu.dma_semaphore, #tpu.memory_space<semaphore_mem>>) src(%dma_wait3A_700 : memref<80x128xf32, #tpu.memory_space<hbm>>) dst(%dma_wait3A_697 : memref<80x128xf32, #tpu.memory_space<vmem>>)
      %ge3A = arith.constant 1 : i32
      %ge3A_701 = arith.cmpi sge, %scan3A_608, %ge3A : i32
      %convert_element_type3A = arith.extui %ge3A_701 : i1 to i32
      %cond3A = arith.constant 0 : i32
      %cond3A_702 = arith.cmpi ne, %convert_element_type3A, %cond3A : i32
      scf.if %cond3A_702 {
        %dma_wait3A_776 = arith.constant 0 : i32
        %dma_wait3A_777 = arith.constant 0 : i32
        %dma_wait3A_778 = tpu.memref_slice %arg8[%sub3A_628, %dma_wait3A_776, %dma_wait3A_777] : memref<4x80x128xf32, #tpu.memory_space<vmem>> -> memref<1x80x128xf32, #tpu.memory_space<vmem>>
        %dma_wait3A_779 = tpu.memref_squeeze %dma_wait3A_778 : memref<1x80x128xf32, #tpu.memory_space<vmem>> -> memref<80x128xf32, #tpu.memory_space<vmem>>
        %dma_wait3A_780 = arith.constant 0 : i32
        %dma_wait3A_781 = arith.constant 0 : i32
        %dma_wait3A_782 = tpu.memref_slice %arg10[%dma_wait3A_780, %dma_wait3A_781] : memref<10000x128xf32, #tpu.memory_space<vmem_shared>> -> memref<80x128xf32, #tpu.memory_space<vmem_shared>>
        %dma_wait3A_783 = arith.constant 0 : i32
        %dma_wait3A_784 = arith.constant 0 : i32
        %dma_wait3A_785 = tpu.memref_slice %arg10[%dma_wait3A_783, %dma_wait3A_784] : memref<10000x128xf32, #tpu.memory_space<vmem_shared>> -> memref<80x128xf32, #tpu.memory_space<vmem_shared>>
        %dma_wait3A_786 = arith.constant 0 : i32
        %dma_wait3A_787 = arith.constant 0 : i32
        %dma_wait3A_788 = tpu.memref_slice %arg8[%sub3A_628, %dma_wait3A_786, %dma_wait3A_787] : memref<4x80x128xf32, #tpu.memory_space<vmem>> -> memref<1x80x128xf32, #tpu.memory_space<vmem>>
        %dma_wait3A_789 = tpu.memref_squeeze %dma_wait3A_788 : memref<1x80x128xf32, #tpu.memory_space<vmem>> -> memref<80x128xf32, #tpu.memory_space<vmem>>
        tpu.wait_dma2 semaphore(%arg13 : memref<!tpu.dma_semaphore, #tpu.memory_space<semaphore_mem>>) src(%dma_wait3A_789 : memref<80x128xf32, #tpu.memory_space<vmem>>) dst(%dma_wait3A_785 : memref<80x128xf32, #tpu.memory_space<vmem_shared>>)
      } else {
      }
      %add3A_703 = arith.constant 2 : i32
      %add3A_704 = arith.addi %mul3A_610, %add3A_703 : i32
      %lt3A_705 = arith.constant 250 : i32
      %lt3A_706 = arith.cmpi slt, %add3A_704, %lt3A_705 : i32
      %convert_element_type3A_707 = arith.extui %lt3A_706 : i1 to i32
      %cond3A_708 = arith.constant 0 : i32
      %cond3A_709 = arith.cmpi ne, %convert_element_type3A_707, %cond3A_708 : i32
      scf.if %cond3A_709 {
        %dma_wait3A_776 = arith.constant 0 : i32
        %dma_wait3A_777 = tpu.memref_slice %arg6[%mul3A_666, %dma_wait3A_776] : memref<6x80xi32, #tpu.memory_space<vmem>> -> memref<1x80xi32, #tpu.memory_space<vmem>>
        %dma_wait3A_778 = tpu.memref_squeeze %dma_wait3A_777 : memref<1x80xi32, #tpu.memory_space<vmem>> -> memref<80xi32, #tpu.memory_space<vmem>>
        %dma_wait3A_779 = arith.constant 0 : i32
        %dma_wait3A_780 = tpu.memref_slice %arg3[%dma_wait3A_779] : memref<640000xi32, #tpu.memory_space<hbm>> -> memref<80xi32, #tpu.memory_space<hbm>>
        %dma_wait3A_781 = arith.constant 0 : i32
        %dma_wait3A_782 = tpu.memref_slice %arg6[%mul3A_666, %dma_wait3A_781] : memref<6x80xi32, #tpu.memory_space<vmem>> -> memref<1x80xi32, #tpu.memory_space<vmem>>
        %dma_wait3A_783 = tpu.memref_squeeze %dma_wait3A_782 : memref<1x80xi32, #tpu.memory_space<vmem>> -> memref<80xi32, #tpu.memory_space<vmem>>
        %dma_wait3A_784 = arith.constant 0 : i32
        %dma_wait3A_785 = tpu.memref_slice %arg3[%dma_wait3A_784] : memref<640000xi32, #tpu.memory_space<hbm>> -> memref<80xi32, #tpu.memory_space<hbm>>
        tpu.wait_dma2 semaphore(%arg11 : memref<!tpu.dma_semaphore, #tpu.memory_space<semaphore_mem>>) src(%dma_wait3A_785 : memref<80xi32, #tpu.memory_space<hbm>>) dst(%dma_wait3A_783 : memref<80xi32, #tpu.memory_space<vmem>>)
        %dma_wait3A_786 = arith.constant 0 : i32
        %dma_wait3A_787 = tpu.memref_slice %arg7[%mul3A_666, %dma_wait3A_786] : memref<6x80xi32, #tpu.memory_space<vmem>> -> memref<1x80xi32, #tpu.memory_space<vmem>>
        %dma_wait3A_788 = tpu.memref_squeeze %dma_wait3A_787 : memref<1x80xi32, #tpu.memory_space<vmem>> -> memref<80xi32, #tpu.memory_space<vmem>>
        %dma_wait3A_789 = arith.constant 0 : i32
        %dma_wait3A_790 = tpu.memref_slice %arg4[%dma_wait3A_789] : memref<320000xi32, #tpu.memory_space<hbm>> -> memref<80xi32, #tpu.memory_space<hbm>>
        %dma_wait3A_791 = arith.constant 0 : i32
        %dma_wait3A_792 = tpu.memref_slice %arg7[%mul3A_666, %dma_wait3A_791] : memref<6x80xi32, #tpu.memory_space<vmem>> -> memref<1x80xi32, #tpu.memory_space<vmem>>
        %dma_wait3A_793 = tpu.memref_squeeze %dma_wait3A_792 : memref<1x80xi32, #tpu.memory_space<vmem>> -> memref<80xi32, #tpu.memory_space<vmem>>
        %dma_wait3A_794 = arith.constant 0 : i32
        %dma_wait3A_795 = tpu.memref_slice %arg4[%dma_wait3A_794] : memref<320000xi32, #tpu.memory_space<hbm>> -> memref<80xi32, #tpu.memory_space<hbm>>
        tpu.wait_dma2 semaphore(%arg11 : memref<!tpu.dma_semaphore, #tpu.memory_space<semaphore_mem>>) src(%dma_wait3A_795 : memref<80xi32, #tpu.memory_space<hbm>>) dst(%dma_wait3A_793 : memref<80xi32, #tpu.memory_space<vmem>>)
        %add3A_796 = arith.constant 2 : i32
        %add3A_797 = arith.addi %mul3A_610, %add3A_796 : i32
        %dma_start3A_798 = arith.constant 0 : i32
        %dma_start3A_799 = arith.constant 0 : i32
        %dma_start3A_800 = tpu.memref_slice %arg8[%sub3A_628, %dma_start3A_798, %dma_start3A_799] : memref<4x80x128xf32, #tpu.memory_space<vmem>> -> memref<1x80x128xf32, #tpu.memory_space<vmem>>
        %dma_start3A_801 = tpu.memref_squeeze %dma_start3A_800 : memref<1x80x128xf32, #tpu.memory_space<vmem>> -> memref<80x128xf32, #tpu.memory_space<vmem>>
        %dma_start3A_802 = arith.constant 0 : i32
        %dma_start3A_803 = tpu.memref_slice %arg6[%mul3A_666, %dma_start3A_802] : memref<6x80xi32, #tpu.memory_space<vmem>> -> memref<1x80xi32, #tpu.memory_space<vmem>>
        %dma_start3A_804 = tpu.memref_squeeze %dma_start3A_803 : memref<1x80xi32, #tpu.memory_space<vmem>> -> memref<80xi32, #tpu.memory_space<vmem>>
        %dma_start3A_805 = arith.constant 0 : i32
        %dma_start3A_806 = arith.constant 0 : i32
        %dma_start3A_807 = tpu.memref_slice %arg2[%dma_start3A_805, %dma_start3A_806] : memref<20000x128xf32, #tpu.memory_space<hbm>> -> memref<20000x128xf32, #tpu.memory_space<hbm>>
        tpu.enqueue_indirect_dma source(%dma_start3A_807 : memref<20000x128xf32, #tpu.memory_space<hbm>>) target(%dma_start3A_801 : memref<80x128xf32, #tpu.memory_space<vmem>>) offsets(%dma_start3A_804 : memref<80xi32, #tpu.memory_space<vmem>>) semaphore(%arg12 : memref<!tpu.dma_semaphore, #tpu.memory_space<semaphore_mem>>)
      } else {
      }
      %add3A_710 = arith.constant 4 : i32
      %add3A_711 = arith.addi %mul3A_610, %add3A_710 : i32
      %lt3A_712 = arith.constant 250 : i32
      %lt3A_713 = arith.cmpi slt, %add3A_711, %lt3A_712 : i32
      %convert_element_type3A_714 = arith.extui %lt3A_713 : i1 to i32
      %cond3A_715 = arith.constant 0 : i32
      %cond3A_716 = arith.cmpi ne, %convert_element_type3A_714, %cond3A_715 : i32
      scf.if %cond3A_716 {
        %add3A_776 = arith.constant 4 : i32
        %add3A_777 = arith.addi %mul3A_610, %add3A_776 : i32
        %mul3A_778 = arith.constant 80 : i32
        %mul3A_779 = arith.muli %add3A_777, %mul3A_778 : i32
        %add3A_780 = arith.addi %add3A, %mul3A_779 : i32
        %dma_start3A_781 = arith.constant 0 : i32
        %dma_start3A_782 = tpu.memref_slice %arg6[%mul3A_686, %dma_start3A_781] : memref<6x80xi32, #tpu.memory_space<vmem>> -> memref<1x80xi32, #tpu.memory_space<vmem>>
        %dma_start3A_783 = tpu.memref_squeeze %dma_start3A_782 : memref<1x80xi32, #tpu.memory_space<vmem>> -> memref<80xi32, #tpu.memory_space<vmem>>
        %dma_start3A_784 = tpu.memref_slice %arg3[%add3A_780] : memref<640000xi32, #tpu.memory_space<hbm>> -> memref<80xi32, #tpu.memory_space<hbm>>
        %dma_start3A_785 = arith.constant 0 : i32
        %dma_start3A_786 = tpu.memref_slice %arg6[%mul3A_686, %dma_start3A_785] : memref<6x80xi32, #tpu.memory_space<vmem>> -> memref<1x80xi32, #tpu.memory_space<vmem>>
        %dma_start3A_787 = tpu.memref_squeeze %dma_start3A_786 : memref<1x80xi32, #tpu.memory_space<vmem>> -> memref<80xi32, #tpu.memory_space<vmem>>
        %dma_start3A_788 = tpu.memref_slice %arg3[%add3A_780] : memref<640000xi32, #tpu.memory_space<hbm>> -> memref<80xi32, #tpu.memory_space<hbm>>
        tpu.enqueue_dma source(%dma_start3A_788 : memref<80xi32, #tpu.memory_space<hbm>>) target(%dma_start3A_787 : memref<80xi32, #tpu.memory_space<vmem>>) target_semaphore(%arg11 : memref<!tpu.dma_semaphore, #tpu.memory_space<semaphore_mem>>)
        %mul3A_789 = arith.constant 80 : i32
        %mul3A_790 = arith.muli %add3A_777, %mul3A_789 : i32
        %add3A_791 = arith.addi %mul3A_413, %mul3A_790 : i32
        %dma_start3A_792 = arith.constant 0 : i32
        %dma_start3A_793 = tpu.memref_slice %arg7[%mul3A_686, %dma_start3A_792] : memref<6x80xi32, #tpu.memory_space<vmem>> -> memref<1x80xi32, #tpu.memory_space<vmem>>
        %dma_start3A_794 = tpu.memref_squeeze %dma_start3A_793 : memref<1x80xi32, #tpu.memory_space<vmem>> -> memref<80xi32, #tpu.memory_space<vmem>>
        %dma_start3A_795 = tpu.memref_slice %arg4[%add3A_791] : memref<320000xi32, #tpu.memory_space<hbm>> -> memref<80xi32, #tpu.memory_space<hbm>>
        %dma_start3A_796 = arith.constant 0 : i32
        %dma_start3A_797 = tpu.memref_slice %arg7[%mul3A_686, %dma_start3A_796] : memref<6x80xi32, #tpu.memory_space<vmem>> -> memref<1x80xi32, #tpu.memory_space<vmem>>
        %dma_start3A_798 = tpu.memref_squeeze %dma_start3A_797 : memref<1x80xi32, #tpu.memory_space<vmem>> -> memref<80xi32, #tpu.memory_space<vmem>>
        %dma_start3A_799 = tpu.memref_slice %arg4[%add3A_791] : memref<320000xi32, #tpu.memory_space<hbm>> -> memref<80xi32, #tpu.memory_space<hbm>>
        tpu.enqueue_dma source(%dma_start3A_799 : memref<80xi32, #tpu.memory_space<hbm>>) target(%dma_start3A_798 : memref<80xi32, #tpu.memory_space<vmem>>) target_semaphore(%arg11 : memref<!tpu.dma_semaphore, #tpu.memory_space<semaphore_mem>>)
      } else {
      }
      %dma_start3A_717 = arith.constant 0 : i32
      %dma_start3A_718 = arith.constant 0 : i32
      %dma_start3A_719 = tpu.memref_slice %arg8[%mul3A_626, %dma_start3A_717, %dma_start3A_718] : memref<4x80x128xf32, #tpu.memory_space<vmem>> -> memref<1x80x128xf32, #tpu.memory_space<vmem>>
      %dma_start3A_720 = tpu.memref_squeeze %dma_start3A_719 : memref<1x80x128xf32, #tpu.memory_space<vmem>> -> memref<80x128xf32, #tpu.memory_space<vmem>>
      %dma_start3A_721 = arith.constant 0 : i32
      %dma_start3A_722 = tpu.memref_slice %arg7[%mul3A_646, %dma_start3A_721] : memref<6x80xi32, #tpu.memory_space<vmem>> -> memref<1x80xi32, #tpu.memory_space<vmem>>
      %dma_start3A_723 = tpu.memref_squeeze %dma_start3A_722 : memref<1x80xi32, #tpu.memory_space<vmem>> -> memref<80xi32, #tpu.memory_space<vmem>>
      %dma_start3A_724 = arith.constant 0 : i32
      %dma_start3A_725 = arith.constant 0 : i32
      %dma_start3A_726 = tpu.memref_slice %arg10[%dma_start3A_724, %dma_start3A_725] : memref<10000x128xf32, #tpu.memory_space<vmem_shared>> -> memref<10000x128xf32, #tpu.memory_space<vmem_shared>>
      tpu.enqueue_indirect_dma source(%dma_start3A_720 : memref<80x128xf32, #tpu.memory_space<vmem>>) target(%dma_start3A_726 : memref<10000x128xf32, #tpu.memory_space<vmem_shared>>) offsets(%dma_start3A_723 : memref<80xi32, #tpu.memory_space<vmem>>) semaphore(%arg13 : memref<!tpu.dma_semaphore, #tpu.memory_space<semaphore_mem>>) {add = true}
      %add3A_727 = arith.constant 1 : i32
      %add3A_728 = arith.addi %mul3A_626, %add3A_727 : i32
      %dma_wait3A_729 = arith.constant 0 : i32
      %dma_wait3A_730 = arith.constant 0 : i32
      %dma_wait3A_731 = tpu.memref_slice %arg8[%add3A_728, %dma_wait3A_729, %dma_wait3A_730] : memref<4x80x128xf32, #tpu.memory_space<vmem>> -> memref<1x80x128xf32, #tpu.memory_space<vmem>>
      %dma_wait3A_732 = tpu.memref_squeeze %dma_wait3A_731 : memref<1x80x128xf32, #tpu.memory_space<vmem>> -> memref<80x128xf32, #tpu.memory_space<vmem>>
      %dma_wait3A_733 = arith.constant 0 : i32
      %dma_wait3A_734 = arith.constant 0 : i32
      %dma_wait3A_735 = tpu.memref_slice %arg2[%dma_wait3A_733, %dma_wait3A_734] : memref<20000x128xf32, #tpu.memory_space<hbm>> -> memref<80x128xf32, #tpu.memory_space<hbm>>
      %dma_wait3A_736 = arith.constant 0 : i32
      %dma_wait3A_737 = arith.constant 0 : i32
      %dma_wait3A_738 = tpu.memref_slice %arg8[%add3A_728, %dma_wait3A_736, %dma_wait3A_737] : memref<4x80x128xf32, #tpu.memory_space<vmem>> -> memref<1x80x128xf32, #tpu.memory_space<vmem>>
      %dma_wait3A_739 = tpu.memref_squeeze %dma_wait3A_738 : memref<1x80x128xf32, #tpu.memory_space<vmem>> -> memref<80x128xf32, #tpu.memory_space<vmem>>
      %dma_wait3A_740 = arith.constant 0 : i32
      %dma_wait3A_741 = arith.constant 0 : i32
      %dma_wait3A_742 = tpu.memref_slice %arg2[%dma_wait3A_740, %dma_wait3A_741] : memref<20000x128xf32, #tpu.memory_space<hbm>> -> memref<80x128xf32, #tpu.memory_space<hbm>>
      tpu.wait_dma2 semaphore(%arg12 : memref<!tpu.dma_semaphore, #tpu.memory_space<semaphore_mem>>) src(%dma_wait3A_742 : memref<80x128xf32, #tpu.memory_space<hbm>>) dst(%dma_wait3A_739 : memref<80x128xf32, #tpu.memory_space<vmem>>)
      %ge3A_743 = arith.constant 1 : i32
      %ge3A_744 = arith.cmpi sge, %scan3A_608, %ge3A_743 : i32
      %convert_element_type3A_745 = arith.extui %ge3A_744 : i1 to i32
      %cond3A_746 = arith.constant 0 : i32
      %cond3A_747 = arith.cmpi ne, %convert_element_type3A_745, %cond3A_746 : i32
      scf.if %cond3A_747 {
        %add3A_776 = arith.constant 1 : i32
        %add3A_777 = arith.addi %sub3A_628, %add3A_776 : i32
        %dma_wait3A_778 = arith.constant 0 : i32
        %dma_wait3A_779 = arith.constant 0 : i32
        %dma_wait3A_780 = tpu.memref_slice %arg8[%add3A_777, %dma_wait3A_778, %dma_wait3A_779] : memref<4x80x128xf32, #tpu.memory_space<vmem>> -> memref<1x80x128xf32, #tpu.memory_space<vmem>>
        %dma_wait3A_781 = tpu.memref_squeeze %dma_wait3A_780 : memref<1x80x128xf32, #tpu.memory_space<vmem>> -> memref<80x128xf32, #tpu.memory_space<vmem>>
        %dma_wait3A_782 = arith.constant 0 : i32
        %dma_wait3A_783 = arith.constant 0 : i32
        %dma_wait3A_784 = tpu.memref_slice %arg10[%dma_wait3A_782, %dma_wait3A_783] : memref<10000x128xf32, #tpu.memory_space<vmem_shared>> -> memref<80x128xf32, #tpu.memory_space<vmem_shared>>
        %dma_wait3A_785 = arith.constant 0 : i32
        %dma_wait3A_786 = arith.constant 0 : i32
        %dma_wait3A_787 = tpu.memref_slice %arg10[%dma_wait3A_785, %dma_wait3A_786] : memref<10000x128xf32, #tpu.memory_space<vmem_shared>> -> memref<80x128xf32, #tpu.memory_space<vmem_shared>>
        %dma_wait3A_788 = arith.constant 0 : i32
        %dma_wait3A_789 = arith.constant 0 : i32
        %dma_wait3A_790 = tpu.memref_slice %arg8[%add3A_777, %dma_wait3A_788, %dma_wait3A_789] : memref<4x80x128xf32, #tpu.memory_space<vmem>> -> memref<1x80x128xf32, #tpu.memory_space<vmem>>
        %dma_wait3A_791 = tpu.memref_squeeze %dma_wait3A_790 : memref<1x80x128xf32, #tpu.memory_space<vmem>> -> memref<80x128xf32, #tpu.memory_space<vmem>>
        tpu.wait_dma2 semaphore(%arg13 : memref<!tpu.dma_semaphore, #tpu.memory_space<semaphore_mem>>) src(%dma_wait3A_791 : memref<80x128xf32, #tpu.memory_space<vmem>>) dst(%dma_wait3A_787 : memref<80x128xf32, #tpu.memory_space<vmem_shared>>)
      } else {
      }
      %add3A_748 = arith.constant 3 : i32
      %add3A_749 = arith.addi %mul3A_610, %add3A_748 : i32
      %lt3A_750 = arith.constant 250 : i32
      %lt3A_751 = arith.cmpi slt, %add3A_749, %lt3A_750 : i32
      %convert_element_type3A_752 = arith.extui %lt3A_751 : i1 to i32
      %cond3A_753 = arith.constant 0 : i32
      %cond3A_754 = arith.cmpi ne, %convert_element_type3A_752, %cond3A_753 : i32
      scf.if %cond3A_754 {
        %add3A_776 = arith.constant 1 : i32
        %add3A_777 = arith.addi %mul3A_666, %add3A_776 : i32
        %dma_wait3A_778 = arith.constant 0 : i32
        %dma_wait3A_779 = tpu.memref_slice %arg6[%add3A_777, %dma_wait3A_778] : memref<6x80xi32, #tpu.memory_space<vmem>> -> memref<1x80xi32, #tpu.memory_space<vmem>>
        %dma_wait3A_780 = tpu.memref_squeeze %dma_wait3A_779 : memref<1x80xi32, #tpu.memory_space<vmem>> -> memref<80xi32, #tpu.memory_space<vmem>>
        %dma_wait3A_781 = arith.constant 0 : i32
        %dma_wait3A_782 = tpu.memref_slice %arg3[%dma_wait3A_781] : memref<640000xi32, #tpu.memory_space<hbm>> -> memref<80xi32, #tpu.memory_space<hbm>>
        %dma_wait3A_783 = arith.constant 0 : i32
        %dma_wait3A_784 = tpu.memref_slice %arg6[%add3A_777, %dma_wait3A_783] : memref<6x80xi32, #tpu.memory_space<vmem>> -> memref<1x80xi32, #tpu.memory_space<vmem>>
        %dma_wait3A_785 = tpu.memref_squeeze %dma_wait3A_784 : memref<1x80xi32, #tpu.memory_space<vmem>> -> memref<80xi32, #tpu.memory_space<vmem>>
        %dma_wait3A_786 = arith.constant 0 : i32
        %dma_wait3A_787 = tpu.memref_slice %arg3[%dma_wait3A_786] : memref<640000xi32, #tpu.memory_space<hbm>> -> memref<80xi32, #tpu.memory_space<hbm>>
        tpu.wait_dma2 semaphore(%arg11 : memref<!tpu.dma_semaphore, #tpu.memory_space<semaphore_mem>>) src(%dma_wait3A_787 : memref<80xi32, #tpu.memory_space<hbm>>) dst(%dma_wait3A_785 : memref<80xi32, #tpu.memory_space<vmem>>)
        %dma_wait3A_788 = arith.constant 0 : i32
        %dma_wait3A_789 = tpu.memref_slice %arg7[%add3A_777, %dma_wait3A_788] : memref<6x80xi32, #tpu.memory_space<vmem>> -> memref<1x80xi32, #tpu.memory_space<vmem>>
        %dma_wait3A_790 = tpu.memref_squeeze %dma_wait3A_789 : memref<1x80xi32, #tpu.memory_space<vmem>> -> memref<80xi32, #tpu.memory_space<vmem>>
        %dma_wait3A_791 = arith.constant 0 : i32
        %dma_wait3A_792 = tpu.memref_slice %arg4[%dma_wait3A_791] : memref<320000xi32, #tpu.memory_space<hbm>> -> memref<80xi32, #tpu.memory_space<hbm>>
        %dma_wait3A_793 = arith.constant 0 : i32
        %dma_wait3A_794 = tpu.memref_slice %arg7[%add3A_777, %dma_wait3A_793] : memref<6x80xi32, #tpu.memory_space<vmem>> -> memref<1x80xi32, #tpu.memory_space<vmem>>
        %dma_wait3A_795 = tpu.memref_squeeze %dma_wait3A_794 : memref<1x80xi32, #tpu.memory_space<vmem>> -> memref<80xi32, #tpu.memory_space<vmem>>
        %dma_wait3A_796 = arith.constant 0 : i32
        %dma_wait3A_797 = tpu.memref_slice %arg4[%dma_wait3A_796] : memref<320000xi32, #tpu.memory_space<hbm>> -> memref<80xi32, #tpu.memory_space<hbm>>
        tpu.wait_dma2 semaphore(%arg11 : memref<!tpu.dma_semaphore, #tpu.memory_space<semaphore_mem>>) src(%dma_wait3A_797 : memref<80xi32, #tpu.memory_space<hbm>>) dst(%dma_wait3A_795 : memref<80xi32, #tpu.memory_space<vmem>>)
        %add3A_798 = arith.constant 3 : i32
        %add3A_799 = arith.addi %mul3A_610, %add3A_798 : i32
        %add3A_800 = arith.constant 1 : i32
        %add3A_801 = arith.addi %mul3A_666, %add3A_800 : i32
        %add3A_802 = arith.constant 1 : i32
        %add3A_803 = arith.addi %sub3A_628, %add3A_802 : i32
        %dma_start3A_804 = arith.constant 0 : i32
        %dma_start3A_805 = arith.constant 0 : i32
        %dma_start3A_806 = tpu.memref_slice %arg8[%add3A_803, %dma_start3A_804, %dma_start3A_805] : memref<4x80x128xf32, #tpu.memory_space<vmem>> -> memref<1x80x128xf32, #tpu.memory_space<vmem>>
        %dma_start3A_807 = tpu.memref_squeeze %dma_start3A_806 : memref<1x80x128xf32, #tpu.memory_space<vmem>> -> memref<80x128xf32, #tpu.memory_space<vmem>>
        %dma_start3A_808 = arith.constant 0 : i32
        %dma_start3A_809 = tpu.memref_slice %arg6[%add3A_801, %dma_start3A_808] : memref<6x80xi32, #tpu.memory_space<vmem>> -> memref<1x80xi32, #tpu.memory_space<vmem>>
        %dma_start3A_810 = tpu.memref_squeeze %dma_start3A_809 : memref<1x80xi32, #tpu.memory_space<vmem>> -> memref<80xi32, #tpu.memory_space<vmem>>
        %dma_start3A_811 = arith.constant 0 : i32
        %dma_start3A_812 = arith.constant 0 : i32
        %dma_start3A_813 = tpu.memref_slice %arg2[%dma_start3A_811, %dma_start3A_812] : memref<20000x128xf32, #tpu.memory_space<hbm>> -> memref<20000x128xf32, #tpu.memory_space<hbm>>
        tpu.enqueue_indirect_dma source(%dma_start3A_813 : memref<20000x128xf32, #tpu.memory_space<hbm>>) target(%dma_start3A_807 : memref<80x128xf32, #tpu.memory_space<vmem>>) offsets(%dma_start3A_810 : memref<80xi32, #tpu.memory_space<vmem>>) semaphore(%arg12 : memref<!tpu.dma_semaphore, #tpu.memory_space<semaphore_mem>>)
      } else {
      }
      %add3A_755 = arith.constant 5 : i32
      %add3A_756 = arith.addi %mul3A_610, %add3A_755 : i32
      %lt3A_757 = arith.constant 250 : i32
      %lt3A_758 = arith.cmpi slt, %add3A_756, %lt3A_757 : i32
      %convert_element_type3A_759 = arith.extui %lt3A_758 : i1 to i32
      %cond3A_760 = arith.constant 0 : i32
      %cond3A_761 = arith.cmpi ne, %convert_element_type3A_759, %cond3A_760 : i32
      scf.if %cond3A_761 {
        %add3A_776 = arith.constant 5 : i32
        %add3A_777 = arith.addi %mul3A_610, %add3A_776 : i32
        %add3A_778 = arith.constant 1 : i32
        %add3A_779 = arith.addi %mul3A_686, %add3A_778 : i32
        %mul3A_780 = arith.constant 80 : i32
        %mul3A_781 = arith.muli %add3A_777, %mul3A_780 : i32
        %add3A_782 = arith.addi %add3A, %mul3A_781 : i32
        %dma_start3A_783 = arith.constant 0 : i32
        %dma_start3A_784 = tpu.memref_slice %arg6[%add3A_779, %dma_start3A_783] : memref<6x80xi32, #tpu.memory_space<vmem>> -> memref<1x80xi32, #tpu.memory_space<vmem>>
        %dma_start3A_785 = tpu.memref_squeeze %dma_start3A_784 : memref<1x80xi32, #tpu.memory_space<vmem>> -> memref<80xi32, #tpu.memory_space<vmem>>
        %dma_start3A_786 = tpu.memref_slice %arg3[%add3A_782] : memref<640000xi32, #tpu.memory_space<hbm>> -> memref<80xi32, #tpu.memory_space<hbm>>
        %dma_start3A_787 = arith.constant 0 : i32
        %dma_start3A_788 = tpu.memref_slice %arg6[%add3A_779, %dma_start3A_787] : memref<6x80xi32, #tpu.memory_space<vmem>> -> memref<1x80xi32, #tpu.memory_space<vmem>>
        %dma_start3A_789 = tpu.memref_squeeze %dma_start3A_788 : memref<1x80xi32, #tpu.memory_space<vmem>> -> memref<80xi32, #tpu.memory_space<vmem>>
        %dma_start3A_790 = tpu.memref_slice %arg3[%add3A_782] : memref<640000xi32, #tpu.memory_space<hbm>> -> memref<80xi32, #tpu.memory_space<hbm>>
        tpu.enqueue_dma source(%dma_start3A_790 : memref<80xi32, #tpu.memory_space<hbm>>) target(%dma_start3A_789 : memref<80xi32, #tpu.memory_space<vmem>>) target_semaphore(%arg11 : memref<!tpu.dma_semaphore, #tpu.memory_space<semaphore_mem>>)
        %mul3A_791 = arith.constant 80 : i32
        %mul3A_792 = arith.muli %add3A_777, %mul3A_791 : i32
        %add3A_793 = arith.addi %mul3A_413, %mul3A_792 : i32
        %dma_start3A_794 = arith.constant 0 : i32
        %dma_start3A_795 = tpu.memref_slice %arg7[%add3A_779, %dma_start3A_794] : memref<6x80xi32, #tpu.memory_space<vmem>> -> memref<1x80xi32, #tpu.memory_space<vmem>>
        %dma_start3A_796 = tpu.memref_squeeze %dma_start3A_795 : memref<1x80xi32, #tpu.memory_space<vmem>> -> memref<80xi32, #tpu.memory_space<vmem>>
        %dma_start3A_797 = tpu.memref_slice %arg4[%add3A_793] : memref<320000xi32, #tpu.memory_space<hbm>> -> memref<80xi32, #tpu.memory_space<hbm>>
        %dma_start3A_798 = arith.constant 0 : i32
        %dma_start3A_799 = tpu.memref_slice %arg7[%add3A_779, %dma_start3A_798] : memref<6x80xi32, #tpu.memory_space<vmem>> -> memref<1x80xi32, #tpu.memory_space<vmem>>
        %dma_start3A_800 = tpu.memref_squeeze %dma_start3A_799 : memref<1x80xi32, #tpu.memory_space<vmem>> -> memref<80xi32, #tpu.memory_space<vmem>>
        %dma_start3A_801 = tpu.memref_slice %arg4[%add3A_793] : memref<320000xi32, #tpu.memory_space<hbm>> -> memref<80xi32, #tpu.memory_space<hbm>>
        tpu.enqueue_dma source(%dma_start3A_801 : memref<80xi32, #tpu.memory_space<hbm>>) target(%dma_start3A_800 : memref<80xi32, #tpu.memory_space<vmem>>) target_semaphore(%arg11 : memref<!tpu.dma_semaphore, #tpu.memory_space<semaphore_mem>>)
      } else {
      }
      %add3A_762 = arith.constant 1 : i32
      %add3A_763 = arith.addi %mul3A_626, %add3A_762 : i32
      %add3A_764 = arith.constant 1 : i32
      %add3A_765 = arith.addi %mul3A_646, %add3A_764 : i32
      %dma_start3A_766 = arith.constant 0 : i32
      %dma_start3A_767 = arith.constant 0 : i32
      %dma_start3A_768 = tpu.memref_slice %arg8[%add3A_763, %dma_start3A_766, %dma_start3A_767] : memref<4x80x128xf32, #tpu.memory_space<vmem>> -> memref<1x80x128xf32, #tpu.memory_space<vmem>>
      %dma_start3A_769 = tpu.memref_squeeze %dma_start3A_768 : memref<1x80x128xf32, #tpu.memory_space<vmem>> -> memref<80x128xf32, #tpu.memory_space<vmem>>
      %dma_start3A_770 = arith.constant 0 : i32
      %dma_start3A_771 = tpu.memref_slice %arg7[%add3A_765, %dma_start3A_770] : memref<6x80xi32, #tpu.memory_space<vmem>> -> memref<1x80xi32, #tpu.memory_space<vmem>>
      %dma_start3A_772 = tpu.memref_squeeze %dma_start3A_771 : memref<1x80xi32, #tpu.memory_space<vmem>> -> memref<80xi32, #tpu.memory_space<vmem>>
      %dma_start3A_773 = arith.constant 0 : i32
      %dma_start3A_774 = arith.constant 0 : i32
      %dma_start3A_775 = tpu.memref_slice %arg10[%dma_start3A_773, %dma_start3A_774] : memref<10000x128xf32, #tpu.memory_space<vmem_shared>> -> memref<10000x128xf32, #tpu.memory_space<vmem_shared>>
      tpu.enqueue_indirect_dma source(%dma_start3A_769 : memref<80x128xf32, #tpu.memory_space<vmem>>) target(%dma_start3A_775 : memref<10000x128xf32, #tpu.memory_space<vmem_shared>>) offsets(%dma_start3A_772 : memref<80xi32, #tpu.memory_space<vmem>>) semaphore(%arg13 : memref<!tpu.dma_semaphore, #tpu.memory_space<semaphore_mem>>) {add = true}
    }
    %scan3A_573 = arith.constant 125 : i32
    %dma_wait3A_574 = arith.constant 0 : i32
    %dma_wait3A_575 = arith.constant 0 : i32
    %dma_wait3A_576 = arith.constant 0 : i32
    %dma_wait3A_577 = tpu.memref_slice %arg8[%dma_wait3A_574, %dma_wait3A_575, %dma_wait3A_576] : memref<4x80x128xf32, #tpu.memory_space<vmem>> -> memref<1x80x128xf32, #tpu.memory_space<vmem>>
    %dma_wait3A_578 = tpu.memref_squeeze %dma_wait3A_577 : memref<1x80x128xf32, #tpu.memory_space<vmem>> -> memref<80x128xf32, #tpu.memory_space<vmem>>
    %dma_wait3A_579 = arith.constant 0 : i32
    %dma_wait3A_580 = arith.constant 0 : i32
    %dma_wait3A_581 = tpu.memref_slice %arg10[%dma_wait3A_579, %dma_wait3A_580] : memref<10000x128xf32, #tpu.memory_space<vmem_shared>> -> memref<80x128xf32, #tpu.memory_space<vmem_shared>>
    %dma_wait3A_582 = arith.constant 0 : i32
    %dma_wait3A_583 = arith.constant 0 : i32
    %dma_wait3A_584 = tpu.memref_slice %arg10[%dma_wait3A_582, %dma_wait3A_583] : memref<10000x128xf32, #tpu.memory_space<vmem_shared>> -> memref<80x128xf32, #tpu.memory_space<vmem_shared>>
    %dma_wait3A_585 = arith.constant 0 : i32
    %dma_wait3A_586 = arith.constant 0 : i32
    %dma_wait3A_587 = tpu.memref_slice %arg8[%dma_wait3A_574, %dma_wait3A_585, %dma_wait3A_586] : memref<4x80x128xf32, #tpu.memory_space<vmem>> -> memref<1x80x128xf32, #tpu.memory_space<vmem>>
    %dma_wait3A_588 = tpu.memref_squeeze %dma_wait3A_587 : memref<1x80x128xf32, #tpu.memory_space<vmem>> -> memref<80x128xf32, #tpu.memory_space<vmem>>
    tpu.wait_dma2 semaphore(%arg13 : memref<!tpu.dma_semaphore, #tpu.memory_space<semaphore_mem>>) src(%dma_wait3A_588 : memref<80x128xf32, #tpu.memory_space<vmem>>) dst(%dma_wait3A_584 : memref<80x128xf32, #tpu.memory_space<vmem_shared>>)
    %dma_wait3A_589 = arith.constant 1 : i32
    %dma_wait3A_590 = arith.constant 0 : i32
    %dma_wait3A_591 = arith.constant 0 : i32
    %dma_wait3A_592 = tpu.memref_slice %arg8[%dma_wait3A_589, %dma_wait3A_590, %dma_wait3A_591] : memref<4x80x128xf32, #tpu.memory_space<vmem>> -> memref<1x80x128xf32, #tpu.memory_space<vmem>>
    %dma_wait3A_593 = tpu.memref_squeeze %dma_wait3A_592 : memref<1x80x128xf32, #tpu.memory_space<vmem>> -> memref<80x128xf32, #tpu.memory_space<vmem>>
    %dma_wait3A_594 = arith.constant 0 : i32
    %dma_wait3A_595 = arith.constant 0 : i32
    %dma_wait3A_596 = tpu.memref_slice %arg10[%dma_wait3A_594, %dma_wait3A_595] : memref<10000x128xf32, #tpu.memory_space<vmem_shared>> -> memref<80x128xf32, #tpu.memory_space<vmem_shared>>
    %dma_wait3A_597 = arith.constant 0 : i32
    %dma_wait3A_598 = arith.constant 0 : i32
    %dma_wait3A_599 = tpu.memref_slice %arg10[%dma_wait3A_597, %dma_wait3A_598] : memref<10000x128xf32, #tpu.memory_space<vmem_shared>> -> memref<80x128xf32, #tpu.memory_space<vmem_shared>>
    %dma_wait3A_600 = arith.constant 0 : i32
    %dma_wait3A_601 = arith.constant 0 : i32
    %dma_wait3A_602 = tpu.memref_slice %arg8[%dma_wait3A_589, %dma_wait3A_600, %dma_wait3A_601] : memref<4x80x128xf32, #tpu.memory_space<vmem>> -> memref<1x80x128xf32, #tpu.memory_space<vmem>>
    %dma_wait3A_603 = tpu.memref_squeeze %dma_wait3A_602 : memref<1x80x128xf32, #tpu.memory_space<vmem>> -> memref<80x128xf32, #tpu.memory_space<vmem>>
    tpu.wait_dma2 semaphore(%arg13 : memref<!tpu.dma_semaphore, #tpu.memory_space<semaphore_mem>>) src(%dma_wait3A_603 : memref<80x128xf32, #tpu.memory_space<vmem>>) dst(%dma_wait3A_599 : memref<80x128xf32, #tpu.memory_space<vmem_shared>>)
    %barrier3A_604 = arith.constant 0 : index
    tpu.barrier barrier_id(%barrier3A_604)
    %mul3A_605 = arith.constant 10000 : i32
    %mul3A_606 = arith.muli %arg0, %mul3A_605 : i32
    %add3A_607 = arith.addi %mul3A_606, %mul3A_402 : i32
    "tpu.region"() ({
      %run_scoped3A = tpu.sem_alloc : memref<!tpu.dma_semaphore, #tpu.memory_space<semaphore_mem>>
      %dma_start3A_608 = arith.constant 0 : i32
      %dma_start3A_609 = tpu.memref_slice %arg5[%add3A_607, %dma_start3A_608] : memref<20000x128xf32, #tpu.memory_space<hbm>> -> memref<632x128xf32, #tpu.memory_space<hbm>>
      %dma_start3A_610 = arith.constant 0 : i32
      %dma_start3A_611 = tpu.memref_slice %arg10[%mul3A_402, %dma_start3A_610] : memref<10000x128xf32, #tpu.memory_space<vmem_shared>> -> memref<632x128xf32, #tpu.memory_space<vmem_shared>>
      tpu.enqueue_dma source(%dma_start3A_611 : memref<632x128xf32, #tpu.memory_space<vmem_shared>>) target(%dma_start3A_609 : memref<632x128xf32, #tpu.memory_space<hbm>>) target_semaphore(%run_scoped3A : memref<!tpu.dma_semaphore, #tpu.memory_space<semaphore_mem>>)
      %dma_wait3A_612 = arith.constant 0 : i32
      %dma_wait3A_613 = tpu.memref_slice %arg5[%add3A_607, %dma_wait3A_612] : memref<20000x128xf32, #tpu.memory_space<hbm>> -> memref<632x128xf32, #tpu.memory_space<hbm>>
      %dma_wait3A_614 = arith.constant 0 : i32
      %dma_wait3A_615 = tpu.memref_slice %arg10[%mul3A_402, %dma_wait3A_614] : memref<10000x128xf32, #tpu.memory_space<vmem_shared>> -> memref<632x128xf32, #tpu.memory_space<vmem_shared>>
      tpu.wait_dma2 semaphore(%run_scoped3A : memref<!tpu.dma_semaphore, #tpu.memory_space<semaphore_mem>>) src(%dma_wait3A_615 : memref<632x128xf32, #tpu.memory_space<vmem_shared>>) dst(%dma_wait3A_613 : memref<632x128xf32, #tpu.memory_space<hbm>>)
      tpu.yield
    }) : () -> ()
    return
  }
}

module attributes {stable_mosaic.version = 14 : i64} {
  func.func @body(%arg0: i32, %arg1: memref<1000x128xf32, #tpu.memory_space<vmem>>, %arg2: memref<2x1000x128xf32, #tpu.memory_space<vmem>>, %arg3: memref<1x128xf32, #tpu.memory_space<vmem>>, %arg4: memref<128x256xf32, #tpu.memory_space<vmem>>, %arg5: memref<1x256xf32, #tpu.memory_space<vmem>>, %arg6: memref<256x256xf32, #tpu.memory_space<vmem>>, %arg7: memref<1x256xf32, #tpu.memory_space<vmem>>, %arg8: memref<1000x256xf32, #tpu.memory_space<vmem>>, %arg9: memref<2x256xf32, #tpu.memory_space<vmem>>) attributes {dimension_semantics = [#tpu.dimension_semantics<arbitrary>], iteration_bounds = array<i64: 10>, scalar_prefetch = 0 : i64, scratch_operands = 0 : i64, tpu.core_type = #tpu.core_type<tc>, window_params = [{transform_indices = @transform_0, window_bounds = array<i64: 1000, 128>}, {transform_indices = @transform_1, window_bounds = array<i64: 2, 1000, 128>}, {pipeline_mode = #tpu.pipeline_mode<synchronous>, transform_indices = @transform_2, window_bounds = array<i64: 1, 128>}, {pipeline_mode = #tpu.pipeline_mode<synchronous>, transform_indices = @transform_3, window_bounds = array<i64: 128, 256>}, {pipeline_mode = #tpu.pipeline_mode<synchronous>, transform_indices = @transform_4, window_bounds = array<i64: 1, 256>}, {pipeline_mode = #tpu.pipeline_mode<synchronous>, transform_indices = @transform_5, window_bounds = array<i64: 256, 256>}, {pipeline_mode = #tpu.pipeline_mode<synchronous>, transform_indices = @transform_6, window_bounds = array<i64: 1, 256>}, {transform_indices = @transform_7, window_bounds = array<i64: 1000, 256>}, {pipeline_mode = #tpu.pipeline_mode<synchronous>, transform_indices = @transform_8, window_bounds = array<i64: 2, 256>}]} {
    %get3A = arith.constant 0 : index
    %get3A_0 = arith.constant 0 : index
    %get3A_1 = vector.load %arg1[%get3A, %get3A_0] : memref<1000x128xf32, #tpu.memory_space<vmem>>, vector<1000x128xf32>
    %get3A_2 = arith.constant 0 : index
    %get3A_3 = arith.constant 0 : index
    %get3A_4 = vector.load %arg3[%get3A_2, %get3A_3] : memref<1x128xf32, #tpu.memory_space<vmem>>, vector<1x128xf32>
    %mul3A = vector.broadcast %get3A_4 : vector<1x128xf32> to vector<1000x128xf32>
    %mul3A_5 = arith.mulf %get3A_1, %mul3A : vector<1000x128xf32>
    %get3A_6 = arith.constant 0 : index
    %get3A_7 = arith.constant 0 : index
    %get3A_8 = arith.constant 0 : index
    %get3A_9 = vector.load %arg2[%get3A_6, %get3A_7, %get3A_8] : memref<2x1000x128xf32, #tpu.memory_space<vmem>>, vector<1x1000x128xf32>
    %get3A_10 = vector.shape_cast %get3A_9 : vector<1x1000x128xf32> to vector<1000x128xf32>
    %add3A = arith.addf %mul3A_5, %get3A_10 : vector<1000x128xf32>
    %get3A_11 = arith.constant 1 : index
    %get3A_12 = arith.constant 0 : index
    %get3A_13 = arith.constant 0 : index
    %get3A_14 = vector.load %arg2[%get3A_11, %get3A_12, %get3A_13] : memref<2x1000x128xf32, #tpu.memory_space<vmem>>, vector<1x1000x128xf32>
    %get3A_15 = vector.shape_cast %get3A_14 : vector<1x1000x128xf32> to vector<1000x128xf32>
    %add3A_16 = arith.addf %add3A, %get3A_15 : vector<1000x128xf32>
    %get3A_17 = arith.constant 0 : index
    %get3A_18 = arith.constant 0 : index
    %get3A_19 = vector.load %arg4[%get3A_17, %get3A_18] : memref<128x256xf32, #tpu.memory_space<vmem>>, vector<128x256xf32>
    %dot_general3A = arith.constant dense<0.000000e+00> : vector<1000x256xf32>
    %dot_general3A_20 = tpu.matmul %add3A_16, %get3A_19, %dot_general3A {dimension_numbers = #tpu.dot_dimension_numbers<[1], [0], [0], [1], [0, 0, 1, 1], [], []>, transpose_lhs_hint = false} : vector<1000x128xf32>, vector<128x256xf32>, vector<1000x256xf32> -> vector<1000x256xf32>
    %get3A_21 = arith.constant 0 : index
    %get3A_22 = arith.constant 0 : index
    %get3A_23 = vector.load %arg5[%get3A_21, %get3A_22] : memref<1x256xf32, #tpu.memory_space<vmem>>, vector<1x256xf32>
    %add3A_24 = vector.broadcast %get3A_23 : vector<1x256xf32> to vector<1000x256xf32>
    %add3A_25 = arith.addf %dot_general3A_20, %add3A_24 : vector<1000x256xf32>
    %max3A = arith.constant 0.000000e+00 : f32
    %max3A_26 = vector.broadcast %max3A : f32 to vector<1000x256xf32>
    %max3A_27 = arith.maximumf %add3A_25, %max3A_26 : vector<1000x256xf32>
    %get3A_28 = arith.constant 0 : index
    %get3A_29 = arith.constant 0 : index
    %get3A_30 = vector.load %arg6[%get3A_28, %get3A_29] : memref<256x256xf32, #tpu.memory_space<vmem>>, vector<256x256xf32>
    %dot_general3A_31 = arith.constant dense<0.000000e+00> : vector<1000x256xf32>
    %dot_general3A_32 = tpu.matmul %max3A_27, %get3A_30, %dot_general3A_31 {dimension_numbers = #tpu.dot_dimension_numbers<[1], [0], [0], [1], [0, 0, 1, 1], [], []>, transpose_lhs_hint = false} : vector<1000x256xf32>, vector<256x256xf32>, vector<1000x256xf32> -> vector<1000x256xf32>
    %get3A_33 = arith.constant 0 : index
    %get3A_34 = arith.constant 0 : index
    %get3A_35 = vector.load %arg7[%get3A_33, %get3A_34] : memref<1x256xf32, #tpu.memory_space<vmem>>, vector<1x256xf32>
    %add3A_36 = vector.broadcast %get3A_35 : vector<1x256xf32> to vector<1000x256xf32>
    %add3A_37 = arith.addf %dot_general3A_32, %add3A_36 : vector<1000x256xf32>
    %swap3A = arith.constant 0 : index
    %swap3A_38 = arith.constant 0 : index
    %swap3A_39 = vector.load %arg8[%swap3A, %swap3A_38] : memref<1000x256xf32, #tpu.memory_space<vmem>>, vector<1000x256xf32>
    tpu.vector_store %arg8[%swap3A, %swap3A_38], %add3A_37 {strides = array<i32>} : memref<1000x256xf32, #tpu.memory_space<vmem>>, vector<1000x256xf32>,
    %eq3A = arith.constant 0 : i32
    %eq3A_40 = arith.cmpi eq, %arg0, %eq3A : i32
    %convert_element_type3A = arith.extui %eq3A_40 : i1 to i32
    %cond3A = arith.constant 0 : i32
    %cond3A_41 = arith.cmpi ne, %convert_element_type3A, %cond3A : i32
    scf.if %cond3A_41 {
      %broadcast_in_dim3A_61 = arith.constant 0.000000e+00 : f32
      %broadcast_in_dim3A_62 = vector.broadcast %broadcast_in_dim3A_61 : f32 to vector<2x256xf32>
      %swap3A_63 = arith.constant 0 : index
      %swap3A_64 = arith.constant 0 : index
      %swap3A_65 = vector.load %arg9[%swap3A_63, %swap3A_64] : memref<2x256xf32, #tpu.memory_space<vmem>>, vector<2x256xf32>
      tpu.vector_store %arg9[%swap3A_63, %swap3A_64], %broadcast_in_dim3A_62 {strides = array<i32>} : memref<2x256xf32, #tpu.memory_space<vmem>>, vector<2x256xf32>,
    } else {
    }
    %get3A_42 = arith.constant 0 : index
    %get3A_43 = arith.constant 0 : index
    %get3A_44 = vector.load %arg9[%get3A_42, %get3A_43] : memref<2x256xf32, #tpu.memory_space<vmem>>, vector<1x256xf32>
    %reduce_sum3A = arith.constant dense<0.000000e+00> : vector<256xf32>
    %reduce_sum3A_45 = vector.multi_reduction <add>, %add3A_37, %reduce_sum3A [0] : vector<1000x256xf32> to vector<256xf32>
    %broadcast_in_dim3A = vector.shape_cast %reduce_sum3A_45 : vector<256xf32> to vector<1x256xf32>
    %add3A_46 = arith.addf %get3A_44, %broadcast_in_dim3A : vector<1x256xf32>
    %swap3A_47 = arith.constant 0 : index
    %swap3A_48 = arith.constant 0 : index
    %swap3A_49 = vector.load %arg9[%swap3A_47, %swap3A_48] : memref<2x256xf32, #tpu.memory_space<vmem>>, vector<1x256xf32>
    tpu.vector_store %arg9[%swap3A_47, %swap3A_48], %add3A_46 {strides = array<i32>} : memref<2x256xf32, #tpu.memory_space<vmem>>, vector<1x256xf32>,
    %get3A_50 = arith.constant 1 : index
    %get3A_51 = arith.constant 0 : index
    %get3A_52 = vector.load %arg9[%get3A_50, %get3A_51] : memref<2x256xf32, #tpu.memory_space<vmem>>, vector<1x256xf32>
    %mul3A_53 = arith.mulf %add3A_37, %add3A_37 : vector<1000x256xf32>
    %reduce_sum3A_54 = arith.constant dense<0.000000e+00> : vector<256xf32>
    %reduce_sum3A_55 = vector.multi_reduction <add>, %mul3A_53, %reduce_sum3A_54 [0] : vector<1000x256xf32> to vector<256xf32>
    %broadcast_in_dim3A_56 = vector.shape_cast %reduce_sum3A_55 : vector<256xf32> to vector<1x256xf32>
    %add3A_57 = arith.addf %get3A_52, %broadcast_in_dim3A_56 : vector<1x256xf32>
    %swap3A_58 = arith.constant 1 : index
    %swap3A_59 = arith.constant 0 : index
    %swap3A_60 = vector.load %arg9[%swap3A_58, %swap3A_59] : memref<2x256xf32, #tpu.memory_space<vmem>>, vector<1x256xf32>
    tpu.vector_store %arg9[%swap3A_58, %swap3A_59], %add3A_57 {strides = array<i32>} : memref<2x256xf32, #tpu.memory_space<vmem>>, vector<1x256xf32>,
    return
  }
  func.func @transform_0(%arg0: i32) -> (i32, i32) {
    %c0_i32 = arith.constant 0 : i32
    %c0_i32_0 = arith.constant 0 : i32
    return %arg0, %c0_i32 : i32, i32
  }
  func.func @transform_1(%arg0: i32) -> (i32, i32, i32) {
    %c0_i32 = arith.constant 0 : i32
    %c0_i32_0 = arith.constant 0 : i32
    %c0_i32_1 = arith.constant 0 : i32
    return %c0_i32, %arg0, %c0_i32_0 : i32, i32, i32
  }
  func.func @transform_2(%arg0: i32) -> (i32, i32) {
    %c0_i32 = arith.constant 0 : i32
    %c0_i32_0 = arith.constant 0 : i32
    %c0_i32_1 = arith.constant 0 : i32
    return %c0_i32, %c0_i32_0 : i32, i32
  }
  func.func @transform_3(%arg0: i32) -> (i32, i32) {
    %c0_i32 = arith.constant 0 : i32
    %c0_i32_0 = arith.constant 0 : i32
    %c0_i32_1 = arith.constant 0 : i32
    return %c0_i32, %c0_i32_0 : i32, i32
  }
  func.func @transform_4(%arg0: i32) -> (i32, i32) {
    %c0_i32 = arith.constant 0 : i32
    %c0_i32_0 = arith.constant 0 : i32
    %c0_i32_1 = arith.constant 0 : i32
    return %c0_i32, %c0_i32_0 : i32, i32
  }
  func.func @transform_5(%arg0: i32) -> (i32, i32) {
    %c0_i32 = arith.constant 0 : i32
    %c0_i32_0 = arith.constant 0 : i32
    %c0_i32_1 = arith.constant 0 : i32
    return %c0_i32, %c0_i32_0 : i32, i32
  }
  func.func @transform_6(%arg0: i32) -> (i32, i32) {
    %c0_i32 = arith.constant 0 : i32
    %c0_i32_0 = arith.constant 0 : i32
    %c0_i32_1 = arith.constant 0 : i32
    return %c0_i32, %c0_i32_0 : i32, i32
  }
  func.func @transform_7(%arg0: i32) -> (i32, i32) {
    %c0_i32 = arith.constant 0 : i32
    %c0_i32_0 = arith.constant 0 : i32
    return %arg0, %c0_i32 : i32, i32
  }
  func.func @transform_8(%arg0: i32) -> (i32, i32) {
    %c0_i32 = arith.constant 0 : i32
    %c0_i32_0 = arith.constant 0 : i32
    %c0_i32_1 = arith.constant 0 : i32
    return %c0_i32, %c0_i32_0 : i32, i32
  }
}

module attributes {stable_mosaic.version = 14 : i64} {
  func.func @body(%arg0: i32, %arg1: memref<1000x256xf32, #tpu.memory_space<vmem>>, %arg2: memref<2x256xf32, #tpu.memory_space<vmem>>, %arg3: memref<1x256xf32, #tpu.memory_space<vmem>>, %arg4: memref<1x256xf32, #tpu.memory_space<vmem>>, %arg5: memref<2x1000x128xf32, #tpu.memory_space<vmem>>) attributes {dimension_semantics = [#tpu.dimension_semantics<arbitrary>], iteration_bounds = array<i64: 10>, scalar_prefetch = 0 : i64, scratch_operands = 0 : i64, tpu.core_type = #tpu.core_type<tc>, window_params = [{transform_indices = @transform_0, window_bounds = array<i64: 1000, 256>}, {pipeline_mode = #tpu.pipeline_mode<synchronous>, transform_indices = @transform_1, window_bounds = array<i64: 2, 256>}, {pipeline_mode = #tpu.pipeline_mode<synchronous>, transform_indices = @transform_2, window_bounds = array<i64: 1, 256>}, {pipeline_mode = #tpu.pipeline_mode<synchronous>, transform_indices = @transform_3, window_bounds = array<i64: 1, 256>}, {transform_indices = @transform_4, window_bounds = array<i64: 2, 1000, 128>}]} {
    %get3A = arith.constant 0 : index
    %get3A_0 = arith.constant 0 : index
    %get3A_1 = vector.load %arg2[%get3A, %get3A_0] : memref<2x256xf32, #tpu.memory_space<vmem>>, vector<1x256xf32>
    %mul3A = arith.constant 9.99999974E-5 : f32
    %mul3A_2 = vector.broadcast %mul3A : f32 to vector<1x256xf32>
    %mul3A_3 = arith.mulf %get3A_1, %mul3A_2 : vector<1x256xf32>
    %get3A_4 = arith.constant 1 : index
    %get3A_5 = arith.constant 0 : index
    %get3A_6 = vector.load %arg2[%get3A_4, %get3A_5] : memref<2x256xf32, #tpu.memory_space<vmem>>, vector<1x256xf32>
    %mul3A_7 = arith.constant 9.99999974E-5 : f32
    %mul3A_8 = vector.broadcast %mul3A_7 : f32 to vector<1x256xf32>
    %mul3A_9 = arith.mulf %get3A_6, %mul3A_8 : vector<1x256xf32>
    %mul3A_10 = arith.mulf %mul3A_3, %mul3A_3 : vector<1x256xf32>
    %sub3A = arith.subf %mul3A_9, %mul3A_10 : vector<1x256xf32>
    %add3A = arith.constant 9.99999974E-6 : f32
    %add3A_11 = vector.broadcast %add3A : f32 to vector<1x256xf32>
    %add3A_12 = arith.addf %sub3A, %add3A_11 : vector<1x256xf32>
    %rsqrt3A = math.rsqrt %add3A_12 : vector<1x256xf32>
    %get3A_13 = arith.constant 0 : index
    %get3A_14 = arith.constant 0 : index
    %get3A_15 = vector.load %arg3[%get3A_13, %get3A_14] : memref<1x256xf32, #tpu.memory_space<vmem>>, vector<1x256xf32>
    %mul3A_16 = arith.mulf %get3A_15, %rsqrt3A : vector<1x256xf32>
    %get3A_17 = arith.constant 0 : index
    %get3A_18 = arith.constant 0 : index
    %get3A_19 = vector.load %arg4[%get3A_17, %get3A_18] : memref<1x256xf32, #tpu.memory_space<vmem>>, vector<1x256xf32>
    %mul3A_20 = arith.mulf %mul3A_3, %mul3A_16 : vector<1x256xf32>
    %sub3A_21 = arith.subf %get3A_19, %mul3A_20 : vector<1x256xf32>
    %get3A_22 = arith.constant 0 : index
    %get3A_23 = arith.constant 0 : index
    %get3A_24 = vector.load %arg1[%get3A_22, %get3A_23] : memref<1000x256xf32, #tpu.memory_space<vmem>>, vector<1000x256xf32>
    %mul3A_25 = vector.broadcast %mul3A_16 : vector<1x256xf32> to vector<1000x256xf32>
    %mul3A_26 = arith.mulf %get3A_24, %mul3A_25 : vector<1000x256xf32>
    %add3A_27 = vector.broadcast %sub3A_21 : vector<1x256xf32> to vector<1000x256xf32>
    %add3A_28 = arith.addf %mul3A_26, %add3A_27 : vector<1000x256xf32>
    %max3A = arith.constant 0.000000e+00 : f32
    %max3A_29 = vector.broadcast %max3A : f32 to vector<1000x256xf32>
    %max3A_30 = arith.maximumf %add3A_28, %max3A_29 : vector<1000x256xf32>
    %slice3A = vector.extract_strided_slice %max3A_30 {offsets = [0, 0], sizes = [1000, 128], strides = [1, 1]} : vector<1000x256xf32> to vector<1000x128xf32>
    %swap3A = arith.constant 0 : index
    %swap3A_31 = arith.constant 0 : index
    %swap3A_32 = arith.constant 0 : index
    %swap3A_33 = vector.load %arg5[%swap3A, %swap3A_31, %swap3A_32] : memref<2x1000x128xf32, #tpu.memory_space<vmem>>, vector<1x1000x128xf32>
    %swap3A_34 = vector.shape_cast %swap3A_33 : vector<1x1000x128xf32> to vector<1000x128xf32>
    %swap3A_35 = vector.shape_cast %slice3A : vector<1000x128xf32> to vector<1x1000x128xf32>
    tpu.vector_store %arg5[%swap3A, %swap3A_31, %swap3A_32], %swap3A_35 {strides = array<i32>} : memref<2x1000x128xf32, #tpu.memory_space<vmem>>, vector<1x1000x128xf32>,
    %slice3A_36 = vector.extract_strided_slice %max3A_30 {offsets = [0, 128], sizes = [1000, 128], strides = [1, 1]} : vector<1000x256xf32> to vector<1000x128xf32>
    %swap3A_37 = arith.constant 1 : index
    %swap3A_38 = arith.constant 0 : index
    %swap3A_39 = arith.constant 0 : index
    %swap3A_40 = vector.load %arg5[%swap3A_37, %swap3A_38, %swap3A_39] : memref<2x1000x128xf32, #tpu.memory_space<vmem>>, vector<1x1000x128xf32>
    %swap3A_41 = vector.shape_cast %swap3A_40 : vector<1x1000x128xf32> to vector<1000x128xf32>
    %swap3A_42 = vector.shape_cast %slice3A_36 : vector<1000x128xf32> to vector<1x1000x128xf32>
    tpu.vector_store %arg5[%swap3A_37, %swap3A_38, %swap3A_39], %swap3A_42 {strides = array<i32>} : memref<2x1000x128xf32, #tpu.memory_space<vmem>>, vector<1x1000x128xf32>,
    return
  }
  func.func @transform_0(%arg0: i32) -> (i32, i32) {
    %c0_i32 = arith.constant 0 : i32
    %c0_i32_0 = arith.constant 0 : i32
    return %arg0, %c0_i32 : i32, i32
  }
  func.func @transform_1(%arg0: i32) -> (i32, i32) {
    %c0_i32 = arith.constant 0 : i32
    %c0_i32_0 = arith.constant 0 : i32
    %c0_i32_1 = arith.constant 0 : i32
    return %c0_i32, %c0_i32_0 : i32, i32
  }
  func.func @transform_2(%arg0: i32) -> (i32, i32) {
    %c0_i32 = arith.constant 0 : i32
    %c0_i32_0 = arith.constant 0 : i32
    %c0_i32_1 = arith.constant 0 : i32
    return %c0_i32, %c0_i32_0 : i32, i32
  }
  func.func @transform_3(%arg0: i32) -> (i32, i32) {
    %c0_i32 = arith.constant 0 : i32
    %c0_i32_0 = arith.constant 0 : i32
    %c0_i32_1 = arith.constant 0 : i32
    return %c0_i32, %c0_i32_0 : i32, i32
  }
  func.func @transform_4(%arg0: i32) -> (i32, i32, i32) {
    %c0_i32 = arith.constant 0 : i32
    %c0_i32_0 = arith.constant 0 : i32
    %c0_i32_1 = arith.constant 0 : i32
    return %c0_i32, %arg0, %c0_i32_0 : i32, i32, i32
  }
}

module attributes {stable_mosaic.version = 14 : i64} {
  func.func @body(%arg0: i32, %arg1: memref<2x1000x128xf32, #tpu.memory_space<vmem>>, %arg2: memref<2x1000x128xf32, #tpu.memory_space<vmem>>, %arg3: memref<1x128xf32, #tpu.memory_space<vmem>>, %arg4: memref<128x256xf32, #tpu.memory_space<vmem>>, %arg5: memref<128x256xf32, #tpu.memory_space<vmem>>, %arg6: memref<1x256xf32, #tpu.memory_space<vmem>>, %arg7: memref<256x256xf32, #tpu.memory_space<vmem>>, %arg8: memref<1x256xf32, #tpu.memory_space<vmem>>, %arg9: memref<1000x256xf32, #tpu.memory_space<vmem>>, %arg10: memref<2x256xf32, #tpu.memory_space<vmem>>) attributes {dimension_semantics = [#tpu.dimension_semantics<arbitrary>], iteration_bounds = array<i64: 10>, scalar_prefetch = 0 : i64, scratch_operands = 0 : i64, tpu.core_type = #tpu.core_type<tc>, window_params = [{transform_indices = @transform_0, window_bounds = array<i64: 2, 1000, 128>}, {transform_indices = @transform_1, window_bounds = array<i64: 2, 1000, 128>}, {pipeline_mode = #tpu.pipeline_mode<synchronous>, transform_indices = @transform_2, window_bounds = array<i64: 1, 128>}, {pipeline_mode = #tpu.pipeline_mode<synchronous>, transform_indices = @transform_3, window_bounds = array<i64: 128, 256>}, {pipeline_mode = #tpu.pipeline_mode<synchronous>, transform_indices = @transform_4, window_bounds = array<i64: 128, 256>}, {pipeline_mode = #tpu.pipeline_mode<synchronous>, transform_indices = @transform_5, window_bounds = array<i64: 1, 256>}, {pipeline_mode = #tpu.pipeline_mode<synchronous>, transform_indices = @transform_6, window_bounds = array<i64: 256, 256>}, {pipeline_mode = #tpu.pipeline_mode<synchronous>, transform_indices = @transform_7, window_bounds = array<i64: 1, 256>}, {transform_indices = @transform_8, window_bounds = array<i64: 1000, 256>}, {pipeline_mode = #tpu.pipeline_mode<synchronous>, transform_indices = @transform_9, window_bounds = array<i64: 2, 256>}]} {
    %get3A = arith.constant 0 : index
    %get3A_0 = arith.constant 0 : index
    %get3A_1 = arith.constant 0 : index
    %get3A_2 = vector.load %arg1[%get3A, %get3A_0, %get3A_1] : memref<2x1000x128xf32, #tpu.memory_space<vmem>>, vector<1x1000x128xf32>
    %get3A_3 = vector.shape_cast %get3A_2 : vector<1x1000x128xf32> to vector<1000x128xf32>
    %get3A_4 = arith.constant 0 : index
    %get3A_5 = arith.constant 0 : index
    %get3A_6 = vector.load %arg3[%get3A_4, %get3A_5] : memref<1x128xf32, #tpu.memory_space<vmem>>, vector<1x128xf32>
    %mul3A = vector.broadcast %get3A_6 : vector<1x128xf32> to vector<1000x128xf32>
    %mul3A_7 = arith.mulf %get3A_3, %mul3A : vector<1000x128xf32>
    %get3A_8 = arith.constant 0 : index
    %get3A_9 = arith.constant 0 : index
    %get3A_10 = arith.constant 0 : index
    %get3A_11 = vector.load %arg2[%get3A_8, %get3A_9, %get3A_10] : memref<2x1000x128xf32, #tpu.memory_space<vmem>>, vector<1x1000x128xf32>
    %get3A_12 = vector.shape_cast %get3A_11 : vector<1x1000x128xf32> to vector<1000x128xf32>
    %add3A = arith.addf %mul3A_7, %get3A_12 : vector<1000x128xf32>
    %get3A_13 = arith.constant 1 : index
    %get3A_14 = arith.constant 0 : index
    %get3A_15 = arith.constant 0 : index
    %get3A_16 = vector.load %arg1[%get3A_13, %get3A_14, %get3A_15] : memref<2x1000x128xf32, #tpu.memory_space<vmem>>, vector<1x1000x128xf32>
    %get3A_17 = vector.shape_cast %get3A_16 : vector<1x1000x128xf32> to vector<1000x128xf32>
    %get3A_18 = arith.constant 0 : index
    %get3A_19 = arith.constant 0 : index
    %get3A_20 = vector.load %arg3[%get3A_18, %get3A_19] : memref<1x128xf32, #tpu.memory_space<vmem>>, vector<1x128xf32>
    %mul3A_21 = vector.broadcast %get3A_20 : vector<1x128xf32> to vector<1000x128xf32>
    %mul3A_22 = arith.mulf %get3A_17, %mul3A_21 : vector<1000x128xf32>
    %get3A_23 = arith.constant 1 : index
    %get3A_24 = arith.constant 0 : index
    %get3A_25 = arith.constant 0 : index
    %get3A_26 = vector.load %arg2[%get3A_23, %get3A_24, %get3A_25] : memref<2x1000x128xf32, #tpu.memory_space<vmem>>, vector<1x1000x128xf32>
    %get3A_27 = vector.shape_cast %get3A_26 : vector<1x1000x128xf32> to vector<1000x128xf32>
    %add3A_28 = arith.addf %mul3A_22, %get3A_27 : vector<1000x128xf32>
    %get3A_29 = arith.constant 0 : index
    %get3A_30 = arith.constant 0 : index
    %get3A_31 = vector.load %arg4[%get3A_29, %get3A_30] : memref<128x256xf32, #tpu.memory_space<vmem>>, vector<128x256xf32>
    %dot_general3A = arith.constant dense<0.000000e+00> : vector<1000x256xf32>
    %dot_general3A_32 = tpu.matmul %add3A, %get3A_31, %dot_general3A {dimension_numbers = #tpu.dot_dimension_numbers<[1], [0], [0], [1], [0, 0, 1, 1], [], []>, transpose_lhs_hint = false} : vector<1000x128xf32>, vector<128x256xf32>, vector<1000x256xf32> -> vector<1000x256xf32>
    %get3A_33 = arith.constant 0 : index
    %get3A_34 = arith.constant 0 : index
    %get3A_35 = vector.load %arg5[%get3A_33, %get3A_34] : memref<128x256xf32, #tpu.memory_space<vmem>>, vector<128x256xf32>
    %dot_general3A_36 = arith.constant dense<0.000000e+00> : vector<1000x256xf32>
    %dot_general3A_37 = tpu.matmul %add3A_28, %get3A_35, %dot_general3A_36 {dimension_numbers = #tpu.dot_dimension_numbers<[1], [0], [0], [1], [0, 0, 1, 1], [], []>, transpose_lhs_hint = false} : vector<1000x128xf32>, vector<128x256xf32>, vector<1000x256xf32> -> vector<1000x256xf32>
    %add3A_38 = arith.addf %dot_general3A_32, %dot_general3A_37 : vector<1000x256xf32>
    %get3A_39 = arith.constant 0 : index
    %get3A_40 = arith.constant 0 : index
    %get3A_41 = vector.load %arg6[%get3A_39, %get3A_40] : memref<1x256xf32, #tpu.memory_space<vmem>>, vector<1x256xf32>
    %add3A_42 = vector.broadcast %get3A_41 : vector<1x256xf32> to vector<1000x256xf32>
    %add3A_43 = arith.addf %add3A_38, %add3A_42 : vector<1000x256xf32>
    %max3A = arith.constant 0.000000e+00 : f32
    %max3A_44 = vector.broadcast %max3A : f32 to vector<1000x256xf32>
    %max3A_45 = arith.maximumf %add3A_43, %max3A_44 : vector<1000x256xf32>
    %get3A_46 = arith.constant 0 : index
    %get3A_47 = arith.constant 0 : index
    %get3A_48 = vector.load %arg7[%get3A_46, %get3A_47] : memref<256x256xf32, #tpu.memory_space<vmem>>, vector<256x256xf32>
    %dot_general3A_49 = arith.constant dense<0.000000e+00> : vector<1000x256xf32>
    %dot_general3A_50 = tpu.matmul %max3A_45, %get3A_48, %dot_general3A_49 {dimension_numbers = #tpu.dot_dimension_numbers<[1], [0], [0], [1], [0, 0, 1, 1], [], []>, transpose_lhs_hint = false} : vector<1000x256xf32>, vector<256x256xf32>, vector<1000x256xf32> -> vector<1000x256xf32>
    %get3A_51 = arith.constant 0 : index
    %get3A_52 = arith.constant 0 : index
    %get3A_53 = vector.load %arg8[%get3A_51, %get3A_52] : memref<1x256xf32, #tpu.memory_space<vmem>>, vector<1x256xf32>
    %add3A_54 = vector.broadcast %get3A_53 : vector<1x256xf32> to vector<1000x256xf32>
    %add3A_55 = arith.addf %dot_general3A_50, %add3A_54 : vector<1000x256xf32>
    %swap3A = arith.constant 0 : index
    %swap3A_56 = arith.constant 0 : index
    %swap3A_57 = vector.load %arg9[%swap3A, %swap3A_56] : memref<1000x256xf32, #tpu.memory_space<vmem>>, vector<1000x256xf32>
    tpu.vector_store %arg9[%swap3A, %swap3A_56], %add3A_55 {strides = array<i32>} : memref<1000x256xf32, #tpu.memory_space<vmem>>, vector<1000x256xf32>,
    %eq3A = arith.constant 0 : i32
    %eq3A_58 = arith.cmpi eq, %arg0, %eq3A : i32
    %convert_element_type3A = arith.extui %eq3A_58 : i1 to i32
    %cond3A = arith.constant 0 : i32
    %cond3A_59 = arith.cmpi ne, %convert_element_type3A, %cond3A : i32
    scf.if %cond3A_59 {
      %broadcast_in_dim3A_79 = arith.constant 0.000000e+00 : f32
      %broadcast_in_dim3A_80 = vector.broadcast %broadcast_in_dim3A_79 : f32 to vector<2x256xf32>
      %swap3A_81 = arith.constant 0 : index
      %swap3A_82 = arith.constant 0 : index
      %swap3A_83 = vector.load %arg10[%swap3A_81, %swap3A_82] : memref<2x256xf32, #tpu.memory_space<vmem>>, vector<2x256xf32>
      tpu.vector_store %arg10[%swap3A_81, %swap3A_82], %broadcast_in_dim3A_80 {strides = array<i32>} : memref<2x256xf32, #tpu.memory_space<vmem>>, vector<2x256xf32>,
    } else {
    }
    %get3A_60 = arith.constant 0 : index
    %get3A_61 = arith.constant 0 : index
    %get3A_62 = vector.load %arg10[%get3A_60, %get3A_61] : memref<2x256xf32, #tpu.memory_space<vmem>>, vector<1x256xf32>
    %reduce_sum3A = arith.constant dense<0.000000e+00> : vector<256xf32>
    %reduce_sum3A_63 = vector.multi_reduction <add>, %add3A_55, %reduce_sum3A [0] : vector<1000x256xf32> to vector<256xf32>
    %broadcast_in_dim3A = vector.shape_cast %reduce_sum3A_63 : vector<256xf32> to vector<1x256xf32>
    %add3A_64 = arith.addf %get3A_62, %broadcast_in_dim3A : vector<1x256xf32>
    %swap3A_65 = arith.constant 0 : index
    %swap3A_66 = arith.constant 0 : index
    %swap3A_67 = vector.load %arg10[%swap3A_65, %swap3A_66] : memref<2x256xf32, #tpu.memory_space<vmem>>, vector<1x256xf32>
    tpu.vector_store %arg10[%swap3A_65, %swap3A_66], %add3A_64 {strides = array<i32>} : memref<2x256xf32, #tpu.memory_space<vmem>>, vector<1x256xf32>,
    %get3A_68 = arith.constant 1 : index
    %get3A_69 = arith.constant 0 : index
    %get3A_70 = vector.load %arg10[%get3A_68, %get3A_69] : memref<2x256xf32, #tpu.memory_space<vmem>>, vector<1x256xf32>
    %mul3A_71 = arith.mulf %add3A_55, %add3A_55 : vector<1000x256xf32>
    %reduce_sum3A_72 = arith.constant dense<0.000000e+00> : vector<256xf32>
    %reduce_sum3A_73 = vector.multi_reduction <add>, %mul3A_71, %reduce_sum3A_72 [0] : vector<1000x256xf32> to vector<256xf32>
    %broadcast_in_dim3A_74 = vector.shape_cast %reduce_sum3A_73 : vector<256xf32> to vector<1x256xf32>
    %add3A_75 = arith.addf %get3A_70, %broadcast_in_dim3A_74 : vector<1x256xf32>
    %swap3A_76 = arith.constant 1 : index
    %swap3A_77 = arith.constant 0 : index
    %swap3A_78 = vector.load %arg10[%swap3A_76, %swap3A_77] : memref<2x256xf32, #tpu.memory_space<vmem>>, vector<1x256xf32>
    tpu.vector_store %arg10[%swap3A_76, %swap3A_77], %add3A_75 {strides = array<i32>} : memref<2x256xf32, #tpu.memory_space<vmem>>, vector<1x256xf32>,
    return
  }
  func.func @transform_0(%arg0: i32) -> (i32, i32, i32) {
    %c0_i32 = arith.constant 0 : i32
    %c0_i32_0 = arith.constant 0 : i32
    %c0_i32_1 = arith.constant 0 : i32
    return %c0_i32, %arg0, %c0_i32_0 : i32, i32, i32
  }
  func.func @transform_1(%arg0: i32) -> (i32, i32, i32) {
    %c0_i32 = arith.constant 0 : i32
    %c0_i32_0 = arith.constant 0 : i32
    %c0_i32_1 = arith.constant 0 : i32
    return %c0_i32, %arg0, %c0_i32_0 : i32, i32, i32
  }
  func.func @transform_2(%arg0: i32) -> (i32, i32) {
    %c0_i32 = arith.constant 0 : i32
    %c0_i32_0 = arith.constant 0 : i32
    %c0_i32_1 = arith.constant 0 : i32
    return %c0_i32, %c0_i32_0 : i32, i32
  }
  func.func @transform_3(%arg0: i32) -> (i32, i32) {
    %c0_i32 = arith.constant 0 : i32
    %c0_i32_0 = arith.constant 0 : i32
    %c0_i32_1 = arith.constant 0 : i32
    return %c0_i32, %c0_i32_0 : i32, i32
  }
  func.func @transform_4(%arg0: i32) -> (i32, i32) {
    %c0_i32 = arith.constant 0 : i32
    %c0_i32_0 = arith.constant 0 : i32
    %c0_i32_1 = arith.constant 0 : i32
    return %c0_i32, %c0_i32_0 : i32, i32
  }
  func.func @transform_5(%arg0: i32) -> (i32, i32) {
    %c0_i32 = arith.constant 0 : i32
    %c0_i32_0 = arith.constant 0 : i32
    %c0_i32_1 = arith.constant 0 : i32
    return %c0_i32, %c0_i32_0 : i32, i32
  }
  func.func @transform_6(%arg0: i32) -> (i32, i32) {
    %c0_i32 = arith.constant 0 : i32
    %c0_i32_0 = arith.constant 0 : i32
    %c0_i32_1 = arith.constant 0 : i32
    return %c0_i32, %c0_i32_0 : i32, i32
  }
  func.func @transform_7(%arg0: i32) -> (i32, i32) {
    %c0_i32 = arith.constant 0 : i32
    %c0_i32_0 = arith.constant 0 : i32
    %c0_i32_1 = arith.constant 0 : i32
    return %c0_i32, %c0_i32_0 : i32, i32
  }
  func.func @transform_8(%arg0: i32) -> (i32, i32) {
    %c0_i32 = arith.constant 0 : i32
    %c0_i32_0 = arith.constant 0 : i32
    return %arg0, %c0_i32 : i32, i32
  }
  func.func @transform_9(%arg0: i32) -> (i32, i32) {
    %c0_i32 = arith.constant 0 : i32
    %c0_i32_0 = arith.constant 0 : i32
    %c0_i32_1 = arith.constant 0 : i32
    return %c0_i32, %c0_i32_0 : i32, i32
  }
}

module attributes {stable_mosaic.version = 14 : i64} {
  func.func @body(%arg0: i32, %arg1: memref<1000x256xf32, #tpu.memory_space<vmem>>, %arg2: memref<2x256xf32, #tpu.memory_space<vmem>>, %arg3: memref<1x256xf32, #tpu.memory_space<vmem>>, %arg4: memref<1x256xf32, #tpu.memory_space<vmem>>, %arg5: memref<1x1x1000xi32, #tpu.memory_space<vmem>>, %arg6: memref<256x256xf32, #tpu.memory_space<vmem>>, %arg7: memref<1x256xf32, #tpu.memory_space<vmem>>, %arg8: memref<256x10xf32, #tpu.memory_space<vmem>>, %arg9: memref<1x10xf32, #tpu.memory_space<vmem>>, %arg10: memref<128x10xf32, #tpu.memory_space<vmem>>, %arg11: memref<128x256xf32, #tpu.memory_space<vmem>>, %arg12: memref<128x1xf32, #tpu.memory_space<vmem>>) attributes {dimension_semantics = [#tpu.dimension_semantics<arbitrary>], iteration_bounds = array<i64: 10>, scalar_prefetch = 0 : i64, scratch_operands = 2 : i64, tpu.core_type = #tpu.core_type<tc>, window_params = [{transform_indices = @transform_0, window_bounds = array<i64: 1000, 256>}, {pipeline_mode = #tpu.pipeline_mode<synchronous>, transform_indices = @transform_1, window_bounds = array<i64: 2, 256>}, {pipeline_mode = #tpu.pipeline_mode<synchronous>, transform_indices = @transform_2, window_bounds = array<i64: 1, 256>}, {pipeline_mode = #tpu.pipeline_mode<synchronous>, transform_indices = @transform_3, window_bounds = array<i64: 1, 256>}, {transform_indices = @transform_4, window_bounds = array<i64: 1, 1, 1000>}, {pipeline_mode = #tpu.pipeline_mode<synchronous>, transform_indices = @transform_5, window_bounds = array<i64: 256, 256>}, {pipeline_mode = #tpu.pipeline_mode<synchronous>, transform_indices = @transform_6, window_bounds = array<i64: 1, 256>}, {pipeline_mode = #tpu.pipeline_mode<synchronous>, transform_indices = @transform_7, window_bounds = array<i64: 256, 10>}, {pipeline_mode = #tpu.pipeline_mode<synchronous>, transform_indices = @transform_8, window_bounds = array<i64: 1, 10>}, {pipeline_mode = #tpu.pipeline_mode<synchronous>, transform_indices = @transform_9, window_bounds = array<i64: 128, 10>}]} {
    %eq3A = arith.constant 0 : i32
    %eq3A_0 = arith.cmpi eq, %arg0, %eq3A : i32
    %convert_element_type3A = arith.extui %eq3A_0 : i1 to i32
    %cond3A = arith.constant 0 : i32
    %cond3A_1 = arith.cmpi ne, %convert_element_type3A, %cond3A : i32
    scf.if %cond3A_1 {
      %broadcast_in_dim3A_63 = arith.constant 0.000000e+00 : f32
      %broadcast_in_dim3A_64 = vector.broadcast %broadcast_in_dim3A_63 : f32 to vector<128x256xf32>
      %swap3A_65 = arith.constant 0 : index
      %swap3A_66 = arith.constant 0 : index
      %swap3A_67 = vector.load %arg11[%swap3A_65, %swap3A_66] : memref<128x256xf32, #tpu.memory_space<vmem>>, vector<128x256xf32>
      tpu.vector_store %arg11[%swap3A_65, %swap3A_66], %broadcast_in_dim3A_64 {strides = array<i32>} : memref<128x256xf32, #tpu.memory_space<vmem>>, vector<128x256xf32>,
      %broadcast_in_dim3A_68 = arith.constant 0.000000e+00 : f32
      %broadcast_in_dim3A_69 = vector.broadcast %broadcast_in_dim3A_68 : f32 to vector<128x1xf32>
      %swap3A_70 = arith.constant 0 : index
      %swap3A_71 = arith.constant 0 : index
      %swap3A_72 = vector.load %arg12[%swap3A_70, %swap3A_71] : memref<128x1xf32, #tpu.memory_space<vmem>>, vector<128x1xf32>
      tpu.vector_store %arg12[%swap3A_70, %swap3A_71], %broadcast_in_dim3A_69 {strides = array<i32>} : memref<128x1xf32, #tpu.memory_space<vmem>>, vector<128x1xf32>,
    } else {
    }
    %get3A = arith.constant 0 : index
    %get3A_2 = arith.constant 0 : index
    %get3A_3 = vector.load %arg2[%get3A, %get3A_2] : memref<2x256xf32, #tpu.memory_space<vmem>>, vector<1x256xf32>
    %mul3A = arith.constant 9.99999974E-5 : f32
    %mul3A_4 = vector.broadcast %mul3A : f32 to vector<1x256xf32>
    %mul3A_5 = arith.mulf %get3A_3, %mul3A_4 : vector<1x256xf32>
    %get3A_6 = arith.constant 1 : index
    %get3A_7 = arith.constant 0 : index
    %get3A_8 = vector.load %arg2[%get3A_6, %get3A_7] : memref<2x256xf32, #tpu.memory_space<vmem>>, vector<1x256xf32>
    %mul3A_9 = arith.constant 9.99999974E-5 : f32
    %mul3A_10 = vector.broadcast %mul3A_9 : f32 to vector<1x256xf32>
    %mul3A_11 = arith.mulf %get3A_8, %mul3A_10 : vector<1x256xf32>
    %mul3A_12 = arith.mulf %mul3A_5, %mul3A_5 : vector<1x256xf32>
    %sub3A = arith.subf %mul3A_11, %mul3A_12 : vector<1x256xf32>
    %add3A = arith.constant 9.99999974E-6 : f32
    %add3A_13 = vector.broadcast %add3A : f32 to vector<1x256xf32>
    %add3A_14 = arith.addf %sub3A, %add3A_13 : vector<1x256xf32>
    %rsqrt3A = math.rsqrt %add3A_14 : vector<1x256xf32>
    %get3A_15 = arith.constant 0 : index
    %get3A_16 = arith.constant 0 : index
    %get3A_17 = vector.load %arg3[%get3A_15, %get3A_16] : memref<1x256xf32, #tpu.memory_space<vmem>>, vector<1x256xf32>
    %mul3A_18 = arith.mulf %get3A_17, %rsqrt3A : vector<1x256xf32>
    %get3A_19 = arith.constant 0 : index
    %get3A_20 = arith.constant 0 : index
    %get3A_21 = vector.load %arg4[%get3A_19, %get3A_20] : memref<1x256xf32, #tpu.memory_space<vmem>>, vector<1x256xf32>
    %mul3A_22 = arith.mulf %mul3A_5, %mul3A_18 : vector<1x256xf32>
    %sub3A_23 = arith.subf %get3A_21, %mul3A_22 : vector<1x256xf32>
    %get3A_24 = arith.constant 0 : index
    %get3A_25 = arith.constant 0 : index
    %get3A_26 = vector.load %arg1[%get3A_24, %get3A_25] : memref<1000x256xf32, #tpu.memory_space<vmem>>, vector<1000x256xf32>
    %mul3A_27 = vector.broadcast %mul3A_18 : vector<1x256xf32> to vector<1000x256xf32>
    %mul3A_28 = arith.mulf %get3A_26, %mul3A_27 : vector<1000x256xf32>
    %add3A_29 = vector.broadcast %sub3A_23 : vector<1x256xf32> to vector<1000x256xf32>
    %add3A_30 = arith.addf %mul3A_28, %add3A_29 : vector<1000x256xf32>
    %max3A = arith.constant 0.000000e+00 : f32
    %max3A_31 = vector.broadcast %max3A : f32 to vector<1000x256xf32>
    %max3A_32 = arith.maximumf %add3A_30, %max3A_31 : vector<1000x256xf32>
    %get3A_33 = arith.constant 0 : index
    %get3A_34 = arith.constant 0 : index
    %get3A_35 = arith.constant 0 : index
    %get3A_36 = vector.load %arg5[%get3A_33, %get3A_34, %get3A_35] : memref<1x1x1000xi32, #tpu.memory_space<vmem>>, vector<1x1x1000xi32>
    %get3A_37 = vector.shape_cast %get3A_36 : vector<1x1x1000xi32> to vector<1000xi32>
    %iota3A = tpu.iota {dimensions = array<i32: 0>} : vector<128x1000xi32>
    %broadcast_in_dim3A = vector.shape_cast %get3A_37 : vector<1000xi32> to vector<1x1000xi32>
    %eq3A_38 = vector.broadcast %broadcast_in_dim3A : vector<1x1000xi32> to vector<128x1000xi32>
    %eq3A_39 = arith.cmpi eq, %iota3A, %eq3A_38 : vector<128x1000xi32>
    %convert_element_type3A_40 = arith.extui %eq3A_39 : vector<128x1000xi1> to vector<128x1000xi32>
    %convert_element_type3A_41 = arith.sitofp %convert_element_type3A_40 : vector<128x1000xi32> to vector<128x1000xf32>
    %get3A_42 = arith.constant 0 : index
    %get3A_43 = arith.constant 0 : index
    %get3A_44 = vector.load %arg11[%get3A_42, %get3A_43] : memref<128x256xf32, #tpu.memory_space<vmem>>, vector<128x256xf32>
    %dot_general3A = arith.constant dense<0.000000e+00> : vector<128x256xf32>
    %dot_general3A_45 = tpu.matmul %convert_element_type3A_41, %max3A_32, %dot_general3A {dimension_numbers = #tpu.dot_dimension_numbers<[1], [0], [0], [1], [0, 0, 1, 1], [], []>, transpose_lhs_hint = false} : vector<128x1000xf32>, vector<1000x256xf32>, vector<128x256xf32> -> vector<128x256xf32>
    %add3A_46 = arith.addf %get3A_44, %dot_general3A_45 : vector<128x256xf32>
    %swap3A = arith.constant 0 : index
    %swap3A_47 = arith.constant 0 : index
    %swap3A_48 = vector.load %arg11[%swap3A, %swap3A_47] : memref<128x256xf32, #tpu.memory_space<vmem>>, vector<128x256xf32>
    tpu.vector_store %arg11[%swap3A, %swap3A_47], %add3A_46 {strides = array<i32>} : memref<128x256xf32, #tpu.memory_space<vmem>>, vector<128x256xf32>,
    %get3A_49 = arith.constant 0 : index
    %get3A_50 = arith.constant 0 : index
    %get3A_51 = vector.load %arg12[%get3A_49, %get3A_50] : memref<128x1xf32, #tpu.memory_space<vmem>>, vector<128x1xf32>
    %reduce_sum3A = arith.constant dense<0.000000e+00> : vector<128xf32>
    %reduce_sum3A_52 = vector.multi_reduction <add>, %convert_element_type3A_41, %reduce_sum3A [1] : vector<128x1000xf32> to vector<128xf32>
    %broadcast_in_dim3A_53 = vector.shape_cast %reduce_sum3A_52 : vector<128xf32> to vector<128x1xf32>
    %add3A_54 = arith.addf %get3A_51, %broadcast_in_dim3A_53 : vector<128x1xf32>
    %swap3A_55 = arith.constant 0 : index
    %swap3A_56 = arith.constant 0 : index
    %swap3A_57 = vector.load %arg12[%swap3A_55, %swap3A_56] : memref<128x1xf32, #tpu.memory_space<vmem>>, vector<128x1xf32>
    tpu.vector_store %arg12[%swap3A_55, %swap3A_56], %add3A_54 {strides = array<i32>} : memref<128x1xf32, #tpu.memory_space<vmem>>, vector<128x1xf32>,
    %eq3A_58 = arith.constant 9 : i32
    %eq3A_59 = arith.cmpi eq, %arg0, %eq3A_58 : i32
    %convert_element_type3A_60 = arith.extui %eq3A_59 : i1 to i32
    %cond3A_61 = arith.constant 0 : i32
    %cond3A_62 = arith.cmpi ne, %convert_element_type3A_60, %cond3A_61 : i32
    scf.if %cond3A_62 {
      %get3A_63 = arith.constant 0 : index
      %get3A_64 = arith.constant 0 : index
      %get3A_65 = vector.load %arg11[%get3A_63, %get3A_64] : memref<128x256xf32, #tpu.memory_space<vmem>>, vector<128x256xf32>
      %get3A_66 = arith.constant 0 : index
      %get3A_67 = arith.constant 0 : index
      %get3A_68 = vector.load %arg12[%get3A_66, %get3A_67] : memref<128x1xf32, #tpu.memory_space<vmem>>, vector<128x1xf32>
      %max3A_69 = arith.constant 1.000000e+00 : f32
      %max3A_70 = vector.broadcast %max3A_69 : f32 to vector<128x1xf32>
      %max3A_71 = arith.maximumf %get3A_68, %max3A_70 : vector<128x1xf32>
      %div3A = vector.broadcast %max3A_71 : vector<128x1xf32> to vector<128x256xf32>
      %div3A_72 = arith.divf %get3A_65, %div3A : vector<128x256xf32>
      %get3A_73 = arith.constant 0 : index
      %get3A_74 = arith.constant 0 : index
      %get3A_75 = vector.load %arg6[%get3A_73, %get3A_74] : memref<256x256xf32, #tpu.memory_space<vmem>>, vector<256x256xf32>
      %dot_general3A_76 = arith.constant dense<0.000000e+00> : vector<128x256xf32>
      %dot_general3A_77 = tpu.matmul %div3A_72, %get3A_75, %dot_general3A_76 {dimension_numbers = #tpu.dot_dimension_numbers<[1], [0], [0], [1], [0, 0, 1, 1], [], []>, transpose_lhs_hint = false} : vector<128x256xf32>, vector<256x256xf32>, vector<128x256xf32> -> vector<128x256xf32>
      %get3A_78 = arith.constant 0 : index
      %get3A_79 = arith.constant 0 : index
      %get3A_80 = vector.load %arg7[%get3A_78, %get3A_79] : memref<1x256xf32, #tpu.memory_space<vmem>>, vector<1x256xf32>
      %add3A_81 = vector.broadcast %get3A_80 : vector<1x256xf32> to vector<128x256xf32>
      %add3A_82 = arith.addf %dot_general3A_77, %add3A_81 : vector<128x256xf32>
      %max3A_83 = arith.constant 0.000000e+00 : f32
      %max3A_84 = vector.broadcast %max3A_83 : f32 to vector<128x256xf32>
      %max3A_85 = arith.maximumf %add3A_82, %max3A_84 : vector<128x256xf32>
      %get3A_86 = arith.constant 0 : index
      %get3A_87 = arith.constant 0 : index
      %get3A_88 = vector.load %arg8[%get3A_86, %get3A_87] : memref<256x10xf32, #tpu.memory_space<vmem>>, vector<256x10xf32>
      %dot_general3A_89 = arith.constant dense<0.000000e+00> : vector<128x10xf32>
      %dot_general3A_90 = tpu.matmul %max3A_85, %get3A_88, %dot_general3A_89 {dimension_numbers = #tpu.dot_dimension_numbers<[1], [0], [0], [1], [0, 0, 1, 1], [], []>, transpose_lhs_hint = false} : vector<128x256xf32>, vector<256x10xf32>, vector<128x10xf32> -> vector<128x10xf32>
      %get3A_91 = arith.constant 0 : index
      %get3A_92 = arith.constant 0 : index
      %get3A_93 = vector.load %arg9[%get3A_91, %get3A_92] : memref<1x10xf32, #tpu.memory_space<vmem>>, vector<1x10xf32>
      %add3A_94 = vector.broadcast %get3A_93 : vector<1x10xf32> to vector<128x10xf32>
      %add3A_95 = arith.addf %dot_general3A_90, %add3A_94 : vector<128x10xf32>
      %reduce_max3A = arith.constant dense<0xFF800000> : vector<128xf32>
      %reduce_max3A_96 = vector.multi_reduction <maximumf>, %add3A_95, %reduce_max3A [1] : vector<128x10xf32> to vector<128xf32>
      %broadcast_in_dim3A_97 = vector.shape_cast %reduce_max3A_96 : vector<128xf32> to vector<128x1xf32>
      %sub3A_98 = vector.broadcast %broadcast_in_dim3A_97 : vector<128x1xf32> to vector<128x10xf32>
      %sub3A_99 = arith.subf %add3A_95, %sub3A_98 : vector<128x10xf32>
      %exp3A = math.exp %sub3A_99 : vector<128x10xf32>
      %reduce_sum3A_100 = arith.constant dense<0.000000e+00> : vector<128xf32>
      %reduce_sum3A_101 = vector.multi_reduction <add>, %exp3A, %reduce_sum3A_100 [1] : vector<128x10xf32> to vector<128xf32>
      %broadcast_in_dim3A_102 = vector.shape_cast %reduce_sum3A_101 : vector<128xf32> to vector<128x1xf32>
      %log3A = math.log %broadcast_in_dim3A_102 : vector<128x1xf32>
      %sub3A_103 = vector.broadcast %broadcast_in_dim3A_97 : vector<128x1xf32> to vector<128x10xf32>
      %sub3A_104 = arith.subf %add3A_95, %sub3A_103 : vector<128x10xf32>
      %sub3A_105 = vector.broadcast %log3A : vector<128x1xf32> to vector<128x10xf32>
      %sub3A_106 = arith.subf %sub3A_104, %sub3A_105 : vector<128x10xf32>
      %swap3A_107 = arith.constant 0 : index
      %swap3A_108 = arith.constant 0 : index
      %swap3A_109 = vector.load %arg10[%swap3A_107, %swap3A_108] : memref<128x10xf32, #tpu.memory_space<vmem>>, vector<128x10xf32>
      tpu.vector_store %arg10[%swap3A_107, %swap3A_108], %sub3A_106 {strides = array<i32>} : memref<128x10xf32, #tpu.memory_space<vmem>>, vector<128x10xf32>,
    } else {
    }
    return
  }
  func.func @transform_0(%arg0: i32) -> (i32, i32) {
    %c0_i32 = arith.constant 0 : i32
    %c0_i32_0 = arith.constant 0 : i32
    return %arg0, %c0_i32 : i32, i32
  }
  func.func @transform_1(%arg0: i32) -> (i32, i32) {
    %c0_i32 = arith.constant 0 : i32
    %c0_i32_0 = arith.constant 0 : i32
    %c0_i32_1 = arith.constant 0 : i32
    return %c0_i32, %c0_i32_0 : i32, i32
  }
  func.func @transform_2(%arg0: i32) -> (i32, i32) {
    %c0_i32 = arith.constant 0 : i32
    %c0_i32_0 = arith.constant 0 : i32
    %c0_i32_1 = arith.constant 0 : i32
    return %c0_i32, %c0_i32_0 : i32, i32
  }
  func.func @transform_3(%arg0: i32) -> (i32, i32) {
    %c0_i32 = arith.constant 0 : i32
    %c0_i32_0 = arith.constant 0 : i32
    %c0_i32_1 = arith.constant 0 : i32
    return %c0_i32, %c0_i32_0 : i32, i32
  }
  func.func @transform_4(%arg0: i32) -> (i32, i32, i32) {
    %c0_i32 = arith.constant 0 : i32
    %c0_i32_0 = arith.constant 0 : i32
    %c0_i32_1 = arith.constant 0 : i32
    return %arg0, %c0_i32, %c0_i32_0 : i32, i32, i32
  }
  func.func @transform_5(%arg0: i32) -> (i32, i32) {
    %c0_i32 = arith.constant 0 : i32
    %c0_i32_0 = arith.constant 0 : i32
    %c0_i32_1 = arith.constant 0 : i32
    return %c0_i32, %c0_i32_0 : i32, i32
  }
  func.func @transform_6(%arg0: i32) -> (i32, i32) {
    %c0_i32 = arith.constant 0 : i32
    %c0_i32_0 = arith.constant 0 : i32
    %c0_i32_1 = arith.constant 0 : i32
    return %c0_i32, %c0_i32_0 : i32, i32
  }
  func.func @transform_7(%arg0: i32) -> (i32, i32) {
    %c0_i32 = arith.constant 0 : i32
    %c0_i32_0 = arith.constant 0 : i32
    %c0_i32_1 = arith.constant 0 : i32
    return %c0_i32, %c0_i32_0 : i32, i32
  }
  func.func @transform_8(%arg0: i32) -> (i32, i32) {
    %c0_i32 = arith.constant 0 : i32
    %c0_i32_0 = arith.constant 0 : i32
    %c0_i32_1 = arith.constant 0 : i32
    return %c0_i32, %c0_i32_0 : i32, i32
  }
  func.func @transform_9(%arg0: i32) -> (i32, i32) {
    %c0_i32 = arith.constant 0 : i32
    %c0_i32_0 = arith.constant 0 : i32
    %c0_i32_1 = arith.constant 0 : i32
    return %c0_i32, %c0_i32_0 : i32, i32
  }
}

</mosaic_0001>

<sc_bundles>
// kernel: kernel.11.cloned.1.call-start
scs
__scs_entry_jumppad:
0x0: {  	(pc) =	sbr.rel $0x88, $3  }
0x1: {  	(tag) =	ssettag $0x0;
	lr =	simm.s32 $0x1  }
0x2: {  	[smem:$0x3F85] =	sst lr;
	_ =	strace $0xD0000000  }
0x3: {  	_ = 	snop  }
0x4: {  	_ = 	snop  }
0x5: {  	_ = 	snop  }
0x6: {  	_ = 	snop  }
0x7: {  	_ = 	snop  }
__scs_overlays_trampoline_lowered:
0x8: {  	[smem:$0x3F94] =	sst s0  }
0x9: {  	[smem:$0x3F95] =	sst s1  }
0xa: {  	[smem:$0x3F96] =	sst s2  }
0xb: {  	[smem:$0x3F97] =	sst s3  }
0xc: {  	[smem:$0x3F98] =	sst s4  }
0xd: {  	[smem:$0x3F99] =	sst s5  }
0xe: {  	[smem:$0x3F9A] =	sst s6  }
0xf: {  	[smem:$0x3F9B] =	sst s7  }
0x10: {  	[smem:$0x3F9C] =	sst s8  }
0x11: {  	[smem:$0x3F9D] =	sst s9;
	s0 =	simm.s32 @!p0 $0x0  }
0x12: {  	s1 =	sld [smem:$0x3F83];
	s0 =	simm.s32 @p0 $0x1  }
0x13: {  	[smem:$0x3F9E] =	sst s0;
	s0 =	simm.s32 @!p1 $0x0  }
0x14: {  	s2 =	sld [smem:$0x3F82];
	s0 =	simm.s32 @p1 $0x1  }
0x15: {  	[smem:$0x3F9F] =	sst s0;
	s0 =	simm.s32 @!p2 $0x0  }
0x16: {  	s3 =	sld [smem:$0x3FDB];
	s0 =	simm.s32 @p2 $0x1  }
0x17: {  	s4 =	simm.s32 $0x1BF5;
	[smem:$0x3FA1] =	sst s0  }
0x18: {  	s0 =	sld [smem:$0x3F84];
	_ =	swait.ge [sflag:s4], $0x0  }
0x19: {  	s7 =	sld [smem:$0x3F85]  }
0x1a: {  	s8 =	sadd.s32 $0xFFFFE003, lr  }
0x1b: {  	s9 =	sadd.s32 $0xFFFFFEF7, lr;
	s5 =	simm.s32 $0xFFFFFFFF;
	p2 =	slt.u32 s8, $0xFFFFF086  }
0x1c: {  	p1 =	slt.u32 s9, $0xF7A;
	s5 =	simm.s32 @!p2 $0x0  }
0x1d: {  	s5 =	simm.s32 @p1 $0x1;
	p0 =	seq.s32 s7, s2  }
0x1e: {  	s7 =	smul.u32 @!p0 $0xF7A, s2;
	p2 =	seq.s32 @!p0 s5, $0x0  }
0x1f: {  	s9 =	smul.u32 $0xF7A, s1;
	s8 =	simm.s32 @!p0 $0x1BF5;
	p2 =	por !p2, p0  }
0x20: {  	[sflag:s8] =	ssyncset.s32 @!p0 $0xFFFFF086;
	s6 =	sadd.s32 @!p0 s3, s7;
	s7 =	simm.s32 @!p0 $0x108  }
0x21: {  	s3 =	sadd.s32 s3, s9;
	s6 =	sadd.s32 @!p0 $0x88, s6;
	s7 =	simm.s32 @p2 $0x1082  }
0x22: {  	[simem:s7], [sflag:s8] =	dma.local @!p0 [hbm:s6], $0xF7A  }
0x23: {  	s9 =	sor.u32 $0xD0000000, s2;
	s6 =	simm.s32 $0x108;
	_ =	swait.ge @!p0 [sflag:s8], $0x0  }
0x24: {  	s3 =	sadd.s32 $0x88, s3;
	s6 =	simm.s32 @!p1 $0x1082;
	[sflag:s4] =	ssyncset.s32 $0xFFFFF086  }
0x25: {  	[simem:s6], [sflag:s4] =	dma.local [hbm:s3], $0xF7A  }
0x26: {  	[smem:$0x3F85] =	sst s1;
	(tag) =	ssettag s2;
	_ =	strace s9  }
0x27: {  	s1 =	sld [smem:$0x3F95]  }
0x28: {  	s2 =	sld [smem:$0x3F96]  }
0x29: {  	s4 =	sld [smem:$0x3F98]  }
0x2a: {  	p0 =	seq.s32 s5, $0x0;
	s5 =	sld [smem:$0x3F99]  }
0x2b: {  	s6 =	sld [smem:$0x3F9A]  }
0x2c: {  	s7 =	sld [smem:$0x3F9B]  }
0x2d: {  	s3 =	simm.s32 $0x108;
	s8 =	sld [smem:$0x3F9C]  }
0x2e: {  	s3 =	simm.s32 @!p0 $0x1082;
	s9 =	sld [smem:$0x3F9D]  }
0x2f: {  	lr =	sadd.s32 s0, s3;
	s0 =	sld [smem:$0x3F94]  }
0x30: {  	s3 =	sld [smem:$0x3F97]  }
0x31: {  	[smem:$0x3FA0] =	sst s10  }
0x32: {  	s10 =	sld [smem:$0x3F9E];
	_ =	sdelay $0x3  }
0x33: {  	p0 =	seq.s32 s10, $0x1;
	s10 =	sld [smem:$0x3FA0];
	_ =	sdelay $0x3  }
0x34: {  	[smem:$0x3FA0] =	sst s10  }
0x35: {  	s10 =	sld [smem:$0x3F9F];
	_ =	sdelay $0x3  }
0x36: {  	p1 =	seq.s32 s10, $0x1;
	s10 =	sld [smem:$0x3FA0];
	_ =	sdelay $0x3  }
0x37: {  	[smem:$0x3FA0] =	sst s10  }
0x38: {  	s10 =	sld [smem:$0x3FA1]  }
0x39: {  	_ = 	snop;
	(pc) =	sbr.ind lr, $3  }
0x3a: {  	_ = 	snop  }
0x3b: {  	_ = 	snop  }
0x3c: {  	p2 =	seq.s32 s10, $0x1;
	s10 =	sld [smem:$0x3FA0]  }
0x3d: {  	_ =	shalt  }
0x3e: {  	_ =	shalt  }
0x3f: {  	_ =	shalt  }
0x40: {  	_ =	shalt  }
0x41: {  	_ =	shalt  }
0x42: {  	_ =	shalt  }
0x43: {  	_ =	shalt  }
0x44: {  	_ =	shalt  }
0x45: {  	_ =	shalt  }
0x46: {  	_ =	shalt  }
0x47: {  	_ =	shalt  }
0x48: {  	_ =	shalt  }
0x49: {  	_ =	shalt  }
0x4a: {  	_ =	shalt  }
0x4b: {  	_ =	shalt  }
0x4c: {  	_ =	shalt  }
0x4d: {  	_ =	shalt  }
0x4e: {  	_ =	shalt  }
0x4f: {  	_ =	shalt  }
0x50: {  	_ =	shalt  }
0x51: {  	_ =	shalt  }
0x52: {  	_ =	shalt  }
0x53: {  	_ =	shalt  }
0x54: {  	_ =	shalt  }
0x55: {  	_ =	shalt  }
0x56: {  	_ =	shalt  }
0x57: {  	_ =	shalt  }
0x58: {  	_ =	shalt  }
0x59: {  	_ =	shalt  }
0x5a: {  	_ =	shalt  }
0x5b: {  	_ =	shalt  }
0x5c: {  	_ =	shalt  }
0x5d: {  	_ =	shalt  }
0x5e: {  	_ =	shalt  }
0x5f: {  	_ =	shalt  }
0x60: {  	_ =	shalt  }
0x61: {  	_ =	shalt  }
0x62: {  	_ =	shalt  }
0x63: {  	_ =	shalt  }
0x64: {  	_ =	shalt  }
0x65: {  	_ =	shalt  }
0x66: {  	_ =	shalt  }
0x67: {  	_ =	shalt  }
0x68: {  	_ =	shalt  }
0x69: {  	_ =	shalt  }
0x6a: {  	_ =	shalt  }
0x6b: {  	_ =	shalt  }
0x6c: {  	_ =	shalt  }
0x6d: {  	_ =	shalt  }
0x6e: {  	_ =	shalt  }
0x6f: {  	_ =	shalt  }
0x70: {  	_ =	shalt  }
0x71: {  	_ =	shalt  }
0x72: {  	_ =	shalt  }
0x73: {  	_ =	shalt  }
0x74: {  	_ =	shalt  }
0x75: {  	_ =	shalt  }
0x76: {  	_ =	shalt  }
0x77: {  	_ =	shalt  }
0x78: {  	_ =	shalt  }
0x79: {  	_ =	shalt  }
0x7a: {  	_ =	shalt  }
0x7b: {  	_ =	shalt  }
0x7c: {  	_ =	shalt  }
0x7d: {  	_ =	shalt  }
0x7e: {  	_ =	shalt  }
0x7f: {  	_ =	shalt  }
0x80: {  	_ =	shalt  }
0x81: {  	_ =	shalt  }
0x82: {  	_ =	shalt  }
0x83: {  	_ =	shalt  }
0x84: {  	_ =	shalt  }
0x85: {  	_ =	shalt  }
0x86: {  	_ =	shalt  }
0x87: {  	_ =	shalt  }
.Lfunc_end0:
.L_simem_size_0:
called_computation_lowered:
.L_overlay_start_0:
0x88: {  	s2 =	sld [smem:$0x3FD9]  }
0x89: {  	s3 =	sld [smem:$0x3FFE];
	_ =	sdelay $0x1  }
0x8a: {  	s1 =	srdreg.scid  }
0x8b: {  	s0 =	sand.u32 $0x1, s1  }
0x8c: {  	s17 =	sshll.u32 s0, $0xA;
	s2 =	sadd.s32 s3, s2  }
0x8d: {  	s2 =	sadd.s32 s2, s17  }
0x8e: {  	[smem:$0x3FAC] =	sst s2  }
0x8f: {  	_ = 	snop  }
0x90: {  	s2 =	sld [smem:$0x3FC9];
	(tm) =	ssettm $0x1  }
0x91: {  	s18 =	sld [smem:$0x3FFB];
	_ =	sdelay $0x3  }
0x92: {  	_ =	strace s18  }
0x93: {  	s3 =	sld [smem:$0x3FFC];
	_ =	sdelay $0x3  }
0x94: {  	_ =	strace s3  }
0x95: {  	s3 =	sld [smem:$0x3FFD];
	_ =	sdelay $0x3  }
0x96: {  	_ =	strace s3  }
0x97: {  	_ =	strace $0x8FFFFFFF  }
0x98: {  	s19 =	sld [smem:$0x3FDB];
	_ =	sdelay $0x1  }
0x99: {  	s4 =	simm.s32 $_scs_section_size  }
0x9a: {  	s5 =	simm.s32 $_size__tile_overlayer_lowered;
	s6 =	simm.s32 $_tile_overlayer_lowered  }
0x9b: {  	s22 =	simm.s32 $0x1BFF;
	s21 =	sshll.u32 s6, $0x1;
	s3 =	sadd.s32 s4, s19  }
0x9c: {  	s7 =	simm.s32 $0x0;
	s20 =	sshll.u32 s5, $0x1;
	s5 =	sadd.s32 s21, s3  }
0x9d: {  	[timem:s7], [sflag:s22] =	dma.local [hbm:s5], s20  }
0x9e: {  	_ =	swait.ge [sflag:s22], s20  }
0x9f: {  	s4 =	ssub.s32 $0x0, s20;
	[sflag:s22] =	ssyncset.done $0x0  }
0xa0: {  	[sflag:s22] =	ssyncadd.s32 s4;
	_ =	sdelay $0x1  }
0xa1: {  	s23 =	simm.s32 $0x1B8B  }
0xa2: {  	_ =	swait.ge [sflag:s23], $0x1  }
0xa3: {  	[sflag:s23] =	ssyncset.done $0x0  }
0xa4: {  	s25 =	simm.s32 $0x1B8E;
	s24 =	sld [smem:$0x3FFE];
	[sflag:s23] =	ssyncadd.s32 $0xFFFFFFFF  }
0xa5: {  	s26 =	simm.s32 $execute0_lowered;
	[smem:$0x3FD2] =	sst s25  }
0xa6: {  	s5 =	sshll.u32 s26, $0x1;
	_ =	strace $0x80000046;
	[dreg:$0x1] =	wrdreg $0xFFFFFFFF  }
0xa7: {  	s28 =	simm.s32 $_size_execute0_lowered;
	s3 =	sadd.s32 s3, s5;
	[dreg:$0x0] =	wrdreg $0x0  }
0xa8: {  	s5 =	sshll.u32 s28, $0x1;
	[dreg:$0x2] =	wrdreg s3  }
0xa9: {  	[dreg:$0x3] =	wrdreg s5  }
0xaa: {  	[dreg:$0x4] =	wrdreg $0xC0  }
0xab: {  	_ =	task [dreg:s7], $0x5FFFF  }
0xac: {  	[dreg:$0x1] =	wrdreg $0xFFFFFFFF  }
0xad: {  	[dreg:$0x0] =	wrdreg $0x60  }
0xae: {  	[dreg:$0x2] =	wrdreg s2  }
0xaf: {  	[dreg:$0x3] =	wrdreg s24  }
0xb0: {  	[dreg:$0x4] =	wrdreg $0xAC000  }
0xb1: {  	[dreg:$0x5] =	wrdreg $0x9  }
0xb2: {  	_ =	task.clear_ibuf [dreg:s7], $0x6FFFF;
	_ =	strace $0x90000046  }
0xb3: {  	s29 =	simm.s32 $0x9;
	_ =	strace $0x80000048  }
0xb4: {  	_ =	swait.ge [sflag:s29], $0x1  }
0xb5: {  	[sflag:s29] =	ssyncadd.s32 $0xFFFFFFFF  }
0xb6: {  	_ =	strace $0x90000048  }
0xb7: {  	_ =	sfence  }
0xb8: {  	s30 =	sld [smem:$0x0];
	_ =	sdelay $0x2  }
0xb9: {  	s31 =	sshll.u32 s1, $0xD;
	s1 =	sshrl.u32 s1, $0x2  }
0xba: {  	s3 =	sand.u32 $0x4000, s31;
	s1 =	sadd.s32 s1, s30  }
0xbb: {  	s0 =	sor.u32 s3, s0;
	s1 =	sshll.u32 s1, $0x11  }
0xbc: {  	s0 =	sor.u32 s1, s0  }
0xbd: {  	s0 =	sadd.s32 $0x8F2B, s0  }
0xbe: {  	[sflag:s0] =	ssyncadd.remote.s32 $0x1  }
0xbf: {  	_ =	sfence.sel $0xFFFF  }
0xc0: {  	[dreg:$0x0] =	wrdreg $0xFFFFFFFF;
	(pc) =	sbr.abs _section_cstart, $3  }
0xc1: {  	[dreg:$0x1] =	wrdreg $0xFFFFFFFF  }
0xc2: {  	_ =	task.clear_ibuf [dreg:s7], $0x2FFFF;
	_ =	strace $0x9FFFFFFF  }
0xc3: {  	(tm) =	ssettm $0x7FFFFFFF  }
tec
execute0_lowered:
.L_overlay_start_1:
0x0: {  	(tag) =	ssettag $0x1  }
0x1: {  	s1 =	rddreg [dreg:$0x0]  }
0x2: {  	s0 =	rddreg [dreg:$0x1]  }
0x3: {  	s3 =	rddreg [dreg:$0x2];
	s2 =	srdreg.scid;
	s4 =	simm.s32 $0x0  }
0x4: {  	s11 =	stileid.u32;
	s30 =	simm.s32 $0x50;
	s31 =	simm.s32 $0x800  }
0x5: {  	s2 =	sand.u32 $0x1, s2;
	[smem:$0x7FF] =	sst s4;
	s5 =	smul.u32 $0x271, s11  }
0x6: {  	s8 =	sadd.s32 $0x6200, s0;
	s18 =	sadd.s32 $0x10000, s0;
	s13 =	smul.u32 $0x2710, s11  }
0x7: {  	s6 =	sshll.u32 s2, $0x4;
	_ =	strace $0x80000047;
	s7 =	smul.u32 $0x2710, s2  }
0x8: {  	s16 =	ssub.s32 $0x2, s2;
	s2 =	smul.u32 $0x27100, s2;
	s6 =	sor.u32 s11, s6  }
0x9: {  	s9 =	sand.u32 $0x3FF8, s5;
	s10 =	sshrl.u32 s16, $0x1;
	s5 =	sshll.u32 s5, $0x7  }
0xa: {  	s6 =	smul.u32 $0x2710, s6;
	s7 =	sadd.s32 s7, s9;
	s17 =	ssub.s32 s16, s10  }
0xb: {  	s5 =	sand.u32 $0x1FFC00, s5;
	s2 =	sadd.s32 s13, s2;
	s7 =	sshll.u32 s7, $0x4  }
0xc: {  	s13 =	sadd.s32 s5, s3;
	s28 =	sadd.s32 $0x190, s2;
	s15 =	smax.u32 s17, $0x1  }
0xd: {  	s2 =	sadd.s32 $0x140, s2;
	s6 =	sshrl.u32 s6, $0x3;
	s0 =	sadd.s32 s7, s0  }
0xe: {  	s29 =	sshrl.u32 s2, $0x3;
	s2 =	simm.s32 $0x2;
	s19 =	sadd.s32 $0xA, s6  }
0xf: {  	s20 =	sadd.s32 s8, s6;
	s21 =	sadd.s32 s18, s6;
	s23 =	sadd.s32 $0x14, s6  }
0x10: {  	s6 =	sadd.s32 $0x1E, s6;
	s14 =	sadd.s32 $0x19E00, s0;
	[dreg:$0x4] =	wrdreg s20  }
0x11: {  	s0 =	sshrl.u32 s28, $0x3;
	[dreg:$0x5] =	wrdreg s21;
	s22 =	sadd.s32 s8, s19  }
0x12: {  	s9 =	sadd.s32 s18, s19;
	s24 =	sadd.s32 s8, s23;
	s25 =	sadd.s32 s18, s23  }
0x13: {  	s26 =	sadd.s32 s8, s6;
	s6 =	sadd.s32 s18, s6;
	[dreg:$0x6] =	wrdreg s22  }
.Ltmp0:
0x14: {  	s16 =	sadd.s32 s0, s18;
	[dreg:$0x7] =	wrdreg s9;
	(pc) =	sbr.rel .LBB2_1-.Ltmp0, $4  }
0x15: {  	s17 =	sadd.s32 s0, s8;
	s18 =	sadd.s32 s29, s18;
	[dreg:$0x8] =	wrdreg s24  }
0x16: {  	s19 =	sadd.s32 s29, s8;
	s20 =	simm.s32 $0xA800;
	[dreg:$0x9] =	wrdreg s25  }
0x17: {  	s21 =	simm.s32 $0x4;
	s23 =	simm.s32 $0x80;
	[dreg:$0xa] =	wrdreg s26  }
0x18: {  	v0 =	vimm.f32 $0.0e+00;
	[dreg:$0xb] =	wrdreg s6;
	s22 =	simm.s32 $0x1;
	s24 =	simm.s32 $0x3  }
.LBB2_5:
0x19: {  	s0 =	sadd.s32 $0x480, s7  }
0x1a: {  	[spmem:s3] =	stream.indirect.scatter.add.f32 [tilespmem:s8], [sflag:$0x3], $0x80, s0, s30, $0xb8;
	[tilespmem:$0x1E480] =	vst v63  }
.LBB2_7:
0x1b: {  	_ =	swait.ge [sflag:s2], $0x2800  }
0x1c: {  	[sflag:s2] =	ssyncset.done $0x0  }
0x1d: {  	[sflag:s2] =	ssyncadd.s32 $0xFFFFD800  }
0x1e: {  	_ =	swait.ge [sflag:s24], $0x2800  }
0x1f: {  	[sflag:s24] =	ssyncset.done $0x0  }
0x20: {  	s0 =	simm.s32 $0x600;
	[sflag:s24] =	ssyncadd.s32 $0xFFFFD800  }
0x21: {  	[spmem:s3] =	stream.indirect.scatter.add.f32 [tilespmem:s31], [sflag:$0x3], $0x80, s0, s30, $0xb8;
	[tilespmem:$0x1E480] =	vst v63  }
0x22: {  	_ =	swait.ge [sflag:s24], $0x2800  }
0x23: {  	[sflag:s24] =	ssyncset.done $0x0  }
0x24: {  	[sflag:s24] =	ssyncadd.s32 $0xFFFFD800  }
0x25: {  	s29 =	stileid.u32;
	_ =	swait.ge [sflag:s24], $0x2800  }
0x26: {  	s5 =	sshrl.u32 s13, $0x3;
	s4 =	sadd.s32 $0x1, s4;
	[sflag:s24] =	ssyncset.done $0x0  }
0x27: {  	p0 =	sne.s32 s4, s15;
	s0 =	sshll.u32 s29, $0x6;
	[sflag:s24] =	ssyncadd.s32 $0xFFFFD800  }
.Ltmp1:
0x28: {  	s0 =	sor.u32 $0x1C04, s0;
	[bflag:$0x0] =	sbarrier.arrive $0xFFFF;
	(pc) =	sbr.rel @!p0 .LBB2_8-.Ltmp1, $4  }
0x29: {  	[hbm:s14], [sflag:s0] =	dma.local [spmem:s5], $0x2780  }
0x2a: {  	_ =	swait.ge [sflag:s21], $0x2780  }
0x2b: {  	[sflag:s21] =	ssyncset.done $0x0  }
0x2c: {  	[sflag:s21] =	ssyncadd.s32 $0xFFFFD880  }
.LBB2_1:
0x2d: {  	[tilespmem:$0xA800] =	vst v0  }
0x2e: {  	[tilespmem:$0xA810] =	vst v0  }
0x2f: {  	[tilespmem:$0xA820] =	vst v0  }
0x30: {  	[tilespmem:$0xA830] =	vst v0  }
0x31: {  	[tilespmem:$0xA840] =	vst v0  }
0x32: {  	[tilespmem:$0xA850] =	vst v0  }
0x33: {  	[tilespmem:$0xA860] =	vst v0  }
0x34: {  	[tilespmem:$0xA870] =	vst v0  }
0x35: {  	[tilespmem:$0xA880] =	vst v0  }
0x36: {  	[tilespmem:$0xA890] =	vst v0  }
0x37: {  	[tilespmem:$0xA8A0] =	vst v0  }
0x38: {  	[tilespmem:$0xA8B0] =	vst v0  }
0x39: {  	[tilespmem:$0xA8C0] =	vst v0  }
0x3a: {  	[tilespmem:$0xA8D0] =	vst v0  }
0x3b: {  	[tilespmem:$0xA8E0] =	vst v0  }
0x3c: {  	[tilespmem:$0xA8F0] =	vst v0  }
0x3d: {  	[tilespmem:$0xA900] =	vst v0  }
0x3e: {  	[tilespmem:$0xA910] =	vst v0  }
0x3f: {  	[tilespmem:$0xA920] =	vst v0  }
0x40: {  	[tilespmem:$0xA930] =	vst v0  }
0x41: {  	[tilespmem:$0xA940] =	vst v0  }
0x42: {  	[tilespmem:$0xA950] =	vst v0  }
0x43: {  	[tilespmem:$0xA960] =	vst v0  }
0x44: {  	[tilespmem:$0xA970] =	vst v0  }
0x45: {  	[tilespmem:$0xA980] =	vst v0  }
0x46: {  	[tilespmem:$0xA990] =	vst v0  }
0x47: {  	[tilespmem:$0xA9A0] =	vst v0  }
0x48: {  	[tilespmem:$0xA9B0] =	vst v0  }
0x49: {  	[tilespmem:$0xA9C0] =	vst v0  }
0x4a: {  	[tilespmem:$0xA9D0] =	vst v0  }
0x4b: {  	[tilespmem:$0xA9E0] =	vst v0  }
0x4c: {  	[tilespmem:$0xA9F0] =	vst v0  }
0x4d: {  	[tilespmem:$0xAA00] =	vst v0  }
0x4e: {  	[tilespmem:$0xAA10] =	vst v0  }
0x4f: {  	[tilespmem:$0xAA20] =	vst v0  }
0x50: {  	[tilespmem:$0xAA30] =	vst v0  }
0x51: {  	[tilespmem:$0xAA40] =	vst v0  }
0x52: {  	[tilespmem:$0xAA50] =	vst v0  }
0x53: {  	[tilespmem:$0xAA60] =	vst v0  }
0x54: {  	[tilespmem:$0xAA70] =	vst v0  }
0x55: {  	[tilespmem:$0xAA80] =	vst v0  }
0x56: {  	[tilespmem:$0xAA90] =	vst v0  }
0x57: {  	[tilespmem:$0xAAA0] =	vst v0  }
0x58: {  	[tilespmem:$0xAAB0] =	vst v0  }
0x59: {  	[tilespmem:$0xAAC0] =	vst v0  }
0x5a: {  	[tilespmem:$0xAAD0] =	vst v0  }
0x5b: {  	[tilespmem:$0xAAE0] =	vst v0  }
0x5c: {  	[tilespmem:$0xAAF0] =	vst v0  }
0x5d: {  	[tilespmem:$0xAB00] =	vst v0  }
0x5e: {  	[tilespmem:$0xAB10] =	vst v0  }
0x5f: {  	[tilespmem:$0xAB20] =	vst v0  }
0x60: {  	[tilespmem:$0xAB30] =	vst v0  }
0x61: {  	[tilespmem:$0xAB40] =	vst v0  }
0x62: {  	[tilespmem:$0xAB50] =	vst v0  }
0x63: {  	[tilespmem:$0xAB60] =	vst v0  }
0x64: {  	[tilespmem:$0xAB70] =	vst v0  }
0x65: {  	[tilespmem:$0xAB80] =	vst v0  }
0x66: {  	[tilespmem:$0xAB90] =	vst v0  }
0x67: {  	[tilespmem:$0xABA0] =	vst v0  }
0x68: {  	[tilespmem:$0xABB0] =	vst v0  }
0x69: {  	[tilespmem:$0xABC0] =	vst v0  }
0x6a: {  	[tilespmem:$0xABD0] =	vst v0  }
0x6b: {  	[tilespmem:$0xABE0] =	vst v0  }
0x6c: {  	[tilespmem:$0xABF0] =	vst v0;
	s0 =	sadd.s32 $0x0, s13  }
0x6d: {  	[spmem:s0] =	stream.linear.scatter [tilespmem:s20], [sflag:$0x4], $0x400, $0x38;
	[tilespmem:$0x1E480] =	vst v63  }
0x6e: {  	s0 =	simm.s32 $0x1000;
	_ =	swait.ge [sflag:s21], $0x400  }
.LBB2_2:
0x6f: {  	s5 =	sshra.s32 s0, $0x2;
	[sflag:s21] =	ssyncset.done $0x0;
	p0 =	sne.s32 s0, $0x4E000  }
.Ltmp2:
0x70: {  	s5 =	sadd.s32 s5, s13;
	[sflag:s21] =	ssyncadd.s32 $0xFFFFFC00;
	(pc) =	sbr.rel @p0 .LBB2_2-.Ltmp2, $3  }
0x71: {  	[spmem:s5] =	stream.linear.scatter [tilespmem:s20], [sflag:$0x4], $0x400, $0x38;
	[tilespmem:$0x1E480] =	vst v63  }
0x72: {  	s0 =	sadd.s32 $0x1000, s0;
	_ =	sdelay $0x1  }
0x73: {  	_ =	swait.ge [sflag:s21], $0x400  }
0x74: {  	[sflag:s21] =	ssyncset.done $0x0  }
0x75: {  	[sflag:s21] =	ssyncadd.s32 $0xFFFFFC00  }
0x76: {  	[bflag:$0x0] =	sbarrier.arrive $0xFFFF  }
0x77: {  	s26 =	simm.s32 $0x0;
	s0 =	rddreg [dreg:$0x4]  }
0x78: {  	[tilespmem:s26], [sflag:$0x1] =	stream.linear.gather [hbm4b:s0+s26], $0x50, $0x38;
	[tilespmem:$0x1E480] =	vst v63  }
0x79: {  	s5 =	simm.s32 $0x400;
	s10 =	rddreg [dreg:$0x5]  }
0x7a: {  	[tilespmem:s5], [sflag:$0x1] =	stream.linear.gather [hbm4b:s10+s26], $0x50, $0x38;
	[tilespmem:$0x1E480] =	vst v63  }
0x7b: {  	s11 =	rddreg [dreg:$0x6]  }
0x7c: {  	[tilespmem:s23], [sflag:$0x1] =	stream.linear.gather [hbm4b:s11+s26], $0x50, $0x38;
	[tilespmem:$0x1E480] =	vst v63  }
0x7d: {  	s25 =	simm.s32 $0x480;
	s12 =	rddreg [dreg:$0x7]  }
0x7e: {  	[tilespmem:s25], [sflag:$0x1] =	stream.linear.gather [hbm4b:s12+s26], $0x50, $0x38;
	[tilespmem:$0x1E480] =	vst v63  }
0x7f: {  	s6 =	simm.s32 $0x100;
	s5 =	rddreg [dreg:$0x8]  }
0x80: {  	[tilespmem:s6], [sflag:$0x1] =	stream.linear.gather [hbm4b:s5+s26], $0x50, $0x38;
	[tilespmem:$0x1E480] =	vst v63  }
0x81: {  	s8 =	simm.s32 $0x500;
	s7 =	rddreg [dreg:$0x9]  }
0x82: {  	[tilespmem:s8], [sflag:$0x1] =	stream.linear.gather [hbm4b:s7+s26], $0x50, $0x38;
	[tilespmem:$0x1E480] =	vst v63  }
0x83: {  	s9 =	rddreg [dreg:$0xa];
	s10 =	simm.s32 $0x180  }
0x84: {  	[tilespmem:s10], [sflag:$0x1] =	stream.linear.gather [hbm4b:s9+s26], $0x50, $0x38;
	[tilespmem:$0x1E480] =	vst v63  }
0x85: {  	s28 =	simm.s32 $0x1;
	s11 =	rddreg [dreg:$0xb];
	s12 =	simm.s32 $0x580  }
0x86: {  	[tilespmem:s12], [sflag:$0x1] =	stream.linear.gather [hbm4b:s11+s26], $0x50, $0x38;
	[tilespmem:$0x1E480] =	vst v63  }
0x87: {  	_ =	swait.ge [sflag:s28], $0x50  }
0x88: {  	[sflag:s28] =	ssyncset.done $0x0  }
0x89: {  	[sflag:s28] =	ssyncadd.s32 $0xFFFFFFB0  }
0x8a: {  	_ =	swait.ge [sflag:s28], $0x50  }
0x8b: {  	[sflag:s28] =	ssyncset.done $0x0  }
0x8c: {  	[sflag:s28] =	ssyncadd.s32 $0xFFFFFFB0  }
0x8d: {  	[tilespmem:s31], [sflag:$0x2] =	stream.indirect.gather [hbm4b:s1+s30], $0x80, s26, s30, $0xb8;
	[tilespmem:$0x1E480] =	vst v63  }
0x8e: {  	_ =	swait.ge [sflag:s28], $0x50  }
0x8f: {  	[sflag:s28] =	ssyncset.done $0x0  }
0x90: {  	[sflag:s28] =	ssyncadd.s32 $0xFFFFFFB0  }
0x91: {  	_ =	swait.ge [sflag:s28], $0x50  }
0x92: {  	[sflag:s28] =	ssyncset.done $0x0  }
0x93: {  	s29 =	simm.s32 $0x0;
	s25 =	simm.s32 $0x3000;
	[sflag:s28] =	ssyncadd.s32 $0xFFFFFFB0  }
0x94: {  	[tilespmem:s25], [sflag:$0x2] =	stream.indirect.gather [hbm4b:s1+s30], $0x80, s23, s30, $0xb8;
	[tilespmem:$0x1E480] =	vst v63  }
.LBB2_4:
0x95: {  	s5 =	smul.u32 $0xAB, s28;
	_ =	swait.ge [sflag:s2], $0x2800  }
0x96: {  	p0 =	seq.s32 s29, $0x0;
	s25 =	sand.u32 $0x2, s26;
	[sflag:s2] =	ssyncset.done $0x0  }
0x97: {  	s9 =	simm.s32 @!p0 $0x3;
	s8 =	sxor.u32 $0x2, s25;
	s0 =	sshrl.u32 s5, $0x9  }
0x98: {  	s5 =	sadd.s32 $0xFFFFFF55, s5;
	[sflag:s2] =	ssyncadd.s32 $0xFFFFD800;
	s8 =	smul.u32 $0xA000, s8  }
0x99: {  	s0 =	sand.u32 $0x7F, s0;
	s5 =	sshrl.u32 s5, $0x9;
	_ =	swait.ge @!p0 [sflag:s9], $0x2800  }
0x9a: {  	s6 =	smul.u32 $0x3, s0;
	s0 =	sadd.s32 $0xFFFFFFFF, s28;
	[sflag:s9] =	ssyncset.done @!p0 $0x0  }
0x9b: {  	s5 =	sand.u32 $0x7F, s5;
	s8 =	sshrl.u32 s8, $0x2;
	[sflag:s9] =	ssyncadd.s32 @!p0 $0xFFFFD800  }
0x9c: {  	s6 =	ssub.s32 s28, s6;
	s28 =	sadd.s32 $0x1, s28;
	_ =	swait.ge [sflag:s22], $0x50  }
0x9d: {  	s5 =	smul.u32 $0x3, s5;
	s7 =	sand.u32 $0xFF, s28;
	[sflag:s22] =	ssyncset.done $0x0  }
0x9e: {  	s8 =	sadd.s32 $0x800, s8;
	s7 =	smul.u32 $0xAB, s7;
	[sflag:s22] =	ssyncadd.s32 $0xFFFFFFB0  }
0x9f: {  	s5 =	ssub.s32 s0, s5;
	s6 =	sand.u32 $0xFF, s6;
	_ =	swait.ge [sflag:s22], $0x50  }
0xa0: {  	s6 =	sshll.u32 s6, $0xA;
	s7 =	sshrl.u32 s7, $0x9;
	[sflag:s22] =	ssyncset.done $0x0  }
0xa1: {  	s6 =	sshrl.u32 s6, $0x2;
	s7 =	smul.u32 $0x3, s7;
	[sflag:s22] =	ssyncadd.s32 $0xFFFFFFB0  }
0xa2: {  	[tilespmem:s8], [sflag:$0x2] =	stream.indirect.gather [hbm4b:s1+s30], $0x80, s6, s30, $0xb8;
	[tilespmem:$0x1E480] =	vst v63  }
0xa3: {  	s5 =	sand.u32 $0xFF, s5;
	s7 =	ssub.s32 s28, s7  }
0xa4: {  	p1 =	seq.s32 s29, $0x4C4;
	s8 =	sshll.u32 s5, $0xA;
	s10 =	sand.u32 $0xFF, s7  }
0xa5: {  	s7 =	sadd.s32 @!p1 s29, s19;
	s5 =	sshll.u32 s10, $0x8;
	s10 =	simm.s32 @!p1 $0x0  }
0xa6: {  	[tilespmem:s5], [sflag:$0x1] =	stream.linear.gather @!p1 [hbm4b:s7+s10], $0x50, $0x38;
	[tilespmem:$0x1E480] =	vst v63  }
0xa7: {  	s12 =	sadd.s32 @!p1 s29, s18;
	s7 =	smul.u32 $0xA000, s25;
	s11 =	sadd.s32 @!p1 $0x400, s5  }
0xa8: {  	[tilespmem:s11], [sflag:$0x1] =	stream.linear.gather @!p1 [hbm4b:s12+s10], $0x50, $0x38;
	[tilespmem:$0x1E480] =	vst v63  }
0xa9: {  	s10 =	sshrl.u32 s7, $0x2;
	s7 =	sshrl.u32 s8, $0x2  }
0xaa: {  	p1 =	sne.s32 @!p0 s29, $0x4C4;
	s11 =	sor.u32 $0x800, s10;
	s12 =	sadd.s32 $0x400, s7  }
0xab: {  	[spmem:s3] =	stream.indirect.scatter.add.f32 [tilespmem:s11], [sflag:$0x3], $0x80, s12, s30, $0xb8;
	[tilespmem:$0x1E480] =	vst v63  }
0xac: {  	p1 =	por p0, p1;
	_ =	swait.ge [sflag:s2], $0x2800  }
.Ltmp3:
0xad: {  	[sflag:s2] =	ssyncset.done $0x0;
	(pc) =	sbr.rel @!p1 .LBB2_5-.Ltmp3, $4  }
0xae: {  	[sflag:s2] =	ssyncadd.s32 $0xFFFFD800  }
0xaf: {  	_ =	swait.ge @!p0 [sflag:s9], $0x2800  }
0xb0: {  	[sflag:s9] =	ssyncset.done @!p0 $0x0  }
0xb1: {  	s8 =	sadd.s32 $0x3000, s10;
	[sflag:s9] =	ssyncadd.s32 @!p0 $0xFFFFD800  }
0xb2: {  	_ =	swait.ge [sflag:s22], $0x50  }
0xb3: {  	s9 =	sxor.u32 $0x3, s25;
	[sflag:s22] =	ssyncset.done $0x0  }
0xb4: {  	s9 =	smul.u32 $0xA000, s9;
	[sflag:s22] =	ssyncadd.s32 $0xFFFFFFB0  }
0xb5: {  	_ =	swait.ge [sflag:s22], $0x50  }
0xb6: {  	s6 =	sadd.s32 $0x80, s6;
	s9 =	sshrl.u32 s9, $0x2;
	[sflag:s22] =	ssyncset.done $0x0  }
0xb7: {  	p0 =	sgt.u32 s0, $0x3B;
	s9 =	sadd.s32 $0x800, s9;
	[sflag:s22] =	ssyncadd.s32 $0xFFFFFFB0  }
0xb8: {  	[tilespmem:s9], [sflag:$0x2] =	stream.indirect.gather [hbm4b:s1+s30], $0x80, s6, s30, $0xb8;
	[tilespmem:$0x1E480] =	vst v63  }
0xb9: {  	s0 =	sor.u32 @!p0 $0x80, s5;
	s6 =	sadd.s32 @!p0 s29, s17;
	s9 =	simm.s32 @!p0 $0x0  }
0xba: {  	[tilespmem:s0], [sflag:$0x1] =	stream.linear.gather @!p0 [hbm4b:s6+s9], $0x50, $0x38;
	[tilespmem:$0x1E480] =	vst v63  }
0xbb: {  	s0 =	sadd.s32 @!p0 $0x480, s5;
	s5 =	sadd.s32 @!p0 s29, s16;
	s29 =	sadd.s32 $0x14, s29  }
0xbc: {  	[tilespmem:s0], [sflag:$0x1] =	stream.linear.gather @!p0 [hbm4b:s5+s9], $0x50, $0x38;
	[tilespmem:$0x1E480] =	vst v63  }
0xbd: {  	p0 =	sne.s32 s29, $0x4D8  }
.Ltmp4:
0xbe: {  	_ = 	snop;
	(pc) =	sbr.rel @p0 .LBB2_4-.Ltmp4, $4  }
.Ltmp5:
0xbf: {  	_ = 	snop;
	(pc) =	sbr.rel @!p0 .LBB2_7-.Ltmp5, $4  }
0xc0: {  	_ = 	snop  }
0xc1: {  	s25 =	sadd.s32 $0x480, s7;
	s26 =	sadd.s32 $0x2, s26  }
0xc2: {  	[spmem:s3] =	stream.indirect.scatter.add.f32 [tilespmem:s8], [sflag:$0x3], $0x80, s25, s30, $0xb8;
	[tilespmem:$0x1E480] =	vst v63  }
0xc3: {  	_ = 	snop  }
.LBB2_8:
0xc4: {  	_ =	sfence.sel $0x180000  }
0xc5: {  	[bflag:$0x0] =	sbarrier.arrive $0xFFFF  }
0xc6: {  	_ =	strace $0x90000047  }
0xc7: {  	s0 =	stileid.u32;
	[bflag:$0x2] =	sbarrier.arrive $0xFFFF  }
0xc8: {  	p0 =	sne.s32 s0, $0x0;
	s0 =	rddreg [dreg:$0x3]  }
0xc9: {  	s0 =	sadd.s32 @!p0 $0x100000, s0  }
0xca: {  	[sflag:s0] =	ssyncadd.tile.s32 @!p0 $0x1;
	_ =	shalt  }
.Lfunc_end2:
_tile_overlayer_lowered:
.L_overlay_start_2:
0xcb: {  	(tag) =	ssettag $0x2  }
0xcc: {  	s0 =	rddreg [dreg:$0x0];
	s2 =	stileid.u32  }
0xcd: {  	s1 =	rddreg [dreg:$0x1];
	p0 =	sne.s32 s2, $0x0  }
0xce: {  	s3 =	rddreg [dreg:$0x2];
	[bflag:$0x3] =	sbarrier.arrive $0xFFFF;
	s2 =	simm.s32 @!p0 $0x1C04  }
0xcf: {  	[timem:s3], [sflag:s2] =	dma.local @!p0 [hbm:s0], s1  }
0xd0: {  	s0 =	simm.s32 @!p0 $0x4  }
0xd1: {  	_ =	swait.ge @!p0 [sflag:s0], s1  }
0xd2: {  	s1 =	ssub.s32 @!p0 $0x0, s1;
	[sflag:s0] =	ssyncset.done @!p0 $0x0  }
0xd3: {  	[sflag:s0] =	ssyncadd.s32 @!p0 s1  }
0xd4: {  	[bflag:$0x3] =	sbarrier.arrive $0xFFFF  }
0xd5: {  	_ =	shalt  }

// kernel: kernel.14.cloned.1.call-start
scs
__scs_entry_jumppad:
0x0: {  	(pc) =	sbr.rel $0x88, $3  }
0x1: {  	(tag) =	ssettag $0x0;
	lr =	simm.s32 $0x1  }
0x2: {  	[smem:$0x3F85] =	sst lr;
	_ =	strace $0xD0000000  }
0x3: {  	_ = 	snop  }
0x4: {  	_ = 	snop  }
0x5: {  	_ = 	snop  }
0x6: {  	_ = 	snop  }
0x7: {  	_ = 	snop  }
__scs_overlays_trampoline_lowered:
0x8: {  	[smem:$0x3F94] =	sst s0  }
0x9: {  	[smem:$0x3F95] =	sst s1  }
0xa: {  	[smem:$0x3F96] =	sst s2  }
0xb: {  	[smem:$0x3F97] =	sst s3  }
0xc: {  	[smem:$0x3F98] =	sst s4  }
0xd: {  	[smem:$0x3F99] =	sst s5  }
0xe: {  	[smem:$0x3F9A] =	sst s6  }
0xf: {  	[smem:$0x3F9B] =	sst s7  }
0x10: {  	[smem:$0x3F9C] =	sst s8  }
0x11: {  	[smem:$0x3F9D] =	sst s9;
	s0 =	simm.s32 @!p0 $0x0  }
0x12: {  	s1 =	sld [smem:$0x3F83];
	s0 =	simm.s32 @p0 $0x1  }
0x13: {  	[smem:$0x3F9E] =	sst s0;
	s0 =	simm.s32 @!p1 $0x0  }
0x14: {  	s2 =	sld [smem:$0x3F82];
	s0 =	simm.s32 @p1 $0x1  }
0x15: {  	[smem:$0x3F9F] =	sst s0;
	s0 =	simm.s32 @!p2 $0x0  }
0x16: {  	s3 =	sld [smem:$0x3FDB];
	s0 =	simm.s32 @p2 $0x1  }
0x17: {  	s4 =	simm.s32 $0x1BF5;
	[smem:$0x3FA1] =	sst s0  }
0x18: {  	s0 =	sld [smem:$0x3F84];
	_ =	swait.ge [sflag:s4], $0x0  }
0x19: {  	s7 =	sld [smem:$0x3F85]  }
0x1a: {  	s8 =	sadd.s32 $0xFFFFE003, lr  }
0x1b: {  	s9 =	sadd.s32 $0xFFFFFEF7, lr;
	s5 =	simm.s32 $0xFFFFFFFF;
	p2 =	slt.u32 s8, $0xFFFFF086  }
0x1c: {  	p1 =	slt.u32 s9, $0xF7A;
	s5 =	simm.s32 @!p2 $0x0  }
0x1d: {  	s5 =	simm.s32 @p1 $0x1;
	p0 =	seq.s32 s7, s2  }
0x1e: {  	s7 =	smul.u32 @!p0 $0xF7A, s2;
	p2 =	seq.s32 @!p0 s5, $0x0  }
0x1f: {  	s9 =	smul.u32 $0xF7A, s1;
	s8 =	simm.s32 @!p0 $0x1BF5;
	p2 =	por !p2, p0  }
0x20: {  	[sflag:s8] =	ssyncset.s32 @!p0 $0xFFFFF086;
	s6 =	sadd.s32 @!p0 s3, s7;
	s7 =	simm.s32 @!p0 $0x108  }
0x21: {  	s3 =	sadd.s32 s3, s9;
	s6 =	sadd.s32 @!p0 $0x88, s6;
	s7 =	simm.s32 @p2 $0x1082  }
0x22: {  	[simem:s7], [sflag:s8] =	dma.local @!p0 [hbm:s6], $0xF7A  }
0x23: {  	s9 =	sor.u32 $0xD0000000, s2;
	s6 =	simm.s32 $0x108;
	_ =	swait.ge @!p0 [sflag:s8], $0x0  }
0x24: {  	s3 =	sadd.s32 $0x88, s3;
	s6 =	simm.s32 @!p1 $0x1082;
	[sflag:s4] =	ssyncset.s32 $0xFFFFF086  }
0x25: {  	[simem:s6], [sflag:s4] =	dma.local [hbm:s3], $0xF7A  }
0x26: {  	[smem:$0x3F85] =	sst s1;
	(tag) =	ssettag s2;
	_ =	strace s9  }
0x27: {  	s1 =	sld [smem:$0x3F95]  }
0x28: {  	s2 =	sld [smem:$0x3F96]  }
0x29: {  	s4 =	sld [smem:$0x3F98]  }
0x2a: {  	p0 =	seq.s32 s5, $0x0;
	s5 =	sld [smem:$0x3F99]  }
0x2b: {  	s6 =	sld [smem:$0x3F9A]  }
0x2c: {  	s7 =	sld [smem:$0x3F9B]  }
0x2d: {  	s3 =	simm.s32 $0x108;
	s8 =	sld [smem:$0x3F9C]  }
0x2e: {  	s3 =	simm.s32 @!p0 $0x1082;
	s9 =	sld [smem:$0x3F9D]  }
0x2f: {  	lr =	sadd.s32 s0, s3;
	s0 =	sld [smem:$0x3F94]  }
0x30: {  	s3 =	sld [smem:$0x3F97]  }
0x31: {  	[smem:$0x3FA0] =	sst s10  }
0x32: {  	s10 =	sld [smem:$0x3F9E];
	_ =	sdelay $0x3  }
0x33: {  	p0 =	seq.s32 s10, $0x1;
	s10 =	sld [smem:$0x3FA0];
	_ =	sdelay $0x3  }
0x34: {  	[smem:$0x3FA0] =	sst s10  }
0x35: {  	s10 =	sld [smem:$0x3F9F];
	_ =	sdelay $0x3  }
0x36: {  	p1 =	seq.s32 s10, $0x1;
	s10 =	sld [smem:$0x3FA0];
	_ =	sdelay $0x3  }
0x37: {  	[smem:$0x3FA0] =	sst s10  }
0x38: {  	s10 =	sld [smem:$0x3FA1]  }
0x39: {  	_ = 	snop;
	(pc) =	sbr.ind lr, $3  }
0x3a: {  	_ = 	snop  }
0x3b: {  	_ = 	snop  }
0x3c: {  	p2 =	seq.s32 s10, $0x1;
	s10 =	sld [smem:$0x3FA0]  }
0x3d: {  	_ =	shalt  }
0x3e: {  	_ =	shalt  }
0x3f: {  	_ =	shalt  }
0x40: {  	_ =	shalt  }
0x41: {  	_ =	shalt  }
0x42: {  	_ =	shalt  }
0x43: {  	_ =	shalt  }
0x44: {  	_ =	shalt  }
0x45: {  	_ =	shalt  }
0x46: {  	_ =	shalt  }
0x47: {  	_ =	shalt  }
0x48: {  	_ =	shalt  }
0x49: {  	_ =	shalt  }
0x4a: {  	_ =	shalt  }
0x4b: {  	_ =	shalt  }
0x4c: {  	_ =	shalt  }
0x4d: {  	_ =	shalt  }
0x4e: {  	_ =	shalt  }
0x4f: {  	_ =	shalt  }
0x50: {  	_ =	shalt  }
0x51: {  	_ =	shalt  }
0x52: {  	_ =	shalt  }
0x53: {  	_ =	shalt  }
0x54: {  	_ =	shalt  }
0x55: {  	_ =	shalt  }
0x56: {  	_ =	shalt  }
0x57: {  	_ =	shalt  }
0x58: {  	_ =	shalt  }
0x59: {  	_ =	shalt  }
0x5a: {  	_ =	shalt  }
0x5b: {  	_ =	shalt  }
0x5c: {  	_ =	shalt  }
0x5d: {  	_ =	shalt  }
0x5e: {  	_ =	shalt  }
0x5f: {  	_ =	shalt  }
0x60: {  	_ =	shalt  }
0x61: {  	_ =	shalt  }
0x62: {  	_ =	shalt  }
0x63: {  	_ =	shalt  }
0x64: {  	_ =	shalt  }
0x65: {  	_ =	shalt  }
0x66: {  	_ =	shalt  }
0x67: {  	_ =	shalt  }
0x68: {  	_ =	shalt  }
0x69: {  	_ =	shalt  }
0x6a: {  	_ =	shalt  }
0x6b: {  	_ =	shalt  }
0x6c: {  	_ =	shalt  }
0x6d: {  	_ =	shalt  }
0x6e: {  	_ =	shalt  }
0x6f: {  	_ =	shalt  }
0x70: {  	_ =	shalt  }
0x71: {  	_ =	shalt  }
0x72: {  	_ =	shalt  }
0x73: {  	_ =	shalt  }
0x74: {  	_ =	shalt  }
0x75: {  	_ =	shalt  }
0x76: {  	_ =	shalt  }
0x77: {  	_ =	shalt  }
0x78: {  	_ =	shalt  }
0x79: {  	_ =	shalt  }
0x7a: {  	_ =	shalt  }
0x7b: {  	_ =	shalt  }
0x7c: {  	_ =	shalt  }
0x7d: {  	_ =	shalt  }
0x7e: {  	_ =	shalt  }
0x7f: {  	_ =	shalt  }
0x80: {  	_ =	shalt  }
0x81: {  	_ =	shalt  }
0x82: {  	_ =	shalt  }
0x83: {  	_ =	shalt  }
0x84: {  	_ =	shalt  }
0x85: {  	_ =	shalt  }
0x86: {  	_ =	shalt  }
0x87: {  	_ =	shalt  }
.Lfunc_end0:
.L_simem_size_0:
called_computation.1_lowered:
.L_overlay_start_0:
0x88: {  	s2 =	sld [smem:$0x3FD9]  }
0x89: {  	s3 =	sld [smem:$0x3FFE];
	_ =	sdelay $0x1  }
0x8a: {  	s1 =	srdreg.scid  }
0x8b: {  	s0 =	sand.u32 $0x1, s1  }
0x8c: {  	s16 =	sshll.u32 s0, $0xA;
	s2 =	sadd.s32 s3, s2  }
0x8d: {  	s2 =	sadd.s32 s2, s16  }
0x8e: {  	[smem:$0x3FAC] =	sst s2  }
0x8f: {  	_ = 	snop  }
0x90: {  	(tm) =	ssettm $0x1  }
0x91: {  	s17 =	sld [smem:$0x3FFB];
	_ =	sdelay $0x3  }
0x92: {  	_ =	strace s17  }
0x93: {  	s2 =	sld [smem:$0x3FFC];
	_ =	sdelay $0x3  }
0x94: {  	_ =	strace s2  }
0x95: {  	s2 =	sld [smem:$0x3FFD];
	_ =	sdelay $0x3  }
0x96: {  	_ =	strace s2  }
0x97: {  	_ =	strace $0x8FFFFFFF  }
0x98: {  	s18 =	sld [smem:$0x3FDB];
	_ =	sdelay $0x1  }
0x99: {  	s19 =	simm.s32 $_scs_section_size  }
0x9a: {  	s4 =	simm.s32 $_size__tile_overlayer_lowered;
	s5 =	simm.s32 $_tile_overlayer_lowered  }
0x9b: {  	s22 =	simm.s32 $0x1BFF;
	s21 =	sshll.u32 s5, $0x1;
	s2 =	sadd.s32 s19, s18  }
0x9c: {  	s6 =	simm.s32 $0x0;
	s20 =	sshll.u32 s4, $0x1;
	s4 =	sadd.s32 s21, s2  }
0x9d: {  	[timem:s6], [sflag:s22] =	dma.local [hbm:s4], s20  }
0x9e: {  	_ =	swait.ge [sflag:s22], s20  }
0x9f: {  	s3 =	ssub.s32 $0x0, s20;
	[sflag:s22] =	ssyncset.done $0x0  }
0xa0: {  	[sflag:s22] =	ssyncadd.s32 s3;
	_ =	sdelay $0x1  }
0xa1: {  	s23 =	simm.s32 $0x1B8B  }
0xa2: {  	_ =	swait.ge [sflag:s23], $0x1  }
0xa3: {  	[sflag:s23] =	ssyncset.done $0x0  }
0xa4: {  	s25 =	simm.s32 $0x1B8E;
	s24 =	sld [smem:$0x3FFE];
	[sflag:s23] =	ssyncadd.s32 $0xFFFFFFFF  }
0xa5: {  	s26 =	simm.s32 $execute0_lowered;
	[smem:$0x3FD2] =	sst s25  }
0xa6: {  	s4 =	sshll.u32 s26, $0x1;
	_ =	strace $0x80000049;
	[dreg:$0x1] =	wrdreg $0xFFFFFFFF  }
0xa7: {  	s28 =	simm.s32 $_size_execute0_lowered;
	s2 =	sadd.s32 s2, s4;
	[dreg:$0x0] =	wrdreg $0x0  }
0xa8: {  	s4 =	sshll.u32 s28, $0x1;
	[dreg:$0x2] =	wrdreg s2  }
0xa9: {  	[dreg:$0x3] =	wrdreg s4  }
0xaa: {  	[dreg:$0x4] =	wrdreg $0xC0  }
0xab: {  	_ =	task [dreg:s6], $0x5FFFF  }
0xac: {  	[dreg:$0x1] =	wrdreg $0xFFFFFFFF  }
0xad: {  	[dreg:$0x0] =	wrdreg $0x60  }
0xae: {  	[dreg:$0x2] =	wrdreg s24  }
0xaf: {  	[dreg:$0x3] =	wrdreg $0xAC000  }
0xb0: {  	[dreg:$0x4] =	wrdreg $0x9  }
0xb1: {  	_ =	task.clear_ibuf [dreg:s6], $0x5FFFF;
	_ =	strace $0x90000049  }
0xb2: {  	s29 =	simm.s32 $0x9;
	_ =	strace $0x8000004B  }
0xb3: {  	_ =	swait.ge [sflag:s29], $0x1  }
0xb4: {  	[sflag:s29] =	ssyncadd.s32 $0xFFFFFFFF  }
0xb5: {  	_ =	strace $0x9000004B  }
0xb6: {  	_ =	sfence  }
0xb7: {  	s30 =	sld [smem:$0x0];
	_ =	sdelay $0x2  }
0xb8: {  	s31 =	sshll.u32 s1, $0xD;
	s1 =	sshrl.u32 s1, $0x2  }
0xb9: {  	s3 =	sand.u32 $0x4000, s31;
	s1 =	sadd.s32 s1, s30  }
0xba: {  	s0 =	sor.u32 s3, s0;
	s1 =	sshll.u32 s1, $0x11  }
0xbb: {  	s0 =	sor.u32 s1, s0  }
0xbc: {  	s0 =	sadd.s32 $0x8F2B, s0  }
0xbd: {  	[sflag:s0] =	ssyncadd.remote.s32 $0x1  }
0xbe: {  	_ =	sfence.sel $0xFFFF  }
0xbf: {  	[dreg:$0x0] =	wrdreg $0xFFFFFFFF;
	(pc) =	sbr.abs _section_cstart, $3  }
0xc0: {  	[dreg:$0x1] =	wrdreg $0xFFFFFFFF  }
0xc1: {  	_ =	task.clear_ibuf [dreg:s6], $0x2FFFF;
	_ =	strace $0x9FFFFFFF  }
0xc2: {  	(tm) =	ssettm $0x7FFFFFFF  }
0xc3: {  	_ =	shalt  }
tec
execute0_lowered:
.L_overlay_start_1:
0x0: {  	(tag) =	ssettag $0x1  }
0x1: {  	s0 =	rddreg [dreg:$0x0]  }
0x2: {  	s1 =	srdreg.scid;
	s10 =	stileid.u32  }
0x3: {  	s2 =	rddreg [dreg:$0x1];
	s7 =	smul.u32 $0x271, s10  }
0x4: {  	s3 =	simm.s32 $0x0;
	s29 =	simm.s32 $0x50;
	s9 =	smul.u32 $0x4E20, s10  }
0x5: {  	s1 =	sand.u32 $0x1, s1;
	[smem:$0x7FF] =	sst s3;
	s30 =	smul.u32 $0x9C4, s10  }
0x6: {  	s4 =	sadd.s32 $0x19E00, s0;
	s18 =	sadd.s32 $0x68000, s0;
	s5 =	smul.u32 $0x2710, s1  }
0x7: {  	s19 =	sadd.s32 $0x10000, s0;
	s6 =	smul.u32 $0x4E200, s1;
	s1 =	ssub.s32 $0x2, s1  }
0x8: {  	_ =	strace $0x8000004A;
	s8 =	sand.u32 $0x3FF8, s7;
	s21 =	sshrl.u32 s1, $0x1  }
0x9: {  	s7 =	sshll.u32 s7, $0x7;
	s17 =	sadd.s32 s30, s19;
	s5 =	sadd.s32 s5, s8  }
0xa: {  	s15 =	sadd.s32 s9, s6;
	s9 =	sshrl.u32 s9, $0x3;
	s1 =	ssub.s32 s1, s21  }
0xb: {  	s7 =	sand.u32 $0x1FFC00, s7;
	s21 =	simm.s32 $0x1;
	s5 =	sshll.u32 s5, $0x4  }
0xc: {  	s20 =	sshrl.u32 s15, $0x3;
	s6 =	sadd.s32 s19, s9;
	s13 =	sadd.s32 s7, s2  }
0xd: {  	s28 =	sadd.s32 $0x140, s15;
	s16 =	sadd.s32 $0x190, s15;
	s15 =	smax.u32 s1, $0x1  }
0xe: {  	s19 =	simm.s32 $0xA800;
	s1 =	simm.s32 $0x2;
	s0 =	sadd.s32 s5, s0  }
0xf: {  	s5 =	sadd.s32 s18, s20;
	s23 =	sadd.s32 $0xA, s6;
	s25 =	sadd.s32 $0x14, s6  }
0x10: {  	s12 =	sadd.s32 $0x1E, s6;
	s31 =	sshrl.u32 s16, $0x3;
	[dreg:$0x4] =	wrdreg s23  }
.Ltmp0:
0x11: {  	s22 =	sadd.s32 $0xA, s5;
	[dreg:$0x6] =	wrdreg s25;
	(pc) =	sbr.rel .LBB2_1-.Ltmp0, $4  }
0x12: {  	s24 =	sadd.s32 $0x14, s5;
	s26 =	sadd.s32 $0x1E, s5;
	[dreg:$0x3] =	wrdreg s22  }
0x13: {  	s14 =	sadd.s32 $0x7BA00, s0;
	s0 =	sshrl.u32 s28, $0x3;
	[dreg:$0x5] =	wrdreg s24  }
0x14: {  	s20 =	simm.s32 $0x4;
	[dreg:$0x7] =	wrdreg s26;
	s16 =	sadd.s32 s0, s18  }
0x15: {  	v0 =	vimm.f32 $0.0e+00;
	s18 =	sadd.s32 s31, s18;
	s22 =	simm.s32 $0x80;
	s0 =	simm.s32 $0x3  }
.LBB2_8:
0x16: {  	_ =	swait.ge [sflag:s0], $0x2800  }
0x17: {  	[sflag:s0] =	ssyncset.done $0x0  }
0x18: {  	[sflag:s0] =	ssyncadd.s32 $0xFFFFD800  }
0x19: {  	s7 =	stileid.u32;
	_ =	swait.ge [sflag:s0], $0x2800  }
0x1a: {  	s8 =	sshrl.u32 s13, $0x3;
	s3 =	sadd.s32 $0x1, s3;
	[sflag:s0] =	ssyncset.done $0x0  }
0x1b: {  	s7 =	sshll.u32 s7, $0x6;
	p0 =	sne.s32 s3, s15;
	[sflag:s0] =	ssyncadd.s32 $0xFFFFD800  }
.Ltmp1:
0x1c: {  	s7 =	sor.u32 $0x1C04, s7;
	[bflag:$0x0] =	sbarrier.arrive $0xFFFF;
	(pc) =	sbr.rel @!p0 .LBB2_9-.Ltmp1, $4  }
0x1d: {  	[hbm:s14], [sflag:s7] =	dma.local [spmem:s8], $0x2780  }
0x1e: {  	_ =	swait.ge [sflag:s20], $0x2780  }
0x1f: {  	[sflag:s20] =	ssyncset.done $0x0  }
0x20: {  	[sflag:s20] =	ssyncadd.s32 $0xFFFFD880  }
.LBB2_1:
0x21: {  	[tilespmem:$0xA800] =	vst v0  }
0x22: {  	[tilespmem:$0xA810] =	vst v0  }
0x23: {  	[tilespmem:$0xA820] =	vst v0  }
0x24: {  	[tilespmem:$0xA830] =	vst v0  }
0x25: {  	[tilespmem:$0xA840] =	vst v0  }
0x26: {  	[tilespmem:$0xA850] =	vst v0  }
0x27: {  	[tilespmem:$0xA860] =	vst v0  }
0x28: {  	[tilespmem:$0xA870] =	vst v0  }
0x29: {  	[tilespmem:$0xA880] =	vst v0  }
0x2a: {  	[tilespmem:$0xA890] =	vst v0  }
0x2b: {  	[tilespmem:$0xA8A0] =	vst v0  }
0x2c: {  	[tilespmem:$0xA8B0] =	vst v0  }
0x2d: {  	[tilespmem:$0xA8C0] =	vst v0  }
0x2e: {  	[tilespmem:$0xA8D0] =	vst v0  }
0x2f: {  	[tilespmem:$0xA8E0] =	vst v0  }
0x30: {  	[tilespmem:$0xA8F0] =	vst v0  }
0x31: {  	[tilespmem:$0xA900] =	vst v0  }
0x32: {  	[tilespmem:$0xA910] =	vst v0  }
0x33: {  	[tilespmem:$0xA920] =	vst v0  }
0x34: {  	[tilespmem:$0xA930] =	vst v0  }
0x35: {  	[tilespmem:$0xA940] =	vst v0  }
0x36: {  	[tilespmem:$0xA950] =	vst v0  }
0x37: {  	[tilespmem:$0xA960] =	vst v0  }
0x38: {  	[tilespmem:$0xA970] =	vst v0  }
0x39: {  	[tilespmem:$0xA980] =	vst v0  }
0x3a: {  	[tilespmem:$0xA990] =	vst v0  }
0x3b: {  	[tilespmem:$0xA9A0] =	vst v0  }
0x3c: {  	[tilespmem:$0xA9B0] =	vst v0  }
0x3d: {  	[tilespmem:$0xA9C0] =	vst v0  }
0x3e: {  	[tilespmem:$0xA9D0] =	vst v0  }
0x3f: {  	[tilespmem:$0xA9E0] =	vst v0  }
0x40: {  	[tilespmem:$0xA9F0] =	vst v0  }
0x41: {  	[tilespmem:$0xAA00] =	vst v0  }
0x42: {  	[tilespmem:$0xAA10] =	vst v0  }
0x43: {  	[tilespmem:$0xAA20] =	vst v0  }
0x44: {  	[tilespmem:$0xAA30] =	vst v0  }
0x45: {  	[tilespmem:$0xAA40] =	vst v0  }
0x46: {  	[tilespmem:$0xAA50] =	vst v0  }
0x47: {  	[tilespmem:$0xAA60] =	vst v0  }
0x48: {  	[tilespmem:$0xAA70] =	vst v0  }
0x49: {  	[tilespmem:$0xAA80] =	vst v0  }
0x4a: {  	[tilespmem:$0xAA90] =	vst v0  }
0x4b: {  	[tilespmem:$0xAAA0] =	vst v0  }
0x4c: {  	[tilespmem:$0xAAB0] =	vst v0  }
0x4d: {  	[tilespmem:$0xAAC0] =	vst v0  }
0x4e: {  	[tilespmem:$0xAAD0] =	vst v0  }
0x4f: {  	[tilespmem:$0xAAE0] =	vst v0  }
0x50: {  	[tilespmem:$0xAAF0] =	vst v0  }
0x51: {  	[tilespmem:$0xAB00] =	vst v0  }
0x52: {  	[tilespmem:$0xAB10] =	vst v0  }
0x53: {  	[tilespmem:$0xAB20] =	vst v0  }
0x54: {  	[tilespmem:$0xAB30] =	vst v0  }
0x55: {  	[tilespmem:$0xAB40] =	vst v0  }
0x56: {  	[tilespmem:$0xAB50] =	vst v0  }
0x57: {  	[tilespmem:$0xAB60] =	vst v0  }
0x58: {  	[tilespmem:$0xAB70] =	vst v0  }
0x59: {  	[tilespmem:$0xAB80] =	vst v0  }
0x5a: {  	[tilespmem:$0xAB90] =	vst v0  }
0x5b: {  	[tilespmem:$0xABA0] =	vst v0  }
0x5c: {  	[tilespmem:$0xABB0] =	vst v0  }
0x5d: {  	[tilespmem:$0xABC0] =	vst v0  }
0x5e: {  	[tilespmem:$0xABD0] =	vst v0  }
0x5f: {  	[tilespmem:$0xABE0] =	vst v0  }
0x60: {  	[tilespmem:$0xABF0] =	vst v0;
	s7 =	sadd.s32 $0x0, s13  }
0x61: {  	[spmem:s7] =	stream.linear.scatter [tilespmem:s19], [sflag:$0x4], $0x400, $0x38;
	[tilespmem:$0x1E480] =	vst v63  }
0x62: {  	s7 =	simm.s32 $0x1000;
	_ =	swait.ge [sflag:s20], $0x400  }
.LBB2_2:
0x63: {  	s8 =	sshra.s32 s7, $0x2;
	[sflag:s20] =	ssyncset.done $0x0;
	p0 =	sne.s32 s7, $0x4E000  }
.Ltmp2:
0x64: {  	s8 =	sadd.s32 s8, s13;
	[sflag:s20] =	ssyncadd.s32 $0xFFFFFC00;
	(pc) =	sbr.rel @p0 .LBB2_2-.Ltmp2, $3  }
0x65: {  	[spmem:s8] =	stream.linear.scatter [tilespmem:s19], [sflag:$0x4], $0x400, $0x38;
	[tilespmem:$0x1E480] =	vst v63  }
0x66: {  	s7 =	sadd.s32 $0x1000, s7;
	_ =	sdelay $0x1  }
0x67: {  	_ =	swait.ge [sflag:s20], $0x400  }
0x68: {  	[sflag:s20] =	ssyncset.done $0x0  }
0x69: {  	[sflag:s20] =	ssyncadd.s32 $0xFFFFFC00  }
0x6a: {  	s23 =	simm.s32 $0x0;
	[bflag:$0x0] =	sbarrier.arrive $0xFFFF  }
0x6b: {  	[tilespmem:s23], [sflag:$0x1] =	stream.linear.gather [hbm4b:s5+s23], $0x50, $0x38;
	[tilespmem:$0x1E480] =	vst v63  }
0x6c: {  	s7 =	simm.s32 $0x400  }
0x6d: {  	[tilespmem:s7], [sflag:$0x1] =	stream.linear.gather [hbm4b:s6+s23], $0x50, $0x38;
	[tilespmem:$0x1E480] =	vst v63  }
0x6e: {  	s30 =	rddreg [dreg:$0x3]  }
0x6f: {  	[tilespmem:s22], [sflag:$0x1] =	stream.linear.gather [hbm4b:s30+s23], $0x50, $0x38;
	[tilespmem:$0x1E480] =	vst v63  }
0x70: {  	s8 =	simm.s32 $0x480;
	s31 =	rddreg [dreg:$0x4]  }
0x71: {  	[tilespmem:s8], [sflag:$0x1] =	stream.linear.gather [hbm4b:s31+s23], $0x50, $0x38;
	[tilespmem:$0x1E480] =	vst v63  }
0x72: {  	s10 =	simm.s32 $0x100;
	s9 =	rddreg [dreg:$0x5]  }
0x73: {  	[tilespmem:s10], [sflag:$0x1] =	stream.linear.gather [hbm4b:s9+s23], $0x50, $0x38;
	[tilespmem:$0x1E480] =	vst v63  }
0x74: {  	s24 =	simm.s32 $0x500;
	s11 =	rddreg [dreg:$0x6]  }
0x75: {  	[tilespmem:s24], [sflag:$0x1] =	stream.linear.gather [hbm4b:s11+s23], $0x50, $0x38;
	[tilespmem:$0x1E480] =	vst v63  }
0x76: {  	s26 =	simm.s32 $0x180;
	s25 =	rddreg [dreg:$0x7]  }
0x77: {  	[tilespmem:s26], [sflag:$0x1] =	stream.linear.gather [hbm4b:s25+s23], $0x50, $0x38;
	[tilespmem:$0x1E480] =	vst v63  }
0x78: {  	s28 =	simm.s32 $0x580;
	s24 =	simm.s32 $0x1  }
0x79: {  	[tilespmem:s28], [sflag:$0x1] =	stream.linear.gather [hbm4b:s12+s23], $0x50, $0x38;
	[tilespmem:$0x1E480] =	vst v63  }
0x7a: {  	_ =	swait.ge [sflag:s24], $0x50  }
0x7b: {  	[sflag:s24] =	ssyncset.done $0x0  }
0x7c: {  	[sflag:s24] =	ssyncadd.s32 $0xFFFFFFB0  }
0x7d: {  	_ =	swait.ge [sflag:s24], $0x50  }
0x7e: {  	[sflag:s24] =	ssyncset.done $0x0  }
0x7f: {  	s30 =	simm.s32 $0x800;
	[sflag:s24] =	ssyncadd.s32 $0xFFFFFFB0  }
0x80: {  	[tilespmem:s30], [sflag:$0x2] =	stream.indirect.gather [hbm4b:s4+s29], $0x80, s23, s29, $0xb8;
	[tilespmem:$0x1E480] =	vst v63  }
0x81: {  	_ =	swait.ge [sflag:s24], $0x50  }
0x82: {  	[sflag:s24] =	ssyncset.done $0x0  }
.Ltmp3:
0x83: {  	[sflag:s24] =	ssyncadd.s32 $0xFFFFFFB0;
	(pc) =	sbr.rel .LBB2_4-.Ltmp3, $4  }
0x84: {  	_ =	swait.ge [sflag:s24], $0x50  }
0x85: {  	[sflag:s24] =	ssyncset.done $0x0  }
0x86: {  	s31 =	simm.s32 $0x3000;
	s25 =	simm.s32 $0x0;
	[sflag:s24] =	ssyncadd.s32 $0xFFFFFFB0  }
0x87: {  	[tilespmem:s31], [sflag:$0x2] =	stream.indirect.gather [hbm4b:s4+s29], $0x80, s22, s29, $0xb8;
	[tilespmem:$0x1E480] =	vst v63  }
.LBB2_6:
0x88: {  	_ =	swait.ge [sflag:s21], $0x50  }
0x89: {  	s9 =	sxor.u32 $0x2, s28;
	[sflag:s21] =	ssyncset.done $0x0  }
0x8a: {  	s9 =	smul.u32 $0xA000, s9;
	[sflag:s21] =	ssyncadd.s32 $0xFFFFFFB0  }
0x8b: {  	s10 =	sshrl.u32 s30, $0x2;
	p3 =	sgt.u32 s7, $0x7A;
	_ =	swait.ge [sflag:s21], $0x50  }
0x8c: {  	p1 =	por $0x0, $0x0;
	s9 =	sshrl.u32 s9, $0x2;
	[sflag:s21] =	ssyncset.done $0x0  }
0x8d: {  	p2 =	por $0x0, $0x0;
	s9 =	sadd.s32 $0x800, s9;
	[sflag:s21] =	ssyncadd.s32 $0xFFFFFFB0  }
0x8e: {  	[tilespmem:s9], [sflag:$0x2] =	stream.indirect.gather [hbm4b:s4+s29], $0x80, s10, s29, $0xb8;
	[tilespmem:$0x1E480] =	vst v63  }
0x8f: {  	s11 =	sadd.s32 @!p3 $0x400, s26;
	s9 =	sadd.s32 @!p3 s25, s16;
	s10 =	simm.s32 @!p3 $0x0  }
0x90: {  	[tilespmem:s26], [sflag:$0x1] =	stream.linear.gather @!p3 [hbm4b:s9+s10], $0x50, $0x38;
	[tilespmem:$0x1E480] =	vst v63  }
0x91: {  	p4 =	por @!p3 $0x0, $0x0;
	p5 =	por @!p3 $0x1, $0x1;
	s9 =	sadd.s32 @!p3 s25, s17  }
0x92: {  	p1 =	por @!p3 p5, p5;
	p2 =	por @!p3 p4, p4;
	s9 =	sadd.s32 @!p3 $0x28, s9  }
0x93: {  	[tilespmem:s11], [sflag:$0x1] =	stream.linear.gather @!p3 [hbm4b:s9+s10], $0x50, $0x38;
	[tilespmem:$0x1E480] =	vst v63  }
.LBB2_7:
0x94: {  	s8 =	sadd.s32 $0xFFFFFF55, s8  }
0x95: {  	s8 =	sshrl.u32 s8, $0x9  }
0x96: {  	s8 =	sand.u32 $0x7F, s8  }
0x97: {  	s8 =	smul.u32 $0x3, s8;
	_ =	sdelay $0x1  }
0x98: {  	s7 =	ssub.s32 s7, s8  }
0x99: {  	s11 =	smul.u32 $0xA000, s28;
	s7 =	sand.u32 $0xFF, s7  }
0x9a: {  	s7 =	sshll.u32 s7, $0xA  }
0x9b: {  	s8 =	sshrl.u32 s11, $0x2;
	s7 =	sshrl.u32 s7, $0x2  }
0x9c: {  	s9 =	sor.u32 $0x800, s8;
	s10 =	sadd.s32 $0x400, s7  }
0x9d: {  	[spmem:s2] =	stream.indirect.scatter.add.f32 [tilespmem:s9], [sflag:$0x3], $0x80, s10, s29, $0xb8;
	[tilespmem:$0x1E480] =	vst v63  }
0x9e: {  	_ =	swait.ge [sflag:s1], $0x2800  }
0x9f: {  	[sflag:s1] =	ssyncset.done $0x0  }
0xa0: {  	[sflag:s1] =	ssyncadd.s32 $0xFFFFD800  }
0xa1: {  	_ =	swait.ge @!p0 [sflag:s31], $0x2800  }
0xa2: {  	[sflag:s31] =	ssyncset.done @!p0 $0x0  }
0xa3: {  	s9 =	simm.s32 @!p2 $0x1;
	[sflag:s31] =	ssyncadd.s32 @!p0 $0xFFFFD800  }
0xa4: {  	_ =	swait.ge @!p2 [sflag:s9], $0x50  }
0xa5: {  	s10 =	sxor.u32 @!p2 $0x3, s28;
	[sflag:s9] =	ssyncset.done @!p2 $0x0  }
0xa6: {  	s10 =	smul.u32 @!p2 $0xA000, s10;
	[sflag:s9] =	ssyncadd.s32 @!p2 $0xFFFFFFB0  }
0xa7: {  	s11 =	sshrl.u32 @!p2 s30, $0x2;
	_ =	swait.ge @!p2 [sflag:s9], $0x50  }
0xa8: {  	s11 =	sadd.s32 @!p2 $0x80, s11;
	s10 =	sshrl.u32 @!p2 s10, $0x2;
	[sflag:s9] =	ssyncset.done @!p2 $0x0  }
0xa9: {  	[sflag:s9] =	ssyncadd.s32 @!p2 $0xFFFFFFB0;
	s9 =	sadd.s32 @!p2 $0x800, s10;
	s10 =	simm.s32 @!p2 $0x50  }
0xaa: {  	[tilespmem:s9], [sflag:$0x2] =	stream.indirect.gather @!p2 [hbm4b:s4+s10], $0x80, s11, s10, $0xb8;
	[tilespmem:$0x1E480] =	vst v63  }
0xab: {  	s9 =	sor.u32 @p1 $0x80, s26;
	s10 =	sadd.s32 @p1 s25, s18;
	s11 =	simm.s32 @p1 $0x0  }
0xac: {  	[tilespmem:s9], [sflag:$0x1] =	stream.linear.gather @p1 [hbm4b:s10+s11], $0x50, $0x38;
	[tilespmem:$0x1E480] =	vst v63  }
0xad: {  	s9 =	sadd.s32 @p1 s25, s17;
	s25 =	sadd.s32 $0x14, s25  }
0xae: {  	p0 =	sne.s32 s25, $0x9C4  }
.Ltmp4:
0xaf: {  	_ = 	snop;
	(pc) =	sbr.rel @!p0 .LBB2_8-.Ltmp4, $4  }
0xb0: {  	s10 =	sadd.s32 @p1 $0x480, s26;
	s9 =	sadd.s32 @p1 $0x32, s9  }
0xb1: {  	[tilespmem:s10], [sflag:$0x1] =	stream.linear.gather @p1 [hbm4b:s9+s11], $0x50, $0x38;
	[tilespmem:$0x1E480] =	vst v63  }
0xb2: {  	s23 =	sadd.s32 $0x2, s23;
	s8 =	sadd.s32 $0x3000, s8;
	s7 =	sadd.s32 $0x480, s7  }
0xb3: {  	[spmem:s2] =	stream.indirect.scatter.add.f32 [tilespmem:s8], [sflag:$0x3], $0x80, s7, s29, $0xb8;
	[tilespmem:$0x1E480] =	vst v63  }
.LBB2_4:
0xb4: {  	s8 =	smul.u32 $0xAB, s24;
	_ =	sdelay $0x1  }
0xb5: {  	s7 =	sshrl.u32 s8, $0x9  }
0xb6: {  	s7 =	sand.u32 $0x7F, s7  }
0xb7: {  	s26 =	smul.u32 $0x3, s7;
	_ =	sdelay $0x1  }
0xb8: {  	s7 =	sadd.s32 $0xFFFFFFFF, s24;
	s26 =	ssub.s32 s24, s26;
	s24 =	sadd.s32 $0x1, s24  }
0xb9: {  	s28 =	sand.u32 $0xFF, s24  }
0xba: {  	s30 =	smul.u32 $0xAB, s28  }
0xbb: {  	p0 =	seq.s32 s25, $0x0  }
0xbc: {  	_ =	swait.ge [sflag:s1], $0x2800;
	p1 =	seq.s32 @!p0 s25, $0x9B0;
	s30 =	sshrl.u32 s30, $0x9  }
0xbd: {  	[sflag:s1] =	ssyncset.done $0x0;
	p1 =	por p0, !p1;
	s30 =	smul.u32 $0x3, s30  }
.Ltmp5:
0xbe: {  	s31 =	simm.s32 @!p0 $0x3;
	[sflag:s1] =	ssyncadd.s32 $0xFFFFD800;
	(pc) =	sbr.rel @p1 .LBB2_6-.Ltmp5, $4  }
0xbf: {  	_ =	swait.ge @!p0 [sflag:s31], $0x2800  }
0xc0: {  	[sflag:s31] =	ssyncset.done @!p0 $0x0;
	s30 =	ssub.s32 s24, s30  }
0xc1: {  	[sflag:s31] =	ssyncadd.s32 @!p0 $0xFFFFD800;
	s26 =	sand.u32 $0xFF, s26;
	s9 =	sand.u32 $0xFF, s30  }
0xc2: {  	s28 =	sand.u32 $0x2, s23;
	s30 =	sshll.u32 s26, $0xA;
	s26 =	sshll.u32 s9, $0x8  }
.Ltmp6:
0xc3: {  	(pc) =	sbr.rel .LBB2_7-.Ltmp6, $2  }
0xc4: {  	_ =	sdelay $0x2  }
0xc5: {  	p2 =	por @!p0 $0x1, $0x1;
	p1 =	por @!p0 $0x0, $0x0  }
.LBB2_9:
0xc6: {  	_ =	sfence.sel $0x180000  }
0xc7: {  	[bflag:$0x0] =	sbarrier.arrive $0xFFFF  }
0xc8: {  	_ =	strace $0x9000004A  }
0xc9: {  	s0 =	stileid.u32;
	[bflag:$0x2] =	sbarrier.arrive $0xFFFF  }
0xca: {  	p0 =	sne.s32 s0, $0x0;
	s0 =	rddreg [dreg:$0x2]  }
0xcb: {  	s0 =	sadd.s32 @!p0 $0x100000, s0  }
0xcc: {  	[sflag:s0] =	ssyncadd.tile.s32 @!p0 $0x1;
	_ =	shalt  }
.Lfunc_end2:
_tile_overlayer_lowered:
.L_overlay_start_2:
0xcd: {  	(tag) =	ssettag $0x2  }
0xce: {  	s0 =	rddreg [dreg:$0x0];
	s2 =	stileid.u32  }
0xcf: {  	s1 =	rddreg [dreg:$0x1];
	p0 =	sne.s32 s2, $0x0  }
0xd0: {  	s3 =	rddreg [dreg:$0x2];
	[bflag:$0x3] =	sbarrier.arrive $0xFFFF;
	s2 =	simm.s32 @!p0 $0x1C04  }
0xd1: {  	[timem:s3], [sflag:s2] =	dma.local @!p0 [hbm:s0], s1  }
0xd2: {  	s0 =	simm.s32 @!p0 $0x4  }
0xd3: {  	_ =	swait.ge @!p0 [sflag:s0], s1  }
0xd4: {  	s1 =	ssub.s32 @!p0 $0x0, s1;
	[sflag:s0] =	ssyncset.done @!p0 $0x0  }
0xd5: {  	[sflag:s0] =	ssyncadd.s32 @!p0 s1  }
0xd6: {  	[bflag:$0x3] =	sbarrier.arrive $0xFFFF  }
0xd7: {  	_ =	shalt  }

// kernel: kernel.17.cloned.1.call-start
scs
__scs_entry_jumppad:
0x0: {  	(pc) =	sbr.rel $0x88, $3  }
0x1: {  	(tag) =	ssettag $0x0;
	lr =	simm.s32 $0x1  }
0x2: {  	[smem:$0x3F85] =	sst lr;
	_ =	strace $0xD0000000  }
0x3: {  	_ = 	snop  }
0x4: {  	_ = 	snop  }
0x5: {  	_ = 	snop  }
0x6: {  	_ = 	snop  }
0x7: {  	_ = 	snop  }
__scs_overlays_trampoline_lowered:
0x8: {  	[smem:$0x3F94] =	sst s0  }
0x9: {  	[smem:$0x3F95] =	sst s1  }
0xa: {  	[smem:$0x3F96] =	sst s2  }
0xb: {  	[smem:$0x3F97] =	sst s3  }
0xc: {  	[smem:$0x3F98] =	sst s4  }
0xd: {  	[smem:$0x3F99] =	sst s5  }
0xe: {  	[smem:$0x3F9A] =	sst s6  }
0xf: {  	[smem:$0x3F9B] =	sst s7  }
0x10: {  	[smem:$0x3F9C] =	sst s8  }
0x11: {  	[smem:$0x3F9D] =	sst s9;
	s0 =	simm.s32 @!p0 $0x0  }
0x12: {  	s1 =	sld [smem:$0x3F83];
	s0 =	simm.s32 @p0 $0x1  }
0x13: {  	[smem:$0x3F9E] =	sst s0;
	s0 =	simm.s32 @!p1 $0x0  }
0x14: {  	s2 =	sld [smem:$0x3F82];
	s0 =	simm.s32 @p1 $0x1  }
0x15: {  	[smem:$0x3F9F] =	sst s0;
	s0 =	simm.s32 @!p2 $0x0  }
0x16: {  	s3 =	sld [smem:$0x3FDB];
	s0 =	simm.s32 @p2 $0x1  }
0x17: {  	s4 =	simm.s32 $0x1BF5;
	[smem:$0x3FA1] =	sst s0  }
0x18: {  	s0 =	sld [smem:$0x3F84];
	_ =	swait.ge [sflag:s4], $0x0  }
0x19: {  	s7 =	sld [smem:$0x3F85]  }
0x1a: {  	s8 =	sadd.s32 $0xFFFFE003, lr  }
0x1b: {  	s9 =	sadd.s32 $0xFFFFFEF7, lr;
	s5 =	simm.s32 $0xFFFFFFFF;
	p2 =	slt.u32 s8, $0xFFFFF086  }
0x1c: {  	p1 =	slt.u32 s9, $0xF7A;
	s5 =	simm.s32 @!p2 $0x0  }
0x1d: {  	s5 =	simm.s32 @p1 $0x1;
	p0 =	seq.s32 s7, s2  }
0x1e: {  	s7 =	smul.u32 @!p0 $0xF7A, s2;
	p2 =	seq.s32 @!p0 s5, $0x0  }
0x1f: {  	s9 =	smul.u32 $0xF7A, s1;
	s8 =	simm.s32 @!p0 $0x1BF5;
	p2 =	por !p2, p0  }
0x20: {  	[sflag:s8] =	ssyncset.s32 @!p0 $0xFFFFF086;
	s6 =	sadd.s32 @!p0 s3, s7;
	s7 =	simm.s32 @!p0 $0x108  }
0x21: {  	s3 =	sadd.s32 s3, s9;
	s6 =	sadd.s32 @!p0 $0x88, s6;
	s7 =	simm.s32 @p2 $0x1082  }
0x22: {  	[simem:s7], [sflag:s8] =	dma.local @!p0 [hbm:s6], $0xF7A  }
0x23: {  	s9 =	sor.u32 $0xD0000000, s2;
	s6 =	simm.s32 $0x108;
	_ =	swait.ge @!p0 [sflag:s8], $0x0  }
0x24: {  	s3 =	sadd.s32 $0x88, s3;
	s6 =	simm.s32 @!p1 $0x1082;
	[sflag:s4] =	ssyncset.s32 $0xFFFFF086  }
0x25: {  	[simem:s6], [sflag:s4] =	dma.local [hbm:s3], $0xF7A  }
0x26: {  	[smem:$0x3F85] =	sst s1;
	(tag) =	ssettag s2;
	_ =	strace s9  }
0x27: {  	s1 =	sld [smem:$0x3F95]  }
0x28: {  	s2 =	sld [smem:$0x3F96]  }
0x29: {  	s4 =	sld [smem:$0x3F98]  }
0x2a: {  	p0 =	seq.s32 s5, $0x0;
	s5 =	sld [smem:$0x3F99]  }
0x2b: {  	s6 =	sld [smem:$0x3F9A]  }
0x2c: {  	s7 =	sld [smem:$0x3F9B]  }
0x2d: {  	s3 =	simm.s32 $0x108;
	s8 =	sld [smem:$0x3F9C]  }
0x2e: {  	s3 =	simm.s32 @!p0 $0x1082;
	s9 =	sld [smem:$0x3F9D]  }
0x2f: {  	lr =	sadd.s32 s0, s3;
	s0 =	sld [smem:$0x3F94]  }
0x30: {  	s3 =	sld [smem:$0x3F97]  }
0x31: {  	[smem:$0x3FA0] =	sst s10  }
0x32: {  	s10 =	sld [smem:$0x3F9E];
	_ =	sdelay $0x3  }
0x33: {  	p0 =	seq.s32 s10, $0x1;
	s10 =	sld [smem:$0x3FA0];
	_ =	sdelay $0x3  }
0x34: {  	[smem:$0x3FA0] =	sst s10  }
0x35: {  	s10 =	sld [smem:$0x3F9F];
	_ =	sdelay $0x3  }
0x36: {  	p1 =	seq.s32 s10, $0x1;
	s10 =	sld [smem:$0x3FA0];
	_ =	sdelay $0x3  }
0x37: {  	[smem:$0x3FA0] =	sst s10  }
0x38: {  	s10 =	sld [smem:$0x3FA1]  }
0x39: {  	_ = 	snop;
	(pc) =	sbr.ind lr, $3  }
0x3a: {  	_ = 	snop  }
0x3b: {  	_ = 	snop  }
0x3c: {  	p2 =	seq.s32 s10, $0x1;
	s10 =	sld [smem:$0x3FA0]  }
0x3d: {  	_ =	shalt  }
0x3e: {  	_ =	shalt  }
0x3f: {  	_ =	shalt  }
0x40: {  	_ =	shalt  }
0x41: {  	_ =	shalt  }
0x42: {  	_ =	shalt  }
0x43: {  	_ =	shalt  }
0x44: {  	_ =	shalt  }
0x45: {  	_ =	shalt  }
0x46: {  	_ =	shalt  }
0x47: {  	_ =	shalt  }
0x48: {  	_ =	shalt  }
0x49: {  	_ =	shalt  }
0x4a: {  	_ =	shalt  }
0x4b: {  	_ =	shalt  }
0x4c: {  	_ =	shalt  }
0x4d: {  	_ =	shalt  }
0x4e: {  	_ =	shalt  }
0x4f: {  	_ =	shalt  }
0x50: {  	_ =	shalt  }
0x51: {  	_ =	shalt  }
0x52: {  	_ =	shalt  }
0x53: {  	_ =	shalt  }
0x54: {  	_ =	shalt  }
0x55: {  	_ =	shalt  }
0x56: {  	_ =	shalt  }
0x57: {  	_ =	shalt  }
0x58: {  	_ =	shalt  }
0x59: {  	_ =	shalt  }
0x5a: {  	_ =	shalt  }
0x5b: {  	_ =	shalt  }
0x5c: {  	_ =	shalt  }
0x5d: {  	_ =	shalt  }
0x5e: {  	_ =	shalt  }
0x5f: {  	_ =	shalt  }
0x60: {  	_ =	shalt  }
0x61: {  	_ =	shalt  }
0x62: {  	_ =	shalt  }
0x63: {  	_ =	shalt  }
0x64: {  	_ =	shalt  }
0x65: {  	_ =	shalt  }
0x66: {  	_ =	shalt  }
0x67: {  	_ =	shalt  }
0x68: {  	_ =	shalt  }
0x69: {  	_ =	shalt  }
0x6a: {  	_ =	shalt  }
0x6b: {  	_ =	shalt  }
0x6c: {  	_ =	shalt  }
0x6d: {  	_ =	shalt  }
0x6e: {  	_ =	shalt  }
0x6f: {  	_ =	shalt  }
0x70: {  	_ =	shalt  }
0x71: {  	_ =	shalt  }
0x72: {  	_ =	shalt  }
0x73: {  	_ =	shalt  }
0x74: {  	_ =	shalt  }
0x75: {  	_ =	shalt  }
0x76: {  	_ =	shalt  }
0x77: {  	_ =	shalt  }
0x78: {  	_ =	shalt  }
0x79: {  	_ =	shalt  }
0x7a: {  	_ =	shalt  }
0x7b: {  	_ =	shalt  }
0x7c: {  	_ =	shalt  }
0x7d: {  	_ =	shalt  }
0x7e: {  	_ =	shalt  }
0x7f: {  	_ =	shalt  }
0x80: {  	_ =	shalt  }
0x81: {  	_ =	shalt  }
0x82: {  	_ =	shalt  }
0x83: {  	_ =	shalt  }
0x84: {  	_ =	shalt  }
0x85: {  	_ =	shalt  }
0x86: {  	_ =	shalt  }
0x87: {  	_ =	shalt  }
.Lfunc_end0:
.L_simem_size_0:
called_computation.2_lowered:
.L_overlay_start_0:
0x88: {  	s2 =	sld [smem:$0x3FD9]  }
0x89: {  	s3 =	sld [smem:$0x3FFE];
	_ =	sdelay $0x1  }
0x8a: {  	s1 =	srdreg.scid  }
0x8b: {  	s0 =	sand.u32 $0x1, s1  }
0x8c: {  	s16 =	sshll.u32 s0, $0xA;
	s2 =	sadd.s32 s3, s2  }
0x8d: {  	s2 =	sadd.s32 s2, s16  }
0x8e: {  	[smem:$0x3FAC] =	sst s2  }
0x8f: {  	_ = 	snop  }
0x90: {  	(tm) =	ssettm $0x1  }
0x91: {  	s17 =	sld [smem:$0x3FFB];
	_ =	sdelay $0x3  }
0x92: {  	_ =	strace s17  }
0x93: {  	s2 =	sld [smem:$0x3FFC];
	_ =	sdelay $0x3  }
0x94: {  	_ =	strace s2  }
0x95: {  	s2 =	sld [smem:$0x3FFD];
	_ =	sdelay $0x3  }
0x96: {  	_ =	strace s2  }
0x97: {  	_ =	strace $0x8FFFFFFF  }
0x98: {  	s18 =	sld [smem:$0x3FDB];
	_ =	sdelay $0x1  }
0x99: {  	s19 =	simm.s32 $_scs_section_size  }
0x9a: {  	s4 =	simm.s32 $_size__tile_overlayer_lowered;
	s5 =	simm.s32 $_tile_overlayer_lowered  }
0x9b: {  	s22 =	simm.s32 $0x1BFF;
	s21 =	sshll.u32 s5, $0x1;
	s2 =	sadd.s32 s19, s18  }
0x9c: {  	s6 =	simm.s32 $0x0;
	s20 =	sshll.u32 s4, $0x1;
	s4 =	sadd.s32 s21, s2  }
0x9d: {  	[timem:s6], [sflag:s22] =	dma.local [hbm:s4], s20  }
0x9e: {  	_ =	swait.ge [sflag:s22], s20  }
0x9f: {  	s3 =	ssub.s32 $0x0, s20;
	[sflag:s22] =	ssyncset.done $0x0  }
0xa0: {  	[sflag:s22] =	ssyncadd.s32 s3;
	_ =	sdelay $0x1  }
0xa1: {  	s23 =	simm.s32 $0x1B8B  }
0xa2: {  	_ =	swait.ge [sflag:s23], $0x1  }
0xa3: {  	[sflag:s23] =	ssyncset.done $0x0  }
0xa4: {  	s25 =	simm.s32 $0x1B8E;
	s24 =	sld [smem:$0x3FFE];
	[sflag:s23] =	ssyncadd.s32 $0xFFFFFFFF  }
0xa5: {  	s26 =	simm.s32 $execute0_lowered;
	[smem:$0x3FD2] =	sst s25  }
0xa6: {  	s4 =	sshll.u32 s26, $0x1;
	_ =	strace $0x8000004C;
	[dreg:$0x1] =	wrdreg $0xFFFFFFFF  }
0xa7: {  	s28 =	simm.s32 $_size_execute0_lowered;
	s2 =	sadd.s32 s2, s4;
	[dreg:$0x0] =	wrdreg $0x0  }
0xa8: {  	s4 =	sshll.u32 s28, $0x1;
	[dreg:$0x2] =	wrdreg s2  }
0xa9: {  	[dreg:$0x3] =	wrdreg s4  }
0xaa: {  	[dreg:$0x4] =	wrdreg $0xC0  }
0xab: {  	_ =	task [dreg:s6], $0x5FFFF  }
0xac: {  	[dreg:$0x1] =	wrdreg $0xFFFFFFFF  }
0xad: {  	[dreg:$0x0] =	wrdreg $0x60  }
0xae: {  	[dreg:$0x2] =	wrdreg s24  }
0xaf: {  	[dreg:$0x3] =	wrdreg $0xAC000  }
0xb0: {  	[dreg:$0x4] =	wrdreg $0x9  }
0xb1: {  	_ =	task.clear_ibuf [dreg:s6], $0x5FFFF;
	_ =	strace $0x9000004C  }
0xb2: {  	s29 =	simm.s32 $0x9;
	_ =	strace $0x8000004E  }
0xb3: {  	_ =	swait.ge [sflag:s29], $0x1  }
0xb4: {  	[sflag:s29] =	ssyncadd.s32 $0xFFFFFFFF  }
0xb5: {  	_ =	strace $0x9000004E  }
0xb6: {  	_ =	sfence  }
0xb7: {  	s30 =	sld [smem:$0x0];
	_ =	sdelay $0x2  }
0xb8: {  	s31 =	sshll.u32 s1, $0xD;
	s1 =	sshrl.u32 s1, $0x2  }
0xb9: {  	s3 =	sand.u32 $0x4000, s31;
	s1 =	sadd.s32 s1, s30  }
0xba: {  	s0 =	sor.u32 s3, s0;
	s1 =	sshll.u32 s1, $0x11  }
0xbb: {  	s0 =	sor.u32 s1, s0  }
0xbc: {  	s0 =	sadd.s32 $0x8F2B, s0  }
0xbd: {  	[sflag:s0] =	ssyncadd.remote.s32 $0x1  }
0xbe: {  	_ =	sfence.sel $0xFFFF  }
0xbf: {  	[dreg:$0x0] =	wrdreg $0xFFFFFFFF;
	(pc) =	sbr.abs _section_cstart, $3  }
0xc0: {  	[dreg:$0x1] =	wrdreg $0xFFFFFFFF  }
0xc1: {  	_ =	task.clear_ibuf [dreg:s6], $0x2FFFF;
	_ =	strace $0x9FFFFFFF  }
0xc2: {  	(tm) =	ssettm $0x7FFFFFFF  }
0xc3: {  	_ =	shalt  }
tec
execute0_lowered:
.L_overlay_start_1:
0x0: {  	(tag) =	ssettag $0x1  }
0x1: {  	s0 =	rddreg [dreg:$0x0]  }
0x2: {  	s1 =	srdreg.scid;
	s10 =	stileid.u32  }
0x3: {  	s2 =	rddreg [dreg:$0x1];
	s7 =	smul.u32 $0x271, s10  }
0x4: {  	s3 =	simm.s32 $0x0;
	s29 =	simm.s32 $0x50;
	s9 =	smul.u32 $0x4E20, s10  }
0x5: {  	s1 =	sand.u32 $0x1, s1;
	[smem:$0x7FF] =	sst s3;
	s30 =	smul.u32 $0x9C4, s10  }
0x6: {  	s4 =	sadd.s32 $0x19E00, s0;
	s18 =	sadd.s32 $0x68000, s0;
	s5 =	smul.u32 $0x2710, s1  }
0x7: {  	s19 =	sadd.s32 $0x10000, s0;
	s6 =	smul.u32 $0x4E200, s1;
	s1 =	ssub.s32 $0x2, s1  }
0x8: {  	_ =	strace $0x8000004D;
	s8 =	sand.u32 $0x3FF8, s7;
	s21 =	sshrl.u32 s1, $0x1  }
0x9: {  	s7 =	sshll.u32 s7, $0x7;
	s17 =	sadd.s32 s30, s19;
	s5 =	sadd.s32 s5, s8  }
0xa: {  	s15 =	sadd.s32 s9, s6;
	s9 =	sshrl.u32 s9, $0x3;
	s1 =	ssub.s32 s1, s21  }
0xb: {  	s7 =	sand.u32 $0x1FFC00, s7;
	s21 =	simm.s32 $0x1;
	s5 =	sshll.u32 s5, $0x4  }
0xc: {  	s20 =	sshrl.u32 s15, $0x3;
	s6 =	sadd.s32 s19, s9;
	s13 =	sadd.s32 s7, s2  }
0xd: {  	s28 =	sadd.s32 $0x140, s15;
	s16 =	sadd.s32 $0x190, s15;
	s15 =	smax.u32 s1, $0x1  }
0xe: {  	s19 =	simm.s32 $0xA800;
	s1 =	simm.s32 $0x2;
	s0 =	sadd.s32 s5, s0  }
0xf: {  	s5 =	sadd.s32 s18, s20;
	s23 =	sadd.s32 $0xA, s6;
	s25 =	sadd.s32 $0x14, s6  }
0x10: {  	s12 =	sadd.s32 $0x1E, s6;
	s31 =	sshrl.u32 s16, $0x3;
	[dreg:$0x4] =	wrdreg s23  }
.Ltmp0:
0x11: {  	s22 =	sadd.s32 $0xA, s5;
	[dreg:$0x6] =	wrdreg s25;
	(pc) =	sbr.rel .LBB2_1-.Ltmp0, $4  }
0x12: {  	s24 =	sadd.s32 $0x14, s5;
	s26 =	sadd.s32 $0x1E, s5;
	[dreg:$0x3] =	wrdreg s22  }
0x13: {  	s14 =	sadd.s32 $0x7BA00, s0;
	s0 =	sshrl.u32 s28, $0x3;
	[dreg:$0x5] =	wrdreg s24  }
0x14: {  	s20 =	simm.s32 $0x4;
	[dreg:$0x7] =	wrdreg s26;
	s16 =	sadd.s32 s0, s18  }
0x15: {  	v0 =	vimm.f32 $0.0e+00;
	s18 =	sadd.s32 s31, s18;
	s22 =	simm.s32 $0x80;
	s0 =	simm.s32 $0x3  }
.LBB2_8:
0x16: {  	_ =	swait.ge [sflag:s0], $0x2800  }
0x17: {  	[sflag:s0] =	ssyncset.done $0x0  }
0x18: {  	[sflag:s0] =	ssyncadd.s32 $0xFFFFD800  }
0x19: {  	s7 =	stileid.u32;
	_ =	swait.ge [sflag:s0], $0x2800  }
0x1a: {  	s8 =	sshrl.u32 s13, $0x3;
	s3 =	sadd.s32 $0x1, s3;
	[sflag:s0] =	ssyncset.done $0x0  }
0x1b: {  	s7 =	sshll.u32 s7, $0x6;
	p0 =	sne.s32 s3, s15;
	[sflag:s0] =	ssyncadd.s32 $0xFFFFD800  }
.Ltmp1:
0x1c: {  	s7 =	sor.u32 $0x1C04, s7;
	[bflag:$0x0] =	sbarrier.arrive $0xFFFF;
	(pc) =	sbr.rel @!p0 .LBB2_9-.Ltmp1, $4  }
0x1d: {  	[hbm:s14], [sflag:s7] =	dma.local [spmem:s8], $0x2780  }
0x1e: {  	_ =	swait.ge [sflag:s20], $0x2780  }
0x1f: {  	[sflag:s20] =	ssyncset.done $0x0  }
0x20: {  	[sflag:s20] =	ssyncadd.s32 $0xFFFFD880  }
.LBB2_1:
0x21: {  	[tilespmem:$0xA800] =	vst v0  }
0x22: {  	[tilespmem:$0xA810] =	vst v0  }
0x23: {  	[tilespmem:$0xA820] =	vst v0  }
0x24: {  	[tilespmem:$0xA830] =	vst v0  }
0x25: {  	[tilespmem:$0xA840] =	vst v0  }
0x26: {  	[tilespmem:$0xA850] =	vst v0  }
0x27: {  	[tilespmem:$0xA860] =	vst v0  }
0x28: {  	[tilespmem:$0xA870] =	vst v0  }
0x29: {  	[tilespmem:$0xA880] =	vst v0  }
0x2a: {  	[tilespmem:$0xA890] =	vst v0  }
0x2b: {  	[tilespmem:$0xA8A0] =	vst v0  }
0x2c: {  	[tilespmem:$0xA8B0] =	vst v0  }
0x2d: {  	[tilespmem:$0xA8C0] =	vst v0  }
0x2e: {  	[tilespmem:$0xA8D0] =	vst v0  }
0x2f: {  	[tilespmem:$0xA8E0] =	vst v0  }
0x30: {  	[tilespmem:$0xA8F0] =	vst v0  }
0x31: {  	[tilespmem:$0xA900] =	vst v0  }
0x32: {  	[tilespmem:$0xA910] =	vst v0  }
0x33: {  	[tilespmem:$0xA920] =	vst v0  }
0x34: {  	[tilespmem:$0xA930] =	vst v0  }
0x35: {  	[tilespmem:$0xA940] =	vst v0  }
0x36: {  	[tilespmem:$0xA950] =	vst v0  }
0x37: {  	[tilespmem:$0xA960] =	vst v0  }
0x38: {  	[tilespmem:$0xA970] =	vst v0  }
0x39: {  	[tilespmem:$0xA980] =	vst v0  }
0x3a: {  	[tilespmem:$0xA990] =	vst v0  }
0x3b: {  	[tilespmem:$0xA9A0] =	vst v0  }
0x3c: {  	[tilespmem:$0xA9B0] =	vst v0  }
0x3d: {  	[tilespmem:$0xA9C0] =	vst v0  }
0x3e: {  	[tilespmem:$0xA9D0] =	vst v0  }
0x3f: {  	[tilespmem:$0xA9E0] =	vst v0  }
0x40: {  	[tilespmem:$0xA9F0] =	vst v0  }
0x41: {  	[tilespmem:$0xAA00] =	vst v0  }
0x42: {  	[tilespmem:$0xAA10] =	vst v0  }
0x43: {  	[tilespmem:$0xAA20] =	vst v0  }
0x44: {  	[tilespmem:$0xAA30] =	vst v0  }
0x45: {  	[tilespmem:$0xAA40] =	vst v0  }
0x46: {  	[tilespmem:$0xAA50] =	vst v0  }
0x47: {  	[tilespmem:$0xAA60] =	vst v0  }
0x48: {  	[tilespmem:$0xAA70] =	vst v0  }
0x49: {  	[tilespmem:$0xAA80] =	vst v0  }
0x4a: {  	[tilespmem:$0xAA90] =	vst v0  }
0x4b: {  	[tilespmem:$0xAAA0] =	vst v0  }
0x4c: {  	[tilespmem:$0xAAB0] =	vst v0  }
0x4d: {  	[tilespmem:$0xAAC0] =	vst v0  }
0x4e: {  	[tilespmem:$0xAAD0] =	vst v0  }
0x4f: {  	[tilespmem:$0xAAE0] =	vst v0  }
0x50: {  	[tilespmem:$0xAAF0] =	vst v0  }
0x51: {  	[tilespmem:$0xAB00] =	vst v0  }
0x52: {  	[tilespmem:$0xAB10] =	vst v0  }
0x53: {  	[tilespmem:$0xAB20] =	vst v0  }
0x54: {  	[tilespmem:$0xAB30] =	vst v0  }
0x55: {  	[tilespmem:$0xAB40] =	vst v0  }
0x56: {  	[tilespmem:$0xAB50] =	vst v0  }
0x57: {  	[tilespmem:$0xAB60] =	vst v0  }
0x58: {  	[tilespmem:$0xAB70] =	vst v0  }
0x59: {  	[tilespmem:$0xAB80] =	vst v0  }
0x5a: {  	[tilespmem:$0xAB90] =	vst v0  }
0x5b: {  	[tilespmem:$0xABA0] =	vst v0  }
0x5c: {  	[tilespmem:$0xABB0] =	vst v0  }
0x5d: {  	[tilespmem:$0xABC0] =	vst v0  }
0x5e: {  	[tilespmem:$0xABD0] =	vst v0  }
0x5f: {  	[tilespmem:$0xABE0] =	vst v0  }
0x60: {  	[tilespmem:$0xABF0] =	vst v0;
	s7 =	sadd.s32 $0x0, s13  }
0x61: {  	[spmem:s7] =	stream.linear.scatter [tilespmem:s19], [sflag:$0x4], $0x400, $0x38;
	[tilespmem:$0x1E480] =	vst v63  }
0x62: {  	s7 =	simm.s32 $0x1000;
	_ =	swait.ge [sflag:s20], $0x400  }
.LBB2_2:
0x63: {  	s8 =	sshra.s32 s7, $0x2;
	[sflag:s20] =	ssyncset.done $0x0;
	p0 =	sne.s32 s7, $0x4E000  }
.Ltmp2:
0x64: {  	s8 =	sadd.s32 s8, s13;
	[sflag:s20] =	ssyncadd.s32 $0xFFFFFC00;
	(pc) =	sbr.rel @p0 .LBB2_2-.Ltmp2, $3  }
0x65: {  	[spmem:s8] =	stream.linear.scatter [tilespmem:s19], [sflag:$0x4], $0x400, $0x38;
	[tilespmem:$0x1E480] =	vst v63  }
0x66: {  	s7 =	sadd.s32 $0x1000, s7;
	_ =	sdelay $0x1  }
0x67: {  	_ =	swait.ge [sflag:s20], $0x400  }
0x68: {  	[sflag:s20] =	ssyncset.done $0x0  }
0x69: {  	[sflag:s20] =	ssyncadd.s32 $0xFFFFFC00  }
0x6a: {  	s23 =	simm.s32 $0x0;
	[bflag:$0x0] =	sbarrier.arrive $0xFFFF  }
0x6b: {  	[tilespmem:s23], [sflag:$0x1] =	stream.linear.gather [hbm4b:s5+s23], $0x50, $0x38;
	[tilespmem:$0x1E480] =	vst v63  }
0x6c: {  	s7 =	simm.s32 $0x400  }
0x6d: {  	[tilespmem:s7], [sflag:$0x1] =	stream.linear.gather [hbm4b:s6+s23], $0x50, $0x38;
	[tilespmem:$0x1E480] =	vst v63  }
0x6e: {  	s30 =	rddreg [dreg:$0x3]  }
0x6f: {  	[tilespmem:s22], [sflag:$0x1] =	stream.linear.gather [hbm4b:s30+s23], $0x50, $0x38;
	[tilespmem:$0x1E480] =	vst v63  }
0x70: {  	s8 =	simm.s32 $0x480;
	s31 =	rddreg [dreg:$0x4]  }
0x71: {  	[tilespmem:s8], [sflag:$0x1] =	stream.linear.gather [hbm4b:s31+s23], $0x50, $0x38;
	[tilespmem:$0x1E480] =	vst v63  }
0x72: {  	s10 =	simm.s32 $0x100;
	s9 =	rddreg [dreg:$0x5]  }
0x73: {  	[tilespmem:s10], [sflag:$0x1] =	stream.linear.gather [hbm4b:s9+s23], $0x50, $0x38;
	[tilespmem:$0x1E480] =	vst v63  }
0x74: {  	s24 =	simm.s32 $0x500;
	s11 =	rddreg [dreg:$0x6]  }
0x75: {  	[tilespmem:s24], [sflag:$0x1] =	stream.linear.gather [hbm4b:s11+s23], $0x50, $0x38;
	[tilespmem:$0x1E480] =	vst v63  }
0x76: {  	s26 =	simm.s32 $0x180;
	s25 =	rddreg [dreg:$0x7]  }
0x77: {  	[tilespmem:s26], [sflag:$0x1] =	stream.linear.gather [hbm4b:s25+s23], $0x50, $0x38;
	[tilespmem:$0x1E480] =	vst v63  }
0x78: {  	s28 =	simm.s32 $0x580;
	s24 =	simm.s32 $0x1  }
0x79: {  	[tilespmem:s28], [sflag:$0x1] =	stream.linear.gather [hbm4b:s12+s23], $0x50, $0x38;
	[tilespmem:$0x1E480] =	vst v63  }
0x7a: {  	_ =	swait.ge [sflag:s24], $0x50  }
0x7b: {  	[sflag:s24] =	ssyncset.done $0x0  }
0x7c: {  	[sflag:s24] =	ssyncadd.s32 $0xFFFFFFB0  }
0x7d: {  	_ =	swait.ge [sflag:s24], $0x50  }
0x7e: {  	[sflag:s24] =	ssyncset.done $0x0  }
0x7f: {  	s30 =	simm.s32 $0x800;
	[sflag:s24] =	ssyncadd.s32 $0xFFFFFFB0  }
0x80: {  	[tilespmem:s30], [sflag:$0x2] =	stream.indirect.gather [hbm4b:s4+s29], $0x80, s23, s29, $0xb8;
	[tilespmem:$0x1E480] =	vst v63  }
0x81: {  	_ =	swait.ge [sflag:s24], $0x50  }
0x82: {  	[sflag:s24] =	ssyncset.done $0x0  }
.Ltmp3:
0x83: {  	[sflag:s24] =	ssyncadd.s32 $0xFFFFFFB0;
	(pc) =	sbr.rel .LBB2_4-.Ltmp3, $4  }
0x84: {  	_ =	swait.ge [sflag:s24], $0x50  }
0x85: {  	[sflag:s24] =	ssyncset.done $0x0  }
0x86: {  	s31 =	simm.s32 $0x3000;
	s25 =	simm.s32 $0x0;
	[sflag:s24] =	ssyncadd.s32 $0xFFFFFFB0  }
0x87: {  	[tilespmem:s31], [sflag:$0x2] =	stream.indirect.gather [hbm4b:s4+s29], $0x80, s22, s29, $0xb8;
	[tilespmem:$0x1E480] =	vst v63  }
.LBB2_6:
0x88: {  	_ =	swait.ge [sflag:s21], $0x50  }
0x89: {  	s9 =	sxor.u32 $0x2, s28;
	[sflag:s21] =	ssyncset.done $0x0  }
0x8a: {  	s9 =	smul.u32 $0xA000, s9;
	[sflag:s21] =	ssyncadd.s32 $0xFFFFFFB0  }
0x8b: {  	s10 =	sshrl.u32 s30, $0x2;
	p3 =	sgt.u32 s7, $0x7A;
	_ =	swait.ge [sflag:s21], $0x50  }
0x8c: {  	p1 =	por $0x0, $0x0;
	s9 =	sshrl.u32 s9, $0x2;
	[sflag:s21] =	ssyncset.done $0x0  }
0x8d: {  	p2 =	por $0x0, $0x0;
	s9 =	sadd.s32 $0x800, s9;
	[sflag:s21] =	ssyncadd.s32 $0xFFFFFFB0  }
0x8e: {  	[tilespmem:s9], [sflag:$0x2] =	stream.indirect.gather [hbm4b:s4+s29], $0x80, s10, s29, $0xb8;
	[tilespmem:$0x1E480] =	vst v63  }
0x8f: {  	s11 =	sadd.s32 @!p3 $0x400, s26;
	s9 =	sadd.s32 @!p3 s25, s16;
	s10 =	simm.s32 @!p3 $0x0  }
0x90: {  	[tilespmem:s26], [sflag:$0x1] =	stream.linear.gather @!p3 [hbm4b:s9+s10], $0x50, $0x38;
	[tilespmem:$0x1E480] =	vst v63  }
0x91: {  	p4 =	por @!p3 $0x0, $0x0;
	p5 =	por @!p3 $0x1, $0x1;
	s9 =	sadd.s32 @!p3 s25, s17  }
0x92: {  	p1 =	por @!p3 p5, p5;
	p2 =	por @!p3 p4, p4;
	s9 =	sadd.s32 @!p3 $0x28, s9  }
0x93: {  	[tilespmem:s11], [sflag:$0x1] =	stream.linear.gather @!p3 [hbm4b:s9+s10], $0x50, $0x38;
	[tilespmem:$0x1E480] =	vst v63  }
.LBB2_7:
0x94: {  	s8 =	sadd.s32 $0xFFFFFF55, s8  }
0x95: {  	s8 =	sshrl.u32 s8, $0x9  }
0x96: {  	s8 =	sand.u32 $0x7F, s8  }
0x97: {  	s8 =	smul.u32 $0x3, s8;
	_ =	sdelay $0x1  }
0x98: {  	s7 =	ssub.s32 s7, s8  }
0x99: {  	s11 =	smul.u32 $0xA000, s28;
	s7 =	sand.u32 $0xFF, s7  }
0x9a: {  	s7 =	sshll.u32 s7, $0xA  }
0x9b: {  	s8 =	sshrl.u32 s11, $0x2;
	s7 =	sshrl.u32 s7, $0x2  }
0x9c: {  	s9 =	sor.u32 $0x800, s8;
	s10 =	sadd.s32 $0x400, s7  }
0x9d: {  	[spmem:s2] =	stream.indirect.scatter.add.f32 [tilespmem:s9], [sflag:$0x3], $0x80, s10, s29, $0xb8;
	[tilespmem:$0x1E480] =	vst v63  }
0x9e: {  	_ =	swait.ge [sflag:s1], $0x2800  }
0x9f: {  	[sflag:s1] =	ssyncset.done $0x0  }
0xa0: {  	[sflag:s1] =	ssyncadd.s32 $0xFFFFD800  }
0xa1: {  	_ =	swait.ge @!p0 [sflag:s31], $0x2800  }
0xa2: {  	[sflag:s31] =	ssyncset.done @!p0 $0x0  }
0xa3: {  	s9 =	simm.s32 @!p2 $0x1;
	[sflag:s31] =	ssyncadd.s32 @!p0 $0xFFFFD800  }
0xa4: {  	_ =	swait.ge @!p2 [sflag:s9], $0x50  }
0xa5: {  	s10 =	sxor.u32 @!p2 $0x3, s28;
	[sflag:s9] =	ssyncset.done @!p2 $0x0  }
0xa6: {  	s10 =	smul.u32 @!p2 $0xA000, s10;
	[sflag:s9] =	ssyncadd.s32 @!p2 $0xFFFFFFB0  }
0xa7: {  	s11 =	sshrl.u32 @!p2 s30, $0x2;
	_ =	swait.ge @!p2 [sflag:s9], $0x50  }
0xa8: {  	s11 =	sadd.s32 @!p2 $0x80, s11;
	s10 =	sshrl.u32 @!p2 s10, $0x2;
	[sflag:s9] =	ssyncset.done @!p2 $0x0  }
0xa9: {  	[sflag:s9] =	ssyncadd.s32 @!p2 $0xFFFFFFB0;
	s9 =	sadd.s32 @!p2 $0x800, s10;
	s10 =	simm.s32 @!p2 $0x50  }
0xaa: {  	[tilespmem:s9], [sflag:$0x2] =	stream.indirect.gather @!p2 [hbm4b:s4+s10], $0x80, s11, s10, $0xb8;
	[tilespmem:$0x1E480] =	vst v63  }
0xab: {  	s9 =	sor.u32 @p1 $0x80, s26;
	s10 =	sadd.s32 @p1 s25, s18;
	s11 =	simm.s32 @p1 $0x0  }
0xac: {  	[tilespmem:s9], [sflag:$0x1] =	stream.linear.gather @p1 [hbm4b:s10+s11], $0x50, $0x38;
	[tilespmem:$0x1E480] =	vst v63  }
0xad: {  	s9 =	sadd.s32 @p1 s25, s17;
	s25 =	sadd.s32 $0x14, s25  }
0xae: {  	p0 =	sne.s32 s25, $0x9C4  }
.Ltmp4:
0xaf: {  	_ = 	snop;
	(pc) =	sbr.rel @!p0 .LBB2_8-.Ltmp4, $4  }
0xb0: {  	s10 =	sadd.s32 @p1 $0x480, s26;
	s9 =	sadd.s32 @p1 $0x32, s9  }
0xb1: {  	[tilespmem:s10], [sflag:$0x1] =	stream.linear.gather @p1 [hbm4b:s9+s11], $0x50, $0x38;
	[tilespmem:$0x1E480] =	vst v63  }
0xb2: {  	s23 =	sadd.s32 $0x2, s23;
	s8 =	sadd.s32 $0x3000, s8;
	s7 =	sadd.s32 $0x480, s7  }
0xb3: {  	[spmem:s2] =	stream.indirect.scatter.add.f32 [tilespmem:s8], [sflag:$0x3], $0x80, s7, s29, $0xb8;
	[tilespmem:$0x1E480] =	vst v63  }
.LBB2_4:
0xb4: {  	s8 =	smul.u32 $0xAB, s24;
	_ =	sdelay $0x1  }
0xb5: {  	s7 =	sshrl.u32 s8, $0x9  }
0xb6: {  	s7 =	sand.u32 $0x7F, s7  }
0xb7: {  	s26 =	smul.u32 $0x3, s7;
	_ =	sdelay $0x1  }
0xb8: {  	s7 =	sadd.s32 $0xFFFFFFFF, s24;
	s26 =	ssub.s32 s24, s26;
	s24 =	sadd.s32 $0x1, s24  }
0xb9: {  	s28 =	sand.u32 $0xFF, s24  }
0xba: {  	s30 =	smul.u32 $0xAB, s28  }
0xbb: {  	p0 =	seq.s32 s25, $0x0  }
0xbc: {  	_ =	swait.ge [sflag:s1], $0x2800;
	p1 =	seq.s32 @!p0 s25, $0x9B0;
	s30 =	sshrl.u32 s30, $0x9  }
0xbd: {  	[sflag:s1] =	ssyncset.done $0x0;
	p1 =	por p0, !p1;
	s30 =	smul.u32 $0x3, s30  }
.Ltmp5:
0xbe: {  	s31 =	simm.s32 @!p0 $0x3;
	[sflag:s1] =	ssyncadd.s32 $0xFFFFD800;
	(pc) =	sbr.rel @p1 .LBB2_6-.Ltmp5, $4  }
0xbf: {  	_ =	swait.ge @!p0 [sflag:s31], $0x2800  }
0xc0: {  	[sflag:s31] =	ssyncset.done @!p0 $0x0;
	s30 =	ssub.s32 s24, s30  }
0xc1: {  	[sflag:s31] =	ssyncadd.s32 @!p0 $0xFFFFD800;
	s26 =	sand.u32 $0xFF, s26;
	s9 =	sand.u32 $0xFF, s30  }
0xc2: {  	s28 =	sand.u32 $0x2, s23;
	s30 =	sshll.u32 s26, $0xA;
	s26 =	sshll.u32 s9, $0x8  }
.Ltmp6:
0xc3: {  	(pc) =	sbr.rel .LBB2_7-.Ltmp6, $2  }
0xc4: {  	_ =	sdelay $0x2  }
0xc5: {  	p2 =	por @!p0 $0x1, $0x1;
	p1 =	por @!p0 $0x0, $0x0  }
.LBB2_9:
0xc6: {  	_ =	sfence.sel $0x180000  }
0xc7: {  	[bflag:$0x0] =	sbarrier.arrive $0xFFFF  }
0xc8: {  	_ =	strace $0x9000004D  }
0xc9: {  	s0 =	stileid.u32;
	[bflag:$0x2] =	sbarrier.arrive $0xFFFF  }
0xca: {  	p0 =	sne.s32 s0, $0x0;
	s0 =	rddreg [dreg:$0x2]  }
0xcb: {  	s0 =	sadd.s32 @!p0 $0x100000, s0  }
0xcc: {  	[sflag:s0] =	ssyncadd.tile.s32 @!p0 $0x1;
	_ =	shalt  }
.Lfunc_end2:
_tile_overlayer_lowered:
.L_overlay_start_2:
0xcd: {  	(tag) =	ssettag $0x2  }
0xce: {  	s0 =	rddreg [dreg:$0x0];
	s2 =	stileid.u32  }
0xcf: {  	s1 =	rddreg [dreg:$0x1];
	p0 =	sne.s32 s2, $0x0  }
0xd0: {  	s3 =	rddreg [dreg:$0x2];
	[bflag:$0x3] =	sbarrier.arrive $0xFFFF;
	s2 =	simm.s32 @!p0 $0x1C04  }
0xd1: {  	[timem:s3], [sflag:s2] =	dma.local @!p0 [hbm:s0], s1  }
0xd2: {  	s0 =	simm.s32 @!p0 $0x4  }
0xd3: {  	_ =	swait.ge @!p0 [sflag:s0], s1  }
0xd4: {  	s1 =	ssub.s32 @!p0 $0x0, s1;
	[sflag:s0] =	ssyncset.done @!p0 $0x0  }
0xd5: {  	[sflag:s0] =	ssyncadd.s32 @!p0 s1  }
0xd6: {  	[bflag:$0x3] =	sbarrier.arrive $0xFFFF  }
0xd7: {  	_ =	shalt  }

</sc_bundles>
